<compile_context>
chip_gen: v7x
topology: tpu7x:2x2x1
jax: 0.10.2.dev20260603
libtpu: 0.0.44.dev20260713+nightly
codegen_flags: <defaults>
</compile_context>

<pallas_src>
import dataclasses
import functools

import jax
import jax.numpy as jnp
from jax import lax
from jax.experimental import pallas as pl
from jax.experimental.pallas import tpu as pltpu
from jax.experimental.pallas import tpu_sc as plsc

N_NODES = 10000
N_EDGES = 320000
D_IN = 128
D_OUT = 64
N_GRAPHS = 2500

NC = 2
NS = 16
NW = NC * NS
E_PER_TILE = N_EDGES // NW
G = 80
NGRP = E_PER_TILE // G
N_PAD = 10240
ROWS_PER_SUB = N_PAD // NS


def _dense_body(x_ref, anc_ref, w_ref, b_ref, a_ref, h_ref, anc_out_ref):
    w = w_ref[...]
    h_ref[...] = jnp.dot(x_ref[...], w, preferred_element_type=jnp.float32)
    v = jnp.dot(anc_ref[...], w, preferred_element_type=jnp.float32) + b_ref[...]
    a = a_ref[0, 0]
    anc_out_ref[...] = jnp.maximum(v, 0.0) + a * jnp.minimum(v, 0.0)


_dense_call = pl.pallas_call(
    _dense_body,
    out_shape=(
        jax.ShapeDtypeStruct((N_NODES, D_OUT), jnp.float32),
        jax.ShapeDtypeStruct((N_GRAPHS, D_OUT), jnp.float32),
    ),
)


NBUF = 4


def _edge_body(h_hbm, eidx_hbm, ew_hbm, out_hbm,
               src_v, dst_v, ew_v, rows_a, rows_b, accum,
               isem, gsems, ssems):
    c = lax.axis_index("c")
    s = lax.axis_index("s")
    w = c * NS + s

    cp1 = pltpu.async_copy(eidx_hbm.at[0, pl.ds(w * NGRP, NGRP)], src_v, isem)
    cp2 = pltpu.async_copy(eidx_hbm.at[1, pl.ds(w * NGRP, NGRP)], dst_v, isem)
    cp3 = pltpu.async_copy(ew_hbm.at[pl.ds(w * E_PER_TILE, E_PER_TILE)],
                           ew_v, isem)

    zero16 = jnp.zeros((16,), jnp.float32)

    @pl.loop(0, G)
    def _(i):
        for j in range(D_OUT // 16):
            rows_a[0][i, pl.ds(j * 16, 16)] = zero16

    @pl.loop(0, ROWS_PER_SUB // G)
    def _(k):
        pltpu.sync_copy(rows_a[0], accum.at[pl.ds(s * ROWS_PER_SUB + k * G, G)])

    cp1.wait()
    cp2.wait()
    cp3.wait()
    plsc.subcore_barrier()

    def scale(g, src_buf, dst_buf):
        @plsc.parallel_loop(0, G, unroll=4)
        def _(i):
            wv = plsc.load_gather(ew_v, [jnp.full((16,), g * G + i, jnp.int32)])
            for j in range(D_OUT // 16):
                sl = (i, pl.ds(j * 16, 16))
                dst_buf[sl] = src_buf[sl] * wv

    for b in range(NBUF):
        pltpu.async_copy(h_hbm.at[src_v.at[b]], rows_a[b], gsems[b])
    for b in range(NBUF):
        pltpu.make_async_copy(h_hbm.at[src_v.at[b]], rows_a[b], gsems[b]).wait()
        scale(b, rows_a[b], rows_b[b])
        pltpu.async_copy(h_hbm.at[src_v.at[b + NBUF]], rows_a[b], gsems[b])
        pltpu.async_copy(rows_b[b], accum.at[dst_v.at[b]], ssems[b], add=True)

    STEADY_END = ((NGRP - NBUF) // NBUF) * NBUF + NBUF

    @pl.loop(NBUF, STEADY_END, step=NBUF)
    def _(g0):
        for b in range(NBUF):
            g = g0 + b
            pltpu.make_async_copy(h_hbm.at[src_v.at[g]], rows_a[b],
                                  gsems[b]).wait()
            pltpu.make_async_copy(rows_b[b], accum.at[dst_v.at[g]],
                                  ssems[b]).wait()
            scale(g, rows_a[b], rows_b[b])

            @pl.when(g + NBUF < NGRP)
            def _():
                pltpu.async_copy(h_hbm.at[src_v.at[g + NBUF]], rows_a[b],
                                 gsems[b])
            pltpu.async_copy(rows_b[b], accum.at[dst_v.at[g]], ssems[b],
                             add=True)

    for g in range(STEADY_END, NGRP):
        b = g % NBUF
        pltpu.make_async_copy(h_hbm.at[src_v.at[g]], rows_a[b], gsems[b]).wait()
        pltpu.make_async_copy(rows_b[b], accum.at[dst_v.at[g]], ssems[b]).wait()
        scale(g, rows_a[b], rows_b[b])
        pltpu.async_copy(rows_b[b], accum.at[dst_v.at[g]], ssems[b], add=True)

    for b in range(NBUF):
        pltpu.make_async_copy(rows_b[b], accum.at[dst_v.at[0]], ssems[b]).wait()

    plsc.subcore_barrier()
    pltpu.sync_copy(accum.at[pl.ds(s * ROWS_PER_SUB, ROWS_PER_SUB)],
                    out_hbm.at[c].at[pl.ds(s * ROWS_PER_SUB, ROWS_PER_SUB)])


@functools.cache
def _edge_kernel():
    mesh = plsc.VectorSubcoreMesh(
        core_axis_name="c", subcore_axis_name="s",
        num_cores=NC, num_subcores=NS)
    cp = pltpu.CompilerParams()
    if "needs_layout_passes" in pltpu.CompilerParams.__dataclass_fields__:
        cp = dataclasses.replace(cp, needs_layout_passes=False)
    if "use_tc_tiling_on_sc" in pltpu.CompilerParams.__dataclass_fields__:
        cp = dataclasses.replace(cp, use_tc_tiling_on_sc=False)
    return pl.kernel(
        _edge_body,
        out_type=jax.ShapeDtypeStruct((NC, N_PAD, D_OUT), jnp.float32),
        mesh=mesh,
        compiler_params=cp,
        scratch_types=[
            pltpu.VMEM((NGRP, G), jnp.int32),
            pltpu.VMEM((NGRP, G), jnp.int32),
            pltpu.VMEM((E_PER_TILE,), jnp.float32),
            [pltpu.VMEM((G, D_OUT), jnp.float32) for _ in range(NBUF)],
            [pltpu.VMEM((G, D_OUT), jnp.float32) for _ in range(NBUF)],
            pltpu.VMEM_SHARED((N_PAD, D_OUT), jnp.float32),
            pltpu.SemaphoreType.DMA,
            [pltpu.SemaphoreType.DMA for _ in range(NBUF)],
            [pltpu.SemaphoreType.DMA for _ in range(NBUF)],
        ],
    )


POOL_PAD = 2560
CROWS = POOL_PAD // NS
NCHUNK = N_NODES // G
KSLOT = 4


def _pool_body(part_hbm, gid_hbm, bvec_hbm, avec_hbm,
               h2_hbm, pool_hbm, cnt_hbm,
               p0_v, p1_v, h2_v, gid_v, ones_v, zb64, zb16, bvec_v, avec_v,
               pacc, cacc, isem, lsems, hsems, psems, csems):
    c = lax.axis_index("c")
    s = lax.axis_index("s")
    t = c * NS + s

    cpb = pltpu.async_copy(bvec_hbm, bvec_v, isem)
    cpa = pltpu.async_copy(avec_hbm, avec_v, isem)

    ones16 = jnp.ones((16,), jnp.float32)
    zero16 = jnp.zeros((16,), jnp.float32)

    @pl.loop(0, G)
    def _(i):
        ones_v[i, pl.ds(0, 16)] = ones16
        zb16[i, pl.ds(0, 16)] = zero16
        for j in range(D_OUT // 16):
            zb64[i, pl.ds(j * 16, 16)] = zero16

    for k in range(CROWS // G):
        pltpu.sync_copy(zb64, pacc.at[pl.ds(s * CROWS + k * G, G)])
        pltpu.sync_copy(zb16, cacc.at[pl.ds(s * CROWS + k * G, G)])

    cpb.wait()
    cpa.wait()
    plsc.subcore_barrier()

    av = avec_v[pl.ds(0, 16)]
    bvs = [bvec_v[pl.ds(j * 16, 16)] for j in range(D_OUT // 16)]

    for k in range(KSLOT):
        chunk = t + k * NW

        @pl.when(chunk < NCHUNK)
        def _():
            off = chunk * G
            pltpu.async_copy(part_hbm.at[0, pl.ds(off, G)], p0_v[k], lsems[k])
            pltpu.async_copy(part_hbm.at[1, pl.ds(off, G)], p1_v[k], lsems[k])
            pltpu.async_copy(gid_hbm.at[pl.ds(off, G)], gid_v[k], lsems[k])

    for k in range(KSLOT):
        chunk = t + k * NW

        @pl.when(chunk < NCHUNK)
        def _():
            off = chunk * G
            pltpu.make_async_copy(part_hbm.at[0, pl.ds(off, G)], p0_v[k],
                                  lsems[k]).wait()
            pltpu.make_async_copy(part_hbm.at[1, pl.ds(off, G)], p1_v[k],
                                  lsems[k]).wait()
            pltpu.make_async_copy(gid_hbm.at[pl.ds(off, G)], gid_v[k],
                                  lsems[k]).wait()

            @plsc.parallel_loop(0, G, unroll=2)
            def _(i):
                for j in range(D_OUT // 16):
                    sl = (i, pl.ds(j * 16, 16))
                    v = p0_v[k][sl] + p1_v[k][sl] + bvs[j]
                    h2_v[k][sl] = (jnp.maximum(v, 0.0)
                                   + av * jnp.minimum(v, 0.0))

            pltpu.async_copy(h2_v[k], h2_hbm.at[pl.ds(off, G)], hsems[k])
            pltpu.async_copy(h2_v[k], pacc.at[gid_v[k]], psems[k], add=True)
            pltpu.async_copy(ones_v, cacc.at[gid_v[k]], csems[k], add=True)

    for k in range(KSLOT):
        chunk = t + k * NW

        @pl.when(chunk < NCHUNK)
        def _():
            off = chunk * G
            pltpu.make_async_copy(h2_v[k], h2_hbm.at[pl.ds(off, G)],
                                  hsems[k]).wait()
            pltpu.make_async_copy(h2_v[k], pacc.at[gid_v[k]], psems[k]).wait()
            pltpu.make_async_copy(ones_v, cacc.at[gid_v[k]], csems[k]).wait()

    plsc.subcore_barrier()
    pltpu.sync_copy(pacc.at[pl.ds(s * CROWS, CROWS)],
                    pool_hbm.at[c].at[pl.ds(s * CROWS, CROWS)])
    pltpu.sync_copy(cacc.at[pl.ds(s * CROWS, CROWS)],
                    cnt_hbm.at[c].at[pl.ds(s * CROWS, CROWS)])


@functools.cache
def _pool_kernel():
    mesh = plsc.VectorSubcoreMesh(
        core_axis_name="c", subcore_axis_name="s",
        num_cores=NC, num_subcores=NS)
    cp = pltpu.CompilerParams()
    if "needs_layout_passes" in pltpu.CompilerParams.__dataclass_fields__:
        cp = dataclasses.replace(cp, needs_layout_passes=False)
    if "use_tc_tiling_on_sc" in pltpu.CompilerParams.__dataclass_fields__:
        cp = dataclasses.replace(cp, use_tc_tiling_on_sc=False)
    return pl.kernel(
        _pool_body,
        out_type=(
            jax.ShapeDtypeStruct((N_NODES, D_OUT), jnp.float32),
            jax.ShapeDtypeStruct((NC, POOL_PAD, D_OUT), jnp.float32),
            jax.ShapeDtypeStruct((NC, POOL_PAD, 16), jnp.float32),
        ),
        mesh=mesh,
        compiler_params=cp,
        scratch_types=[
            [pltpu.VMEM((G, D_OUT), jnp.float32) for _ in range(KSLOT)],
            [pltpu.VMEM((G, D_OUT), jnp.float32) for _ in range(KSLOT)],
            [pltpu.VMEM((G, D_OUT), jnp.float32) for _ in range(KSLOT)],
            [pltpu.VMEM((G,), jnp.int32) for _ in range(KSLOT)],
            pltpu.VMEM((G, 16), jnp.float32),
            pltpu.VMEM((G, D_OUT), jnp.float32),
            pltpu.VMEM((G, 16), jnp.float32),
            pltpu.VMEM((D_OUT,), jnp.float32),
            pltpu.VMEM((16,), jnp.float32),
            pltpu.VMEM_SHARED((POOL_PAD, D_OUT), jnp.float32),
            pltpu.VMEM_SHARED((POOL_PAD, 16), jnp.float32),
            pltpu.SemaphoreType.DMA,
            [pltpu.SemaphoreType.DMA for _ in range(KSLOT)],
            [pltpu.SemaphoreType.DMA for _ in range(KSLOT)],
            [pltpu.SemaphoreType.DMA for _ in range(KSLOT)],
            [pltpu.SemaphoreType.DMA for _ in range(KSLOT)],
        ],
    )


def _final_body(pp_ref, cc_ref, anc_ref, wb_ref, bb_ref,
                pool_ref, logits_ref):
    seg = pp_ref[0, :N_GRAPHS, :] + pp_ref[1, :N_GRAPHS, :]
    cnt = cc_ref[0, :N_GRAPHS, 0:1] + cc_ref[1, :N_GRAPHS, 0:1]
    pool = seg / jnp.maximum(cnt, 1.0)
    pool_ref[...] = pool
    t2 = jnp.dot(anc_ref[...], wb_ref[...], preferred_element_type=jnp.float32)
    logits_ref[...] = jnp.sum(t2 * pool, axis=1, keepdims=True) + bb_ref[...]


_final_call = pl.pallas_call(
    _final_body,
    out_shape=(
        jax.ShapeDtypeStruct((N_GRAPHS, D_OUT), jnp.float32),
        jax.ShapeDtypeStruct((N_GRAPHS, 1), jnp.float32),
    ),
)


def kernel(x, edge_index, edge_weight, graph_ids, anchor_embs, W, b, prelu_a, Wb, bb):
    eidx = edge_index.astype(jnp.int32).reshape(2, NW * NGRP, G)
    gid = graph_ids.astype(jnp.int32)
    b2 = b.reshape(1, D_OUT)
    a2 = prelu_a.reshape(1, 1)
    bb2 = bb.reshape(1, 1)
    avec = jnp.broadcast_to(prelu_a.reshape(1), (16,))

    h, anchor_out = _dense_call(x, anchor_embs, W, b2, a2)
    part = _edge_kernel()(h, eidx, edge_weight)
    h2, pool_part, cnt_part = _pool_kernel()(part, gid, b, avec)
    pool, logits = _final_call(pool_part, cnt_part, anchor_out, Wb[0], bb2)
    return (h2, pool, anchor_out, logits)

# --- scband reference (transcript-rebuilt; emitter-appended) ---
"""Pipeline reference for scband-sl-gad-model-36318243455462 (READ-ONLY COPY).

The authoritative reference and input builder live on the scoring server;
editing this copy changes nothing except your own understanding.
"""

import jax, jax.numpy as jnp
import numpy as np

N_NODES = 10000
N_EDGES = 320000
D_IN = 128
D_OUT = 64
N_GRAPHS = 2500


def setup_inputs(seed: int = 0) -> dict:
    key = jax.random.key(seed)
    ks = jax.random.split(key, 10)
    x = jax.random.normal(ks[0], (N_NODES, D_IN), dtype=jnp.float32)
    edge_index = jax.random.randint(ks[1], (2, N_EDGES), 0, N_NODES, dtype=jnp.int64)
    edge_weight = jax.random.uniform(ks[2], (N_EDGES,), dtype=jnp.float32)
    graph_ids = jnp.sort(jax.random.randint(ks[3], (N_NODES,), 0, N_GRAPHS, dtype=jnp.int64))
    anchor_embs = jax.random.normal(ks[4], (N_GRAPHS, D_IN), dtype=jnp.float32)
    # learned params: GCN linear weight (xavier), bias (zeros), PReLU slope,
    # discriminator bilinear weight [1, D_OUT, D_OUT] and bias [1]
    limit = float(np.sqrt(6.0 / (D_IN + D_OUT)))
    W = jax.random.uniform(ks[5], (D_IN, D_OUT), minval=-limit, maxval=limit, dtype=jnp.float32)
    b = jnp.zeros((D_OUT,), dtype=jnp.float32)
    prelu_a = jnp.asarray(0.25, dtype=jnp.float32)
    lim_b = float(np.sqrt(6.0 / (D_OUT + D_OUT)))
    Wb = jax.random.uniform(ks[6], (1, D_OUT, D_OUT), minval=-lim_b, maxval=lim_b, dtype=jnp.float32)
    bb = jnp.zeros((1,), dtype=jnp.float32)
    return {"x": x, "edge_index": edge_index, "edge_weight": edge_weight,
            "graph_ids": graph_ids, "anchor_embs": anchor_embs,
            "W": W, "b": b, "prelu_a": prelu_a, "Wb": Wb, "bb": bb}


def reference(x, edge_index, edge_weight, graph_ids, anchor_embs, W, b, prelu_a, Wb, bb):
    def prelu(v):
        return jnp.maximum(v, 0.0) + prelu_a * jnp.minimum(v, 0.0)

    # anchor branch: Linear(no bias) + bias param + PReLU
    anchor_out = prelu(anchor_embs @ W + b)

    # node branch: Linear then GraphConv(norm='none') with edge weights
    h = x @ W
    src = edge_index[0]
    dst = edge_index[1]
    msgs = h[src] * edge_weight[:, None]              # gather (SparseCore)
    agg = jnp.zeros_like(h).at[dst].add(msgs)          # scatter-add (SparseCore)
    h2 = prelu(agg + b)

    # AvgPooling over subgraphs (segment mean)
    seg_sum = jax.ops.segment_sum(h2, graph_ids, num_segments=N_GRAPHS)
    counts = jax.ops.segment_sum(jnp.ones((h2.shape[0], 1), dtype=h2.dtype),
                                 graph_ids, num_segments=N_GRAPHS)
    subgraph_pool_emb = seg_sum / jnp.maximum(counts, 1.0)

    # Discriminator: nn.Bilinear(anchor_out, readout) -> [G, 1]
    logits = jnp.einsum('gi,oij,gj->go', anchor_out, Wb, subgraph_pool_emb) + bb
    return (h2, subgraph_pool_emb, anchor_out, logits)


if False:  # reference __main__ guard neutralized (emitter)
    out = reference(**setup_inputs())
    for o in out:
        print(o.shape, o.dtype)

if __name__ == "__main__":
    import jax
    _d = setup_inputs()
    print(jax.jit(kernel)(*tuple(_d.values())))

</pallas_src>

<mosaic_0001>
#map = affine_map<(d0, d1) -> (0, 0)>
#map1 = affine_map<(d0, d1) -> (0, 0, 0)>
#map2 = affine_map<(d0, d1) -> (0)>
module attributes {stable_mosaic.version = 14 : i64} {
  func.func @_edge_body(%arg0: i32, %arg1: i32, %arg2: memref<10000x64xf32, #tpu.memory_space<hbm>>, %arg3: memref<2x4000x80xi32, #tpu.memory_space<hbm>>, %arg4: memref<320000xf32, #tpu.memory_space<hbm>>, %arg5: memref<2x10240x64xf32, #tpu.memory_space<hbm>>, %arg6: memref<125x80xi32, #tpu.memory_space<vmem>>, %arg7: memref<125x80xi32, #tpu.memory_space<vmem>>, %arg8: memref<10000xf32, #tpu.memory_space<vmem>>, %arg9: memref<80x64xf32, #tpu.memory_space<vmem>>, %arg10: memref<80x64xf32, #tpu.memory_space<vmem>>, %arg11: memref<80x64xf32, #tpu.memory_space<vmem>>, %arg12: memref<80x64xf32, #tpu.memory_space<vmem>>, %arg13: memref<80x64xf32, #tpu.memory_space<vmem>>, %arg14: memref<80x64xf32, #tpu.memory_space<vmem>>, %arg15: memref<80x64xf32, #tpu.memory_space<vmem>>, %arg16: memref<80x64xf32, #tpu.memory_space<vmem>>, %arg17: memref<10240x64xf32, #tpu.memory_space<vmem_shared>>, %arg18: memref<!tpu.dma_semaphore, #tpu.memory_space<semaphore_mem>>, %arg19: memref<!tpu.dma_semaphore, #tpu.memory_space<semaphore_mem>>, %arg20: memref<!tpu.dma_semaphore, #tpu.memory_space<semaphore_mem>>, %arg21: memref<!tpu.dma_semaphore, #tpu.memory_space<semaphore_mem>>, %arg22: memref<!tpu.dma_semaphore, #tpu.memory_space<semaphore_mem>>, %arg23: memref<!tpu.dma_semaphore, #tpu.memory_space<semaphore_mem>>, %arg24: memref<!tpu.dma_semaphore, #tpu.memory_space<semaphore_mem>>, %arg25: memref<!tpu.dma_semaphore, #tpu.memory_space<semaphore_mem>>, %arg26: memref<!tpu.dma_semaphore, #tpu.memory_space<semaphore_mem>>) attributes {dimension_semantics = [#tpu.dimension_semantics<core_parallel>, #tpu.dimension_semantics<subcore_parallel>], iteration_bounds = array<i64: 2, 16>, scalar_prefetch = 0 : i64, scratch_operands = 21 : i64, tpu.core_type = #tpu.core_type<sc_vector_subcore>, window_params = [{transform_indices = #map}, {transform_indices = #map1}, {transform_indices = #map2}, {transform_indices = #map1}]} {
    %mul3A = arith.constant 16 : i32
    %mul3A_0 = arith.muli %arg0, %mul3A : i32
    %add3A = arith.addi %mul3A_0, %arg1 : i32
    %mul3A_1 = arith.constant 125 : i32
    %mul3A_2 = arith.muli %add3A, %mul3A_1 : i32
    %dma_start3A = arith.constant 0 : i32
    %dma_start3A_3 = arith.constant 0 : i32
    %dma_start3A_4 = tpu.memref_slice %arg3[%dma_start3A, %mul3A_2, %dma_start3A_3] : memref<2x4000x80xi32, #tpu.memory_space<hbm>> -> memref<1x125x80xi32, #tpu.memory_space<hbm>>
    %dma_start3A_5 = tpu.memref_squeeze %dma_start3A_4 : memref<1x125x80xi32, #tpu.memory_space<hbm>> -> memref<125x80xi32, #tpu.memory_space<hbm>>
    %dma_start3A_6 = arith.constant 0 : i32
    %dma_start3A_7 = tpu.memref_slice %arg3[%dma_start3A, %mul3A_2, %dma_start3A_6] : memref<2x4000x80xi32, #tpu.memory_space<hbm>> -> memref<1x125x80xi32, #tpu.memory_space<hbm>>
    %dma_start3A_8 = tpu.memref_squeeze %dma_start3A_7 : memref<1x125x80xi32, #tpu.memory_space<hbm>> -> memref<125x80xi32, #tpu.memory_space<hbm>>
    tpu.enqueue_dma source(%dma_start3A_8 : memref<125x80xi32, #tpu.memory_space<hbm>>) target(%arg6 : memref<125x80xi32, #tpu.memory_space<vmem>>) target_semaphore(%arg18 : memref<!tpu.dma_semaphore, #tpu.memory_space<semaphore_mem>>)
    %mul3A_9 = arith.constant 125 : i32
    %mul3A_10 = arith.muli %add3A, %mul3A_9 : i32
    %dma_start3A_11 = arith.constant 1 : i32
    %dma_start3A_12 = arith.constant 0 : i32
    %dma_start3A_13 = tpu.memref_slice %arg3[%dma_start3A_11, %mul3A_10, %dma_start3A_12] : memref<2x4000x80xi32, #tpu.memory_space<hbm>> -> memref<1x125x80xi32, #tpu.memory_space<hbm>>
    %dma_start3A_14 = tpu.memref_squeeze %dma_start3A_13 : memref<1x125x80xi32, #tpu.memory_space<hbm>> -> memref<125x80xi32, #tpu.memory_space<hbm>>
    %dma_start3A_15 = arith.constant 0 : i32
    %dma_start3A_16 = tpu.memref_slice %arg3[%dma_start3A_11, %mul3A_10, %dma_start3A_15] : memref<2x4000x80xi32, #tpu.memory_space<hbm>> -> memref<1x125x80xi32, #tpu.memory_space<hbm>>
    %dma_start3A_17 = tpu.memref_squeeze %dma_start3A_16 : memref<1x125x80xi32, #tpu.memory_space<hbm>> -> memref<125x80xi32, #tpu.memory_space<hbm>>
    tpu.enqueue_dma source(%dma_start3A_17 : memref<125x80xi32, #tpu.memory_space<hbm>>) target(%arg7 : memref<125x80xi32, #tpu.memory_space<vmem>>) target_semaphore(%arg18 : memref<!tpu.dma_semaphore, #tpu.memory_space<semaphore_mem>>)
    %mul3A_18 = arith.constant 10000 : i32
    %mul3A_19 = arith.muli %add3A, %mul3A_18 : i32
    %dma_start3A_20 = tpu.memref_slice %arg4[%mul3A_19] : memref<320000xf32, #tpu.memory_space<hbm>> -> memref<10000xf32, #tpu.memory_space<hbm>>
    %dma_start3A_21 = tpu.memref_slice %arg4[%mul3A_19] : memref<320000xf32, #tpu.memory_space<hbm>> -> memref<10000xf32, #tpu.memory_space<hbm>>
    tpu.enqueue_dma source(%dma_start3A_21 : memref<10000xf32, #tpu.memory_space<hbm>>) target(%arg8 : memref<10000xf32, #tpu.memory_space<vmem>>) target_semaphore(%arg18 : memref<!tpu.dma_semaphore, #tpu.memory_space<semaphore_mem>>)
    %broadcast_in_dim3A = arith.constant 0.000000e+00 : f32
    %broadcast_in_dim3A_22 = vector.broadcast %broadcast_in_dim3A : f32 to vector<16xf32>
    %scan3A = arith.constant 0 : i32
    %scan3A_23 = arith.constant 80 : i32
    %scan3A_24 = arith.addi %scan3A, %scan3A_23 : i32
    %scan3A_25 = arith.constant 1 : i32
    scf.for %scan3A_232 = %scan3A to %scan3A_24 step %scan3A_25  : i32 {
      %mul3A_233 = arith.constant 1 : i32
      %mul3A_234 = arith.muli %scan3A_232, %mul3A_233 : i32
      %add3A_235 = arith.constant 0 : i32
      %add3A_236 = arith.addi %add3A_235, %mul3A_234 : i32
      %swap3A = arith.index_cast %add3A_236 : i32 to index
      %swap3A_237 = arith.constant 0 : index
      %swap3A_238 = tpu.vector_load %arg9[%swap3A, %swap3A_237] {strides = array<i32>} : memref<80x64xf32, #tpu.memory_space<vmem>>, vector<16xf32>,
      tpu.vector_store %arg9[%swap3A, %swap3A_237], %broadcast_in_dim3A_22 {strides = array<i32>} : memref<80x64xf32, #tpu.memory_space<vmem>>, vector<16xf32>,
      %swap3A_239 = arith.index_cast %add3A_236 : i32 to index
      %swap3A_240 = arith.constant 16 : index
      %swap3A_241 = tpu.vector_load %arg9[%swap3A_239, %swap3A_240] {strides = array<i32>} : memref<80x64xf32, #tpu.memory_space<vmem>>, vector<16xf32>,
      tpu.vector_store %arg9[%swap3A_239, %swap3A_240], %broadcast_in_dim3A_22 {strides = array<i32>} : memref<80x64xf32, #tpu.memory_space<vmem>>, vector<16xf32>,
      %swap3A_242 = arith.index_cast %add3A_236 : i32 to index
      %swap3A_243 = arith.constant 32 : index
      %swap3A_244 = tpu.vector_load %arg9[%swap3A_242, %swap3A_243] {strides = array<i32>} : memref<80x64xf32, #tpu.memory_space<vmem>>, vector<16xf32>,
      tpu.vector_store %arg9[%swap3A_242, %swap3A_243], %broadcast_in_dim3A_22 {strides = array<i32>} : memref<80x64xf32, #tpu.memory_space<vmem>>, vector<16xf32>,
      %swap3A_245 = arith.index_cast %add3A_236 : i32 to index
      %swap3A_246 = arith.constant 48 : index
      %swap3A_247 = tpu.vector_load %arg9[%swap3A_245, %swap3A_246] {strides = array<i32>} : memref<80x64xf32, #tpu.memory_space<vmem>>, vector<16xf32>,
      tpu.vector_store %arg9[%swap3A_245, %swap3A_246], %broadcast_in_dim3A_22 {strides = array<i32>} : memref<80x64xf32, #tpu.memory_space<vmem>>, vector<16xf32>,
    }
    %scan3A_26 = arith.constant 80 : i32
    %scan3A_27 = arith.constant 0 : i32
    %scan3A_28 = arith.constant 8 : i32
    %scan3A_29 = arith.addi %scan3A_27, %scan3A_28 : i32
    %scan3A_30 = arith.constant 1 : i32
    scf.for %scan3A_232 = %scan3A_27 to %scan3A_29 step %scan3A_30  : i32 {
      %mul3A_233 = arith.constant 1 : i32
      %mul3A_234 = arith.muli %scan3A_232, %mul3A_233 : i32
      %add3A_235 = arith.constant 0 : i32
      %add3A_236 = arith.addi %add3A_235, %mul3A_234 : i32
      %mul3A_237 = arith.constant 640 : i32
      %mul3A_238 = arith.muli %arg1, %mul3A_237 : i32
      %mul3A_239 = arith.constant 80 : i32
      %mul3A_240 = arith.muli %add3A_236, %mul3A_239 : i32
      %add3A_241 = arith.addi %mul3A_238, %mul3A_240 : i32
      "tpu.region"() ({
        %run_scoped3A = tpu.sem_alloc : memref<!tpu.dma_semaphore, #tpu.memory_space<semaphore_mem>>
        %dma_start3A_242 = arith.constant 0 : i32
        %dma_start3A_243 = tpu.memref_slice %arg17[%add3A_241, %dma_start3A_242] : memref<10240x64xf32, #tpu.memory_space<vmem_shared>> -> memref<80x64xf32, #tpu.memory_space<vmem_shared>>
        %dma_start3A_244 = arith.constant 0 : i32
        %dma_start3A_245 = tpu.memref_slice %arg17[%add3A_241, %dma_start3A_244] : memref<10240x64xf32, #tpu.memory_space<vmem_shared>> -> memref<80x64xf32, #tpu.memory_space<vmem_shared>>
        tpu.enqueue_dma source(%arg9 : memref<80x64xf32, #tpu.memory_space<vmem>>) target(%dma_start3A_245 : memref<80x64xf32, #tpu.memory_space<vmem_shared>>) target_semaphore(%run_scoped3A : memref<!tpu.dma_semaphore, #tpu.memory_space<semaphore_mem>>)
        %dma_wait3A_246 = arith.constant 0 : i32
        %dma_wait3A_247 = tpu.memref_slice %arg17[%add3A_241, %dma_wait3A_246] : memref<10240x64xf32, #tpu.memory_space<vmem_shared>> -> memref<80x64xf32, #tpu.memory_space<vmem_shared>>
        %dma_wait3A_248 = arith.constant 0 : i32
        %dma_wait3A_249 = tpu.memref_slice %arg17[%add3A_241, %dma_wait3A_248] : memref<10240x64xf32, #tpu.memory_space<vmem_shared>> -> memref<80x64xf32, #tpu.memory_space<vmem_shared>>
        tpu.wait_dma2 semaphore(%run_scoped3A : memref<!tpu.dma_semaphore, #tpu.memory_space<semaphore_mem>>) src(%arg9 : memref<80x64xf32, #tpu.memory_space<vmem>>) dst(%dma_wait3A_249 : memref<80x64xf32, #tpu.memory_space<vmem_shared>>)
        tpu.yield
      }) : () -> ()
    }
    %scan3A_31 = arith.constant 8 : i32
    %dma_wait3A = arith.constant 0 : i32
    %dma_wait3A_32 = arith.constant 0 : i32
    %dma_wait3A_33 = tpu.memref_slice %arg3[%dma_wait3A, %mul3A_2, %dma_wait3A_32] : memref<2x4000x80xi32, #tpu.memory_space<hbm>> -> memref<1x125x80xi32, #tpu.memory_space<hbm>>
    %dma_wait3A_34 = tpu.memref_squeeze %dma_wait3A_33 : memref<1x125x80xi32, #tpu.memory_space<hbm>> -> memref<125x80xi32, #tpu.memory_space<hbm>>
    %dma_wait3A_35 = arith.constant 0 : i32
    %dma_wait3A_36 = tpu.memref_slice %arg3[%dma_wait3A, %mul3A_2, %dma_wait3A_35] : memref<2x4000x80xi32, #tpu.memory_space<hbm>> -> memref<1x125x80xi32, #tpu.memory_space<hbm>>
    %dma_wait3A_37 = tpu.memref_squeeze %dma_wait3A_36 : memref<1x125x80xi32, #tpu.memory_space<hbm>> -> memref<125x80xi32, #tpu.memory_space<hbm>>
    tpu.wait_dma2 semaphore(%arg18 : memref<!tpu.dma_semaphore, #tpu.memory_space<semaphore_mem>>) src(%dma_wait3A_37 : memref<125x80xi32, #tpu.memory_space<hbm>>) dst(%arg6 : memref<125x80xi32, #tpu.memory_space<vmem>>)
    %dma_wait3A_38 = arith.constant 1 : i32
    %dma_wait3A_39 = arith.constant 0 : i32
    %dma_wait3A_40 = tpu.memref_slice %arg3[%dma_wait3A_38, %mul3A_10, %dma_wait3A_39] : memref<2x4000x80xi32, #tpu.memory_space<hbm>> -> memref<1x125x80xi32, #tpu.memory_space<hbm>>
    %dma_wait3A_41 = tpu.memref_squeeze %dma_wait3A_40 : memref<1x125x80xi32, #tpu.memory_space<hbm>> -> memref<125x80xi32, #tpu.memory_space<hbm>>
    %dma_wait3A_42 = arith.constant 0 : i32
    %dma_wait3A_43 = tpu.memref_slice %arg3[%dma_wait3A_38, %mul3A_10, %dma_wait3A_42] : memref<2x4000x80xi32, #tpu.memory_space<hbm>> -> memref<1x125x80xi32, #tpu.memory_space<hbm>>
    %dma_wait3A_44 = tpu.memref_squeeze %dma_wait3A_43 : memref<1x125x80xi32, #tpu.memory_space<hbm>> -> memref<125x80xi32, #tpu.memory_space<hbm>>
    tpu.wait_dma2 semaphore(%arg18 : memref<!tpu.dma_semaphore, #tpu.memory_space<semaphore_mem>>) src(%dma_wait3A_44 : memref<125x80xi32, #tpu.memory_space<hbm>>) dst(%arg7 : memref<125x80xi32, #tpu.memory_space<vmem>>)
    %dma_wait3A_45 = tpu.memref_slice %arg4[%mul3A_19] : memref<320000xf32, #tpu.memory_space<hbm>> -> memref<10000xf32, #tpu.memory_space<hbm>>
    %dma_wait3A_46 = tpu.memref_slice %arg4[%mul3A_19] : memref<320000xf32, #tpu.memory_space<hbm>> -> memref<10000xf32, #tpu.memory_space<hbm>>
    tpu.wait_dma2 semaphore(%arg18 : memref<!tpu.dma_semaphore, #tpu.memory_space<semaphore_mem>>) src(%dma_wait3A_46 : memref<10000xf32, #tpu.memory_space<hbm>>) dst(%arg8 : memref<10000xf32, #tpu.memory_space<vmem>>)
    %barrier3A = arith.constant 0 : index
    tpu.barrier barrier_id(%barrier3A)
    %dma_start3A_47 = arith.constant 0 : i32
    %dma_start3A_48 = arith.constant 0 : i32
    %dma_start3A_49 = tpu.memref_slice %arg6[%dma_start3A_47, %dma_start3A_48] : memref<125x80xi32, #tpu.memory_space<vmem>> -> memref<1x80xi32, #tpu.memory_space<vmem>>
    %dma_start3A_50 = tpu.memref_squeeze %dma_start3A_49 : memref<1x80xi32, #tpu.memory_space<vmem>> -> memref<80xi32, #tpu.memory_space<vmem>>
    %dma_start3A_51 = arith.constant 0 : i32
    %dma_start3A_52 = arith.constant 0 : i32
    %dma_start3A_53 = tpu.memref_slice %arg2[%dma_start3A_51, %dma_start3A_52] : memref<10000x64xf32, #tpu.memory_space<hbm>> -> memref<10000x64xf32, #tpu.memory_space<hbm>>
    tpu.enqueue_indirect_dma source(%dma_start3A_53 : memref<10000x64xf32, #tpu.memory_space<hbm>>) target(%arg9 : memref<80x64xf32, #tpu.memory_space<vmem>>) offsets(%dma_start3A_50 : memref<80xi32, #tpu.memory_space<vmem>>) semaphore(%arg19 : memref<!tpu.dma_semaphore, #tpu.memory_space<semaphore_mem>>)
    %dma_start3A_54 = arith.constant 1 : i32
    %dma_start3A_55 = arith.constant 0 : i32
    %dma_start3A_56 = tpu.memref_slice %arg6[%dma_start3A_54, %dma_start3A_55] : memref<125x80xi32, #tpu.memory_space<vmem>> -> memref<1x80xi32, #tpu.memory_space<vmem>>
    %dma_start3A_57 = tpu.memref_squeeze %dma_start3A_56 : memref<1x80xi32, #tpu.memory_space<vmem>> -> memref<80xi32, #tpu.memory_space<vmem>>
    %dma_start3A_58 = arith.constant 0 : i32
    %dma_start3A_59 = arith.constant 0 : i32
    %dma_start3A_60 = tpu.memref_slice %arg2[%dma_start3A_58, %dma_start3A_59] : memref<10000x64xf32, #tpu.memory_space<hbm>> -> memref<10000x64xf32, #tpu.memory_space<hbm>>
    tpu.enqueue_indirect_dma source(%dma_start3A_60 : memref<10000x64xf32, #tpu.memory_space<hbm>>) target(%arg10 : memref<80x64xf32, #tpu.memory_space<vmem>>) offsets(%dma_start3A_57 : memref<80xi32, #tpu.memory_space<vmem>>) semaphore(%arg20 : memref<!tpu.dma_semaphore, #tpu.memory_space<semaphore_mem>>)
    %dma_start3A_61 = arith.constant 2 : i32
    %dma_start3A_62 = arith.constant 0 : i32
    %dma_start3A_63 = tpu.memref_slice %arg6[%dma_start3A_61, %dma_start3A_62] : memref<125x80xi32, #tpu.memory_space<vmem>> -> memref<1x80xi32, #tpu.memory_space<vmem>>
    %dma_start3A_64 = tpu.memref_squeeze %dma_start3A_63 : memref<1x80xi32, #tpu.memory_space<vmem>> -> memref<80xi32, #tpu.memory_space<vmem>>
    %dma_start3A_65 = arith.constant 0 : i32
    %dma_start3A_66 = arith.constant 0 : i32
    %dma_start3A_67 = tpu.memref_slice %arg2[%dma_start3A_65, %dma_start3A_66] : memref<10000x64xf32, #tpu.memory_space<hbm>> -> memref<10000x64xf32, #tpu.memory_space<hbm>>
    tpu.enqueue_indirect_dma source(%dma_start3A_67 : memref<10000x64xf32, #tpu.memory_space<hbm>>) target(%arg11 : memref<80x64xf32, #tpu.memory_space<vmem>>) offsets(%dma_start3A_64 : memref<80xi32, #tpu.memory_space<vmem>>) semaphore(%arg21 : memref<!tpu.dma_semaphore, #tpu.memory_space<semaphore_mem>>)
    %dma_start3A_68 = arith.constant 3 : i32
    %dma_start3A_69 = arith.constant 0 : i32
    %dma_start3A_70 = tpu.memref_slice %arg6[%dma_start3A_68, %dma_start3A_69] : memref<125x80xi32, #tpu.memory_space<vmem>> -> memref<1x80xi32, #tpu.memory_space<vmem>>
    %dma_start3A_71 = tpu.memref_squeeze %dma_start3A_70 : memref<1x80xi32, #tpu.memory_space<vmem>> -> memref<80xi32, #tpu.memory_space<vmem>>
    %dma_start3A_72 = arith.constant 0 : i32
    %dma_start3A_73 = arith.constant 0 : i32
    %dma_start3A_74 = tpu.memref_slice %arg2[%dma_start3A_72, %dma_start3A_73] : memref<10000x64xf32, #tpu.memory_space<hbm>> -> memref<10000x64xf32, #tpu.memory_space<hbm>>
    tpu.enqueue_indirect_dma source(%dma_start3A_74 : memref<10000x64xf32, #tpu.memory_space<hbm>>) target(%arg12 : memref<80x64xf32, #tpu.memory_space<vmem>>) offsets(%dma_start3A_71 : memref<80xi32, #tpu.memory_space<vmem>>) semaphore(%arg22 : memref<!tpu.dma_semaphore, #tpu.memory_space<semaphore_mem>>)
    %dma_wait3A_75 = arith.constant 0 : i32
    %dma_wait3A_76 = arith.constant 0 : i32
    %dma_wait3A_77 = tpu.memref_slice %arg6[%dma_wait3A_75, %dma_wait3A_76] : memref<125x80xi32, #tpu.memory_space<vmem>> -> memref<1x80xi32, #tpu.memory_space<vmem>>
    %dma_wait3A_78 = tpu.memref_squeeze %dma_wait3A_77 : memref<1x80xi32, #tpu.memory_space<vmem>> -> memref<80xi32, #tpu.memory_space<vmem>>
    %dma_wait3A_79 = arith.constant 0 : i32
    %dma_wait3A_80 = arith.constant 0 : i32
    %dma_wait3A_81 = tpu.memref_slice %arg2[%dma_wait3A_79, %dma_wait3A_80] : memref<10000x64xf32, #tpu.memory_space<hbm>> -> memref<10000x64xf32, #tpu.memory_space<hbm>>
    tpu.wait_indirect_dma semaphore(%arg19 : memref<!tpu.dma_semaphore, #tpu.memory_space<semaphore_mem>>) src(%dma_wait3A_81 : memref<10000x64xf32, #tpu.memory_space<hbm>>) dst(%arg9 : memref<80x64xf32, #tpu.memory_space<vmem>>)
    %parallel_loop3A = arith.constant 0 : i32
    %parallel_loop3A_82 = arith.constant 80 : i32
    %parallel_loop3A_83 = arith.constant 1 : i32
    scf.for %parallel_loop3A_232 = %parallel_loop3A to %parallel_loop3A_82 step %parallel_loop3A_83  : i32 {
      %parallel_loop3A_233 = arith.constant 0 : i32
      %parallel_loop3A_234 = arith.addi %parallel_loop3A_233, %parallel_loop3A_232 : i32
      %parallel_loop3A_235 = vector.broadcast %parallel_loop3A_234 : i32 to vector<16xi32>
      %parallel_loop3A_236 = tpu.vector_load_idx %arg8[%parallel_loop3A_235] : memref<10000xf32, #tpu.memory_space<vmem>>[vector<16xi32>], vector<16xf32>,
      %parallel_loop3A_237 = arith.index_cast %parallel_loop3A_232 : i32 to index
      %parallel_loop3A_238 = arith.constant 0 : index
      %parallel_loop3A_239 = tpu.vector_load %arg9[%parallel_loop3A_237, %parallel_loop3A_238] {strides = array<i32>} : memref<80x64xf32, #tpu.memory_space<vmem>>, vector<16xf32>,
      %parallel_loop3A_240 = arith.mulf %parallel_loop3A_239, %parallel_loop3A_236 : vector<16xf32>
      %parallel_loop3A_241 = arith.index_cast %parallel_loop3A_232 : i32 to index
      %parallel_loop3A_242 = arith.constant 0 : index
      %parallel_loop3A_243 = tpu.vector_load %arg13[%parallel_loop3A_241, %parallel_loop3A_242] {strides = array<i32>} : memref<80x64xf32, #tpu.memory_space<vmem>>, vector<16xf32>,
      tpu.vector_store %arg13[%parallel_loop3A_241, %parallel_loop3A_242], %parallel_loop3A_240 {strides = array<i32>} : memref<80x64xf32, #tpu.memory_space<vmem>>, vector<16xf32>,
      %parallel_loop3A_244 = arith.index_cast %parallel_loop3A_232 : i32 to index
      %parallel_loop3A_245 = arith.constant 16 : index
      %parallel_loop3A_246 = tpu.vector_load %arg9[%parallel_loop3A_244, %parallel_loop3A_245] {strides = array<i32>} : memref<80x64xf32, #tpu.memory_space<vmem>>, vector<16xf32>,
      %parallel_loop3A_247 = arith.mulf %parallel_loop3A_246, %parallel_loop3A_236 : vector<16xf32>
      %parallel_loop3A_248 = arith.index_cast %parallel_loop3A_232 : i32 to index
      %parallel_loop3A_249 = arith.constant 16 : index
      %parallel_loop3A_250 = tpu.vector_load %arg13[%parallel_loop3A_248, %parallel_loop3A_249] {strides = array<i32>} : memref<80x64xf32, #tpu.memory_space<vmem>>, vector<16xf32>,
      tpu.vector_store %arg13[%parallel_loop3A_248, %parallel_loop3A_249], %parallel_loop3A_247 {strides = array<i32>} : memref<80x64xf32, #tpu.memory_space<vmem>>, vector<16xf32>,
      %parallel_loop3A_251 = arith.index_cast %parallel_loop3A_232 : i32 to index
      %parallel_loop3A_252 = arith.constant 32 : index
      %parallel_loop3A_253 = tpu.vector_load %arg9[%parallel_loop3A_251, %parallel_loop3A_252] {strides = array<i32>} : memref<80x64xf32, #tpu.memory_space<vmem>>, vector<16xf32>,
      %parallel_loop3A_254 = arith.mulf %parallel_loop3A_253, %parallel_loop3A_236 : vector<16xf32>
      %parallel_loop3A_255 = arith.index_cast %parallel_loop3A_232 : i32 to index
      %parallel_loop3A_256 = arith.constant 32 : index
      %parallel_loop3A_257 = tpu.vector_load %arg13[%parallel_loop3A_255, %parallel_loop3A_256] {strides = array<i32>} : memref<80x64xf32, #tpu.memory_space<vmem>>, vector<16xf32>,
      tpu.vector_store %arg13[%parallel_loop3A_255, %parallel_loop3A_256], %parallel_loop3A_254 {strides = array<i32>} : memref<80x64xf32, #tpu.memory_space<vmem>>, vector<16xf32>,
      %parallel_loop3A_258 = arith.index_cast %parallel_loop3A_232 : i32 to index
      %parallel_loop3A_259 = arith.constant 48 : index
      %parallel_loop3A_260 = tpu.vector_load %arg9[%parallel_loop3A_258, %parallel_loop3A_259] {strides = array<i32>} : memref<80x64xf32, #tpu.memory_space<vmem>>, vector<16xf32>,
      %parallel_loop3A_261 = arith.mulf %parallel_loop3A_260, %parallel_loop3A_236 : vector<16xf32>
      %parallel_loop3A_262 = arith.index_cast %parallel_loop3A_232 : i32 to index
      %parallel_loop3A_263 = arith.constant 48 : index
      %parallel_loop3A_264 = tpu.vector_load %arg13[%parallel_loop3A_262, %parallel_loop3A_263] {strides = array<i32>} : memref<80x64xf32, #tpu.memory_space<vmem>>, vector<16xf32>,
      tpu.vector_store %arg13[%parallel_loop3A_262, %parallel_loop3A_263], %parallel_loop3A_261 {strides = array<i32>} : memref<80x64xf32, #tpu.memory_space<vmem>>, vector<16xf32>,
    } {sc.loop_unroll_factor = 4 : i64, sc.parallel_access}
    %dma_start3A_84 = arith.constant 4 : i32
    %dma_start3A_85 = arith.constant 0 : i32
    %dma_start3A_86 = tpu.memref_slice %arg6[%dma_start3A_84, %dma_start3A_85] : memref<125x80xi32, #tpu.memory_space<vmem>> -> memref<1x80xi32, #tpu.memory_space<vmem>>
    %dma_start3A_87 = tpu.memref_squeeze %dma_start3A_86 : memref<1x80xi32, #tpu.memory_space<vmem>> -> memref<80xi32, #tpu.memory_space<vmem>>
    %dma_start3A_88 = arith.constant 0 : i32
    %dma_start3A_89 = arith.constant 0 : i32
    %dma_start3A_90 = tpu.memref_slice %arg2[%dma_start3A_88, %dma_start3A_89] : memref<10000x64xf32, #tpu.memory_space<hbm>> -> memref<10000x64xf32, #tpu.memory_space<hbm>>
    tpu.enqueue_indirect_dma source(%dma_start3A_90 : memref<10000x64xf32, #tpu.memory_space<hbm>>) target(%arg9 : memref<80x64xf32, #tpu.memory_space<vmem>>) offsets(%dma_start3A_87 : memref<80xi32, #tpu.memory_space<vmem>>) semaphore(%arg19 : memref<!tpu.dma_semaphore, #tpu.memory_space<semaphore_mem>>)
    %dma_start3A_91 = arith.constant 0 : i32
    %dma_start3A_92 = arith.constant 0 : i32
    %dma_start3A_93 = tpu.memref_slice %arg7[%dma_start3A_91, %dma_start3A_92] : memref<125x80xi32, #tpu.memory_space<vmem>> -> memref<1x80xi32, #tpu.memory_space<vmem>>
    %dma_start3A_94 = tpu.memref_squeeze %dma_start3A_93 : memref<1x80xi32, #tpu.memory_space<vmem>> -> memref<80xi32, #tpu.memory_space<vmem>>
    %dma_start3A_95 = arith.constant 0 : i32
    %dma_start3A_96 = arith.constant 0 : i32
    %dma_start3A_97 = tpu.memref_slice %arg17[%dma_start3A_95, %dma_start3A_96] : memref<10240x64xf32, #tpu.memory_space<vmem_shared>> -> memref<10240x64xf32, #tpu.memory_space<vmem_shared>>
    tpu.enqueue_indirect_dma source(%arg13 : memref<80x64xf32, #tpu.memory_space<vmem>>) target(%dma_start3A_97 : memref<10240x64xf32, #tpu.memory_space<vmem_shared>>) offsets(%dma_start3A_94 : memref<80xi32, #tpu.memory_space<vmem>>) semaphore(%arg23 : memref<!tpu.dma_semaphore, #tpu.memory_space<semaphore_mem>>) {add = true}
    %dma_wait3A_98 = arith.constant 1 : i32
    %dma_wait3A_99 = arith.constant 0 : i32
    %dma_wait3A_100 = tpu.memref_slice %arg6[%dma_wait3A_98, %dma_wait3A_99] : memref<125x80xi32, #tpu.memory_space<vmem>> -> memref<1x80xi32, #tpu.memory_space<vmem>>
    %dma_wait3A_101 = tpu.memref_squeeze %dma_wait3A_100 : memref<1x80xi32, #tpu.memory_space<vmem>> -> memref<80xi32, #tpu.memory_space<vmem>>
    %dma_wait3A_102 = arith.constant 0 : i32
    %dma_wait3A_103 = arith.constant 0 : i32
    %dma_wait3A_104 = tpu.memref_slice %arg2[%dma_wait3A_102, %dma_wait3A_103] : memref<10000x64xf32, #tpu.memory_space<hbm>> -> memref<10000x64xf32, #tpu.memory_space<hbm>>
    tpu.wait_indirect_dma semaphore(%arg20 : memref<!tpu.dma_semaphore, #tpu.memory_space<semaphore_mem>>) src(%dma_wait3A_104 : memref<10000x64xf32, #tpu.memory_space<hbm>>) dst(%arg10 : memref<80x64xf32, #tpu.memory_space<vmem>>)
    %parallel_loop3A_105 = arith.constant 0 : i32
    %parallel_loop3A_106 = arith.constant 80 : i32
    %parallel_loop3A_107 = arith.constant 1 : i32
    scf.for %parallel_loop3A_232 = %parallel_loop3A_105 to %parallel_loop3A_106 step %parallel_loop3A_107  : i32 {
      %parallel_loop3A_233 = arith.constant 80 : i32
      %parallel_loop3A_234 = arith.addi %parallel_loop3A_233, %parallel_loop3A_232 : i32
      %parallel_loop3A_235 = vector.broadcast %parallel_loop3A_234 : i32 to vector<16xi32>
      %parallel_loop3A_236 = tpu.vector_load_idx %arg8[%parallel_loop3A_235] : memref<10000xf32, #tpu.memory_space<vmem>>[vector<16xi32>], vector<16xf32>,
      %parallel_loop3A_237 = arith.index_cast %parallel_loop3A_232 : i32 to index
      %parallel_loop3A_238 = arith.constant 0 : index
      %parallel_loop3A_239 = tpu.vector_load %arg10[%parallel_loop3A_237, %parallel_loop3A_238] {strides = array<i32>} : memref<80x64xf32, #tpu.memory_space<vmem>>, vector<16xf32>,
      %parallel_loop3A_240 = arith.mulf %parallel_loop3A_239, %parallel_loop3A_236 : vector<16xf32>
      %parallel_loop3A_241 = arith.index_cast %parallel_loop3A_232 : i32 to index
      %parallel_loop3A_242 = arith.constant 0 : index
      %parallel_loop3A_243 = tpu.vector_load %arg14[%parallel_loop3A_241, %parallel_loop3A_242] {strides = array<i32>} : memref<80x64xf32, #tpu.memory_space<vmem>>, vector<16xf32>,
      tpu.vector_store %arg14[%parallel_loop3A_241, %parallel_loop3A_242], %parallel_loop3A_240 {strides = array<i32>} : memref<80x64xf32, #tpu.memory_space<vmem>>, vector<16xf32>,
      %parallel_loop3A_244 = arith.index_cast %parallel_loop3A_232 : i32 to index
      %parallel_loop3A_245 = arith.constant 16 : index
      %parallel_loop3A_246 = tpu.vector_load %arg10[%parallel_loop3A_244, %parallel_loop3A_245] {strides = array<i32>} : memref<80x64xf32, #tpu.memory_space<vmem>>, vector<16xf32>,
      %parallel_loop3A_247 = arith.mulf %parallel_loop3A_246, %parallel_loop3A_236 : vector<16xf32>
      %parallel_loop3A_248 = arith.index_cast %parallel_loop3A_232 : i32 to index
      %parallel_loop3A_249 = arith.constant 16 : index
      %parallel_loop3A_250 = tpu.vector_load %arg14[%parallel_loop3A_248, %parallel_loop3A_249] {strides = array<i32>} : memref<80x64xf32, #tpu.memory_space<vmem>>, vector<16xf32>,
      tpu.vector_store %arg14[%parallel_loop3A_248, %parallel_loop3A_249], %parallel_loop3A_247 {strides = array<i32>} : memref<80x64xf32, #tpu.memory_space<vmem>>, vector<16xf32>,
      %parallel_loop3A_251 = arith.index_cast %parallel_loop3A_232 : i32 to index
      %parallel_loop3A_252 = arith.constant 32 : index
      %parallel_loop3A_253 = tpu.vector_load %arg10[%parallel_loop3A_251, %parallel_loop3A_252] {strides = array<i32>} : memref<80x64xf32, #tpu.memory_space<vmem>>, vector<16xf32>,
      %parallel_loop3A_254 = arith.mulf %parallel_loop3A_253, %parallel_loop3A_236 : vector<16xf32>
      %parallel_loop3A_255 = arith.index_cast %parallel_loop3A_232 : i32 to index
      %parallel_loop3A_256 = arith.constant 32 : index
      %parallel_loop3A_257 = tpu.vector_load %arg14[%parallel_loop3A_255, %parallel_loop3A_256] {strides = array<i32>} : memref<80x64xf32, #tpu.memory_space<vmem>>, vector<16xf32>,
      tpu.vector_store %arg14[%parallel_loop3A_255, %parallel_loop3A_256], %parallel_loop3A_254 {strides = array<i32>} : memref<80x64xf32, #tpu.memory_space<vmem>>, vector<16xf32>,
      %parallel_loop3A_258 = arith.index_cast %parallel_loop3A_232 : i32 to index
      %parallel_loop3A_259 = arith.constant 48 : index
      %parallel_loop3A_260 = tpu.vector_load %arg10[%parallel_loop3A_258, %parallel_loop3A_259] {strides = array<i32>} : memref<80x64xf32, #tpu.memory_space<vmem>>, vector<16xf32>,
      %parallel_loop3A_261 = arith.mulf %parallel_loop3A_260, %parallel_loop3A_236 : vector<16xf32>
      %parallel_loop3A_262 = arith.index_cast %parallel_loop3A_232 : i32 to index
      %parallel_loop3A_263 = arith.constant 48 : index
      %parallel_loop3A_264 = tpu.vector_load %arg14[%parallel_loop3A_262, %parallel_loop3A_263] {strides = array<i32>} : memref<80x64xf32, #tpu.memory_space<vmem>>, vector<16xf32>,
      tpu.vector_store %arg14[%parallel_loop3A_262, %parallel_loop3A_263], %parallel_loop3A_261 {strides = array<i32>} : memref<80x64xf32, #tpu.memory_space<vmem>>, vector<16xf32>,
    } {sc.loop_unroll_factor = 4 : i64, sc.parallel_access}
    %dma_start3A_108 = arith.constant 5 : i32
    %dma_start3A_109 = arith.constant 0 : i32
    %dma_start3A_110 = tpu.memref_slice %arg6[%dma_start3A_108, %dma_start3A_109] : memref<125x80xi32, #tpu.memory_space<vmem>> -> memref<1x80xi32, #tpu.memory_space<vmem>>
    %dma_start3A_111 = tpu.memref_squeeze %dma_start3A_110 : memref<1x80xi32, #tpu.memory_space<vmem>> -> memref<80xi32, #tpu.memory_space<vmem>>
    %dma_start3A_112 = arith.constant 0 : i32
    %dma_start3A_113 = arith.constant 0 : i32
    %dma_start3A_114 = tpu.memref_slice %arg2[%dma_start3A_112, %dma_start3A_113] : memref<10000x64xf32, #tpu.memory_space<hbm>> -> memref<10000x64xf32, #tpu.memory_space<hbm>>
    tpu.enqueue_indirect_dma source(%dma_start3A_114 : memref<10000x64xf32, #tpu.memory_space<hbm>>) target(%arg10 : memref<80x64xf32, #tpu.memory_space<vmem>>) offsets(%dma_start3A_111 : memref<80xi32, #tpu.memory_space<vmem>>) semaphore(%arg20 : memref<!tpu.dma_semaphore, #tpu.memory_space<semaphore_mem>>)
    %dma_start3A_115 = arith.constant 1 : i32
    %dma_start3A_116 = arith.constant 0 : i32
    %dma_start3A_117 = tpu.memref_slice %arg7[%dma_start3A_115, %dma_start3A_116] : memref<125x80xi32, #tpu.memory_space<vmem>> -> memref<1x80xi32, #tpu.memory_space<vmem>>
    %dma_start3A_118 = tpu.memref_squeeze %dma_start3A_117 : memref<1x80xi32, #tpu.memory_space<vmem>> -> memref<80xi32, #tpu.memory_space<vmem>>
    %dma_start3A_119 = arith.constant 0 : i32
    %dma_start3A_120 = arith.constant 0 : i32
    %dma_start3A_121 = tpu.memref_slice %arg17[%dma_start3A_119, %dma_start3A_120] : memref<10240x64xf32, #tpu.memory_space<vmem_shared>> -> memref<10240x64xf32, #tpu.memory_space<vmem_shared>>
    tpu.enqueue_indirect_dma source(%arg14 : memref<80x64xf32, #tpu.memory_space<vmem>>) target(%dma_start3A_121 : memref<10240x64xf32, #tpu.memory_space<vmem_shared>>) offsets(%dma_start3A_118 : memref<80xi32, #tpu.memory_space<vmem>>) semaphore(%arg24 : memref<!tpu.dma_semaphore, #tpu.memory_space<semaphore_mem>>) {add = true}
    %dma_wait3A_122 = arith.constant 2 : i32
    %dma_wait3A_123 = arith.constant 0 : i32
    %dma_wait3A_124 = tpu.memref_slice %arg6[%dma_wait3A_122, %dma_wait3A_123] : memref<125x80xi32, #tpu.memory_space<vmem>> -> memref<1x80xi32, #tpu.memory_space<vmem>>
    %dma_wait3A_125 = tpu.memref_squeeze %dma_wait3A_124 : memref<1x80xi32, #tpu.memory_space<vmem>> -> memref<80xi32, #tpu.memory_space<vmem>>
    %dma_wait3A_126 = arith.constant 0 : i32
    %dma_wait3A_127 = arith.constant 0 : i32
    %dma_wait3A_128 = tpu.memref_slice %arg2[%dma_wait3A_126, %dma_wait3A_127] : memref<10000x64xf32, #tpu.memory_space<hbm>> -> memref<10000x64xf32, #tpu.memory_space<hbm>>
    tpu.wait_indirect_dma semaphore(%arg21 : memref<!tpu.dma_semaphore, #tpu.memory_space<semaphore_mem>>) src(%dma_wait3A_128 : memref<10000x64xf32, #tpu.memory_space<hbm>>) dst(%arg11 : memref<80x64xf32, #tpu.memory_space<vmem>>)
    %parallel_loop3A_129 = arith.constant 0 : i32
    %parallel_loop3A_130 = arith.constant 80 : i32
    %parallel_loop3A_131 = arith.constant 1 : i32
    scf.for %parallel_loop3A_232 = %parallel_loop3A_129 to %parallel_loop3A_130 step %parallel_loop3A_131  : i32 {
      %parallel_loop3A_233 = arith.constant 160 : i32
      %parallel_loop3A_234 = arith.addi %parallel_loop3A_233, %parallel_loop3A_232 : i32
      %parallel_loop3A_235 = vector.broadcast %parallel_loop3A_234 : i32 to vector<16xi32>
      %parallel_loop3A_236 = tpu.vector_load_idx %arg8[%parallel_loop3A_235] : memref<10000xf32, #tpu.memory_space<vmem>>[vector<16xi32>], vector<16xf32>,
      %parallel_loop3A_237 = arith.index_cast %parallel_loop3A_232 : i32 to index
      %parallel_loop3A_238 = arith.constant 0 : index
      %parallel_loop3A_239 = tpu.vector_load %arg11[%parallel_loop3A_237, %parallel_loop3A_238] {strides = array<i32>} : memref<80x64xf32, #tpu.memory_space<vmem>>, vector<16xf32>,
      %parallel_loop3A_240 = arith.mulf %parallel_loop3A_239, %parallel_loop3A_236 : vector<16xf32>
      %parallel_loop3A_241 = arith.index_cast %parallel_loop3A_232 : i32 to index
      %parallel_loop3A_242 = arith.constant 0 : index
      %parallel_loop3A_243 = tpu.vector_load %arg15[%parallel_loop3A_241, %parallel_loop3A_242] {strides = array<i32>} : memref<80x64xf32, #tpu.memory_space<vmem>>, vector<16xf32>,
      tpu.vector_store %arg15[%parallel_loop3A_241, %parallel_loop3A_242], %parallel_loop3A_240 {strides = array<i32>} : memref<80x64xf32, #tpu.memory_space<vmem>>, vector<16xf32>,
      %parallel_loop3A_244 = arith.index_cast %parallel_loop3A_232 : i32 to index
      %parallel_loop3A_245 = arith.constant 16 : index
      %parallel_loop3A_246 = tpu.vector_load %arg11[%parallel_loop3A_244, %parallel_loop3A_245] {strides = array<i32>} : memref<80x64xf32, #tpu.memory_space<vmem>>, vector<16xf32>,
      %parallel_loop3A_247 = arith.mulf %parallel_loop3A_246, %parallel_loop3A_236 : vector<16xf32>
      %parallel_loop3A_248 = arith.index_cast %parallel_loop3A_232 : i32 to index
      %parallel_loop3A_249 = arith.constant 16 : index
      %parallel_loop3A_250 = tpu.vector_load %arg15[%parallel_loop3A_248, %parallel_loop3A_249] {strides = array<i32>} : memref<80x64xf32, #tpu.memory_space<vmem>>, vector<16xf32>,
      tpu.vector_store %arg15[%parallel_loop3A_248, %parallel_loop3A_249], %parallel_loop3A_247 {strides = array<i32>} : memref<80x64xf32, #tpu.memory_space<vmem>>, vector<16xf32>,
      %parallel_loop3A_251 = arith.index_cast %parallel_loop3A_232 : i32 to index
      %parallel_loop3A_252 = arith.constant 32 : index
      %parallel_loop3A_253 = tpu.vector_load %arg11[%parallel_loop3A_251, %parallel_loop3A_252] {strides = array<i32>} : memref<80x64xf32, #tpu.memory_space<vmem>>, vector<16xf32>,
      %parallel_loop3A_254 = arith.mulf %parallel_loop3A_253, %parallel_loop3A_236 : vector<16xf32>
      %parallel_loop3A_255 = arith.index_cast %parallel_loop3A_232 : i32 to index
      %parallel_loop3A_256 = arith.constant 32 : index
      %parallel_loop3A_257 = tpu.vector_load %arg15[%parallel_loop3A_255, %parallel_loop3A_256] {strides = array<i32>} : memref<80x64xf32, #tpu.memory_space<vmem>>, vector<16xf32>,
      tpu.vector_store %arg15[%parallel_loop3A_255, %parallel_loop3A_256], %parallel_loop3A_254 {strides = array<i32>} : memref<80x64xf32, #tpu.memory_space<vmem>>, vector<16xf32>,
      %parallel_loop3A_258 = arith.index_cast %parallel_loop3A_232 : i32 to index
      %parallel_loop3A_259 = arith.constant 48 : index
      %parallel_loop3A_260 = tpu.vector_load %arg11[%parallel_loop3A_258, %parallel_loop3A_259] {strides = array<i32>} : memref<80x64xf32, #tpu.memory_space<vmem>>, vector<16xf32>,
      %parallel_loop3A_261 = arith.mulf %parallel_loop3A_260, %parallel_loop3A_236 : vector<16xf32>
      %parallel_loop3A_262 = arith.index_cast %parallel_loop3A_232 : i32 to index
      %parallel_loop3A_263 = arith.constant 48 : index
      %parallel_loop3A_264 = tpu.vector_load %arg15[%parallel_loop3A_262, %parallel_loop3A_263] {strides = array<i32>} : memref<80x64xf32, #tpu.memory_space<vmem>>, vector<16xf32>,
      tpu.vector_store %arg15[%parallel_loop3A_262, %parallel_loop3A_263], %parallel_loop3A_261 {strides = array<i32>} : memref<80x64xf32, #tpu.memory_space<vmem>>, vector<16xf32>,
    } {sc.loop_unroll_factor = 4 : i64, sc.parallel_access}
    %dma_start3A_132 = arith.constant 6 : i32
    %dma_start3A_133 = arith.constant 0 : i32
    %dma_start3A_134 = tpu.memref_slice %arg6[%dma_start3A_132, %dma_start3A_133] : memref<125x80xi32, #tpu.memory_space<vmem>> -> memref<1x80xi32, #tpu.memory_space<vmem>>
    %dma_start3A_135 = tpu.memref_squeeze %dma_start3A_134 : memref<1x80xi32, #tpu.memory_space<vmem>> -> memref<80xi32, #tpu.memory_space<vmem>>
    %dma_start3A_136 = arith.constant 0 : i32
    %dma_start3A_137 = arith.constant 0 : i32
    %dma_start3A_138 = tpu.memref_slice %arg2[%dma_start3A_136, %dma_start3A_137] : memref<10000x64xf32, #tpu.memory_space<hbm>> -> memref<10000x64xf32, #tpu.memory_space<hbm>>
    tpu.enqueue_indirect_dma source(%dma_start3A_138 : memref<10000x64xf32, #tpu.memory_space<hbm>>) target(%arg11 : memref<80x64xf32, #tpu.memory_space<vmem>>) offsets(%dma_start3A_135 : memref<80xi32, #tpu.memory_space<vmem>>) semaphore(%arg21 : memref<!tpu.dma_semaphore, #tpu.memory_space<semaphore_mem>>)
    %dma_start3A_139 = arith.constant 2 : i32
    %dma_start3A_140 = arith.constant 0 : i32
    %dma_start3A_141 = tpu.memref_slice %arg7[%dma_start3A_139, %dma_start3A_140] : memref<125x80xi32, #tpu.memory_space<vmem>> -> memref<1x80xi32, #tpu.memory_space<vmem>>
    %dma_start3A_142 = tpu.memref_squeeze %dma_start3A_141 : memref<1x80xi32, #tpu.memory_space<vmem>> -> memref<80xi32, #tpu.memory_space<vmem>>
    %dma_start3A_143 = arith.constant 0 : i32
    %dma_start3A_144 = arith.constant 0 : i32
    %dma_start3A_145 = tpu.memref_slice %arg17[%dma_start3A_143, %dma_start3A_144] : memref<10240x64xf32, #tpu.memory_space<vmem_shared>> -> memref<10240x64xf32, #tpu.memory_space<vmem_shared>>
    tpu.enqueue_indirect_dma source(%arg15 : memref<80x64xf32, #tpu.memory_space<vmem>>) target(%dma_start3A_145 : memref<10240x64xf32, #tpu.memory_space<vmem_shared>>) offsets(%dma_start3A_142 : memref<80xi32, #tpu.memory_space<vmem>>) semaphore(%arg25 : memref<!tpu.dma_semaphore, #tpu.memory_space<semaphore_mem>>) {add = true}
    %dma_wait3A_146 = arith.constant 3 : i32
    %dma_wait3A_147 = arith.constant 0 : i32
    %dma_wait3A_148 = tpu.memref_slice %arg6[%dma_wait3A_146, %dma_wait3A_147] : memref<125x80xi32, #tpu.memory_space<vmem>> -> memref<1x80xi32, #tpu.memory_space<vmem>>
    %dma_wait3A_149 = tpu.memref_squeeze %dma_wait3A_148 : memref<1x80xi32, #tpu.memory_space<vmem>> -> memref<80xi32, #tpu.memory_space<vmem>>
    %dma_wait3A_150 = arith.constant 0 : i32
    %dma_wait3A_151 = arith.constant 0 : i32
    %dma_wait3A_152 = tpu.memref_slice %arg2[%dma_wait3A_150, %dma_wait3A_151] : memref<10000x64xf32, #tpu.memory_space<hbm>> -> memref<10000x64xf32, #tpu.memory_space<hbm>>
    tpu.wait_indirect_dma semaphore(%arg22 : memref<!tpu.dma_semaphore, #tpu.memory_space<semaphore_mem>>) src(%dma_wait3A_152 : memref<10000x64xf32, #tpu.memory_space<hbm>>) dst(%arg12 : memref<80x64xf32, #tpu.memory_space<vmem>>)
    %parallel_loop3A_153 = arith.constant 0 : i32
    %parallel_loop3A_154 = arith.constant 80 : i32
    %parallel_loop3A_155 = arith.constant 1 : i32
    scf.for %parallel_loop3A_232 = %parallel_loop3A_153 to %parallel_loop3A_154 step %parallel_loop3A_155  : i32 {
      %parallel_loop3A_233 = arith.constant 240 : i32
      %parallel_loop3A_234 = arith.addi %parallel_loop3A_233, %parallel_loop3A_232 : i32
      %parallel_loop3A_235 = vector.broadcast %parallel_loop3A_234 : i32 to vector<16xi32>
      %parallel_loop3A_236 = tpu.vector_load_idx %arg8[%parallel_loop3A_235] : memref<10000xf32, #tpu.memory_space<vmem>>[vector<16xi32>], vector<16xf32>,
      %parallel_loop3A_237 = arith.index_cast %parallel_loop3A_232 : i32 to index
      %parallel_loop3A_238 = arith.constant 0 : index
      %parallel_loop3A_239 = tpu.vector_load %arg12[%parallel_loop3A_237, %parallel_loop3A_238] {strides = array<i32>} : memref<80x64xf32, #tpu.memory_space<vmem>>, vector<16xf32>,
      %parallel_loop3A_240 = arith.mulf %parallel_loop3A_239, %parallel_loop3A_236 : vector<16xf32>
      %parallel_loop3A_241 = arith.index_cast %parallel_loop3A_232 : i32 to index
      %parallel_loop3A_242 = arith.constant 0 : index
      %parallel_loop3A_243 = tpu.vector_load %arg16[%parallel_loop3A_241, %parallel_loop3A_242] {strides = array<i32>} : memref<80x64xf32, #tpu.memory_space<vmem>>, vector<16xf32>,
      tpu.vector_store %arg16[%parallel_loop3A_241, %parallel_loop3A_242], %parallel_loop3A_240 {strides = array<i32>} : memref<80x64xf32, #tpu.memory_space<vmem>>, vector<16xf32>,
      %parallel_loop3A_244 = arith.index_cast %parallel_loop3A_232 : i32 to index
      %parallel_loop3A_245 = arith.constant 16 : index
      %parallel_loop3A_246 = tpu.vector_load %arg12[%parallel_loop3A_244, %parallel_loop3A_245] {strides = array<i32>} : memref<80x64xf32, #tpu.memory_space<vmem>>, vector<16xf32>,
      %parallel_loop3A_247 = arith.mulf %parallel_loop3A_246, %parallel_loop3A_236 : vector<16xf32>
      %parallel_loop3A_248 = arith.index_cast %parallel_loop3A_232 : i32 to index
      %parallel_loop3A_249 = arith.constant 16 : index
      %parallel_loop3A_250 = tpu.vector_load %arg16[%parallel_loop3A_248, %parallel_loop3A_249] {strides = array<i32>} : memref<80x64xf32, #tpu.memory_space<vmem>>, vector<16xf32>,
      tpu.vector_store %arg16[%parallel_loop3A_248, %parallel_loop3A_249], %parallel_loop3A_247 {strides = array<i32>} : memref<80x64xf32, #tpu.memory_space<vmem>>, vector<16xf32>,
      %parallel_loop3A_251 = arith.index_cast %parallel_loop3A_232 : i32 to index
      %parallel_loop3A_252 = arith.constant 32 : index
      %parallel_loop3A_253 = tpu.vector_load %arg12[%parallel_loop3A_251, %parallel_loop3A_252] {strides = array<i32>} : memref<80x64xf32, #tpu.memory_space<vmem>>, vector<16xf32>,
      %parallel_loop3A_254 = arith.mulf %parallel_loop3A_253, %parallel_loop3A_236 : vector<16xf32>
      %parallel_loop3A_255 = arith.index_cast %parallel_loop3A_232 : i32 to index
      %parallel_loop3A_256 = arith.constant 32 : index
      %parallel_loop3A_257 = tpu.vector_load %arg16[%parallel_loop3A_255, %parallel_loop3A_256] {strides = array<i32>} : memref<80x64xf32, #tpu.memory_space<vmem>>, vector<16xf32>,
      tpu.vector_store %arg16[%parallel_loop3A_255, %parallel_loop3A_256], %parallel_loop3A_254 {strides = array<i32>} : memref<80x64xf32, #tpu.memory_space<vmem>>, vector<16xf32>,
      %parallel_loop3A_258 = arith.index_cast %parallel_loop3A_232 : i32 to index
      %parallel_loop3A_259 = arith.constant 48 : index
      %parallel_loop3A_260 = tpu.vector_load %arg12[%parallel_loop3A_258, %parallel_loop3A_259] {strides = array<i32>} : memref<80x64xf32, #tpu.memory_space<vmem>>, vector<16xf32>,
      %parallel_loop3A_261 = arith.mulf %parallel_loop3A_260, %parallel_loop3A_236 : vector<16xf32>
      %parallel_loop3A_262 = arith.index_cast %parallel_loop3A_232 : i32 to index
      %parallel_loop3A_263 = arith.constant 48 : index
      %parallel_loop3A_264 = tpu.vector_load %arg16[%parallel_loop3A_262, %parallel_loop3A_263] {strides = array<i32>} : memref<80x64xf32, #tpu.memory_space<vmem>>, vector<16xf32>,
      tpu.vector_store %arg16[%parallel_loop3A_262, %parallel_loop3A_263], %parallel_loop3A_261 {strides = array<i32>} : memref<80x64xf32, #tpu.memory_space<vmem>>, vector<16xf32>,
    } {sc.loop_unroll_factor = 4 : i64, sc.parallel_access}
    %dma_start3A_156 = arith.constant 7 : i32
    %dma_start3A_157 = arith.constant 0 : i32
    %dma_start3A_158 = tpu.memref_slice %arg6[%dma_start3A_156, %dma_start3A_157] : memref<125x80xi32, #tpu.memory_space<vmem>> -> memref<1x80xi32, #tpu.memory_space<vmem>>
    %dma_start3A_159 = tpu.memref_squeeze %dma_start3A_158 : memref<1x80xi32, #tpu.memory_space<vmem>> -> memref<80xi32, #tpu.memory_space<vmem>>
    %dma_start3A_160 = arith.constant 0 : i32
    %dma_start3A_161 = arith.constant 0 : i32
    %dma_start3A_162 = tpu.memref_slice %arg2[%dma_start3A_160, %dma_start3A_161] : memref<10000x64xf32, #tpu.memory_space<hbm>> -> memref<10000x64xf32, #tpu.memory_space<hbm>>
    tpu.enqueue_indirect_dma source(%dma_start3A_162 : memref<10000x64xf32, #tpu.memory_space<hbm>>) target(%arg12 : memref<80x64xf32, #tpu.memory_space<vmem>>) offsets(%dma_start3A_159 : memref<80xi32, #tpu.memory_space<vmem>>) semaphore(%arg22 : memref<!tpu.dma_semaphore, #tpu.memory_space<semaphore_mem>>)
    %dma_start3A_163 = arith.constant 3 : i32
    %dma_start3A_164 = arith.constant 0 : i32
    %dma_start3A_165 = tpu.memref_slice %arg7[%dma_start3A_163, %dma_start3A_164] : memref<125x80xi32, #tpu.memory_space<vmem>> -> memref<1x80xi32, #tpu.memory_space<vmem>>
    %dma_start3A_166 = tpu.memref_squeeze %dma_start3A_165 : memref<1x80xi32, #tpu.memory_space<vmem>> -> memref<80xi32, #tpu.memory_space<vmem>>
    %dma_start3A_167 = arith.constant 0 : i32
    %dma_start3A_168 = arith.constant 0 : i32
    %dma_start3A_169 = tpu.memref_slice %arg17[%dma_start3A_167, %dma_start3A_168] : memref<10240x64xf32, #tpu.memory_space<vmem_shared>> -> memref<10240x64xf32, #tpu.memory_space<vmem_shared>>
    tpu.enqueue_indirect_dma source(%arg16 : memref<80x64xf32, #tpu.memory_space<vmem>>) target(%dma_start3A_169 : memref<10240x64xf32, #tpu.memory_space<vmem_shared>>) offsets(%dma_start3A_166 : memref<80xi32, #tpu.memory_space<vmem>>) semaphore(%arg26 : memref<!tpu.dma_semaphore, #tpu.memory_space<semaphore_mem>>) {add = true}
    %scan3A_170 = arith.constant 0 : i32
    %scan3A_171 = arith.constant 30 : i32
    %scan3A_172 = arith.addi %scan3A_170, %scan3A_171 : i32
    %scan3A_173 = arith.constant 1 : i32
    scf.for %scan3A_232 = %scan3A_170 to %scan3A_172 step %scan3A_173  : i32 {
      %mul3A_233 = arith.constant 4 : i32
      %mul3A_234 = arith.muli %scan3A_232, %mul3A_233 : i32
      %add3A_235 = arith.constant 4 : i32
      %add3A_236 = arith.addi %add3A_235, %mul3A_234 : i32
      %add3A_237 = arith.constant 0 : i32
      %add3A_238 = arith.addi %add3A_236, %add3A_237 : i32
      %dma_wait3A_239 = arith.constant 0 : i32
      %dma_wait3A_240 = tpu.memref_slice %arg6[%add3A_238, %dma_wait3A_239] : memref<125x80xi32, #tpu.memory_space<vmem>> -> memref<1x80xi32, #tpu.memory_space<vmem>>
      %dma_wait3A_241 = tpu.memref_squeeze %dma_wait3A_240 : memref<1x80xi32, #tpu.memory_space<vmem>> -> memref<80xi32, #tpu.memory_space<vmem>>
      %dma_wait3A_242 = arith.constant 0 : i32
      %dma_wait3A_243 = arith.constant 0 : i32
      %dma_wait3A_244 = tpu.memref_slice %arg2[%dma_wait3A_242, %dma_wait3A_243] : memref<10000x64xf32, #tpu.memory_space<hbm>> -> memref<10000x64xf32, #tpu.memory_space<hbm>>
      tpu.wait_indirect_dma semaphore(%arg19 : memref<!tpu.dma_semaphore, #tpu.memory_space<semaphore_mem>>) src(%dma_wait3A_244 : memref<10000x64xf32, #tpu.memory_space<hbm>>) dst(%arg9 : memref<80x64xf32, #tpu.memory_space<vmem>>)
      %dma_wait3A_245 = arith.constant 0 : i32
      %dma_wait3A_246 = tpu.memref_slice %arg7[%add3A_238, %dma_wait3A_245] : memref<125x80xi32, #tpu.memory_space<vmem>> -> memref<1x80xi32, #tpu.memory_space<vmem>>
      %dma_wait3A_247 = tpu.memref_squeeze %dma_wait3A_246 : memref<1x80xi32, #tpu.memory_space<vmem>> -> memref<80xi32, #tpu.memory_space<vmem>>
      %dma_wait3A_248 = arith.constant 0 : i32
      %dma_wait3A_249 = arith.constant 0 : i32
      %dma_wait3A_250 = tpu.memref_slice %arg17[%dma_wait3A_248, %dma_wait3A_249] : memref<10240x64xf32, #tpu.memory_space<vmem_shared>> -> memref<10240x64xf32, #tpu.memory_space<vmem_shared>>
      tpu.wait_indirect_dma semaphore(%arg23 : memref<!tpu.dma_semaphore, #tpu.memory_space<semaphore_mem>>) src(%arg13 : memref<80x64xf32, #tpu.memory_space<vmem>>) dst(%dma_wait3A_250 : memref<10240x64xf32, #tpu.memory_space<vmem_shared>>)
      %parallel_loop3A_251 = arith.constant 0 : i32
      %parallel_loop3A_252 = arith.constant 80 : i32
      %parallel_loop3A_253 = arith.constant 1 : i32
      scf.for %parallel_loop3A_354 = %parallel_loop3A_251 to %parallel_loop3A_252 step %parallel_loop3A_253  : i32 {
        %parallel_loop3A_355 = arith.constant 80 : i32
        %parallel_loop3A_356 = arith.muli %add3A_238, %parallel_loop3A_355 : i32
        %parallel_loop3A_357 = arith.addi %parallel_loop3A_356, %parallel_loop3A_354 : i32
        %parallel_loop3A_358 = vector.broadcast %parallel_loop3A_357 : i32 to vector<16xi32>
        %parallel_loop3A_359 = tpu.vector_load_idx %arg8[%parallel_loop3A_358] : memref<10000xf32, #tpu.memory_space<vmem>>[vector<16xi32>], vector<16xf32>,
        %parallel_loop3A_360 = arith.index_cast %parallel_loop3A_354 : i32 to index
        %parallel_loop3A_361 = arith.constant 0 : index
        %parallel_loop3A_362 = tpu.vector_load %arg9[%parallel_loop3A_360, %parallel_loop3A_361] {strides = array<i32>} : memref<80x64xf32, #tpu.memory_space<vmem>>, vector<16xf32>,
        %parallel_loop3A_363 = arith.mulf %parallel_loop3A_362, %parallel_loop3A_359 : vector<16xf32>
        %parallel_loop3A_364 = arith.index_cast %parallel_loop3A_354 : i32 to index
        %parallel_loop3A_365 = arith.constant 0 : index
        %parallel_loop3A_366 = tpu.vector_load %arg13[%parallel_loop3A_364, %parallel_loop3A_365] {strides = array<i32>} : memref<80x64xf32, #tpu.memory_space<vmem>>, vector<16xf32>,
        tpu.vector_store %arg13[%parallel_loop3A_364, %parallel_loop3A_365], %parallel_loop3A_363 {strides = array<i32>} : memref<80x64xf32, #tpu.memory_space<vmem>>, vector<16xf32>,
        %parallel_loop3A_367 = arith.index_cast %parallel_loop3A_354 : i32 to index
        %parallel_loop3A_368 = arith.constant 16 : index
        %parallel_loop3A_369 = tpu.vector_load %arg9[%parallel_loop3A_367, %parallel_loop3A_368] {strides = array<i32>} : memref<80x64xf32, #tpu.memory_space<vmem>>, vector<16xf32>,
        %parallel_loop3A_370 = arith.mulf %parallel_loop3A_369, %parallel_loop3A_359 : vector<16xf32>
        %parallel_loop3A_371 = arith.index_cast %parallel_loop3A_354 : i32 to index
        %parallel_loop3A_372 = arith.constant 16 : index
        %parallel_loop3A_373 = tpu.vector_load %arg13[%parallel_loop3A_371, %parallel_loop3A_372] {strides = array<i32>} : memref<80x64xf32, #tpu.memory_space<vmem>>, vector<16xf32>,
        tpu.vector_store %arg13[%parallel_loop3A_371, %parallel_loop3A_372], %parallel_loop3A_370 {strides = array<i32>} : memref<80x64xf32, #tpu.memory_space<vmem>>, vector<16xf32>,
        %parallel_loop3A_374 = arith.index_cast %parallel_loop3A_354 : i32 to index
        %parallel_loop3A_375 = arith.constant 32 : index
        %parallel_loop3A_376 = tpu.vector_load %arg9[%parallel_loop3A_374, %parallel_loop3A_375] {strides = array<i32>} : memref<80x64xf32, #tpu.memory_space<vmem>>, vector<16xf32>,
        %parallel_loop3A_377 = arith.mulf %parallel_loop3A_376, %parallel_loop3A_359 : vector<16xf32>
        %parallel_loop3A_378 = arith.index_cast %parallel_loop3A_354 : i32 to index
        %parallel_loop3A_379 = arith.constant 32 : index
        %parallel_loop3A_380 = tpu.vector_load %arg13[%parallel_loop3A_378, %parallel_loop3A_379] {strides = array<i32>} : memref<80x64xf32, #tpu.memory_space<vmem>>, vector<16xf32>,
        tpu.vector_store %arg13[%parallel_loop3A_378, %parallel_loop3A_379], %parallel_loop3A_377 {strides = array<i32>} : memref<80x64xf32, #tpu.memory_space<vmem>>, vector<16xf32>,
        %parallel_loop3A_381 = arith.index_cast %parallel_loop3A_354 : i32 to index
        %parallel_loop3A_382 = arith.constant 48 : index
        %parallel_loop3A_383 = tpu.vector_load %arg9[%parallel_loop3A_381, %parallel_loop3A_382] {strides = array<i32>} : memref<80x64xf32, #tpu.memory_space<vmem>>, vector<16xf32>,
        %parallel_loop3A_384 = arith.mulf %parallel_loop3A_383, %parallel_loop3A_359 : vector<16xf32>
        %parallel_loop3A_385 = arith.index_cast %parallel_loop3A_354 : i32 to index
        %parallel_loop3A_386 = arith.constant 48 : index
        %parallel_loop3A_387 = tpu.vector_load %arg13[%parallel_loop3A_385, %parallel_loop3A_386] {strides = array<i32>} : memref<80x64xf32, #tpu.memory_space<vmem>>, vector<16xf32>,
        tpu.vector_store %arg13[%parallel_loop3A_385, %parallel_loop3A_386], %parallel_loop3A_384 {strides = array<i32>} : memref<80x64xf32, #tpu.memory_space<vmem>>, vector<16xf32>,
      } {sc.loop_unroll_factor = 4 : i64, sc.parallel_access}
      %add3A_254 = arith.constant 4 : i32
      %add3A_255 = arith.addi %add3A_238, %add3A_254 : i32
      %lt3A = arith.constant 125 : i32
      %lt3A_256 = arith.cmpi slt, %add3A_255, %lt3A : i32
      %convert_element_type3A = arith.extui %lt3A_256 : i1 to i32
      %cond3A = arith.constant 0 : i32
      %cond3A_257 = arith.cmpi ne, %convert_element_type3A, %cond3A : i32
      scf.if %cond3A_257 {
        %add3A_354 = arith.constant 4 : i32
        %add3A_355 = arith.addi %add3A_238, %add3A_354 : i32
        %dma_start3A_356 = arith.constant 0 : i32
        %dma_start3A_357 = tpu.memref_slice %arg6[%add3A_355, %dma_start3A_356] : memref<125x80xi32, #tpu.memory_space<vmem>> -> memref<1x80xi32, #tpu.memory_space<vmem>>
        %dma_start3A_358 = tpu.memref_squeeze %dma_start3A_357 : memref<1x80xi32, #tpu.memory_space<vmem>> -> memref<80xi32, #tpu.memory_space<vmem>>
        %dma_start3A_359 = arith.constant 0 : i32
        %dma_start3A_360 = arith.constant 0 : i32
        %dma_start3A_361 = tpu.memref_slice %arg2[%dma_start3A_359, %dma_start3A_360] : memref<10000x64xf32, #tpu.memory_space<hbm>> -> memref<10000x64xf32, #tpu.memory_space<hbm>>
        tpu.enqueue_indirect_dma source(%dma_start3A_361 : memref<10000x64xf32, #tpu.memory_space<hbm>>) target(%arg9 : memref<80x64xf32, #tpu.memory_space<vmem>>) offsets(%dma_start3A_358 : memref<80xi32, #tpu.memory_space<vmem>>) semaphore(%arg19 : memref<!tpu.dma_semaphore, #tpu.memory_space<semaphore_mem>>)
      } else {
      }
      %dma_start3A_258 = arith.constant 0 : i32
      %dma_start3A_259 = tpu.memref_slice %arg7[%add3A_238, %dma_start3A_258] : memref<125x80xi32, #tpu.memory_space<vmem>> -> memref<1x80xi32, #tpu.memory_space<vmem>>
      %dma_start3A_260 = tpu.memref_squeeze %dma_start3A_259 : memref<1x80xi32, #tpu.memory_space<vmem>> -> memref<80xi32, #tpu.memory_space<vmem>>
      %dma_start3A_261 = arith.constant 0 : i32
      %dma_start3A_262 = arith.constant 0 : i32
      %dma_start3A_263 = tpu.memref_slice %arg17[%dma_start3A_261, %dma_start3A_262] : memref<10240x64xf32, #tpu.memory_space<vmem_shared>> -> memref<10240x64xf32, #tpu.memory_space<vmem_shared>>
      tpu.enqueue_indirect_dma source(%arg13 : memref<80x64xf32, #tpu.memory_space<vmem>>) target(%dma_start3A_263 : memref<10240x64xf32, #tpu.memory_space<vmem_shared>>) offsets(%dma_start3A_260 : memref<80xi32, #tpu.memory_space<vmem>>) semaphore(%arg23 : memref<!tpu.dma_semaphore, #tpu.memory_space<semaphore_mem>>) {add = true}
      %add3A_264 = arith.constant 1 : i32
      %add3A_265 = arith.addi %add3A_236, %add3A_264 : i32
      %dma_wait3A_266 = arith.constant 0 : i32
      %dma_wait3A_267 = tpu.memref_slice %arg6[%add3A_265, %dma_wait3A_266] : memref<125x80xi32, #tpu.memory_space<vmem>> -> memref<1x80xi32, #tpu.memory_space<vmem>>
      %dma_wait3A_268 = tpu.memref_squeeze %dma_wait3A_267 : memref<1x80xi32, #tpu.memory_space<vmem>> -> memref<80xi32, #tpu.memory_space<vmem>>
      %dma_wait3A_269 = arith.constant 0 : i32
      %dma_wait3A_270 = arith.constant 0 : i32
      %dma_wait3A_271 = tpu.memref_slice %arg2[%dma_wait3A_269, %dma_wait3A_270] : memref<10000x64xf32, #tpu.memory_space<hbm>> -> memref<10000x64xf32, #tpu.memory_space<hbm>>
      tpu.wait_indirect_dma semaphore(%arg20 : memref<!tpu.dma_semaphore, #tpu.memory_space<semaphore_mem>>) src(%dma_wait3A_271 : memref<10000x64xf32, #tpu.memory_space<hbm>>) dst(%arg10 : memref<80x64xf32, #tpu.memory_space<vmem>>)
      %dma_wait3A_272 = arith.constant 0 : i32
      %dma_wait3A_273 = tpu.memref_slice %arg7[%add3A_265, %dma_wait3A_272] : memref<125x80xi32, #tpu.memory_space<vmem>> -> memref<1x80xi32, #tpu.memory_space<vmem>>
      %dma_wait3A_274 = tpu.memref_squeeze %dma_wait3A_273 : memref<1x80xi32, #tpu.memory_space<vmem>> -> memref<80xi32, #tpu.memory_space<vmem>>
      %dma_wait3A_275 = arith.constant 0 : i32
      %dma_wait3A_276 = arith.constant 0 : i32
      %dma_wait3A_277 = tpu.memref_slice %arg17[%dma_wait3A_275, %dma_wait3A_276] : memref<10240x64xf32, #tpu.memory_space<vmem_shared>> -> memref<10240x64xf32, #tpu.memory_space<vmem_shared>>
      tpu.wait_indirect_dma semaphore(%arg24 : memref<!tpu.dma_semaphore, #tpu.memory_space<semaphore_mem>>) src(%arg14 : memref<80x64xf32, #tpu.memory_space<vmem>>) dst(%dma_wait3A_277 : memref<10240x64xf32, #tpu.memory_space<vmem_shared>>)
      %parallel_loop3A_278 = arith.constant 0 : i32
      %parallel_loop3A_279 = arith.constant 80 : i32
      %parallel_loop3A_280 = arith.constant 1 : i32
      scf.for %parallel_loop3A_354 = %parallel_loop3A_278 to %parallel_loop3A_279 step %parallel_loop3A_280  : i32 {
        %parallel_loop3A_355 = arith.constant 80 : i32
        %parallel_loop3A_356 = arith.muli %add3A_265, %parallel_loop3A_355 : i32
        %parallel_loop3A_357 = arith.addi %parallel_loop3A_356, %parallel_loop3A_354 : i32
        %parallel_loop3A_358 = vector.broadcast %parallel_loop3A_357 : i32 to vector<16xi32>
        %parallel_loop3A_359 = tpu.vector_load_idx %arg8[%parallel_loop3A_358] : memref<10000xf32, #tpu.memory_space<vmem>>[vector<16xi32>], vector<16xf32>,
        %parallel_loop3A_360 = arith.index_cast %parallel_loop3A_354 : i32 to index
        %parallel_loop3A_361 = arith.constant 0 : index
        %parallel_loop3A_362 = tpu.vector_load %arg10[%parallel_loop3A_360, %parallel_loop3A_361] {strides = array<i32>} : memref<80x64xf32, #tpu.memory_space<vmem>>, vector<16xf32>,
        %parallel_loop3A_363 = arith.mulf %parallel_loop3A_362, %parallel_loop3A_359 : vector<16xf32>
        %parallel_loop3A_364 = arith.index_cast %parallel_loop3A_354 : i32 to index
        %parallel_loop3A_365 = arith.constant 0 : index
        %parallel_loop3A_366 = tpu.vector_load %arg14[%parallel_loop3A_364, %parallel_loop3A_365] {strides = array<i32>} : memref<80x64xf32, #tpu.memory_space<vmem>>, vector<16xf32>,
        tpu.vector_store %arg14[%parallel_loop3A_364, %parallel_loop3A_365], %parallel_loop3A_363 {strides = array<i32>} : memref<80x64xf32, #tpu.memory_space<vmem>>, vector<16xf32>,
        %parallel_loop3A_367 = arith.index_cast %parallel_loop3A_354 : i32 to index
        %parallel_loop3A_368 = arith.constant 16 : index
        %parallel_loop3A_369 = tpu.vector_load %arg10[%parallel_loop3A_367, %parallel_loop3A_368] {strides = array<i32>} : memref<80x64xf32, #tpu.memory_space<vmem>>, vector<16xf32>,
        %parallel_loop3A_370 = arith.mulf %parallel_loop3A_369, %parallel_loop3A_359 : vector<16xf32>
        %parallel_loop3A_371 = arith.index_cast %parallel_loop3A_354 : i32 to index
        %parallel_loop3A_372 = arith.constant 16 : index
        %parallel_loop3A_373 = tpu.vector_load %arg14[%parallel_loop3A_371, %parallel_loop3A_372] {strides = array<i32>} : memref<80x64xf32, #tpu.memory_space<vmem>>, vector<16xf32>,
        tpu.vector_store %arg14[%parallel_loop3A_371, %parallel_loop3A_372], %parallel_loop3A_370 {strides = array<i32>} : memref<80x64xf32, #tpu.memory_space<vmem>>, vector<16xf32>,
        %parallel_loop3A_374 = arith.index_cast %parallel_loop3A_354 : i32 to index
        %parallel_loop3A_375 = arith.constant 32 : index
        %parallel_loop3A_376 = tpu.vector_load %arg10[%parallel_loop3A_374, %parallel_loop3A_375] {strides = array<i32>} : memref<80x64xf32, #tpu.memory_space<vmem>>, vector<16xf32>,
        %parallel_loop3A_377 = arith.mulf %parallel_loop3A_376, %parallel_loop3A_359 : vector<16xf32>
        %parallel_loop3A_378 = arith.index_cast %parallel_loop3A_354 : i32 to index
        %parallel_loop3A_379 = arith.constant 32 : index
        %parallel_loop3A_380 = tpu.vector_load %arg14[%parallel_loop3A_378, %parallel_loop3A_379] {strides = array<i32>} : memref<80x64xf32, #tpu.memory_space<vmem>>, vector<16xf32>,
        tpu.vector_store %arg14[%parallel_loop3A_378, %parallel_loop3A_379], %parallel_loop3A_377 {strides = array<i32>} : memref<80x64xf32, #tpu.memory_space<vmem>>, vector<16xf32>,
        %parallel_loop3A_381 = arith.index_cast %parallel_loop3A_354 : i32 to index
        %parallel_loop3A_382 = arith.constant 48 : index
        %parallel_loop3A_383 = tpu.vector_load %arg10[%parallel_loop3A_381, %parallel_loop3A_382] {strides = array<i32>} : memref<80x64xf32, #tpu.memory_space<vmem>>, vector<16xf32>,
        %parallel_loop3A_384 = arith.mulf %parallel_loop3A_383, %parallel_loop3A_359 : vector<16xf32>
        %parallel_loop3A_385 = arith.index_cast %parallel_loop3A_354 : i32 to index
        %parallel_loop3A_386 = arith.constant 48 : index
        %parallel_loop3A_387 = tpu.vector_load %arg14[%parallel_loop3A_385, %parallel_loop3A_386] {strides = array<i32>} : memref<80x64xf32, #tpu.memory_space<vmem>>, vector<16xf32>,
        tpu.vector_store %arg14[%parallel_loop3A_385, %parallel_loop3A_386], %parallel_loop3A_384 {strides = array<i32>} : memref<80x64xf32, #tpu.memory_space<vmem>>, vector<16xf32>,
      } {sc.loop_unroll_factor = 4 : i64, sc.parallel_access}
      %add3A_281 = arith.constant 4 : i32
      %add3A_282 = arith.addi %add3A_265, %add3A_281 : i32
      %lt3A_283 = arith.constant 125 : i32
      %lt3A_284 = arith.cmpi slt, %add3A_282, %lt3A_283 : i32
      %convert_element_type3A_285 = arith.extui %lt3A_284 : i1 to i32
      %cond3A_286 = arith.constant 0 : i32
      %cond3A_287 = arith.cmpi ne, %convert_element_type3A_285, %cond3A_286 : i32
      scf.if %cond3A_287 {
        %add3A_354 = arith.constant 4 : i32
        %add3A_355 = arith.addi %add3A_265, %add3A_354 : i32
        %dma_start3A_356 = arith.constant 0 : i32
        %dma_start3A_357 = tpu.memref_slice %arg6[%add3A_355, %dma_start3A_356] : memref<125x80xi32, #tpu.memory_space<vmem>> -> memref<1x80xi32, #tpu.memory_space<vmem>>
        %dma_start3A_358 = tpu.memref_squeeze %dma_start3A_357 : memref<1x80xi32, #tpu.memory_space<vmem>> -> memref<80xi32, #tpu.memory_space<vmem>>
        %dma_start3A_359 = arith.constant 0 : i32
        %dma_start3A_360 = arith.constant 0 : i32
        %dma_start3A_361 = tpu.memref_slice %arg2[%dma_start3A_359, %dma_start3A_360] : memref<10000x64xf32, #tpu.memory_space<hbm>> -> memref<10000x64xf32, #tpu.memory_space<hbm>>
        tpu.enqueue_indirect_dma source(%dma_start3A_361 : memref<10000x64xf32, #tpu.memory_space<hbm>>) target(%arg10 : memref<80x64xf32, #tpu.memory_space<vmem>>) offsets(%dma_start3A_358 : memref<80xi32, #tpu.memory_space<vmem>>) semaphore(%arg20 : memref<!tpu.dma_semaphore, #tpu.memory_space<semaphore_mem>>)
      } else {
      }
      %dma_start3A_288 = arith.constant 0 : i32
      %dma_start3A_289 = tpu.memref_slice %arg7[%add3A_265, %dma_start3A_288] : memref<125x80xi32, #tpu.memory_space<vmem>> -> memref<1x80xi32, #tpu.memory_space<vmem>>
      %dma_start3A_290 = tpu.memref_squeeze %dma_start3A_289 : memref<1x80xi32, #tpu.memory_space<vmem>> -> memref<80xi32, #tpu.memory_space<vmem>>
      %dma_start3A_291 = arith.constant 0 : i32
      %dma_start3A_292 = arith.constant 0 : i32
      %dma_start3A_293 = tpu.memref_slice %arg17[%dma_start3A_291, %dma_start3A_292] : memref<10240x64xf32, #tpu.memory_space<vmem_shared>> -> memref<10240x64xf32, #tpu.memory_space<vmem_shared>>
      tpu.enqueue_indirect_dma source(%arg14 : memref<80x64xf32, #tpu.memory_space<vmem>>) target(%dma_start3A_293 : memref<10240x64xf32, #tpu.memory_space<vmem_shared>>) offsets(%dma_start3A_290 : memref<80xi32, #tpu.memory_space<vmem>>) semaphore(%arg24 : memref<!tpu.dma_semaphore, #tpu.memory_space<semaphore_mem>>) {add = true}
      %add3A_294 = arith.constant 2 : i32
      %add3A_295 = arith.addi %add3A_236, %add3A_294 : i32
      %dma_wait3A_296 = arith.constant 0 : i32
      %dma_wait3A_297 = tpu.memref_slice %arg6[%add3A_295, %dma_wait3A_296] : memref<125x80xi32, #tpu.memory_space<vmem>> -> memref<1x80xi32, #tpu.memory_space<vmem>>
      %dma_wait3A_298 = tpu.memref_squeeze %dma_wait3A_297 : memref<1x80xi32, #tpu.memory_space<vmem>> -> memref<80xi32, #tpu.memory_space<vmem>>
      %dma_wait3A_299 = arith.constant 0 : i32
      %dma_wait3A_300 = arith.constant 0 : i32
      %dma_wait3A_301 = tpu.memref_slice %arg2[%dma_wait3A_299, %dma_wait3A_300] : memref<10000x64xf32, #tpu.memory_space<hbm>> -> memref<10000x64xf32, #tpu.memory_space<hbm>>
      tpu.wait_indirect_dma semaphore(%arg21 : memref<!tpu.dma_semaphore, #tpu.memory_space<semaphore_mem>>) src(%dma_wait3A_301 : memref<10000x64xf32, #tpu.memory_space<hbm>>) dst(%arg11 : memref<80x64xf32, #tpu.memory_space<vmem>>)
      %dma_wait3A_302 = arith.constant 0 : i32
      %dma_wait3A_303 = tpu.memref_slice %arg7[%add3A_295, %dma_wait3A_302] : memref<125x80xi32, #tpu.memory_space<vmem>> -> memref<1x80xi32, #tpu.memory_space<vmem>>
      %dma_wait3A_304 = tpu.memref_squeeze %dma_wait3A_303 : memref<1x80xi32, #tpu.memory_space<vmem>> -> memref<80xi32, #tpu.memory_space<vmem>>
      %dma_wait3A_305 = arith.constant 0 : i32
      %dma_wait3A_306 = arith.constant 0 : i32
      %dma_wait3A_307 = tpu.memref_slice %arg17[%dma_wait3A_305, %dma_wait3A_306] : memref<10240x64xf32, #tpu.memory_space<vmem_shared>> -> memref<10240x64xf32, #tpu.memory_space<vmem_shared>>
      tpu.wait_indirect_dma semaphore(%arg25 : memref<!tpu.dma_semaphore, #tpu.memory_space<semaphore_mem>>) src(%arg15 : memref<80x64xf32, #tpu.memory_space<vmem>>) dst(%dma_wait3A_307 : memref<10240x64xf32, #tpu.memory_space<vmem_shared>>)
      %parallel_loop3A_308 = arith.constant 0 : i32
      %parallel_loop3A_309 = arith.constant 80 : i32
      %parallel_loop3A_310 = arith.constant 1 : i32
      scf.for %parallel_loop3A_354 = %parallel_loop3A_308 to %parallel_loop3A_309 step %parallel_loop3A_310  : i32 {
        %parallel_loop3A_355 = arith.constant 80 : i32
        %parallel_loop3A_356 = arith.muli %add3A_295, %parallel_loop3A_355 : i32
        %parallel_loop3A_357 = arith.addi %parallel_loop3A_356, %parallel_loop3A_354 : i32
        %parallel_loop3A_358 = vector.broadcast %parallel_loop3A_357 : i32 to vector<16xi32>
        %parallel_loop3A_359 = tpu.vector_load_idx %arg8[%parallel_loop3A_358] : memref<10000xf32, #tpu.memory_space<vmem>>[vector<16xi32>], vector<16xf32>,
        %parallel_loop3A_360 = arith.index_cast %parallel_loop3A_354 : i32 to index
        %parallel_loop3A_361 = arith.constant 0 : index
        %parallel_loop3A_362 = tpu.vector_load %arg11[%parallel_loop3A_360, %parallel_loop3A_361] {strides = array<i32>} : memref<80x64xf32, #tpu.memory_space<vmem>>, vector<16xf32>,
        %parallel_loop3A_363 = arith.mulf %parallel_loop3A_362, %parallel_loop3A_359 : vector<16xf32>
        %parallel_loop3A_364 = arith.index_cast %parallel_loop3A_354 : i32 to index
        %parallel_loop3A_365 = arith.constant 0 : index
        %parallel_loop3A_366 = tpu.vector_load %arg15[%parallel_loop3A_364, %parallel_loop3A_365] {strides = array<i32>} : memref<80x64xf32, #tpu.memory_space<vmem>>, vector<16xf32>,
        tpu.vector_store %arg15[%parallel_loop3A_364, %parallel_loop3A_365], %parallel_loop3A_363 {strides = array<i32>} : memref<80x64xf32, #tpu.memory_space<vmem>>, vector<16xf32>,
        %parallel_loop3A_367 = arith.index_cast %parallel_loop3A_354 : i32 to index
        %parallel_loop3A_368 = arith.constant 16 : index
        %parallel_loop3A_369 = tpu.vector_load %arg11[%parallel_loop3A_367, %parallel_loop3A_368] {strides = array<i32>} : memref<80x64xf32, #tpu.memory_space<vmem>>, vector<16xf32>,
        %parallel_loop3A_370 = arith.mulf %parallel_loop3A_369, %parallel_loop3A_359 : vector<16xf32>
        %parallel_loop3A_371 = arith.index_cast %parallel_loop3A_354 : i32 to index
        %parallel_loop3A_372 = arith.constant 16 : index
        %parallel_loop3A_373 = tpu.vector_load %arg15[%parallel_loop3A_371, %parallel_loop3A_372] {strides = array<i32>} : memref<80x64xf32, #tpu.memory_space<vmem>>, vector<16xf32>,
        tpu.vector_store %arg15[%parallel_loop3A_371, %parallel_loop3A_372], %parallel_loop3A_370 {strides = array<i32>} : memref<80x64xf32, #tpu.memory_space<vmem>>, vector<16xf32>,
        %parallel_loop3A_374 = arith.index_cast %parallel_loop3A_354 : i32 to index
        %parallel_loop3A_375 = arith.constant 32 : index
        %parallel_loop3A_376 = tpu.vector_load %arg11[%parallel_loop3A_374, %parallel_loop3A_375] {strides = array<i32>} : memref<80x64xf32, #tpu.memory_space<vmem>>, vector<16xf32>,
        %parallel_loop3A_377 = arith.mulf %parallel_loop3A_376, %parallel_loop3A_359 : vector<16xf32>
        %parallel_loop3A_378 = arith.index_cast %parallel_loop3A_354 : i32 to index
        %parallel_loop3A_379 = arith.constant 32 : index
        %parallel_loop3A_380 = tpu.vector_load %arg15[%parallel_loop3A_378, %parallel_loop3A_379] {strides = array<i32>} : memref<80x64xf32, #tpu.memory_space<vmem>>, vector<16xf32>,
        tpu.vector_store %arg15[%parallel_loop3A_378, %parallel_loop3A_379], %parallel_loop3A_377 {strides = array<i32>} : memref<80x64xf32, #tpu.memory_space<vmem>>, vector<16xf32>,
        %parallel_loop3A_381 = arith.index_cast %parallel_loop3A_354 : i32 to index
        %parallel_loop3A_382 = arith.constant 48 : index
        %parallel_loop3A_383 = tpu.vector_load %arg11[%parallel_loop3A_381, %parallel_loop3A_382] {strides = array<i32>} : memref<80x64xf32, #tpu.memory_space<vmem>>, vector<16xf32>,
        %parallel_loop3A_384 = arith.mulf %parallel_loop3A_383, %parallel_loop3A_359 : vector<16xf32>
        %parallel_loop3A_385 = arith.index_cast %parallel_loop3A_354 : i32 to index
        %parallel_loop3A_386 = arith.constant 48 : index
        %parallel_loop3A_387 = tpu.vector_load %arg15[%parallel_loop3A_385, %parallel_loop3A_386] {strides = array<i32>} : memref<80x64xf32, #tpu.memory_space<vmem>>, vector<16xf32>,
        tpu.vector_store %arg15[%parallel_loop3A_385, %parallel_loop3A_386], %parallel_loop3A_384 {strides = array<i32>} : memref<80x64xf32, #tpu.memory_space<vmem>>, vector<16xf32>,
      } {sc.loop_unroll_factor = 4 : i64, sc.parallel_access}
      %add3A_311 = arith.constant 4 : i32
      %add3A_312 = arith.addi %add3A_295, %add3A_311 : i32
      %lt3A_313 = arith.constant 125 : i32
      %lt3A_314 = arith.cmpi slt, %add3A_312, %lt3A_313 : i32
      %convert_element_type3A_315 = arith.extui %lt3A_314 : i1 to i32
      %cond3A_316 = arith.constant 0 : i32
      %cond3A_317 = arith.cmpi ne, %convert_element_type3A_315, %cond3A_316 : i32
      scf.if %cond3A_317 {
        %add3A_354 = arith.constant 4 : i32
        %add3A_355 = arith.addi %add3A_295, %add3A_354 : i32
        %dma_start3A_356 = arith.constant 0 : i32
        %dma_start3A_357 = tpu.memref_slice %arg6[%add3A_355, %dma_start3A_356] : memref<125x80xi32, #tpu.memory_space<vmem>> -> memref<1x80xi32, #tpu.memory_space<vmem>>
        %dma_start3A_358 = tpu.memref_squeeze %dma_start3A_357 : memref<1x80xi32, #tpu.memory_space<vmem>> -> memref<80xi32, #tpu.memory_space<vmem>>
        %dma_start3A_359 = arith.constant 0 : i32
        %dma_start3A_360 = arith.constant 0 : i32
        %dma_start3A_361 = tpu.memref_slice %arg2[%dma_start3A_359, %dma_start3A_360] : memref<10000x64xf32, #tpu.memory_space<hbm>> -> memref<10000x64xf32, #tpu.memory_space<hbm>>
        tpu.enqueue_indirect_dma source(%dma_start3A_361 : memref<10000x64xf32, #tpu.memory_space<hbm>>) target(%arg11 : memref<80x64xf32, #tpu.memory_space<vmem>>) offsets(%dma_start3A_358 : memref<80xi32, #tpu.memory_space<vmem>>) semaphore(%arg21 : memref<!tpu.dma_semaphore, #tpu.memory_space<semaphore_mem>>)
      } else {
      }
      %dma_start3A_318 = arith.constant 0 : i32
      %dma_start3A_319 = tpu.memref_slice %arg7[%add3A_295, %dma_start3A_318] : memref<125x80xi32, #tpu.memory_space<vmem>> -> memref<1x80xi32, #tpu.memory_space<vmem>>
      %dma_start3A_320 = tpu.memref_squeeze %dma_start3A_319 : memref<1x80xi32, #tpu.memory_space<vmem>> -> memref<80xi32, #tpu.memory_space<vmem>>
      %dma_start3A_321 = arith.constant 0 : i32
      %dma_start3A_322 = arith.constant 0 : i32
      %dma_start3A_323 = tpu.memref_slice %arg17[%dma_start3A_321, %dma_start3A_322] : memref<10240x64xf32, #tpu.memory_space<vmem_shared>> -> memref<10240x64xf32, #tpu.memory_space<vmem_shared>>
      tpu.enqueue_indirect_dma source(%arg15 : memref<80x64xf32, #tpu.memory_space<vmem>>) target(%dma_start3A_323 : memref<10240x64xf32, #tpu.memory_space<vmem_shared>>) offsets(%dma_start3A_320 : memref<80xi32, #tpu.memory_space<vmem>>) semaphore(%arg25 : memref<!tpu.dma_semaphore, #tpu.memory_space<semaphore_mem>>) {add = true}
      %add3A_324 = arith.constant 3 : i32
      %add3A_325 = arith.addi %add3A_236, %add3A_324 : i32
      %dma_wait3A_326 = arith.constant 0 : i32
      %dma_wait3A_327 = tpu.memref_slice %arg6[%add3A_325, %dma_wait3A_326] : memref<125x80xi32, #tpu.memory_space<vmem>> -> memref<1x80xi32, #tpu.memory_space<vmem>>
      %dma_wait3A_328 = tpu.memref_squeeze %dma_wait3A_327 : memref<1x80xi32, #tpu.memory_space<vmem>> -> memref<80xi32, #tpu.memory_space<vmem>>
      %dma_wait3A_329 = arith.constant 0 : i32
      %dma_wait3A_330 = arith.constant 0 : i32
      %dma_wait3A_331 = tpu.memref_slice %arg2[%dma_wait3A_329, %dma_wait3A_330] : memref<10000x64xf32, #tpu.memory_space<hbm>> -> memref<10000x64xf32, #tpu.memory_space<hbm>>
      tpu.wait_indirect_dma semaphore(%arg22 : memref<!tpu.dma_semaphore, #tpu.memory_space<semaphore_mem>>) src(%dma_wait3A_331 : memref<10000x64xf32, #tpu.memory_space<hbm>>) dst(%arg12 : memref<80x64xf32, #tpu.memory_space<vmem>>)
      %dma_wait3A_332 = arith.constant 0 : i32
      %dma_wait3A_333 = tpu.memref_slice %arg7[%add3A_325, %dma_wait3A_332] : memref<125x80xi32, #tpu.memory_space<vmem>> -> memref<1x80xi32, #tpu.memory_space<vmem>>
      %dma_wait3A_334 = tpu.memref_squeeze %dma_wait3A_333 : memref<1x80xi32, #tpu.memory_space<vmem>> -> memref<80xi32, #tpu.memory_space<vmem>>
      %dma_wait3A_335 = arith.constant 0 : i32
      %dma_wait3A_336 = arith.constant 0 : i32
      %dma_wait3A_337 = tpu.memref_slice %arg17[%dma_wait3A_335, %dma_wait3A_336] : memref<10240x64xf32, #tpu.memory_space<vmem_shared>> -> memref<10240x64xf32, #tpu.memory_space<vmem_shared>>
      tpu.wait_indirect_dma semaphore(%arg26 : memref<!tpu.dma_semaphore, #tpu.memory_space<semaphore_mem>>) src(%arg16 : memref<80x64xf32, #tpu.memory_space<vmem>>) dst(%dma_wait3A_337 : memref<10240x64xf32, #tpu.memory_space<vmem_shared>>)
      %parallel_loop3A_338 = arith.constant 0 : i32
      %parallel_loop3A_339 = arith.constant 80 : i32
      %parallel_loop3A_340 = arith.constant 1 : i32
      scf.for %parallel_loop3A_354 = %parallel_loop3A_338 to %parallel_loop3A_339 step %parallel_loop3A_340  : i32 {
        %parallel_loop3A_355 = arith.constant 80 : i32
        %parallel_loop3A_356 = arith.muli %add3A_325, %parallel_loop3A_355 : i32
        %parallel_loop3A_357 = arith.addi %parallel_loop3A_356, %parallel_loop3A_354 : i32
        %parallel_loop3A_358 = vector.broadcast %parallel_loop3A_357 : i32 to vector<16xi32>
        %parallel_loop3A_359 = tpu.vector_load_idx %arg8[%parallel_loop3A_358] : memref<10000xf32, #tpu.memory_space<vmem>>[vector<16xi32>], vector<16xf32>,
        %parallel_loop3A_360 = arith.index_cast %parallel_loop3A_354 : i32 to index
        %parallel_loop3A_361 = arith.constant 0 : index
        %parallel_loop3A_362 = tpu.vector_load %arg12[%parallel_loop3A_360, %parallel_loop3A_361] {strides = array<i32>} : memref<80x64xf32, #tpu.memory_space<vmem>>, vector<16xf32>,
        %parallel_loop3A_363 = arith.mulf %parallel_loop3A_362, %parallel_loop3A_359 : vector<16xf32>
        %parallel_loop3A_364 = arith.index_cast %parallel_loop3A_354 : i32 to index
        %parallel_loop3A_365 = arith.constant 0 : index
        %parallel_loop3A_366 = tpu.vector_load %arg16[%parallel_loop3A_364, %parallel_loop3A_365] {strides = array<i32>} : memref<80x64xf32, #tpu.memory_space<vmem>>, vector<16xf32>,
        tpu.vector_store %arg16[%parallel_loop3A_364, %parallel_loop3A_365], %parallel_loop3A_363 {strides = array<i32>} : memref<80x64xf32, #tpu.memory_space<vmem>>, vector<16xf32>,
        %parallel_loop3A_367 = arith.index_cast %parallel_loop3A_354 : i32 to index
        %parallel_loop3A_368 = arith.constant 16 : index
        %parallel_loop3A_369 = tpu.vector_load %arg12[%parallel_loop3A_367, %parallel_loop3A_368] {strides = array<i32>} : memref<80x64xf32, #tpu.memory_space<vmem>>, vector<16xf32>,
        %parallel_loop3A_370 = arith.mulf %parallel_loop3A_369, %parallel_loop3A_359 : vector<16xf32>
        %parallel_loop3A_371 = arith.index_cast %parallel_loop3A_354 : i32 to index
        %parallel_loop3A_372 = arith.constant 16 : index
        %parallel_loop3A_373 = tpu.vector_load %arg16[%parallel_loop3A_371, %parallel_loop3A_372] {strides = array<i32>} : memref<80x64xf32, #tpu.memory_space<vmem>>, vector<16xf32>,
        tpu.vector_store %arg16[%parallel_loop3A_371, %parallel_loop3A_372], %parallel_loop3A_370 {strides = array<i32>} : memref<80x64xf32, #tpu.memory_space<vmem>>, vector<16xf32>,
        %parallel_loop3A_374 = arith.index_cast %parallel_loop3A_354 : i32 to index
        %parallel_loop3A_375 = arith.constant 32 : index
        %parallel_loop3A_376 = tpu.vector_load %arg12[%parallel_loop3A_374, %parallel_loop3A_375] {strides = array<i32>} : memref<80x64xf32, #tpu.memory_space<vmem>>, vector<16xf32>,
        %parallel_loop3A_377 = arith.mulf %parallel_loop3A_376, %parallel_loop3A_359 : vector<16xf32>
        %parallel_loop3A_378 = arith.index_cast %parallel_loop3A_354 : i32 to index
        %parallel_loop3A_379 = arith.constant 32 : index
        %parallel_loop3A_380 = tpu.vector_load %arg16[%parallel_loop3A_378, %parallel_loop3A_379] {strides = array<i32>} : memref<80x64xf32, #tpu.memory_space<vmem>>, vector<16xf32>,
        tpu.vector_store %arg16[%parallel_loop3A_378, %parallel_loop3A_379], %parallel_loop3A_377 {strides = array<i32>} : memref<80x64xf32, #tpu.memory_space<vmem>>, vector<16xf32>,
        %parallel_loop3A_381 = arith.index_cast %parallel_loop3A_354 : i32 to index
        %parallel_loop3A_382 = arith.constant 48 : index
        %parallel_loop3A_383 = tpu.vector_load %arg12[%parallel_loop3A_381, %parallel_loop3A_382] {strides = array<i32>} : memref<80x64xf32, #tpu.memory_space<vmem>>, vector<16xf32>,
        %parallel_loop3A_384 = arith.mulf %parallel_loop3A_383, %parallel_loop3A_359 : vector<16xf32>
        %parallel_loop3A_385 = arith.index_cast %parallel_loop3A_354 : i32 to index
        %parallel_loop3A_386 = arith.constant 48 : index
        %parallel_loop3A_387 = tpu.vector_load %arg16[%parallel_loop3A_385, %parallel_loop3A_386] {strides = array<i32>} : memref<80x64xf32, #tpu.memory_space<vmem>>, vector<16xf32>,
        tpu.vector_store %arg16[%parallel_loop3A_385, %parallel_loop3A_386], %parallel_loop3A_384 {strides = array<i32>} : memref<80x64xf32, #tpu.memory_space<vmem>>, vector<16xf32>,
      } {sc.loop_unroll_factor = 4 : i64, sc.parallel_access}
      %add3A_341 = arith.constant 4 : i32
      %add3A_342 = arith.addi %add3A_325, %add3A_341 : i32
      %lt3A_343 = arith.constant 125 : i32
      %lt3A_344 = arith.cmpi slt, %add3A_342, %lt3A_343 : i32
      %convert_element_type3A_345 = arith.extui %lt3A_344 : i1 to i32
      %cond3A_346 = arith.constant 0 : i32
      %cond3A_347 = arith.cmpi ne, %convert_element_type3A_345, %cond3A_346 : i32
      scf.if %cond3A_347 {
        %add3A_354 = arith.constant 4 : i32
        %add3A_355 = arith.addi %add3A_325, %add3A_354 : i32
        %dma_start3A_356 = arith.constant 0 : i32
        %dma_start3A_357 = tpu.memref_slice %arg6[%add3A_355, %dma_start3A_356] : memref<125x80xi32, #tpu.memory_space<vmem>> -> memref<1x80xi32, #tpu.memory_space<vmem>>
        %dma_start3A_358 = tpu.memref_squeeze %dma_start3A_357 : memref<1x80xi32, #tpu.memory_space<vmem>> -> memref<80xi32, #tpu.memory_space<vmem>>
        %dma_start3A_359 = arith.constant 0 : i32
        %dma_start3A_360 = arith.constant 0 : i32
        %dma_start3A_361 = tpu.memref_slice %arg2[%dma_start3A_359, %dma_start3A_360] : memref<10000x64xf32, #tpu.memory_space<hbm>> -> memref<10000x64xf32, #tpu.memory_space<hbm>>
        tpu.enqueue_indirect_dma source(%dma_start3A_361 : memref<10000x64xf32, #tpu.memory_space<hbm>>) target(%arg12 : memref<80x64xf32, #tpu.memory_space<vmem>>) offsets(%dma_start3A_358 : memref<80xi32, #tpu.memory_space<vmem>>) semaphore(%arg22 : memref<!tpu.dma_semaphore, #tpu.memory_space<semaphore_mem>>)
      } else {
      }
      %dma_start3A_348 = arith.constant 0 : i32
      %dma_start3A_349 = tpu.memref_slice %arg7[%add3A_325, %dma_start3A_348] : memref<125x80xi32, #tpu.memory_space<vmem>> -> memref<1x80xi32, #tpu.memory_space<vmem>>
      %dma_start3A_350 = tpu.memref_squeeze %dma_start3A_349 : memref<1x80xi32, #tpu.memory_space<vmem>> -> memref<80xi32, #tpu.memory_space<vmem>>
      %dma_start3A_351 = arith.constant 0 : i32
      %dma_start3A_352 = arith.constant 0 : i32
      %dma_start3A_353 = tpu.memref_slice %arg17[%dma_start3A_351, %dma_start3A_352] : memref<10240x64xf32, #tpu.memory_space<vmem_shared>> -> memref<10240x64xf32, #tpu.memory_space<vmem_shared>>
      tpu.enqueue_indirect_dma source(%arg16 : memref<80x64xf32, #tpu.memory_space<vmem>>) target(%dma_start3A_353 : memref<10240x64xf32, #tpu.memory_space<vmem_shared>>) offsets(%dma_start3A_350 : memref<80xi32, #tpu.memory_space<vmem>>) semaphore(%arg26 : memref<!tpu.dma_semaphore, #tpu.memory_space<semaphore_mem>>) {add = true}
    }
    %scan3A_174 = arith.constant 30 : i32
    %dma_wait3A_175 = arith.constant 124 : i32
    %dma_wait3A_176 = arith.constant 0 : i32
    %dma_wait3A_177 = tpu.memref_slice %arg6[%dma_wait3A_175, %dma_wait3A_176] : memref<125x80xi32, #tpu.memory_space<vmem>> -> memref<1x80xi32, #tpu.memory_space<vmem>>
    %dma_wait3A_178 = tpu.memref_squeeze %dma_wait3A_177 : memref<1x80xi32, #tpu.memory_space<vmem>> -> memref<80xi32, #tpu.memory_space<vmem>>
    %dma_wait3A_179 = arith.constant 0 : i32
    %dma_wait3A_180 = arith.constant 0 : i32
    %dma_wait3A_181 = tpu.memref_slice %arg2[%dma_wait3A_179, %dma_wait3A_180] : memref<10000x64xf32, #tpu.memory_space<hbm>> -> memref<10000x64xf32, #tpu.memory_space<hbm>>
    tpu.wait_indirect_dma semaphore(%arg19 : memref<!tpu.dma_semaphore, #tpu.memory_space<semaphore_mem>>) src(%dma_wait3A_181 : memref<10000x64xf32, #tpu.memory_space<hbm>>) dst(%arg9 : memref<80x64xf32, #tpu.memory_space<vmem>>)
    %dma_wait3A_182 = arith.constant 124 : i32
    %dma_wait3A_183 = arith.constant 0 : i32
    %dma_wait3A_184 = tpu.memref_slice %arg7[%dma_wait3A_182, %dma_wait3A_183] : memref<125x80xi32, #tpu.memory_space<vmem>> -> memref<1x80xi32, #tpu.memory_space<vmem>>
    %dma_wait3A_185 = tpu.memref_squeeze %dma_wait3A_184 : memref<1x80xi32, #tpu.memory_space<vmem>> -> memref<80xi32, #tpu.memory_space<vmem>>
    %dma_wait3A_186 = arith.constant 0 : i32
    %dma_wait3A_187 = arith.constant 0 : i32
    %dma_wait3A_188 = tpu.memref_slice %arg17[%dma_wait3A_186, %dma_wait3A_187] : memref<10240x64xf32, #tpu.memory_space<vmem_shared>> -> memref<10240x64xf32, #tpu.memory_space<vmem_shared>>
    tpu.wait_indirect_dma semaphore(%arg23 : memref<!tpu.dma_semaphore, #tpu.memory_space<semaphore_mem>>) src(%arg13 : memref<80x64xf32, #tpu.memory_space<vmem>>) dst(%dma_wait3A_188 : memref<10240x64xf32, #tpu.memory_space<vmem_shared>>)
    %parallel_loop3A_189 = arith.constant 0 : i32
    %parallel_loop3A_190 = arith.constant 80 : i32
    %parallel_loop3A_191 = arith.constant 1 : i32
    scf.for %parallel_loop3A_232 = %parallel_loop3A_189 to %parallel_loop3A_190 step %parallel_loop3A_191  : i32 {
      %parallel_loop3A_233 = arith.constant 9920 : i32
      %parallel_loop3A_234 = arith.addi %parallel_loop3A_233, %parallel_loop3A_232 : i32
      %parallel_loop3A_235 = vector.broadcast %parallel_loop3A_234 : i32 to vector<16xi32>
      %parallel_loop3A_236 = tpu.vector_load_idx %arg8[%parallel_loop3A_235] : memref<10000xf32, #tpu.memory_space<vmem>>[vector<16xi32>], vector<16xf32>,
      %parallel_loop3A_237 = arith.index_cast %parallel_loop3A_232 : i32 to index
      %parallel_loop3A_238 = arith.constant 0 : index
      %parallel_loop3A_239 = tpu.vector_load %arg9[%parallel_loop3A_237, %parallel_loop3A_238] {strides = array<i32>} : memref<80x64xf32, #tpu.memory_space<vmem>>, vector<16xf32>,
      %parallel_loop3A_240 = arith.mulf %parallel_loop3A_239, %parallel_loop3A_236 : vector<16xf32>
      %parallel_loop3A_241 = arith.index_cast %parallel_loop3A_232 : i32 to index
      %parallel_loop3A_242 = arith.constant 0 : index
      %parallel_loop3A_243 = tpu.vector_load %arg13[%parallel_loop3A_241, %parallel_loop3A_242] {strides = array<i32>} : memref<80x64xf32, #tpu.memory_space<vmem>>, vector<16xf32>,
      tpu.vector_store %arg13[%parallel_loop3A_241, %parallel_loop3A_242], %parallel_loop3A_240 {strides = array<i32>} : memref<80x64xf32, #tpu.memory_space<vmem>>, vector<16xf32>,
      %parallel_loop3A_244 = arith.index_cast %parallel_loop3A_232 : i32 to index
      %parallel_loop3A_245 = arith.constant 16 : index
      %parallel_loop3A_246 = tpu.vector_load %arg9[%parallel_loop3A_244, %parallel_loop3A_245] {strides = array<i32>} : memref<80x64xf32, #tpu.memory_space<vmem>>, vector<16xf32>,
      %parallel_loop3A_247 = arith.mulf %parallel_loop3A_246, %parallel_loop3A_236 : vector<16xf32>
      %parallel_loop3A_248 = arith.index_cast %parallel_loop3A_232 : i32 to index
      %parallel_loop3A_249 = arith.constant 16 : index
      %parallel_loop3A_250 = tpu.vector_load %arg13[%parallel_loop3A_248, %parallel_loop3A_249] {strides = array<i32>} : memref<80x64xf32, #tpu.memory_space<vmem>>, vector<16xf32>,
      tpu.vector_store %arg13[%parallel_loop3A_248, %parallel_loop3A_249], %parallel_loop3A_247 {strides = array<i32>} : memref<80x64xf32, #tpu.memory_space<vmem>>, vector<16xf32>,
      %parallel_loop3A_251 = arith.index_cast %parallel_loop3A_232 : i32 to index
      %parallel_loop3A_252 = arith.constant 32 : index
      %parallel_loop3A_253 = tpu.vector_load %arg9[%parallel_loop3A_251, %parallel_loop3A_252] {strides = array<i32>} : memref<80x64xf32, #tpu.memory_space<vmem>>, vector<16xf32>,
      %parallel_loop3A_254 = arith.mulf %parallel_loop3A_253, %parallel_loop3A_236 : vector<16xf32>
      %parallel_loop3A_255 = arith.index_cast %parallel_loop3A_232 : i32 to index
      %parallel_loop3A_256 = arith.constant 32 : index
      %parallel_loop3A_257 = tpu.vector_load %arg13[%parallel_loop3A_255, %parallel_loop3A_256] {strides = array<i32>} : memref<80x64xf32, #tpu.memory_space<vmem>>, vector<16xf32>,
      tpu.vector_store %arg13[%parallel_loop3A_255, %parallel_loop3A_256], %parallel_loop3A_254 {strides = array<i32>} : memref<80x64xf32, #tpu.memory_space<vmem>>, vector<16xf32>,
      %parallel_loop3A_258 = arith.index_cast %parallel_loop3A_232 : i32 to index
      %parallel_loop3A_259 = arith.constant 48 : index
      %parallel_loop3A_260 = tpu.vector_load %arg9[%parallel_loop3A_258, %parallel_loop3A_259] {strides = array<i32>} : memref<80x64xf32, #tpu.memory_space<vmem>>, vector<16xf32>,
      %parallel_loop3A_261 = arith.mulf %parallel_loop3A_260, %parallel_loop3A_236 : vector<16xf32>
      %parallel_loop3A_262 = arith.index_cast %parallel_loop3A_232 : i32 to index
      %parallel_loop3A_263 = arith.constant 48 : index
      %parallel_loop3A_264 = tpu.vector_load %arg13[%parallel_loop3A_262, %parallel_loop3A_263] {strides = array<i32>} : memref<80x64xf32, #tpu.memory_space<vmem>>, vector<16xf32>,
      tpu.vector_store %arg13[%parallel_loop3A_262, %parallel_loop3A_263], %parallel_loop3A_261 {strides = array<i32>} : memref<80x64xf32, #tpu.memory_space<vmem>>, vector<16xf32>,
    } {sc.loop_unroll_factor = 4 : i64, sc.parallel_access}
    %dma_start3A_192 = arith.constant 124 : i32
    %dma_start3A_193 = arith.constant 0 : i32
    %dma_start3A_194 = tpu.memref_slice %arg7[%dma_start3A_192, %dma_start3A_193] : memref<125x80xi32, #tpu.memory_space<vmem>> -> memref<1x80xi32, #tpu.memory_space<vmem>>
    %dma_start3A_195 = tpu.memref_squeeze %dma_start3A_194 : memref<1x80xi32, #tpu.memory_space<vmem>> -> memref<80xi32, #tpu.memory_space<vmem>>
    %dma_start3A_196 = arith.constant 0 : i32
    %dma_start3A_197 = arith.constant 0 : i32
    %dma_start3A_198 = tpu.memref_slice %arg17[%dma_start3A_196, %dma_start3A_197] : memref<10240x64xf32, #tpu.memory_space<vmem_shared>> -> memref<10240x64xf32, #tpu.memory_space<vmem_shared>>
    tpu.enqueue_indirect_dma source(%arg13 : memref<80x64xf32, #tpu.memory_space<vmem>>) target(%dma_start3A_198 : memref<10240x64xf32, #tpu.memory_space<vmem_shared>>) offsets(%dma_start3A_195 : memref<80xi32, #tpu.memory_space<vmem>>) semaphore(%arg23 : memref<!tpu.dma_semaphore, #tpu.memory_space<semaphore_mem>>) {add = true}
    %dma_wait3A_199 = arith.constant 0 : i32
    %dma_wait3A_200 = arith.constant 0 : i32
    %dma_wait3A_201 = tpu.memref_slice %arg7[%dma_wait3A_199, %dma_wait3A_200] : memref<125x80xi32, #tpu.memory_space<vmem>> -> memref<1x80xi32, #tpu.memory_space<vmem>>
    %dma_wait3A_202 = tpu.memref_squeeze %dma_wait3A_201 : memref<1x80xi32, #tpu.memory_space<vmem>> -> memref<80xi32, #tpu.memory_space<vmem>>
    %dma_wait3A_203 = arith.constant 0 : i32
    %dma_wait3A_204 = arith.constant 0 : i32
    %dma_wait3A_205 = tpu.memref_slice %arg17[%dma_wait3A_203, %dma_wait3A_204] : memref<10240x64xf32, #tpu.memory_space<vmem_shared>> -> memref<10240x64xf32, #tpu.memory_space<vmem_shared>>
    tpu.wait_indirect_dma semaphore(%arg23 : memref<!tpu.dma_semaphore, #tpu.memory_space<semaphore_mem>>) src(%arg13 : memref<80x64xf32, #tpu.memory_space<vmem>>) dst(%dma_wait3A_205 : memref<10240x64xf32, #tpu.memory_space<vmem_shared>>)
    %dma_wait3A_206 = arith.constant 0 : i32
    %dma_wait3A_207 = arith.constant 0 : i32
    %dma_wait3A_208 = tpu.memref_slice %arg7[%dma_wait3A_206, %dma_wait3A_207] : memref<125x80xi32, #tpu.memory_space<vmem>> -> memref<1x80xi32, #tpu.memory_space<vmem>>
    %dma_wait3A_209 = tpu.memref_squeeze %dma_wait3A_208 : memref<1x80xi32, #tpu.memory_space<vmem>> -> memref<80xi32, #tpu.memory_space<vmem>>
    %dma_wait3A_210 = arith.constant 0 : i32
    %dma_wait3A_211 = arith.constant 0 : i32
    %dma_wait3A_212 = tpu.memref_slice %arg17[%dma_wait3A_210, %dma_wait3A_211] : memref<10240x64xf32, #tpu.memory_space<vmem_shared>> -> memref<10240x64xf32, #tpu.memory_space<vmem_shared>>
    tpu.wait_indirect_dma semaphore(%arg24 : memref<!tpu.dma_semaphore, #tpu.memory_space<semaphore_mem>>) src(%arg14 : memref<80x64xf32, #tpu.memory_space<vmem>>) dst(%dma_wait3A_212 : memref<10240x64xf32, #tpu.memory_space<vmem_shared>>)
    %dma_wait3A_213 = arith.constant 0 : i32
    %dma_wait3A_214 = arith.constant 0 : i32
    %dma_wait3A_215 = tpu.memref_slice %arg7[%dma_wait3A_213, %dma_wait3A_214] : memref<125x80xi32, #tpu.memory_space<vmem>> -> memref<1x80xi32, #tpu.memory_space<vmem>>
    %dma_wait3A_216 = tpu.memref_squeeze %dma_wait3A_215 : memref<1x80xi32, #tpu.memory_space<vmem>> -> memref<80xi32, #tpu.memory_space<vmem>>
    %dma_wait3A_217 = arith.constant 0 : i32
    %dma_wait3A_218 = arith.constant 0 : i32
    %dma_wait3A_219 = tpu.memref_slice %arg17[%dma_wait3A_217, %dma_wait3A_218] : memref<10240x64xf32, #tpu.memory_space<vmem_shared>> -> memref<10240x64xf32, #tpu.memory_space<vmem_shared>>
    tpu.wait_indirect_dma semaphore(%arg25 : memref<!tpu.dma_semaphore, #tpu.memory_space<semaphore_mem>>) src(%arg15 : memref<80x64xf32, #tpu.memory_space<vmem>>) dst(%dma_wait3A_219 : memref<10240x64xf32, #tpu.memory_space<vmem_shared>>)
    %dma_wait3A_220 = arith.constant 0 : i32
    %dma_wait3A_221 = arith.constant 0 : i32
    %dma_wait3A_222 = tpu.memref_slice %arg7[%dma_wait3A_220, %dma_wait3A_221] : memref<125x80xi32, #tpu.memory_space<vmem>> -> memref<1x80xi32, #tpu.memory_space<vmem>>
    %dma_wait3A_223 = tpu.memref_squeeze %dma_wait3A_222 : memref<1x80xi32, #tpu.memory_space<vmem>> -> memref<80xi32, #tpu.memory_space<vmem>>
    %dma_wait3A_224 = arith.constant 0 : i32
    %dma_wait3A_225 = arith.constant 0 : i32
    %dma_wait3A_226 = tpu.memref_slice %arg17[%dma_wait3A_224, %dma_wait3A_225] : memref<10240x64xf32, #tpu.memory_space<vmem_shared>> -> memref<10240x64xf32, #tpu.memory_space<vmem_shared>>
    tpu.wait_indirect_dma semaphore(%arg26 : memref<!tpu.dma_semaphore, #tpu.memory_space<semaphore_mem>>) src(%arg16 : memref<80x64xf32, #tpu.memory_space<vmem>>) dst(%dma_wait3A_226 : memref<10240x64xf32, #tpu.memory_space<vmem_shared>>)
    %barrier3A_227 = arith.constant 0 : index
    tpu.barrier barrier_id(%barrier3A_227)
    %mul3A_228 = arith.constant 640 : i32
    %mul3A_229 = arith.muli %arg1, %mul3A_228 : i32
    %mul3A_230 = arith.constant 640 : i32
    %mul3A_231 = arith.muli %arg1, %mul3A_230 : i32
    "tpu.region"() ({
      %run_scoped3A = tpu.sem_alloc : memref<!tpu.dma_semaphore, #tpu.memory_space<semaphore_mem>>
      %dma_start3A_232 = arith.constant 0 : i32
      %dma_start3A_233 = arith.constant 0 : i32
      %dma_start3A_234 = tpu.memref_slice %arg5[%arg0, %dma_start3A_232, %dma_start3A_233] : memref<2x10240x64xf32, #tpu.memory_space<hbm>> -> memref<1x10240x64xf32, #tpu.memory_space<hbm>>
      %dma_start3A_235 = tpu.memref_squeeze %dma_start3A_234 : memref<1x10240x64xf32, #tpu.memory_space<hbm>> -> memref<10240x64xf32, #tpu.memory_space<hbm>>
      %dma_start3A_236 = arith.constant 0 : i32
      %dma_start3A_237 = tpu.memref_slice %dma_start3A_235[%mul3A_231, %dma_start3A_236] : memref<10240x64xf32, #tpu.memory_space<hbm>> -> memref<640x64xf32, #tpu.memory_space<hbm>>
      %dma_start3A_238 = arith.constant 0 : i32
      %dma_start3A_239 = tpu.memref_slice %arg17[%mul3A_229, %dma_start3A_238] : memref<10240x64xf32, #tpu.memory_space<vmem_shared>> -> memref<640x64xf32, #tpu.memory_space<vmem_shared>>
      tpu.enqueue_dma source(%dma_start3A_239 : memref<640x64xf32, #tpu.memory_space<vmem_shared>>) target(%dma_start3A_237 : memref<640x64xf32, #tpu.memory_space<hbm>>) target_semaphore(%run_scoped3A : memref<!tpu.dma_semaphore, #tpu.memory_space<semaphore_mem>>)
      %dma_wait3A_240 = arith.constant 0 : i32
      %dma_wait3A_241 = arith.constant 0 : i32
      %dma_wait3A_242 = tpu.memref_slice %arg5[%arg0, %dma_wait3A_240, %dma_wait3A_241] : memref<2x10240x64xf32, #tpu.memory_space<hbm>> -> memref<1x10240x64xf32, #tpu.memory_space<hbm>>
      %dma_wait3A_243 = tpu.memref_squeeze %dma_wait3A_242 : memref<1x10240x64xf32, #tpu.memory_space<hbm>> -> memref<10240x64xf32, #tpu.memory_space<hbm>>
      %dma_wait3A_244 = arith.constant 0 : i32
      %dma_wait3A_245 = tpu.memref_slice %dma_wait3A_243[%mul3A_231, %dma_wait3A_244] : memref<10240x64xf32, #tpu.memory_space<hbm>> -> memref<640x64xf32, #tpu.memory_space<hbm>>
      %dma_wait3A_246 = arith.constant 0 : i32
      %dma_wait3A_247 = tpu.memref_slice %arg17[%mul3A_229, %dma_wait3A_246] : memref<10240x64xf32, #tpu.memory_space<vmem_shared>> -> memref<640x64xf32, #tpu.memory_space<vmem_shared>>
      tpu.wait_dma2 semaphore(%run_scoped3A : memref<!tpu.dma_semaphore, #tpu.memory_space<semaphore_mem>>) src(%dma_wait3A_247 : memref<640x64xf32, #tpu.memory_space<vmem_shared>>) dst(%dma_wait3A_245 : memref<640x64xf32, #tpu.memory_space<hbm>>)
      tpu.yield
    }) : () -> ()
    return
  }
}

#map = affine_map<(d0, d1) -> (0, 0, 0)>
#map1 = affine_map<(d0, d1) -> (0)>
#map2 = affine_map<(d0, d1) -> (0, 0)>
module attributes {stable_mosaic.version = 14 : i64} {
  func.func @_pool_body(%arg0: i32, %arg1: i32, %arg2: memref<2x10240x64xf32, #tpu.memory_space<hbm>>, %arg3: memref<10000xi32, #tpu.memory_space<hbm>>, %arg4: memref<64xf32, #tpu.memory_space<hbm>>, %arg5: memref<16xf32, #tpu.memory_space<hbm>>, %arg6: memref<10000x64xf32, #tpu.memory_space<hbm>>, %arg7: memref<2x2560x64xf32, #tpu.memory_space<hbm>>, %arg8: memref<2x2560x16xf32, #tpu.memory_space<hbm>>, %arg9: memref<80x64xf32, #tpu.memory_space<vmem>>, %arg10: memref<80x64xf32, #tpu.memory_space<vmem>>, %arg11: memref<80x64xf32, #tpu.memory_space<vmem>>, %arg12: memref<80x64xf32, #tpu.memory_space<vmem>>, %arg13: memref<80x64xf32, #tpu.memory_space<vmem>>, %arg14: memref<80x64xf32, #tpu.memory_space<vmem>>, %arg15: memref<80x64xf32, #tpu.memory_space<vmem>>, %arg16: memref<80x64xf32, #tpu.memory_space<vmem>>, %arg17: memref<80x64xf32, #tpu.memory_space<vmem>>, %arg18: memref<80x64xf32, #tpu.memory_space<vmem>>, %arg19: memref<80x64xf32, #tpu.memory_space<vmem>>, %arg20: memref<80x64xf32, #tpu.memory_space<vmem>>, %arg21: memref<80xi32, #tpu.memory_space<vmem>>, %arg22: memref<80xi32, #tpu.memory_space<vmem>>, %arg23: memref<80xi32, #tpu.memory_space<vmem>>, %arg24: memref<80xi32, #tpu.memory_space<vmem>>, %arg25: memref<80x16xf32, #tpu.memory_space<vmem>>, %arg26: memref<80x64xf32, #tpu.memory_space<vmem>>, %arg27: memref<80x16xf32, #tpu.memory_space<vmem>>, %arg28: memref<64xf32, #tpu.memory_space<vmem>>, %arg29: memref<16xf32, #tpu.memory_space<vmem>>, %arg30: memref<2560x64xf32, #tpu.memory_space<vmem_shared>>, %arg31: memref<2560x16xf32, #tpu.memory_space<vmem_shared>>, %arg32: memref<!tpu.dma_semaphore, #tpu.memory_space<semaphore_mem>>, %arg33: memref<!tpu.dma_semaphore, #tpu.memory_space<semaphore_mem>>, %arg34: memref<!tpu.dma_semaphore, #tpu.memory_space<semaphore_mem>>, %arg35: memref<!tpu.dma_semaphore, #tpu.memory_space<semaphore_mem>>, %arg36: memref<!tpu.dma_semaphore, #tpu.memory_space<semaphore_mem>>, %arg37: memref<!tpu.dma_semaphore, #tpu.memory_space<semaphore_mem>>, %arg38: memref<!tpu.dma_semaphore, #tpu.memory_space<semaphore_mem>>, %arg39: memref<!tpu.dma_semaphore, #tpu.memory_space<semaphore_mem>>, %arg40: memref<!tpu.dma_semaphore, #tpu.memory_space<semaphore_mem>>, %arg41: memref<!tpu.dma_semaphore, #tpu.memory_space<semaphore_mem>>, %arg42: memref<!tpu.dma_semaphore, #tpu.memory_space<semaphore_mem>>, %arg43: memref<!tpu.dma_semaphore, #tpu.memory_space<semaphore_mem>>, %arg44: memref<!tpu.dma_semaphore, #tpu.memory_space<semaphore_mem>>, %arg45: memref<!tpu.dma_semaphore, #tpu.memory_space<semaphore_mem>>, %arg46: memref<!tpu.dma_semaphore, #tpu.memory_space<semaphore_mem>>, %arg47: memref<!tpu.dma_semaphore, #tpu.memory_space<semaphore_mem>>, %arg48: memref<!tpu.dma_semaphore, #tpu.memory_space<semaphore_mem>>) attributes {dimension_semantics = [#tpu.dimension_semantics<core_parallel>, #tpu.dimension_semantics<subcore_parallel>], iteration_bounds = array<i64: 2, 16>, scalar_prefetch = 0 : i64, scratch_operands = 40 : i64, tpu.core_type = #tpu.core_type<sc_vector_subcore>, window_params = [{transform_indices = #map}, {transform_indices = #map1}, {transform_indices = #map1}, {transform_indices = #map1}, {transform_indices = #map2}, {transform_indices = #map}, {transform_indices = #map}]} {
    %mul3A = arith.constant 16 : i32
    %mul3A_0 = arith.muli %arg0, %mul3A : i32
    %add3A = arith.addi %mul3A_0, %arg1 : i32
    tpu.enqueue_dma source(%arg4 : memref<64xf32, #tpu.memory_space<hbm>>) target(%arg28 : memref<64xf32, #tpu.memory_space<vmem>>) target_semaphore(%arg32 : memref<!tpu.dma_semaphore, #tpu.memory_space<semaphore_mem>>)
    tpu.enqueue_dma source(%arg5 : memref<16xf32, #tpu.memory_space<hbm>>) target(%arg29 : memref<16xf32, #tpu.memory_space<vmem>>) target_semaphore(%arg32 : memref<!tpu.dma_semaphore, #tpu.memory_space<semaphore_mem>>)
    %broadcast_in_dim3A = arith.constant 1.000000e+00 : f32
    %broadcast_in_dim3A_1 = vector.broadcast %broadcast_in_dim3A : f32 to vector<16xf32>
    %broadcast_in_dim3A_2 = arith.constant 0.000000e+00 : f32
    %broadcast_in_dim3A_3 = vector.broadcast %broadcast_in_dim3A_2 : f32 to vector<16xf32>
    %scan3A = arith.constant 0 : i32
    %scan3A_4 = arith.constant 80 : i32
    %scan3A_5 = arith.addi %scan3A, %scan3A_4 : i32
    %scan3A_6 = arith.constant 1 : i32
    scf.for %scan3A_123 = %scan3A to %scan3A_5 step %scan3A_6  : i32 {
      %mul3A_124 = arith.constant 1 : i32
      %mul3A_125 = arith.muli %scan3A_123, %mul3A_124 : i32
      %add3A_126 = arith.constant 0 : i32
      %add3A_127 = arith.addi %add3A_126, %mul3A_125 : i32
      %swap3A = arith.index_cast %add3A_127 : i32 to index
      %swap3A_128 = arith.constant 0 : index
      %swap3A_129 = tpu.vector_load %arg25[%swap3A, %swap3A_128] {strides = array<i32>} : memref<80x16xf32, #tpu.memory_space<vmem>>, vector<16xf32>,
      tpu.vector_store %arg25[%swap3A, %swap3A_128], %broadcast_in_dim3A_1 {strides = array<i32>} : memref<80x16xf32, #tpu.memory_space<vmem>>, vector<16xf32>,
      %swap3A_130 = arith.index_cast %add3A_127 : i32 to index
      %swap3A_131 = arith.constant 0 : index
      %swap3A_132 = tpu.vector_load %arg27[%swap3A_130, %swap3A_131] {strides = array<i32>} : memref<80x16xf32, #tpu.memory_space<vmem>>, vector<16xf32>,
      tpu.vector_store %arg27[%swap3A_130, %swap3A_131], %broadcast_in_dim3A_3 {strides = array<i32>} : memref<80x16xf32, #tpu.memory_space<vmem>>, vector<16xf32>,
      %swap3A_133 = arith.index_cast %add3A_127 : i32 to index
      %swap3A_134 = arith.constant 0 : index
      %swap3A_135 = tpu.vector_load %arg26[%swap3A_133, %swap3A_134] {strides = array<i32>} : memref<80x64xf32, #tpu.memory_space<vmem>>, vector<16xf32>,
      tpu.vector_store %arg26[%swap3A_133, %swap3A_134], %broadcast_in_dim3A_3 {strides = array<i32>} : memref<80x64xf32, #tpu.memory_space<vmem>>, vector<16xf32>,
      %swap3A_136 = arith.index_cast %add3A_127 : i32 to index
      %swap3A_137 = arith.constant 16 : index
      %swap3A_138 = tpu.vector_load %arg26[%swap3A_136, %swap3A_137] {strides = array<i32>} : memref<80x64xf32, #tpu.memory_space<vmem>>, vector<16xf32>,
      tpu.vector_store %arg26[%swap3A_136, %swap3A_137], %broadcast_in_dim3A_3 {strides = array<i32>} : memref<80x64xf32, #tpu.memory_space<vmem>>, vector<16xf32>,
      %swap3A_139 = arith.index_cast %add3A_127 : i32 to index
      %swap3A_140 = arith.constant 32 : index
      %swap3A_141 = tpu.vector_load %arg26[%swap3A_139, %swap3A_140] {strides = array<i32>} : memref<80x64xf32, #tpu.memory_space<vmem>>, vector<16xf32>,
      tpu.vector_store %arg26[%swap3A_139, %swap3A_140], %broadcast_in_dim3A_3 {strides = array<i32>} : memref<80x64xf32, #tpu.memory_space<vmem>>, vector<16xf32>,
      %swap3A_142 = arith.index_cast %add3A_127 : i32 to index
      %swap3A_143 = arith.constant 48 : index
      %swap3A_144 = tpu.vector_load %arg26[%swap3A_142, %swap3A_143] {strides = array<i32>} : memref<80x64xf32, #tpu.memory_space<vmem>>, vector<16xf32>,
      tpu.vector_store %arg26[%swap3A_142, %swap3A_143], %broadcast_in_dim3A_3 {strides = array<i32>} : memref<80x64xf32, #tpu.memory_space<vmem>>, vector<16xf32>,
    }
    %scan3A_7 = arith.constant 80 : i32
    %mul3A_8 = arith.constant 160 : i32
    %mul3A_9 = arith.muli %arg1, %mul3A_8 : i32
    %add3A_10 = arith.constant 0 : i32
    %add3A_11 = arith.addi %mul3A_9, %add3A_10 : i32
    "tpu.region"() ({
      %run_scoped3A = tpu.sem_alloc : memref<!tpu.dma_semaphore, #tpu.memory_space<semaphore_mem>>
      %dma_start3A = arith.constant 0 : i32
      %dma_start3A_123 = tpu.memref_slice %arg30[%add3A_11, %dma_start3A] : memref<2560x64xf32, #tpu.memory_space<vmem_shared>> -> memref<80x64xf32, #tpu.memory_space<vmem_shared>>
      %dma_start3A_124 = arith.constant 0 : i32
      %dma_start3A_125 = tpu.memref_slice %arg30[%add3A_11, %dma_start3A_124] : memref<2560x64xf32, #tpu.memory_space<vmem_shared>> -> memref<80x64xf32, #tpu.memory_space<vmem_shared>>
      tpu.enqueue_dma source(%arg26 : memref<80x64xf32, #tpu.memory_space<vmem>>) target(%dma_start3A_125 : memref<80x64xf32, #tpu.memory_space<vmem_shared>>) target_semaphore(%run_scoped3A : memref<!tpu.dma_semaphore, #tpu.memory_space<semaphore_mem>>)
      %dma_wait3A = arith.constant 0 : i32
      %dma_wait3A_126 = tpu.memref_slice %arg30[%add3A_11, %dma_wait3A] : memref<2560x64xf32, #tpu.memory_space<vmem_shared>> -> memref<80x64xf32, #tpu.memory_space<vmem_shared>>
      %dma_wait3A_127 = arith.constant 0 : i32
      %dma_wait3A_128 = tpu.memref_slice %arg30[%add3A_11, %dma_wait3A_127] : memref<2560x64xf32, #tpu.memory_space<vmem_shared>> -> memref<80x64xf32, #tpu.memory_space<vmem_shared>>
      tpu.wait_dma2 semaphore(%run_scoped3A : memref<!tpu.dma_semaphore, #tpu.memory_space<semaphore_mem>>) src(%arg26 : memref<80x64xf32, #tpu.memory_space<vmem>>) dst(%dma_wait3A_128 : memref<80x64xf32, #tpu.memory_space<vmem_shared>>)
      tpu.yield
    }) : () -> ()
    %mul3A_12 = arith.constant 160 : i32
    %mul3A_13 = arith.muli %arg1, %mul3A_12 : i32
    %add3A_14 = arith.constant 0 : i32
    %add3A_15 = arith.addi %mul3A_13, %add3A_14 : i32
    "tpu.region"() ({
      %run_scoped3A = tpu.sem_alloc : memref<!tpu.dma_semaphore, #tpu.memory_space<semaphore_mem>>
      %dma_start3A = arith.constant 0 : i32
      %dma_start3A_123 = tpu.memref_slice %arg31[%add3A_15, %dma_start3A] : memref<2560x16xf32, #tpu.memory_space<vmem_shared>> -> memref<80x16xf32, #tpu.memory_space<vmem_shared>>
      %dma_start3A_124 = arith.constant 0 : i32
      %dma_start3A_125 = tpu.memref_slice %arg31[%add3A_15, %dma_start3A_124] : memref<2560x16xf32, #tpu.memory_space<vmem_shared>> -> memref<80x16xf32, #tpu.memory_space<vmem_shared>>
      tpu.enqueue_dma source(%arg27 : memref<80x16xf32, #tpu.memory_space<vmem>>) target(%dma_start3A_125 : memref<80x16xf32, #tpu.memory_space<vmem_shared>>) target_semaphore(%run_scoped3A : memref<!tpu.dma_semaphore, #tpu.memory_space<semaphore_mem>>)
      %dma_wait3A = arith.constant 0 : i32
      %dma_wait3A_126 = tpu.memref_slice %arg31[%add3A_15, %dma_wait3A] : memref<2560x16xf32, #tpu.memory_space<vmem_shared>> -> memref<80x16xf32, #tpu.memory_space<vmem_shared>>
      %dma_wait3A_127 = arith.constant 0 : i32
      %dma_wait3A_128 = tpu.memref_slice %arg31[%add3A_15, %dma_wait3A_127] : memref<2560x16xf32, #tpu.memory_space<vmem_shared>> -> memref<80x16xf32, #tpu.memory_space<vmem_shared>>
      tpu.wait_dma2 semaphore(%run_scoped3A : memref<!tpu.dma_semaphore, #tpu.memory_space<semaphore_mem>>) src(%arg27 : memref<80x16xf32, #tpu.memory_space<vmem>>) dst(%dma_wait3A_128 : memref<80x16xf32, #tpu.memory_space<vmem_shared>>)
      tpu.yield
    }) : () -> ()
    %mul3A_16 = arith.constant 160 : i32
    %mul3A_17 = arith.muli %arg1, %mul3A_16 : i32
    %add3A_18 = arith.constant 80 : i32
    %add3A_19 = arith.addi %mul3A_17, %add3A_18 : i32
    "tpu.region"() ({
      %run_scoped3A = tpu.sem_alloc : memref<!tpu.dma_semaphore, #tpu.memory_space<semaphore_mem>>
      %dma_start3A = arith.constant 0 : i32
      %dma_start3A_123 = tpu.memref_slice %arg30[%add3A_19, %dma_start3A] : memref<2560x64xf32, #tpu.memory_space<vmem_shared>> -> memref<80x64xf32, #tpu.memory_space<vmem_shared>>
      %dma_start3A_124 = arith.constant 0 : i32
      %dma_start3A_125 = tpu.memref_slice %arg30[%add3A_19, %dma_start3A_124] : memref<2560x64xf32, #tpu.memory_space<vmem_shared>> -> memref<80x64xf32, #tpu.memory_space<vmem_shared>>
      tpu.enqueue_dma source(%arg26 : memref<80x64xf32, #tpu.memory_space<vmem>>) target(%dma_start3A_125 : memref<80x64xf32, #tpu.memory_space<vmem_shared>>) target_semaphore(%run_scoped3A : memref<!tpu.dma_semaphore, #tpu.memory_space<semaphore_mem>>)
      %dma_wait3A = arith.constant 0 : i32
      %dma_wait3A_126 = tpu.memref_slice %arg30[%add3A_19, %dma_wait3A] : memref<2560x64xf32, #tpu.memory_space<vmem_shared>> -> memref<80x64xf32, #tpu.memory_space<vmem_shared>>
      %dma_wait3A_127 = arith.constant 0 : i32
      %dma_wait3A_128 = tpu.memref_slice %arg30[%add3A_19, %dma_wait3A_127] : memref<2560x64xf32, #tpu.memory_space<vmem_shared>> -> memref<80x64xf32, #tpu.memory_space<vmem_shared>>
      tpu.wait_dma2 semaphore(%run_scoped3A : memref<!tpu.dma_semaphore, #tpu.memory_space<semaphore_mem>>) src(%arg26 : memref<80x64xf32, #tpu.memory_space<vmem>>) dst(%dma_wait3A_128 : memref<80x64xf32, #tpu.memory_space<vmem_shared>>)
      tpu.yield
    }) : () -> ()
    %mul3A_20 = arith.constant 160 : i32
    %mul3A_21 = arith.muli %arg1, %mul3A_20 : i32
    %add3A_22 = arith.constant 80 : i32
    %add3A_23 = arith.addi %mul3A_21, %add3A_22 : i32
    "tpu.region"() ({
      %run_scoped3A = tpu.sem_alloc : memref<!tpu.dma_semaphore, #tpu.memory_space<semaphore_mem>>
      %dma_start3A = arith.constant 0 : i32
      %dma_start3A_123 = tpu.memref_slice %arg31[%add3A_23, %dma_start3A] : memref<2560x16xf32, #tpu.memory_space<vmem_shared>> -> memref<80x16xf32, #tpu.memory_space<vmem_shared>>
      %dma_start3A_124 = arith.constant 0 : i32
      %dma_start3A_125 = tpu.memref_slice %arg31[%add3A_23, %dma_start3A_124] : memref<2560x16xf32, #tpu.memory_space<vmem_shared>> -> memref<80x16xf32, #tpu.memory_space<vmem_shared>>
      tpu.enqueue_dma source(%arg27 : memref<80x16xf32, #tpu.memory_space<vmem>>) target(%dma_start3A_125 : memref<80x16xf32, #tpu.memory_space<vmem_shared>>) target_semaphore(%run_scoped3A : memref<!tpu.dma_semaphore, #tpu.memory_space<semaphore_mem>>)
      %dma_wait3A = arith.constant 0 : i32
      %dma_wait3A_126 = tpu.memref_slice %arg31[%add3A_23, %dma_wait3A] : memref<2560x16xf32, #tpu.memory_space<vmem_shared>> -> memref<80x16xf32, #tpu.memory_space<vmem_shared>>
      %dma_wait3A_127 = arith.constant 0 : i32
      %dma_wait3A_128 = tpu.memref_slice %arg31[%add3A_23, %dma_wait3A_127] : memref<2560x16xf32, #tpu.memory_space<vmem_shared>> -> memref<80x16xf32, #tpu.memory_space<vmem_shared>>
      tpu.wait_dma2 semaphore(%run_scoped3A : memref<!tpu.dma_semaphore, #tpu.memory_space<semaphore_mem>>) src(%arg27 : memref<80x16xf32, #tpu.memory_space<vmem>>) dst(%dma_wait3A_128 : memref<80x16xf32, #tpu.memory_space<vmem_shared>>)
      tpu.yield
    }) : () -> ()
    tpu.wait_dma2 semaphore(%arg32 : memref<!tpu.dma_semaphore, #tpu.memory_space<semaphore_mem>>) src(%arg4 : memref<64xf32, #tpu.memory_space<hbm>>) dst(%arg28 : memref<64xf32, #tpu.memory_space<vmem>>)
    tpu.wait_dma2 semaphore(%arg32 : memref<!tpu.dma_semaphore, #tpu.memory_space<semaphore_mem>>) src(%arg5 : memref<16xf32, #tpu.memory_space<hbm>>) dst(%arg29 : memref<16xf32, #tpu.memory_space<vmem>>)
    %barrier3A = arith.constant 0 : index
    tpu.barrier barrier_id(%barrier3A)
    %get3A = arith.constant 0 : index
    %get3A_24 = tpu.vector_load %arg29[%get3A] {strides = array<i32>} : memref<16xf32, #tpu.memory_space<vmem>>, vector<16xf32>,
    %get3A_25 = arith.constant 0 : index
    %get3A_26 = tpu.vector_load %arg28[%get3A_25] {strides = array<i32>} : memref<64xf32, #tpu.memory_space<vmem>>, vector<16xf32>,
    %get3A_27 = arith.constant 16 : index
    %get3A_28 = tpu.vector_load %arg28[%get3A_27] {strides = array<i32>} : memref<64xf32, #tpu.memory_space<vmem>>, vector<16xf32>,
    %get3A_29 = arith.constant 32 : index
    %get3A_30 = tpu.vector_load %arg28[%get3A_29] {strides = array<i32>} : memref<64xf32, #tpu.memory_space<vmem>>, vector<16xf32>,
    %get3A_31 = arith.constant 48 : index
    %get3A_32 = tpu.vector_load %arg28[%get3A_31] {strides = array<i32>} : memref<64xf32, #tpu.memory_space<vmem>>, vector<16xf32>,
    %add3A_33 = arith.constant 0 : i32
    %add3A_34 = arith.addi %add3A, %add3A_33 : i32
    %lt3A = arith.constant 125 : i32
    %lt3A_35 = arith.cmpi slt, %add3A_34, %lt3A : i32
    %convert_element_type3A = arith.extui %lt3A_35 : i1 to i32
    %cond3A = arith.constant 0 : i32
    %cond3A_36 = arith.cmpi ne, %convert_element_type3A, %cond3A : i32
    scf.if %cond3A_36 {
      %mul3A_123 = arith.constant 80 : i32
      %mul3A_124 = arith.muli %add3A_34, %mul3A_123 : i32
      %dma_start3A = arith.constant 0 : i32
      %dma_start3A_125 = arith.constant 0 : i32
      %dma_start3A_126 = tpu.memref_slice %arg2[%dma_start3A, %mul3A_124, %dma_start3A_125] : memref<2x10240x64xf32, #tpu.memory_space<hbm>> -> memref<1x80x64xf32, #tpu.memory_space<hbm>>
      %dma_start3A_127 = tpu.memref_squeeze %dma_start3A_126 : memref<1x80x64xf32, #tpu.memory_space<hbm>> -> memref<80x64xf32, #tpu.memory_space<hbm>>
      %dma_start3A_128 = arith.constant 0 : i32
      %dma_start3A_129 = tpu.memref_slice %arg2[%dma_start3A, %mul3A_124, %dma_start3A_128] : memref<2x10240x64xf32, #tpu.memory_space<hbm>> -> memref<1x80x64xf32, #tpu.memory_space<hbm>>
      %dma_start3A_130 = tpu.memref_squeeze %dma_start3A_129 : memref<1x80x64xf32, #tpu.memory_space<hbm>> -> memref<80x64xf32, #tpu.memory_space<hbm>>
      tpu.enqueue_dma source(%dma_start3A_130 : memref<80x64xf32, #tpu.memory_space<hbm>>) target(%arg9 : memref<80x64xf32, #tpu.memory_space<vmem>>) target_semaphore(%arg33 : memref<!tpu.dma_semaphore, #tpu.memory_space<semaphore_mem>>)
      %dma_start3A_131 = arith.constant 1 : i32
      %dma_start3A_132 = arith.constant 0 : i32
      %dma_start3A_133 = tpu.memref_slice %arg2[%dma_start3A_131, %mul3A_124, %dma_start3A_132] : memref<2x10240x64xf32, #tpu.memory_space<hbm>> -> memref<1x80x64xf32, #tpu.memory_space<hbm>>
      %dma_start3A_134 = tpu.memref_squeeze %dma_start3A_133 : memref<1x80x64xf32, #tpu.memory_space<hbm>> -> memref<80x64xf32, #tpu.memory_space<hbm>>
      %dma_start3A_135 = arith.constant 0 : i32
      %dma_start3A_136 = tpu.memref_slice %arg2[%dma_start3A_131, %mul3A_124, %dma_start3A_135] : memref<2x10240x64xf32, #tpu.memory_space<hbm>> -> memref<1x80x64xf32, #tpu.memory_space<hbm>>
      %dma_start3A_137 = tpu.memref_squeeze %dma_start3A_136 : memref<1x80x64xf32, #tpu.memory_space<hbm>> -> memref<80x64xf32, #tpu.memory_space<hbm>>
      tpu.enqueue_dma source(%dma_start3A_137 : memref<80x64xf32, #tpu.memory_space<hbm>>) target(%arg13 : memref<80x64xf32, #tpu.memory_space<vmem>>) target_semaphore(%arg33 : memref<!tpu.dma_semaphore, #tpu.memory_space<semaphore_mem>>)
      %dma_start3A_138 = tpu.memref_slice %arg3[%mul3A_124] : memref<10000xi32, #tpu.memory_space<hbm>> -> memref<80xi32, #tpu.memory_space<hbm>>
      %dma_start3A_139 = tpu.memref_slice %arg3[%mul3A_124] : memref<10000xi32, #tpu.memory_space<hbm>> -> memref<80xi32, #tpu.memory_space<hbm>>
      tpu.enqueue_dma source(%dma_start3A_139 : memref<80xi32, #tpu.memory_space<hbm>>) target(%arg21 : memref<80xi32, #tpu.memory_space<vmem>>) target_semaphore(%arg33 : memref<!tpu.dma_semaphore, #tpu.memory_space<semaphore_mem>>)
    } else {
    }
    %add3A_37 = arith.constant 32 : i32
    %add3A_38 = arith.addi %add3A, %add3A_37 : i32
    %lt3A_39 = arith.constant 125 : i32
    %lt3A_40 = arith.cmpi slt, %add3A_38, %lt3A_39 : i32
    %convert_element_type3A_41 = arith.extui %lt3A_40 : i1 to i32
    %cond3A_42 = arith.constant 0 : i32
    %cond3A_43 = arith.cmpi ne, %convert_element_type3A_41, %cond3A_42 : i32
    scf.if %cond3A_43 {
      %mul3A_123 = arith.constant 80 : i32
      %mul3A_124 = arith.muli %add3A_38, %mul3A_123 : i32
      %dma_start3A = arith.constant 0 : i32
      %dma_start3A_125 = arith.constant 0 : i32
      %dma_start3A_126 = tpu.memref_slice %arg2[%dma_start3A, %mul3A_124, %dma_start3A_125] : memref<2x10240x64xf32, #tpu.memory_space<hbm>> -> memref<1x80x64xf32, #tpu.memory_space<hbm>>
      %dma_start3A_127 = tpu.memref_squeeze %dma_start3A_126 : memref<1x80x64xf32, #tpu.memory_space<hbm>> -> memref<80x64xf32, #tpu.memory_space<hbm>>
      %dma_start3A_128 = arith.constant 0 : i32
      %dma_start3A_129 = tpu.memref_slice %arg2[%dma_start3A, %mul3A_124, %dma_start3A_128] : memref<2x10240x64xf32, #tpu.memory_space<hbm>> -> memref<1x80x64xf32, #tpu.memory_space<hbm>>
      %dma_start3A_130 = tpu.memref_squeeze %dma_start3A_129 : memref<1x80x64xf32, #tpu.memory_space<hbm>> -> memref<80x64xf32, #tpu.memory_space<hbm>>
      tpu.enqueue_dma source(%dma_start3A_130 : memref<80x64xf32, #tpu.memory_space<hbm>>) target(%arg10 : memref<80x64xf32, #tpu.memory_space<vmem>>) target_semaphore(%arg34 : memref<!tpu.dma_semaphore, #tpu.memory_space<semaphore_mem>>)
      %dma_start3A_131 = arith.constant 1 : i32
      %dma_start3A_132 = arith.constant 0 : i32
      %dma_start3A_133 = tpu.memref_slice %arg2[%dma_start3A_131, %mul3A_124, %dma_start3A_132] : memref<2x10240x64xf32, #tpu.memory_space<hbm>> -> memref<1x80x64xf32, #tpu.memory_space<hbm>>
      %dma_start3A_134 = tpu.memref_squeeze %dma_start3A_133 : memref<1x80x64xf32, #tpu.memory_space<hbm>> -> memref<80x64xf32, #tpu.memory_space<hbm>>
      %dma_start3A_135 = arith.constant 0 : i32
      %dma_start3A_136 = tpu.memref_slice %arg2[%dma_start3A_131, %mul3A_124, %dma_start3A_135] : memref<2x10240x64xf32, #tpu.memory_space<hbm>> -> memref<1x80x64xf32, #tpu.memory_space<hbm>>
      %dma_start3A_137 = tpu.memref_squeeze %dma_start3A_136 : memref<1x80x64xf32, #tpu.memory_space<hbm>> -> memref<80x64xf32, #tpu.memory_space<hbm>>
      tpu.enqueue_dma source(%dma_start3A_137 : memref<80x64xf32, #tpu.memory_space<hbm>>) target(%arg14 : memref<80x64xf32, #tpu.memory_space<vmem>>) target_semaphore(%arg34 : memref<!tpu.dma_semaphore, #tpu.memory_space<semaphore_mem>>)
      %dma_start3A_138 = tpu.memref_slice %arg3[%mul3A_124] : memref<10000xi32, #tpu.memory_space<hbm>> -> memref<80xi32, #tpu.memory_space<hbm>>
      %dma_start3A_139 = tpu.memref_slice %arg3[%mul3A_124] : memref<10000xi32, #tpu.memory_space<hbm>> -> memref<80xi32, #tpu.memory_space<hbm>>
      tpu.enqueue_dma source(%dma_start3A_139 : memref<80xi32, #tpu.memory_space<hbm>>) target(%arg22 : memref<80xi32, #tpu.memory_space<vmem>>) target_semaphore(%arg34 : memref<!tpu.dma_semaphore, #tpu.memory_space<semaphore_mem>>)
    } else {
    }
    %add3A_44 = arith.constant 64 : i32
    %add3A_45 = arith.addi %add3A, %add3A_44 : i32
    %lt3A_46 = arith.constant 125 : i32
    %lt3A_47 = arith.cmpi slt, %add3A_45, %lt3A_46 : i32
    %convert_element_type3A_48 = arith.extui %lt3A_47 : i1 to i32
    %cond3A_49 = arith.constant 0 : i32
    %cond3A_50 = arith.cmpi ne, %convert_element_type3A_48, %cond3A_49 : i32
    scf.if %cond3A_50 {
      %mul3A_123 = arith.constant 80 : i32
      %mul3A_124 = arith.muli %add3A_45, %mul3A_123 : i32
      %dma_start3A = arith.constant 0 : i32
      %dma_start3A_125 = arith.constant 0 : i32
      %dma_start3A_126 = tpu.memref_slice %arg2[%dma_start3A, %mul3A_124, %dma_start3A_125] : memref<2x10240x64xf32, #tpu.memory_space<hbm>> -> memref<1x80x64xf32, #tpu.memory_space<hbm>>
      %dma_start3A_127 = tpu.memref_squeeze %dma_start3A_126 : memref<1x80x64xf32, #tpu.memory_space<hbm>> -> memref<80x64xf32, #tpu.memory_space<hbm>>
      %dma_start3A_128 = arith.constant 0 : i32
      %dma_start3A_129 = tpu.memref_slice %arg2[%dma_start3A, %mul3A_124, %dma_start3A_128] : memref<2x10240x64xf32, #tpu.memory_space<hbm>> -> memref<1x80x64xf32, #tpu.memory_space<hbm>>
      %dma_start3A_130 = tpu.memref_squeeze %dma_start3A_129 : memref<1x80x64xf32, #tpu.memory_space<hbm>> -> memref<80x64xf32, #tpu.memory_space<hbm>>
      tpu.enqueue_dma source(%dma_start3A_130 : memref<80x64xf32, #tpu.memory_space<hbm>>) target(%arg11 : memref<80x64xf32, #tpu.memory_space<vmem>>) target_semaphore(%arg35 : memref<!tpu.dma_semaphore, #tpu.memory_space<semaphore_mem>>)
      %dma_start3A_131 = arith.constant 1 : i32
      %dma_start3A_132 = arith.constant 0 : i32
      %dma_start3A_133 = tpu.memref_slice %arg2[%dma_start3A_131, %mul3A_124, %dma_start3A_132] : memref<2x10240x64xf32, #tpu.memory_space<hbm>> -> memref<1x80x64xf32, #tpu.memory_space<hbm>>
      %dma_start3A_134 = tpu.memref_squeeze %dma_start3A_133 : memref<1x80x64xf32, #tpu.memory_space<hbm>> -> memref<80x64xf32, #tpu.memory_space<hbm>>
      %dma_start3A_135 = arith.constant 0 : i32
      %dma_start3A_136 = tpu.memref_slice %arg2[%dma_start3A_131, %mul3A_124, %dma_start3A_135] : memref<2x10240x64xf32, #tpu.memory_space<hbm>> -> memref<1x80x64xf32, #tpu.memory_space<hbm>>
      %dma_start3A_137 = tpu.memref_squeeze %dma_start3A_136 : memref<1x80x64xf32, #tpu.memory_space<hbm>> -> memref<80x64xf32, #tpu.memory_space<hbm>>
      tpu.enqueue_dma source(%dma_start3A_137 : memref<80x64xf32, #tpu.memory_space<hbm>>) target(%arg15 : memref<80x64xf32, #tpu.memory_space<vmem>>) target_semaphore(%arg35 : memref<!tpu.dma_semaphore, #tpu.memory_space<semaphore_mem>>)
      %dma_start3A_138 = tpu.memref_slice %arg3[%mul3A_124] : memref<10000xi32, #tpu.memory_space<hbm>> -> memref<80xi32, #tpu.memory_space<hbm>>
      %dma_start3A_139 = tpu.memref_slice %arg3[%mul3A_124] : memref<10000xi32, #tpu.memory_space<hbm>> -> memref<80xi32, #tpu.memory_space<hbm>>
      tpu.enqueue_dma source(%dma_start3A_139 : memref<80xi32, #tpu.memory_space<hbm>>) target(%arg23 : memref<80xi32, #tpu.memory_space<vmem>>) target_semaphore(%arg35 : memref<!tpu.dma_semaphore, #tpu.memory_space<semaphore_mem>>)
    } else {
    }
    %add3A_51 = arith.constant 96 : i32
    %add3A_52 = arith.addi %add3A, %add3A_51 : i32
    %lt3A_53 = arith.constant 125 : i32
    %lt3A_54 = arith.cmpi slt, %add3A_52, %lt3A_53 : i32
    %convert_element_type3A_55 = arith.extui %lt3A_54 : i1 to i32
    %cond3A_56 = arith.constant 0 : i32
    %cond3A_57 = arith.cmpi ne, %convert_element_type3A_55, %cond3A_56 : i32
    scf.if %cond3A_57 {
      %mul3A_123 = arith.constant 80 : i32
      %mul3A_124 = arith.muli %add3A_52, %mul3A_123 : i32
      %dma_start3A = arith.constant 0 : i32
      %dma_start3A_125 = arith.constant 0 : i32
      %dma_start3A_126 = tpu.memref_slice %arg2[%dma_start3A, %mul3A_124, %dma_start3A_125] : memref<2x10240x64xf32, #tpu.memory_space<hbm>> -> memref<1x80x64xf32, #tpu.memory_space<hbm>>
      %dma_start3A_127 = tpu.memref_squeeze %dma_start3A_126 : memref<1x80x64xf32, #tpu.memory_space<hbm>> -> memref<80x64xf32, #tpu.memory_space<hbm>>
      %dma_start3A_128 = arith.constant 0 : i32
      %dma_start3A_129 = tpu.memref_slice %arg2[%dma_start3A, %mul3A_124, %dma_start3A_128] : memref<2x10240x64xf32, #tpu.memory_space<hbm>> -> memref<1x80x64xf32, #tpu.memory_space<hbm>>
      %dma_start3A_130 = tpu.memref_squeeze %dma_start3A_129 : memref<1x80x64xf32, #tpu.memory_space<hbm>> -> memref<80x64xf32, #tpu.memory_space<hbm>>
      tpu.enqueue_dma source(%dma_start3A_130 : memref<80x64xf32, #tpu.memory_space<hbm>>) target(%arg12 : memref<80x64xf32, #tpu.memory_space<vmem>>) target_semaphore(%arg36 : memref<!tpu.dma_semaphore, #tpu.memory_space<semaphore_mem>>)
      %dma_start3A_131 = arith.constant 1 : i32
      %dma_start3A_132 = arith.constant 0 : i32
      %dma_start3A_133 = tpu.memref_slice %arg2[%dma_start3A_131, %mul3A_124, %dma_start3A_132] : memref<2x10240x64xf32, #tpu.memory_space<hbm>> -> memref<1x80x64xf32, #tpu.memory_space<hbm>>
      %dma_start3A_134 = tpu.memref_squeeze %dma_start3A_133 : memref<1x80x64xf32, #tpu.memory_space<hbm>> -> memref<80x64xf32, #tpu.memory_space<hbm>>
      %dma_start3A_135 = arith.constant 0 : i32
      %dma_start3A_136 = tpu.memref_slice %arg2[%dma_start3A_131, %mul3A_124, %dma_start3A_135] : memref<2x10240x64xf32, #tpu.memory_space<hbm>> -> memref<1x80x64xf32, #tpu.memory_space<hbm>>
      %dma_start3A_137 = tpu.memref_squeeze %dma_start3A_136 : memref<1x80x64xf32, #tpu.memory_space<hbm>> -> memref<80x64xf32, #tpu.memory_space<hbm>>
      tpu.enqueue_dma source(%dma_start3A_137 : memref<80x64xf32, #tpu.memory_space<hbm>>) target(%arg16 : memref<80x64xf32, #tpu.memory_space<vmem>>) target_semaphore(%arg36 : memref<!tpu.dma_semaphore, #tpu.memory_space<semaphore_mem>>)
      %dma_start3A_138 = tpu.memref_slice %arg3[%mul3A_124] : memref<10000xi32, #tpu.memory_space<hbm>> -> memref<80xi32, #tpu.memory_space<hbm>>
      %dma_start3A_139 = tpu.memref_slice %arg3[%mul3A_124] : memref<10000xi32, #tpu.memory_space<hbm>> -> memref<80xi32, #tpu.memory_space<hbm>>
      tpu.enqueue_dma source(%dma_start3A_139 : memref<80xi32, #tpu.memory_space<hbm>>) target(%arg24 : memref<80xi32, #tpu.memory_space<vmem>>) target_semaphore(%arg36 : memref<!tpu.dma_semaphore, #tpu.memory_space<semaphore_mem>>)
    } else {
    }
    %add3A_58 = arith.constant 0 : i32
    %add3A_59 = arith.addi %add3A, %add3A_58 : i32
    %lt3A_60 = arith.constant 125 : i32
    %lt3A_61 = arith.cmpi slt, %add3A_59, %lt3A_60 : i32
    %convert_element_type3A_62 = arith.extui %lt3A_61 : i1 to i32
    %cond3A_63 = arith.constant 0 : i32
    %cond3A_64 = arith.cmpi ne, %convert_element_type3A_62, %cond3A_63 : i32
    scf.if %cond3A_64 {
      %mul3A_123 = arith.constant 80 : i32
      %mul3A_124 = arith.muli %add3A_59, %mul3A_123 : i32
      %dma_wait3A = arith.constant 0 : i32
      %dma_wait3A_125 = arith.constant 0 : i32
      %dma_wait3A_126 = tpu.memref_slice %arg2[%dma_wait3A, %mul3A_124, %dma_wait3A_125] : memref<2x10240x64xf32, #tpu.memory_space<hbm>> -> memref<1x80x64xf32, #tpu.memory_space<hbm>>
      %dma_wait3A_127 = tpu.memref_squeeze %dma_wait3A_126 : memref<1x80x64xf32, #tpu.memory_space<hbm>> -> memref<80x64xf32, #tpu.memory_space<hbm>>
      %dma_wait3A_128 = arith.constant 0 : i32
      %dma_wait3A_129 = tpu.memref_slice %arg2[%dma_wait3A, %mul3A_124, %dma_wait3A_128] : memref<2x10240x64xf32, #tpu.memory_space<hbm>> -> memref<1x80x64xf32, #tpu.memory_space<hbm>>
      %dma_wait3A_130 = tpu.memref_squeeze %dma_wait3A_129 : memref<1x80x64xf32, #tpu.memory_space<hbm>> -> memref<80x64xf32, #tpu.memory_space<hbm>>
      tpu.wait_dma2 semaphore(%arg33 : memref<!tpu.dma_semaphore, #tpu.memory_space<semaphore_mem>>) src(%dma_wait3A_130 : memref<80x64xf32, #tpu.memory_space<hbm>>) dst(%arg9 : memref<80x64xf32, #tpu.memory_space<vmem>>)
      %dma_wait3A_131 = arith.constant 1 : i32
      %dma_wait3A_132 = arith.constant 0 : i32
      %dma_wait3A_133 = tpu.memref_slice %arg2[%dma_wait3A_131, %mul3A_124, %dma_wait3A_132] : memref<2x10240x64xf32, #tpu.memory_space<hbm>> -> memref<1x80x64xf32, #tpu.memory_space<hbm>>
      %dma_wait3A_134 = tpu.memref_squeeze %dma_wait3A_133 : memref<1x80x64xf32, #tpu.memory_space<hbm>> -> memref<80x64xf32, #tpu.memory_space<hbm>>
      %dma_wait3A_135 = arith.constant 0 : i32
      %dma_wait3A_136 = tpu.memref_slice %arg2[%dma_wait3A_131, %mul3A_124, %dma_wait3A_135] : memref<2x10240x64xf32, #tpu.memory_space<hbm>> -> memref<1x80x64xf32, #tpu.memory_space<hbm>>
      %dma_wait3A_137 = tpu.memref_squeeze %dma_wait3A_136 : memref<1x80x64xf32, #tpu.memory_space<hbm>> -> memref<80x64xf32, #tpu.memory_space<hbm>>
      tpu.wait_dma2 semaphore(%arg33 : memref<!tpu.dma_semaphore, #tpu.memory_space<semaphore_mem>>) src(%dma_wait3A_137 : memref<80x64xf32, #tpu.memory_space<hbm>>) dst(%arg13 : memref<80x64xf32, #tpu.memory_space<vmem>>)
      %dma_wait3A_138 = tpu.memref_slice %arg3[%mul3A_124] : memref<10000xi32, #tpu.memory_space<hbm>> -> memref<80xi32, #tpu.memory_space<hbm>>
      %dma_wait3A_139 = tpu.memref_slice %arg3[%mul3A_124] : memref<10000xi32, #tpu.memory_space<hbm>> -> memref<80xi32, #tpu.memory_space<hbm>>
      tpu.wait_dma2 semaphore(%arg33 : memref<!tpu.dma_semaphore, #tpu.memory_space<semaphore_mem>>) src(%dma_wait3A_139 : memref<80xi32, #tpu.memory_space<hbm>>) dst(%arg21 : memref<80xi32, #tpu.memory_space<vmem>>)
      %parallel_loop3A = arith.constant 0 : i32
      %parallel_loop3A_140 = arith.constant 80 : i32
      %parallel_loop3A_141 = arith.constant 1 : i32
      scf.for %parallel_loop3A_151 = %parallel_loop3A to %parallel_loop3A_140 step %parallel_loop3A_141  : i32 {
        %parallel_loop3A_152 = arith.index_cast %parallel_loop3A_151 : i32 to index
        %parallel_loop3A_153 = arith.constant 0 : index
        %parallel_loop3A_154 = tpu.vector_load %arg9[%parallel_loop3A_152, %parallel_loop3A_153] {strides = array<i32>} : memref<80x64xf32, #tpu.memory_space<vmem>>, vector<16xf32>,
        %parallel_loop3A_155 = arith.index_cast %parallel_loop3A_151 : i32 to index
        %parallel_loop3A_156 = arith.constant 0 : index
        %parallel_loop3A_157 = tpu.vector_load %arg13[%parallel_loop3A_155, %parallel_loop3A_156] {strides = array<i32>} : memref<80x64xf32, #tpu.memory_space<vmem>>, vector<16xf32>,
        %parallel_loop3A_158 = arith.addf %parallel_loop3A_154, %parallel_loop3A_157 : vector<16xf32>
        %parallel_loop3A_159 = arith.addf %parallel_loop3A_158, %get3A_26 : vector<16xf32>
        %parallel_loop3A_160 = arith.constant 0.000000e+00 : f32
        %parallel_loop3A_161 = vector.broadcast %parallel_loop3A_160 : f32 to vector<16xf32>
        %parallel_loop3A_162 = arith.maximumf %parallel_loop3A_159, %parallel_loop3A_161 : vector<16xf32>
        %parallel_loop3A_163 = arith.constant 0.000000e+00 : f32
        %parallel_loop3A_164 = vector.broadcast %parallel_loop3A_163 : f32 to vector<16xf32>
        %parallel_loop3A_165 = arith.minimumf %parallel_loop3A_159, %parallel_loop3A_164 : vector<16xf32>
        %parallel_loop3A_166 = arith.mulf %get3A_24, %parallel_loop3A_165 : vector<16xf32>
        %parallel_loop3A_167 = arith.addf %parallel_loop3A_162, %parallel_loop3A_166 : vector<16xf32>
        %parallel_loop3A_168 = arith.index_cast %parallel_loop3A_151 : i32 to index
        %parallel_loop3A_169 = arith.constant 0 : index
        %parallel_loop3A_170 = tpu.vector_load %arg17[%parallel_loop3A_168, %parallel_loop3A_169] {strides = array<i32>} : memref<80x64xf32, #tpu.memory_space<vmem>>, vector<16xf32>,
        tpu.vector_store %arg17[%parallel_loop3A_168, %parallel_loop3A_169], %parallel_loop3A_167 {strides = array<i32>} : memref<80x64xf32, #tpu.memory_space<vmem>>, vector<16xf32>,
        %parallel_loop3A_171 = arith.index_cast %parallel_loop3A_151 : i32 to index
        %parallel_loop3A_172 = arith.constant 16 : index
        %parallel_loop3A_173 = tpu.vector_load %arg9[%parallel_loop3A_171, %parallel_loop3A_172] {strides = array<i32>} : memref<80x64xf32, #tpu.memory_space<vmem>>, vector<16xf32>,
        %parallel_loop3A_174 = arith.index_cast %parallel_loop3A_151 : i32 to index
        %parallel_loop3A_175 = arith.constant 16 : index
        %parallel_loop3A_176 = tpu.vector_load %arg13[%parallel_loop3A_174, %parallel_loop3A_175] {strides = array<i32>} : memref<80x64xf32, #tpu.memory_space<vmem>>, vector<16xf32>,
        %parallel_loop3A_177 = arith.addf %parallel_loop3A_173, %parallel_loop3A_176 : vector<16xf32>
        %parallel_loop3A_178 = arith.addf %parallel_loop3A_177, %get3A_28 : vector<16xf32>
        %parallel_loop3A_179 = arith.constant 0.000000e+00 : f32
        %parallel_loop3A_180 = vector.broadcast %parallel_loop3A_179 : f32 to vector<16xf32>
        %parallel_loop3A_181 = arith.maximumf %parallel_loop3A_178, %parallel_loop3A_180 : vector<16xf32>
        %parallel_loop3A_182 = arith.constant 0.000000e+00 : f32
        %parallel_loop3A_183 = vector.broadcast %parallel_loop3A_182 : f32 to vector<16xf32>
        %parallel_loop3A_184 = arith.minimumf %parallel_loop3A_178, %parallel_loop3A_183 : vector<16xf32>
        %parallel_loop3A_185 = arith.mulf %get3A_24, %parallel_loop3A_184 : vector<16xf32>
        %parallel_loop3A_186 = arith.addf %parallel_loop3A_181, %parallel_loop3A_185 : vector<16xf32>
        %parallel_loop3A_187 = arith.index_cast %parallel_loop3A_151 : i32 to index
        %parallel_loop3A_188 = arith.constant 16 : index
        %parallel_loop3A_189 = tpu.vector_load %arg17[%parallel_loop3A_187, %parallel_loop3A_188] {strides = array<i32>} : memref<80x64xf32, #tpu.memory_space<vmem>>, vector<16xf32>,
        tpu.vector_store %arg17[%parallel_loop3A_187, %parallel_loop3A_188], %parallel_loop3A_186 {strides = array<i32>} : memref<80x64xf32, #tpu.memory_space<vmem>>, vector<16xf32>,
        %parallel_loop3A_190 = arith.index_cast %parallel_loop3A_151 : i32 to index
        %parallel_loop3A_191 = arith.constant 32 : index
        %parallel_loop3A_192 = tpu.vector_load %arg9[%parallel_loop3A_190, %parallel_loop3A_191] {strides = array<i32>} : memref<80x64xf32, #tpu.memory_space<vmem>>, vector<16xf32>,
        %parallel_loop3A_193 = arith.index_cast %parallel_loop3A_151 : i32 to index
        %parallel_loop3A_194 = arith.constant 32 : index
        %parallel_loop3A_195 = tpu.vector_load %arg13[%parallel_loop3A_193, %parallel_loop3A_194] {strides = array<i32>} : memref<80x64xf32, #tpu.memory_space<vmem>>, vector<16xf32>,
        %parallel_loop3A_196 = arith.addf %parallel_loop3A_192, %parallel_loop3A_195 : vector<16xf32>
        %parallel_loop3A_197 = arith.addf %parallel_loop3A_196, %get3A_30 : vector<16xf32>
        %parallel_loop3A_198 = arith.constant 0.000000e+00 : f32
        %parallel_loop3A_199 = vector.broadcast %parallel_loop3A_198 : f32 to vector<16xf32>
        %parallel_loop3A_200 = arith.maximumf %parallel_loop3A_197, %parallel_loop3A_199 : vector<16xf32>
        %parallel_loop3A_201 = arith.constant 0.000000e+00 : f32
        %parallel_loop3A_202 = vector.broadcast %parallel_loop3A_201 : f32 to vector<16xf32>
        %parallel_loop3A_203 = arith.minimumf %parallel_loop3A_197, %parallel_loop3A_202 : vector<16xf32>
        %parallel_loop3A_204 = arith.mulf %get3A_24, %parallel_loop3A_203 : vector<16xf32>
        %parallel_loop3A_205 = arith.addf %parallel_loop3A_200, %parallel_loop3A_204 : vector<16xf32>
        %parallel_loop3A_206 = arith.index_cast %parallel_loop3A_151 : i32 to index
        %parallel_loop3A_207 = arith.constant 32 : index
        %parallel_loop3A_208 = tpu.vector_load %arg17[%parallel_loop3A_206, %parallel_loop3A_207] {strides = array<i32>} : memref<80x64xf32, #tpu.memory_space<vmem>>, vector<16xf32>,
        tpu.vector_store %arg17[%parallel_loop3A_206, %parallel_loop3A_207], %parallel_loop3A_205 {strides = array<i32>} : memref<80x64xf32, #tpu.memory_space<vmem>>, vector<16xf32>,
        %parallel_loop3A_209 = arith.index_cast %parallel_loop3A_151 : i32 to index
        %parallel_loop3A_210 = arith.constant 48 : index
        %parallel_loop3A_211 = tpu.vector_load %arg9[%parallel_loop3A_209, %parallel_loop3A_210] {strides = array<i32>} : memref<80x64xf32, #tpu.memory_space<vmem>>, vector<16xf32>,
        %parallel_loop3A_212 = arith.index_cast %parallel_loop3A_151 : i32 to index
        %parallel_loop3A_213 = arith.constant 48 : index
        %parallel_loop3A_214 = tpu.vector_load %arg13[%parallel_loop3A_212, %parallel_loop3A_213] {strides = array<i32>} : memref<80x64xf32, #tpu.memory_space<vmem>>, vector<16xf32>,
        %parallel_loop3A_215 = arith.addf %parallel_loop3A_211, %parallel_loop3A_214 : vector<16xf32>
        %parallel_loop3A_216 = arith.addf %parallel_loop3A_215, %get3A_32 : vector<16xf32>
        %parallel_loop3A_217 = arith.constant 0.000000e+00 : f32
        %parallel_loop3A_218 = vector.broadcast %parallel_loop3A_217 : f32 to vector<16xf32>
        %parallel_loop3A_219 = arith.maximumf %parallel_loop3A_216, %parallel_loop3A_218 : vector<16xf32>
        %parallel_loop3A_220 = arith.constant 0.000000e+00 : f32
        %parallel_loop3A_221 = vector.broadcast %parallel_loop3A_220 : f32 to vector<16xf32>
        %parallel_loop3A_222 = arith.minimumf %parallel_loop3A_216, %parallel_loop3A_221 : vector<16xf32>
        %parallel_loop3A_223 = arith.mulf %get3A_24, %parallel_loop3A_222 : vector<16xf32>
        %parallel_loop3A_224 = arith.addf %parallel_loop3A_219, %parallel_loop3A_223 : vector<16xf32>
        %parallel_loop3A_225 = arith.index_cast %parallel_loop3A_151 : i32 to index
        %parallel_loop3A_226 = arith.constant 48 : index
        %parallel_loop3A_227 = tpu.vector_load %arg17[%parallel_loop3A_225, %parallel_loop3A_226] {strides = array<i32>} : memref<80x64xf32, #tpu.memory_space<vmem>>, vector<16xf32>,
        tpu.vector_store %arg17[%parallel_loop3A_225, %parallel_loop3A_226], %parallel_loop3A_224 {strides = array<i32>} : memref<80x64xf32, #tpu.memory_space<vmem>>, vector<16xf32>,
      } {sc.loop_unroll_factor = 2 : i64, sc.parallel_access}
      %dma_start3A = arith.constant 0 : i32
      %dma_start3A_142 = tpu.memref_slice %arg6[%mul3A_124, %dma_start3A] : memref<10000x64xf32, #tpu.memory_space<hbm>> -> memref<80x64xf32, #tpu.memory_space<hbm>>
      %dma_start3A_143 = arith.constant 0 : i32
      %dma_start3A_144 = tpu.memref_slice %arg6[%mul3A_124, %dma_start3A_143] : memref<10000x64xf32, #tpu.memory_space<hbm>> -> memref<80x64xf32, #tpu.memory_space<hbm>>
      tpu.enqueue_dma source(%arg17 : memref<80x64xf32, #tpu.memory_space<vmem>>) target(%dma_start3A_144 : memref<80x64xf32, #tpu.memory_space<hbm>>) target_semaphore(%arg37 : memref<!tpu.dma_semaphore, #tpu.memory_space<semaphore_mem>>)
      %dma_start3A_145 = arith.constant 0 : i32
      %dma_start3A_146 = arith.constant 0 : i32
      %dma_start3A_147 = tpu.memref_slice %arg30[%dma_start3A_145, %dma_start3A_146] : memref<2560x64xf32, #tpu.memory_space<vmem_shared>> -> memref<2560x64xf32, #tpu.memory_space<vmem_shared>>
      tpu.enqueue_indirect_dma source(%arg17 : memref<80x64xf32, #tpu.memory_space<vmem>>) target(%dma_start3A_147 : memref<2560x64xf32, #tpu.memory_space<vmem_shared>>) offsets(%arg21 : memref<80xi32, #tpu.memory_space<vmem>>) semaphore(%arg41 : memref<!tpu.dma_semaphore, #tpu.memory_space<semaphore_mem>>) {add = true}
      %dma_start3A_148 = arith.constant 0 : i32
      %dma_start3A_149 = arith.constant 0 : i32
      %dma_start3A_150 = tpu.memref_slice %arg31[%dma_start3A_148, %dma_start3A_149] : memref<2560x16xf32, #tpu.memory_space<vmem_shared>> -> memref<2560x16xf32, #tpu.memory_space<vmem_shared>>
      tpu.enqueue_indirect_dma source(%arg25 : memref<80x16xf32, #tpu.memory_space<vmem>>) target(%dma_start3A_150 : memref<2560x16xf32, #tpu.memory_space<vmem_shared>>) offsets(%arg21 : memref<80xi32, #tpu.memory_space<vmem>>) semaphore(%arg45 : memref<!tpu.dma_semaphore, #tpu.memory_space<semaphore_mem>>) {add = true}
    } else {
    }
    %add3A_65 = arith.constant 32 : i32
    %add3A_66 = arith.addi %add3A, %add3A_65 : i32
    %lt3A_67 = arith.constant 125 : i32
    %lt3A_68 = arith.cmpi slt, %add3A_66, %lt3A_67 : i32
    %convert_element_type3A_69 = arith.extui %lt3A_68 : i1 to i32
    %cond3A_70 = arith.constant 0 : i32
    %cond3A_71 = arith.cmpi ne, %convert_element_type3A_69, %cond3A_70 : i32
    scf.if %cond3A_71 {
      %mul3A_123 = arith.constant 80 : i32
      %mul3A_124 = arith.muli %add3A_66, %mul3A_123 : i32
      %dma_wait3A = arith.constant 0 : i32
      %dma_wait3A_125 = arith.constant 0 : i32
      %dma_wait3A_126 = tpu.memref_slice %arg2[%dma_wait3A, %mul3A_124, %dma_wait3A_125] : memref<2x10240x64xf32, #tpu.memory_space<hbm>> -> memref<1x80x64xf32, #tpu.memory_space<hbm>>
      %dma_wait3A_127 = tpu.memref_squeeze %dma_wait3A_126 : memref<1x80x64xf32, #tpu.memory_space<hbm>> -> memref<80x64xf32, #tpu.memory_space<hbm>>
      %dma_wait3A_128 = arith.constant 0 : i32
      %dma_wait3A_129 = tpu.memref_slice %arg2[%dma_wait3A, %mul3A_124, %dma_wait3A_128] : memref<2x10240x64xf32, #tpu.memory_space<hbm>> -> memref<1x80x64xf32, #tpu.memory_space<hbm>>
      %dma_wait3A_130 = tpu.memref_squeeze %dma_wait3A_129 : memref<1x80x64xf32, #tpu.memory_space<hbm>> -> memref<80x64xf32, #tpu.memory_space<hbm>>
      tpu.wait_dma2 semaphore(%arg34 : memref<!tpu.dma_semaphore, #tpu.memory_space<semaphore_mem>>) src(%dma_wait3A_130 : memref<80x64xf32, #tpu.memory_space<hbm>>) dst(%arg10 : memref<80x64xf32, #tpu.memory_space<vmem>>)
      %dma_wait3A_131 = arith.constant 1 : i32
      %dma_wait3A_132 = arith.constant 0 : i32
      %dma_wait3A_133 = tpu.memref_slice %arg2[%dma_wait3A_131, %mul3A_124, %dma_wait3A_132] : memref<2x10240x64xf32, #tpu.memory_space<hbm>> -> memref<1x80x64xf32, #tpu.memory_space<hbm>>
      %dma_wait3A_134 = tpu.memref_squeeze %dma_wait3A_133 : memref<1x80x64xf32, #tpu.memory_space<hbm>> -> memref<80x64xf32, #tpu.memory_space<hbm>>
      %dma_wait3A_135 = arith.constant 0 : i32
      %dma_wait3A_136 = tpu.memref_slice %arg2[%dma_wait3A_131, %mul3A_124, %dma_wait3A_135] : memref<2x10240x64xf32, #tpu.memory_space<hbm>> -> memref<1x80x64xf32, #tpu.memory_space<hbm>>
      %dma_wait3A_137 = tpu.memref_squeeze %dma_wait3A_136 : memref<1x80x64xf32, #tpu.memory_space<hbm>> -> memref<80x64xf32, #tpu.memory_space<hbm>>
      tpu.wait_dma2 semaphore(%arg34 : memref<!tpu.dma_semaphore, #tpu.memory_space<semaphore_mem>>) src(%dma_wait3A_137 : memref<80x64xf32, #tpu.memory_space<hbm>>) dst(%arg14 : memref<80x64xf32, #tpu.memory_space<vmem>>)
      %dma_wait3A_138 = tpu.memref_slice %arg3[%mul3A_124] : memref<10000xi32, #tpu.memory_space<hbm>> -> memref<80xi32, #tpu.memory_space<hbm>>
      %dma_wait3A_139 = tpu.memref_slice %arg3[%mul3A_124] : memref<10000xi32, #tpu.memory_space<hbm>> -> memref<80xi32, #tpu.memory_space<hbm>>
      tpu.wait_dma2 semaphore(%arg34 : memref<!tpu.dma_semaphore, #tpu.memory_space<semaphore_mem>>) src(%dma_wait3A_139 : memref<80xi32, #tpu.memory_space<hbm>>) dst(%arg22 : memref<80xi32, #tpu.memory_space<vmem>>)
      %parallel_loop3A = arith.constant 0 : i32
      %parallel_loop3A_140 = arith.constant 80 : i32
      %parallel_loop3A_141 = arith.constant 1 : i32
      scf.for %parallel_loop3A_151 = %parallel_loop3A to %parallel_loop3A_140 step %parallel_loop3A_141  : i32 {
        %parallel_loop3A_152 = arith.index_cast %parallel_loop3A_151 : i32 to index
        %parallel_loop3A_153 = arith.constant 0 : index
        %parallel_loop3A_154 = tpu.vector_load %arg10[%parallel_loop3A_152, %parallel_loop3A_153] {strides = array<i32>} : memref<80x64xf32, #tpu.memory_space<vmem>>, vector<16xf32>,
        %parallel_loop3A_155 = arith.index_cast %parallel_loop3A_151 : i32 to index
        %parallel_loop3A_156 = arith.constant 0 : index
        %parallel_loop3A_157 = tpu.vector_load %arg14[%parallel_loop3A_155, %parallel_loop3A_156] {strides = array<i32>} : memref<80x64xf32, #tpu.memory_space<vmem>>, vector<16xf32>,
        %parallel_loop3A_158 = arith.addf %parallel_loop3A_154, %parallel_loop3A_157 : vector<16xf32>
        %parallel_loop3A_159 = arith.addf %parallel_loop3A_158, %get3A_26 : vector<16xf32>
        %parallel_loop3A_160 = arith.constant 0.000000e+00 : f32
        %parallel_loop3A_161 = vector.broadcast %parallel_loop3A_160 : f32 to vector<16xf32>
        %parallel_loop3A_162 = arith.maximumf %parallel_loop3A_159, %parallel_loop3A_161 : vector<16xf32>
        %parallel_loop3A_163 = arith.constant 0.000000e+00 : f32
        %parallel_loop3A_164 = vector.broadcast %parallel_loop3A_163 : f32 to vector<16xf32>
        %parallel_loop3A_165 = arith.minimumf %parallel_loop3A_159, %parallel_loop3A_164 : vector<16xf32>
        %parallel_loop3A_166 = arith.mulf %get3A_24, %parallel_loop3A_165 : vector<16xf32>
        %parallel_loop3A_167 = arith.addf %parallel_loop3A_162, %parallel_loop3A_166 : vector<16xf32>
        %parallel_loop3A_168 = arith.index_cast %parallel_loop3A_151 : i32 to index
        %parallel_loop3A_169 = arith.constant 0 : index
        %parallel_loop3A_170 = tpu.vector_load %arg18[%parallel_loop3A_168, %parallel_loop3A_169] {strides = array<i32>} : memref<80x64xf32, #tpu.memory_space<vmem>>, vector<16xf32>,
        tpu.vector_store %arg18[%parallel_loop3A_168, %parallel_loop3A_169], %parallel_loop3A_167 {strides = array<i32>} : memref<80x64xf32, #tpu.memory_space<vmem>>, vector<16xf32>,
        %parallel_loop3A_171 = arith.index_cast %parallel_loop3A_151 : i32 to index
        %parallel_loop3A_172 = arith.constant 16 : index
        %parallel_loop3A_173 = tpu.vector_load %arg10[%parallel_loop3A_171, %parallel_loop3A_172] {strides = array<i32>} : memref<80x64xf32, #tpu.memory_space<vmem>>, vector<16xf32>,
        %parallel_loop3A_174 = arith.index_cast %parallel_loop3A_151 : i32 to index
        %parallel_loop3A_175 = arith.constant 16 : index
        %parallel_loop3A_176 = tpu.vector_load %arg14[%parallel_loop3A_174, %parallel_loop3A_175] {strides = array<i32>} : memref<80x64xf32, #tpu.memory_space<vmem>>, vector<16xf32>,
        %parallel_loop3A_177 = arith.addf %parallel_loop3A_173, %parallel_loop3A_176 : vector<16xf32>
        %parallel_loop3A_178 = arith.addf %parallel_loop3A_177, %get3A_28 : vector<16xf32>
        %parallel_loop3A_179 = arith.constant 0.000000e+00 : f32
        %parallel_loop3A_180 = vector.broadcast %parallel_loop3A_179 : f32 to vector<16xf32>
        %parallel_loop3A_181 = arith.maximumf %parallel_loop3A_178, %parallel_loop3A_180 : vector<16xf32>
        %parallel_loop3A_182 = arith.constant 0.000000e+00 : f32
        %parallel_loop3A_183 = vector.broadcast %parallel_loop3A_182 : f32 to vector<16xf32>
        %parallel_loop3A_184 = arith.minimumf %parallel_loop3A_178, %parallel_loop3A_183 : vector<16xf32>
        %parallel_loop3A_185 = arith.mulf %get3A_24, %parallel_loop3A_184 : vector<16xf32>
        %parallel_loop3A_186 = arith.addf %parallel_loop3A_181, %parallel_loop3A_185 : vector<16xf32>
        %parallel_loop3A_187 = arith.index_cast %parallel_loop3A_151 : i32 to index
        %parallel_loop3A_188 = arith.constant 16 : index
        %parallel_loop3A_189 = tpu.vector_load %arg18[%parallel_loop3A_187, %parallel_loop3A_188] {strides = array<i32>} : memref<80x64xf32, #tpu.memory_space<vmem>>, vector<16xf32>,
        tpu.vector_store %arg18[%parallel_loop3A_187, %parallel_loop3A_188], %parallel_loop3A_186 {strides = array<i32>} : memref<80x64xf32, #tpu.memory_space<vmem>>, vector<16xf32>,
        %parallel_loop3A_190 = arith.index_cast %parallel_loop3A_151 : i32 to index
        %parallel_loop3A_191 = arith.constant 32 : index
        %parallel_loop3A_192 = tpu.vector_load %arg10[%parallel_loop3A_190, %parallel_loop3A_191] {strides = array<i32>} : memref<80x64xf32, #tpu.memory_space<vmem>>, vector<16xf32>,
        %parallel_loop3A_193 = arith.index_cast %parallel_loop3A_151 : i32 to index
        %parallel_loop3A_194 = arith.constant 32 : index
        %parallel_loop3A_195 = tpu.vector_load %arg14[%parallel_loop3A_193, %parallel_loop3A_194] {strides = array<i32>} : memref<80x64xf32, #tpu.memory_space<vmem>>, vector<16xf32>,
        %parallel_loop3A_196 = arith.addf %parallel_loop3A_192, %parallel_loop3A_195 : vector<16xf32>
        %parallel_loop3A_197 = arith.addf %parallel_loop3A_196, %get3A_30 : vector<16xf32>
        %parallel_loop3A_198 = arith.constant 0.000000e+00 : f32
        %parallel_loop3A_199 = vector.broadcast %parallel_loop3A_198 : f32 to vector<16xf32>
        %parallel_loop3A_200 = arith.maximumf %parallel_loop3A_197, %parallel_loop3A_199 : vector<16xf32>
        %parallel_loop3A_201 = arith.constant 0.000000e+00 : f32
        %parallel_loop3A_202 = vector.broadcast %parallel_loop3A_201 : f32 to vector<16xf32>
        %parallel_loop3A_203 = arith.minimumf %parallel_loop3A_197, %parallel_loop3A_202 : vector<16xf32>
        %parallel_loop3A_204 = arith.mulf %get3A_24, %parallel_loop3A_203 : vector<16xf32>
        %parallel_loop3A_205 = arith.addf %parallel_loop3A_200, %parallel_loop3A_204 : vector<16xf32>
        %parallel_loop3A_206 = arith.index_cast %parallel_loop3A_151 : i32 to index
        %parallel_loop3A_207 = arith.constant 32 : index
        %parallel_loop3A_208 = tpu.vector_load %arg18[%parallel_loop3A_206, %parallel_loop3A_207] {strides = array<i32>} : memref<80x64xf32, #tpu.memory_space<vmem>>, vector<16xf32>,
        tpu.vector_store %arg18[%parallel_loop3A_206, %parallel_loop3A_207], %parallel_loop3A_205 {strides = array<i32>} : memref<80x64xf32, #tpu.memory_space<vmem>>, vector<16xf32>,
        %parallel_loop3A_209 = arith.index_cast %parallel_loop3A_151 : i32 to index
        %parallel_loop3A_210 = arith.constant 48 : index
        %parallel_loop3A_211 = tpu.vector_load %arg10[%parallel_loop3A_209, %parallel_loop3A_210] {strides = array<i32>} : memref<80x64xf32, #tpu.memory_space<vmem>>, vector<16xf32>,
        %parallel_loop3A_212 = arith.index_cast %parallel_loop3A_151 : i32 to index
        %parallel_loop3A_213 = arith.constant 48 : index
        %parallel_loop3A_214 = tpu.vector_load %arg14[%parallel_loop3A_212, %parallel_loop3A_213] {strides = array<i32>} : memref<80x64xf32, #tpu.memory_space<vmem>>, vector<16xf32>,
        %parallel_loop3A_215 = arith.addf %parallel_loop3A_211, %parallel_loop3A_214 : vector<16xf32>
        %parallel_loop3A_216 = arith.addf %parallel_loop3A_215, %get3A_32 : vector<16xf32>
        %parallel_loop3A_217 = arith.constant 0.000000e+00 : f32
        %parallel_loop3A_218 = vector.broadcast %parallel_loop3A_217 : f32 to vector<16xf32>
        %parallel_loop3A_219 = arith.maximumf %parallel_loop3A_216, %parallel_loop3A_218 : vector<16xf32>
        %parallel_loop3A_220 = arith.constant 0.000000e+00 : f32
        %parallel_loop3A_221 = vector.broadcast %parallel_loop3A_220 : f32 to vector<16xf32>
        %parallel_loop3A_222 = arith.minimumf %parallel_loop3A_216, %parallel_loop3A_221 : vector<16xf32>
        %parallel_loop3A_223 = arith.mulf %get3A_24, %parallel_loop3A_222 : vector<16xf32>
        %parallel_loop3A_224 = arith.addf %parallel_loop3A_219, %parallel_loop3A_223 : vector<16xf32>
        %parallel_loop3A_225 = arith.index_cast %parallel_loop3A_151 : i32 to index
        %parallel_loop3A_226 = arith.constant 48 : index
        %parallel_loop3A_227 = tpu.vector_load %arg18[%parallel_loop3A_225, %parallel_loop3A_226] {strides = array<i32>} : memref<80x64xf32, #tpu.memory_space<vmem>>, vector<16xf32>,
        tpu.vector_store %arg18[%parallel_loop3A_225, %parallel_loop3A_226], %parallel_loop3A_224 {strides = array<i32>} : memref<80x64xf32, #tpu.memory_space<vmem>>, vector<16xf32>,
      } {sc.loop_unroll_factor = 2 : i64, sc.parallel_access}
      %dma_start3A = arith.constant 0 : i32
      %dma_start3A_142 = tpu.memref_slice %arg6[%mul3A_124, %dma_start3A] : memref<10000x64xf32, #tpu.memory_space<hbm>> -> memref<80x64xf32, #tpu.memory_space<hbm>>
      %dma_start3A_143 = arith.constant 0 : i32
      %dma_start3A_144 = tpu.memref_slice %arg6[%mul3A_124, %dma_start3A_143] : memref<10000x64xf32, #tpu.memory_space<hbm>> -> memref<80x64xf32, #tpu.memory_space<hbm>>
      tpu.enqueue_dma source(%arg18 : memref<80x64xf32, #tpu.memory_space<vmem>>) target(%dma_start3A_144 : memref<80x64xf32, #tpu.memory_space<hbm>>) target_semaphore(%arg38 : memref<!tpu.dma_semaphore, #tpu.memory_space<semaphore_mem>>)
      %dma_start3A_145 = arith.constant 0 : i32
      %dma_start3A_146 = arith.constant 0 : i32
      %dma_start3A_147 = tpu.memref_slice %arg30[%dma_start3A_145, %dma_start3A_146] : memref<2560x64xf32, #tpu.memory_space<vmem_shared>> -> memref<2560x64xf32, #tpu.memory_space<vmem_shared>>
      tpu.enqueue_indirect_dma source(%arg18 : memref<80x64xf32, #tpu.memory_space<vmem>>) target(%dma_start3A_147 : memref<2560x64xf32, #tpu.memory_space<vmem_shared>>) offsets(%arg22 : memref<80xi32, #tpu.memory_space<vmem>>) semaphore(%arg42 : memref<!tpu.dma_semaphore, #tpu.memory_space<semaphore_mem>>) {add = true}
      %dma_start3A_148 = arith.constant 0 : i32
      %dma_start3A_149 = arith.constant 0 : i32
      %dma_start3A_150 = tpu.memref_slice %arg31[%dma_start3A_148, %dma_start3A_149] : memref<2560x16xf32, #tpu.memory_space<vmem_shared>> -> memref<2560x16xf32, #tpu.memory_space<vmem_shared>>
      tpu.enqueue_indirect_dma source(%arg25 : memref<80x16xf32, #tpu.memory_space<vmem>>) target(%dma_start3A_150 : memref<2560x16xf32, #tpu.memory_space<vmem_shared>>) offsets(%arg22 : memref<80xi32, #tpu.memory_space<vmem>>) semaphore(%arg46 : memref<!tpu.dma_semaphore, #tpu.memory_space<semaphore_mem>>) {add = true}
    } else {
    }
    %add3A_72 = arith.constant 64 : i32
    %add3A_73 = arith.addi %add3A, %add3A_72 : i32
    %lt3A_74 = arith.constant 125 : i32
    %lt3A_75 = arith.cmpi slt, %add3A_73, %lt3A_74 : i32
    %convert_element_type3A_76 = arith.extui %lt3A_75 : i1 to i32
    %cond3A_77 = arith.constant 0 : i32
    %cond3A_78 = arith.cmpi ne, %convert_element_type3A_76, %cond3A_77 : i32
    scf.if %cond3A_78 {
      %mul3A_123 = arith.constant 80 : i32
      %mul3A_124 = arith.muli %add3A_73, %mul3A_123 : i32
      %dma_wait3A = arith.constant 0 : i32
      %dma_wait3A_125 = arith.constant 0 : i32
      %dma_wait3A_126 = tpu.memref_slice %arg2[%dma_wait3A, %mul3A_124, %dma_wait3A_125] : memref<2x10240x64xf32, #tpu.memory_space<hbm>> -> memref<1x80x64xf32, #tpu.memory_space<hbm>>
      %dma_wait3A_127 = tpu.memref_squeeze %dma_wait3A_126 : memref<1x80x64xf32, #tpu.memory_space<hbm>> -> memref<80x64xf32, #tpu.memory_space<hbm>>
      %dma_wait3A_128 = arith.constant 0 : i32
      %dma_wait3A_129 = tpu.memref_slice %arg2[%dma_wait3A, %mul3A_124, %dma_wait3A_128] : memref<2x10240x64xf32, #tpu.memory_space<hbm>> -> memref<1x80x64xf32, #tpu.memory_space<hbm>>
      %dma_wait3A_130 = tpu.memref_squeeze %dma_wait3A_129 : memref<1x80x64xf32, #tpu.memory_space<hbm>> -> memref<80x64xf32, #tpu.memory_space<hbm>>
      tpu.wait_dma2 semaphore(%arg35 : memref<!tpu.dma_semaphore, #tpu.memory_space<semaphore_mem>>) src(%dma_wait3A_130 : memref<80x64xf32, #tpu.memory_space<hbm>>) dst(%arg11 : memref<80x64xf32, #tpu.memory_space<vmem>>)
      %dma_wait3A_131 = arith.constant 1 : i32
      %dma_wait3A_132 = arith.constant 0 : i32
      %dma_wait3A_133 = tpu.memref_slice %arg2[%dma_wait3A_131, %mul3A_124, %dma_wait3A_132] : memref<2x10240x64xf32, #tpu.memory_space<hbm>> -> memref<1x80x64xf32, #tpu.memory_space<hbm>>
      %dma_wait3A_134 = tpu.memref_squeeze %dma_wait3A_133 : memref<1x80x64xf32, #tpu.memory_space<hbm>> -> memref<80x64xf32, #tpu.memory_space<hbm>>
      %dma_wait3A_135 = arith.constant 0 : i32
      %dma_wait3A_136 = tpu.memref_slice %arg2[%dma_wait3A_131, %mul3A_124, %dma_wait3A_135] : memref<2x10240x64xf32, #tpu.memory_space<hbm>> -> memref<1x80x64xf32, #tpu.memory_space<hbm>>
      %dma_wait3A_137 = tpu.memref_squeeze %dma_wait3A_136 : memref<1x80x64xf32, #tpu.memory_space<hbm>> -> memref<80x64xf32, #tpu.memory_space<hbm>>
      tpu.wait_dma2 semaphore(%arg35 : memref<!tpu.dma_semaphore, #tpu.memory_space<semaphore_mem>>) src(%dma_wait3A_137 : memref<80x64xf32, #tpu.memory_space<hbm>>) dst(%arg15 : memref<80x64xf32, #tpu.memory_space<vmem>>)
      %dma_wait3A_138 = tpu.memref_slice %arg3[%mul3A_124] : memref<10000xi32, #tpu.memory_space<hbm>> -> memref<80xi32, #tpu.memory_space<hbm>>
      %dma_wait3A_139 = tpu.memref_slice %arg3[%mul3A_124] : memref<10000xi32, #tpu.memory_space<hbm>> -> memref<80xi32, #tpu.memory_space<hbm>>
      tpu.wait_dma2 semaphore(%arg35 : memref<!tpu.dma_semaphore, #tpu.memory_space<semaphore_mem>>) src(%dma_wait3A_139 : memref<80xi32, #tpu.memory_space<hbm>>) dst(%arg23 : memref<80xi32, #tpu.memory_space<vmem>>)
      %parallel_loop3A = arith.constant 0 : i32
      %parallel_loop3A_140 = arith.constant 80 : i32
      %parallel_loop3A_141 = arith.constant 1 : i32
      scf.for %parallel_loop3A_151 = %parallel_loop3A to %parallel_loop3A_140 step %parallel_loop3A_141  : i32 {
        %parallel_loop3A_152 = arith.index_cast %parallel_loop3A_151 : i32 to index
        %parallel_loop3A_153 = arith.constant 0 : index
        %parallel_loop3A_154 = tpu.vector_load %arg11[%parallel_loop3A_152, %parallel_loop3A_153] {strides = array<i32>} : memref<80x64xf32, #tpu.memory_space<vmem>>, vector<16xf32>,
        %parallel_loop3A_155 = arith.index_cast %parallel_loop3A_151 : i32 to index
        %parallel_loop3A_156 = arith.constant 0 : index
        %parallel_loop3A_157 = tpu.vector_load %arg15[%parallel_loop3A_155, %parallel_loop3A_156] {strides = array<i32>} : memref<80x64xf32, #tpu.memory_space<vmem>>, vector<16xf32>,
        %parallel_loop3A_158 = arith.addf %parallel_loop3A_154, %parallel_loop3A_157 : vector<16xf32>
        %parallel_loop3A_159 = arith.addf %parallel_loop3A_158, %get3A_26 : vector<16xf32>
        %parallel_loop3A_160 = arith.constant 0.000000e+00 : f32
        %parallel_loop3A_161 = vector.broadcast %parallel_loop3A_160 : f32 to vector<16xf32>
        %parallel_loop3A_162 = arith.maximumf %parallel_loop3A_159, %parallel_loop3A_161 : vector<16xf32>
        %parallel_loop3A_163 = arith.constant 0.000000e+00 : f32
        %parallel_loop3A_164 = vector.broadcast %parallel_loop3A_163 : f32 to vector<16xf32>
        %parallel_loop3A_165 = arith.minimumf %parallel_loop3A_159, %parallel_loop3A_164 : vector<16xf32>
        %parallel_loop3A_166 = arith.mulf %get3A_24, %parallel_loop3A_165 : vector<16xf32>
        %parallel_loop3A_167 = arith.addf %parallel_loop3A_162, %parallel_loop3A_166 : vector<16xf32>
        %parallel_loop3A_168 = arith.index_cast %parallel_loop3A_151 : i32 to index
        %parallel_loop3A_169 = arith.constant 0 : index
        %parallel_loop3A_170 = tpu.vector_load %arg19[%parallel_loop3A_168, %parallel_loop3A_169] {strides = array<i32>} : memref<80x64xf32, #tpu.memory_space<vmem>>, vector<16xf32>,
        tpu.vector_store %arg19[%parallel_loop3A_168, %parallel_loop3A_169], %parallel_loop3A_167 {strides = array<i32>} : memref<80x64xf32, #tpu.memory_space<vmem>>, vector<16xf32>,
        %parallel_loop3A_171 = arith.index_cast %parallel_loop3A_151 : i32 to index
        %parallel_loop3A_172 = arith.constant 16 : index
        %parallel_loop3A_173 = tpu.vector_load %arg11[%parallel_loop3A_171, %parallel_loop3A_172] {strides = array<i32>} : memref<80x64xf32, #tpu.memory_space<vmem>>, vector<16xf32>,
        %parallel_loop3A_174 = arith.index_cast %parallel_loop3A_151 : i32 to index
        %parallel_loop3A_175 = arith.constant 16 : index
        %parallel_loop3A_176 = tpu.vector_load %arg15[%parallel_loop3A_174, %parallel_loop3A_175] {strides = array<i32>} : memref<80x64xf32, #tpu.memory_space<vmem>>, vector<16xf32>,
        %parallel_loop3A_177 = arith.addf %parallel_loop3A_173, %parallel_loop3A_176 : vector<16xf32>
        %parallel_loop3A_178 = arith.addf %parallel_loop3A_177, %get3A_28 : vector<16xf32>
        %parallel_loop3A_179 = arith.constant 0.000000e+00 : f32
        %parallel_loop3A_180 = vector.broadcast %parallel_loop3A_179 : f32 to vector<16xf32>
        %parallel_loop3A_181 = arith.maximumf %parallel_loop3A_178, %parallel_loop3A_180 : vector<16xf32>
        %parallel_loop3A_182 = arith.constant 0.000000e+00 : f32
        %parallel_loop3A_183 = vector.broadcast %parallel_loop3A_182 : f32 to vector<16xf32>
        %parallel_loop3A_184 = arith.minimumf %parallel_loop3A_178, %parallel_loop3A_183 : vector<16xf32>
        %parallel_loop3A_185 = arith.mulf %get3A_24, %parallel_loop3A_184 : vector<16xf32>
        %parallel_loop3A_186 = arith.addf %parallel_loop3A_181, %parallel_loop3A_185 : vector<16xf32>
        %parallel_loop3A_187 = arith.index_cast %parallel_loop3A_151 : i32 to index
        %parallel_loop3A_188 = arith.constant 16 : index
        %parallel_loop3A_189 = tpu.vector_load %arg19[%parallel_loop3A_187, %parallel_loop3A_188] {strides = array<i32>} : memref<80x64xf32, #tpu.memory_space<vmem>>, vector<16xf32>,
        tpu.vector_store %arg19[%parallel_loop3A_187, %parallel_loop3A_188], %parallel_loop3A_186 {strides = array<i32>} : memref<80x64xf32, #tpu.memory_space<vmem>>, vector<16xf32>,
        %parallel_loop3A_190 = arith.index_cast %parallel_loop3A_151 : i32 to index
        %parallel_loop3A_191 = arith.constant 32 : index
        %parallel_loop3A_192 = tpu.vector_load %arg11[%parallel_loop3A_190, %parallel_loop3A_191] {strides = array<i32>} : memref<80x64xf32, #tpu.memory_space<vmem>>, vector<16xf32>,
        %parallel_loop3A_193 = arith.index_cast %parallel_loop3A_151 : i32 to index
        %parallel_loop3A_194 = arith.constant 32 : index
        %parallel_loop3A_195 = tpu.vector_load %arg15[%parallel_loop3A_193, %parallel_loop3A_194] {strides = array<i32>} : memref<80x64xf32, #tpu.memory_space<vmem>>, vector<16xf32>,
        %parallel_loop3A_196 = arith.addf %parallel_loop3A_192, %parallel_loop3A_195 : vector<16xf32>
        %parallel_loop3A_197 = arith.addf %parallel_loop3A_196, %get3A_30 : vector<16xf32>
        %parallel_loop3A_198 = arith.constant 0.000000e+00 : f32
        %parallel_loop3A_199 = vector.broadcast %parallel_loop3A_198 : f32 to vector<16xf32>
        %parallel_loop3A_200 = arith.maximumf %parallel_loop3A_197, %parallel_loop3A_199 : vector<16xf32>
        %parallel_loop3A_201 = arith.constant 0.000000e+00 : f32
        %parallel_loop3A_202 = vector.broadcast %parallel_loop3A_201 : f32 to vector<16xf32>
        %parallel_loop3A_203 = arith.minimumf %parallel_loop3A_197, %parallel_loop3A_202 : vector<16xf32>
        %parallel_loop3A_204 = arith.mulf %get3A_24, %parallel_loop3A_203 : vector<16xf32>
        %parallel_loop3A_205 = arith.addf %parallel_loop3A_200, %parallel_loop3A_204 : vector<16xf32>
        %parallel_loop3A_206 = arith.index_cast %parallel_loop3A_151 : i32 to index
        %parallel_loop3A_207 = arith.constant 32 : index
        %parallel_loop3A_208 = tpu.vector_load %arg19[%parallel_loop3A_206, %parallel_loop3A_207] {strides = array<i32>} : memref<80x64xf32, #tpu.memory_space<vmem>>, vector<16xf32>,
        tpu.vector_store %arg19[%parallel_loop3A_206, %parallel_loop3A_207], %parallel_loop3A_205 {strides = array<i32>} : memref<80x64xf32, #tpu.memory_space<vmem>>, vector<16xf32>,
        %parallel_loop3A_209 = arith.index_cast %parallel_loop3A_151 : i32 to index
        %parallel_loop3A_210 = arith.constant 48 : index
        %parallel_loop3A_211 = tpu.vector_load %arg11[%parallel_loop3A_209, %parallel_loop3A_210] {strides = array<i32>} : memref<80x64xf32, #tpu.memory_space<vmem>>, vector<16xf32>,
        %parallel_loop3A_212 = arith.index_cast %parallel_loop3A_151 : i32 to index
        %parallel_loop3A_213 = arith.constant 48 : index
        %parallel_loop3A_214 = tpu.vector_load %arg15[%parallel_loop3A_212, %parallel_loop3A_213] {strides = array<i32>} : memref<80x64xf32, #tpu.memory_space<vmem>>, vector<16xf32>,
        %parallel_loop3A_215 = arith.addf %parallel_loop3A_211, %parallel_loop3A_214 : vector<16xf32>
        %parallel_loop3A_216 = arith.addf %parallel_loop3A_215, %get3A_32 : vector<16xf32>
        %parallel_loop3A_217 = arith.constant 0.000000e+00 : f32
        %parallel_loop3A_218 = vector.broadcast %parallel_loop3A_217 : f32 to vector<16xf32>
        %parallel_loop3A_219 = arith.maximumf %parallel_loop3A_216, %parallel_loop3A_218 : vector<16xf32>
        %parallel_loop3A_220 = arith.constant 0.000000e+00 : f32
        %parallel_loop3A_221 = vector.broadcast %parallel_loop3A_220 : f32 to vector<16xf32>
        %parallel_loop3A_222 = arith.minimumf %parallel_loop3A_216, %parallel_loop3A_221 : vector<16xf32>
        %parallel_loop3A_223 = arith.mulf %get3A_24, %parallel_loop3A_222 : vector<16xf32>
        %parallel_loop3A_224 = arith.addf %parallel_loop3A_219, %parallel_loop3A_223 : vector<16xf32>
        %parallel_loop3A_225 = arith.index_cast %parallel_loop3A_151 : i32 to index
        %parallel_loop3A_226 = arith.constant 48 : index
        %parallel_loop3A_227 = tpu.vector_load %arg19[%parallel_loop3A_225, %parallel_loop3A_226] {strides = array<i32>} : memref<80x64xf32, #tpu.memory_space<vmem>>, vector<16xf32>,
        tpu.vector_store %arg19[%parallel_loop3A_225, %parallel_loop3A_226], %parallel_loop3A_224 {strides = array<i32>} : memref<80x64xf32, #tpu.memory_space<vmem>>, vector<16xf32>,
      } {sc.loop_unroll_factor = 2 : i64, sc.parallel_access}
      %dma_start3A = arith.constant 0 : i32
      %dma_start3A_142 = tpu.memref_slice %arg6[%mul3A_124, %dma_start3A] : memref<10000x64xf32, #tpu.memory_space<hbm>> -> memref<80x64xf32, #tpu.memory_space<hbm>>
      %dma_start3A_143 = arith.constant 0 : i32
      %dma_start3A_144 = tpu.memref_slice %arg6[%mul3A_124, %dma_start3A_143] : memref<10000x64xf32, #tpu.memory_space<hbm>> -> memref<80x64xf32, #tpu.memory_space<hbm>>
      tpu.enqueue_dma source(%arg19 : memref<80x64xf32, #tpu.memory_space<vmem>>) target(%dma_start3A_144 : memref<80x64xf32, #tpu.memory_space<hbm>>) target_semaphore(%arg39 : memref<!tpu.dma_semaphore, #tpu.memory_space<semaphore_mem>>)
      %dma_start3A_145 = arith.constant 0 : i32
      %dma_start3A_146 = arith.constant 0 : i32
      %dma_start3A_147 = tpu.memref_slice %arg30[%dma_start3A_145, %dma_start3A_146] : memref<2560x64xf32, #tpu.memory_space<vmem_shared>> -> memref<2560x64xf32, #tpu.memory_space<vmem_shared>>
      tpu.enqueue_indirect_dma source(%arg19 : memref<80x64xf32, #tpu.memory_space<vmem>>) target(%dma_start3A_147 : memref<2560x64xf32, #tpu.memory_space<vmem_shared>>) offsets(%arg23 : memref<80xi32, #tpu.memory_space<vmem>>) semaphore(%arg43 : memref<!tpu.dma_semaphore, #tpu.memory_space<semaphore_mem>>) {add = true}
      %dma_start3A_148 = arith.constant 0 : i32
      %dma_start3A_149 = arith.constant 0 : i32
      %dma_start3A_150 = tpu.memref_slice %arg31[%dma_start3A_148, %dma_start3A_149] : memref<2560x16xf32, #tpu.memory_space<vmem_shared>> -> memref<2560x16xf32, #tpu.memory_space<vmem_shared>>
      tpu.enqueue_indirect_dma source(%arg25 : memref<80x16xf32, #tpu.memory_space<vmem>>) target(%dma_start3A_150 : memref<2560x16xf32, #tpu.memory_space<vmem_shared>>) offsets(%arg23 : memref<80xi32, #tpu.memory_space<vmem>>) semaphore(%arg47 : memref<!tpu.dma_semaphore, #tpu.memory_space<semaphore_mem>>) {add = true}
    } else {
    }
    %add3A_79 = arith.constant 96 : i32
    %add3A_80 = arith.addi %add3A, %add3A_79 : i32
    %lt3A_81 = arith.constant 125 : i32
    %lt3A_82 = arith.cmpi slt, %add3A_80, %lt3A_81 : i32
    %convert_element_type3A_83 = arith.extui %lt3A_82 : i1 to i32
    %cond3A_84 = arith.constant 0 : i32
    %cond3A_85 = arith.cmpi ne, %convert_element_type3A_83, %cond3A_84 : i32
    scf.if %cond3A_85 {
      %mul3A_123 = arith.constant 80 : i32
      %mul3A_124 = arith.muli %add3A_80, %mul3A_123 : i32
      %dma_wait3A = arith.constant 0 : i32
      %dma_wait3A_125 = arith.constant 0 : i32
      %dma_wait3A_126 = tpu.memref_slice %arg2[%dma_wait3A, %mul3A_124, %dma_wait3A_125] : memref<2x10240x64xf32, #tpu.memory_space<hbm>> -> memref<1x80x64xf32, #tpu.memory_space<hbm>>
      %dma_wait3A_127 = tpu.memref_squeeze %dma_wait3A_126 : memref<1x80x64xf32, #tpu.memory_space<hbm>> -> memref<80x64xf32, #tpu.memory_space<hbm>>
      %dma_wait3A_128 = arith.constant 0 : i32
      %dma_wait3A_129 = tpu.memref_slice %arg2[%dma_wait3A, %mul3A_124, %dma_wait3A_128] : memref<2x10240x64xf32, #tpu.memory_space<hbm>> -> memref<1x80x64xf32, #tpu.memory_space<hbm>>
      %dma_wait3A_130 = tpu.memref_squeeze %dma_wait3A_129 : memref<1x80x64xf32, #tpu.memory_space<hbm>> -> memref<80x64xf32, #tpu.memory_space<hbm>>
      tpu.wait_dma2 semaphore(%arg36 : memref<!tpu.dma_semaphore, #tpu.memory_space<semaphore_mem>>) src(%dma_wait3A_130 : memref<80x64xf32, #tpu.memory_space<hbm>>) dst(%arg12 : memref<80x64xf32, #tpu.memory_space<vmem>>)
      %dma_wait3A_131 = arith.constant 1 : i32
      %dma_wait3A_132 = arith.constant 0 : i32
      %dma_wait3A_133 = tpu.memref_slice %arg2[%dma_wait3A_131, %mul3A_124, %dma_wait3A_132] : memref<2x10240x64xf32, #tpu.memory_space<hbm>> -> memref<1x80x64xf32, #tpu.memory_space<hbm>>
      %dma_wait3A_134 = tpu.memref_squeeze %dma_wait3A_133 : memref<1x80x64xf32, #tpu.memory_space<hbm>> -> memref<80x64xf32, #tpu.memory_space<hbm>>
      %dma_wait3A_135 = arith.constant 0 : i32
      %dma_wait3A_136 = tpu.memref_slice %arg2[%dma_wait3A_131, %mul3A_124, %dma_wait3A_135] : memref<2x10240x64xf32, #tpu.memory_space<hbm>> -> memref<1x80x64xf32, #tpu.memory_space<hbm>>
      %dma_wait3A_137 = tpu.memref_squeeze %dma_wait3A_136 : memref<1x80x64xf32, #tpu.memory_space<hbm>> -> memref<80x64xf32, #tpu.memory_space<hbm>>
      tpu.wait_dma2 semaphore(%arg36 : memref<!tpu.dma_semaphore, #tpu.memory_space<semaphore_mem>>) src(%dma_wait3A_137 : memref<80x64xf32, #tpu.memory_space<hbm>>) dst(%arg16 : memref<80x64xf32, #tpu.memory_space<vmem>>)
      %dma_wait3A_138 = tpu.memref_slice %arg3[%mul3A_124] : memref<10000xi32, #tpu.memory_space<hbm>> -> memref<80xi32, #tpu.memory_space<hbm>>
      %dma_wait3A_139 = tpu.memref_slice %arg3[%mul3A_124] : memref<10000xi32, #tpu.memory_space<hbm>> -> memref<80xi32, #tpu.memory_space<hbm>>
      tpu.wait_dma2 semaphore(%arg36 : memref<!tpu.dma_semaphore, #tpu.memory_space<semaphore_mem>>) src(%dma_wait3A_139 : memref<80xi32, #tpu.memory_space<hbm>>) dst(%arg24 : memref<80xi32, #tpu.memory_space<vmem>>)
      %parallel_loop3A = arith.constant 0 : i32
      %parallel_loop3A_140 = arith.constant 80 : i32
      %parallel_loop3A_141 = arith.constant 1 : i32
      scf.for %parallel_loop3A_151 = %parallel_loop3A to %parallel_loop3A_140 step %parallel_loop3A_141  : i32 {
        %parallel_loop3A_152 = arith.index_cast %parallel_loop3A_151 : i32 to index
        %parallel_loop3A_153 = arith.constant 0 : index
        %parallel_loop3A_154 = tpu.vector_load %arg12[%parallel_loop3A_152, %parallel_loop3A_153] {strides = array<i32>} : memref<80x64xf32, #tpu.memory_space<vmem>>, vector<16xf32>,
        %parallel_loop3A_155 = arith.index_cast %parallel_loop3A_151 : i32 to index
        %parallel_loop3A_156 = arith.constant 0 : index
        %parallel_loop3A_157 = tpu.vector_load %arg16[%parallel_loop3A_155, %parallel_loop3A_156] {strides = array<i32>} : memref<80x64xf32, #tpu.memory_space<vmem>>, vector<16xf32>,
        %parallel_loop3A_158 = arith.addf %parallel_loop3A_154, %parallel_loop3A_157 : vector<16xf32>
        %parallel_loop3A_159 = arith.addf %parallel_loop3A_158, %get3A_26 : vector<16xf32>
        %parallel_loop3A_160 = arith.constant 0.000000e+00 : f32
        %parallel_loop3A_161 = vector.broadcast %parallel_loop3A_160 : f32 to vector<16xf32>
        %parallel_loop3A_162 = arith.maximumf %parallel_loop3A_159, %parallel_loop3A_161 : vector<16xf32>
        %parallel_loop3A_163 = arith.constant 0.000000e+00 : f32
        %parallel_loop3A_164 = vector.broadcast %parallel_loop3A_163 : f32 to vector<16xf32>
        %parallel_loop3A_165 = arith.minimumf %parallel_loop3A_159, %parallel_loop3A_164 : vector<16xf32>
        %parallel_loop3A_166 = arith.mulf %get3A_24, %parallel_loop3A_165 : vector<16xf32>
        %parallel_loop3A_167 = arith.addf %parallel_loop3A_162, %parallel_loop3A_166 : vector<16xf32>
        %parallel_loop3A_168 = arith.index_cast %parallel_loop3A_151 : i32 to index
        %parallel_loop3A_169 = arith.constant 0 : index
        %parallel_loop3A_170 = tpu.vector_load %arg20[%parallel_loop3A_168, %parallel_loop3A_169] {strides = array<i32>} : memref<80x64xf32, #tpu.memory_space<vmem>>, vector<16xf32>,
        tpu.vector_store %arg20[%parallel_loop3A_168, %parallel_loop3A_169], %parallel_loop3A_167 {strides = array<i32>} : memref<80x64xf32, #tpu.memory_space<vmem>>, vector<16xf32>,
        %parallel_loop3A_171 = arith.index_cast %parallel_loop3A_151 : i32 to index
        %parallel_loop3A_172 = arith.constant 16 : index
        %parallel_loop3A_173 = tpu.vector_load %arg12[%parallel_loop3A_171, %parallel_loop3A_172] {strides = array<i32>} : memref<80x64xf32, #tpu.memory_space<vmem>>, vector<16xf32>,
        %parallel_loop3A_174 = arith.index_cast %parallel_loop3A_151 : i32 to index
        %parallel_loop3A_175 = arith.constant 16 : index
        %parallel_loop3A_176 = tpu.vector_load %arg16[%parallel_loop3A_174, %parallel_loop3A_175] {strides = array<i32>} : memref<80x64xf32, #tpu.memory_space<vmem>>, vector<16xf32>,
        %parallel_loop3A_177 = arith.addf %parallel_loop3A_173, %parallel_loop3A_176 : vector<16xf32>
        %parallel_loop3A_178 = arith.addf %parallel_loop3A_177, %get3A_28 : vector<16xf32>
        %parallel_loop3A_179 = arith.constant 0.000000e+00 : f32
        %parallel_loop3A_180 = vector.broadcast %parallel_loop3A_179 : f32 to vector<16xf32>
        %parallel_loop3A_181 = arith.maximumf %parallel_loop3A_178, %parallel_loop3A_180 : vector<16xf32>
        %parallel_loop3A_182 = arith.constant 0.000000e+00 : f32
        %parallel_loop3A_183 = vector.broadcast %parallel_loop3A_182 : f32 to vector<16xf32>
        %parallel_loop3A_184 = arith.minimumf %parallel_loop3A_178, %parallel_loop3A_183 : vector<16xf32>
        %parallel_loop3A_185 = arith.mulf %get3A_24, %parallel_loop3A_184 : vector<16xf32>
        %parallel_loop3A_186 = arith.addf %parallel_loop3A_181, %parallel_loop3A_185 : vector<16xf32>
        %parallel_loop3A_187 = arith.index_cast %parallel_loop3A_151 : i32 to index
        %parallel_loop3A_188 = arith.constant 16 : index
        %parallel_loop3A_189 = tpu.vector_load %arg20[%parallel_loop3A_187, %parallel_loop3A_188] {strides = array<i32>} : memref<80x64xf32, #tpu.memory_space<vmem>>, vector<16xf32>,
        tpu.vector_store %arg20[%parallel_loop3A_187, %parallel_loop3A_188], %parallel_loop3A_186 {strides = array<i32>} : memref<80x64xf32, #tpu.memory_space<vmem>>, vector<16xf32>,
        %parallel_loop3A_190 = arith.index_cast %parallel_loop3A_151 : i32 to index
        %parallel_loop3A_191 = arith.constant 32 : index
        %parallel_loop3A_192 = tpu.vector_load %arg12[%parallel_loop3A_190, %parallel_loop3A_191] {strides = array<i32>} : memref<80x64xf32, #tpu.memory_space<vmem>>, vector<16xf32>,
        %parallel_loop3A_193 = arith.index_cast %parallel_loop3A_151 : i32 to index
        %parallel_loop3A_194 = arith.constant 32 : index
        %parallel_loop3A_195 = tpu.vector_load %arg16[%parallel_loop3A_193, %parallel_loop3A_194] {strides = array<i32>} : memref<80x64xf32, #tpu.memory_space<vmem>>, vector<16xf32>,
        %parallel_loop3A_196 = arith.addf %parallel_loop3A_192, %parallel_loop3A_195 : vector<16xf32>
        %parallel_loop3A_197 = arith.addf %parallel_loop3A_196, %get3A_30 : vector<16xf32>
        %parallel_loop3A_198 = arith.constant 0.000000e+00 : f32
        %parallel_loop3A_199 = vector.broadcast %parallel_loop3A_198 : f32 to vector<16xf32>
        %parallel_loop3A_200 = arith.maximumf %parallel_loop3A_197, %parallel_loop3A_199 : vector<16xf32>
        %parallel_loop3A_201 = arith.constant 0.000000e+00 : f32
        %parallel_loop3A_202 = vector.broadcast %parallel_loop3A_201 : f32 to vector<16xf32>
        %parallel_loop3A_203 = arith.minimumf %parallel_loop3A_197, %parallel_loop3A_202 : vector<16xf32>
        %parallel_loop3A_204 = arith.mulf %get3A_24, %parallel_loop3A_203 : vector<16xf32>
        %parallel_loop3A_205 = arith.addf %parallel_loop3A_200, %parallel_loop3A_204 : vector<16xf32>
        %parallel_loop3A_206 = arith.index_cast %parallel_loop3A_151 : i32 to index
        %parallel_loop3A_207 = arith.constant 32 : index
        %parallel_loop3A_208 = tpu.vector_load %arg20[%parallel_loop3A_206, %parallel_loop3A_207] {strides = array<i32>} : memref<80x64xf32, #tpu.memory_space<vmem>>, vector<16xf32>,
        tpu.vector_store %arg20[%parallel_loop3A_206, %parallel_loop3A_207], %parallel_loop3A_205 {strides = array<i32>} : memref<80x64xf32, #tpu.memory_space<vmem>>, vector<16xf32>,
        %parallel_loop3A_209 = arith.index_cast %parallel_loop3A_151 : i32 to index
        %parallel_loop3A_210 = arith.constant 48 : index
        %parallel_loop3A_211 = tpu.vector_load %arg12[%parallel_loop3A_209, %parallel_loop3A_210] {strides = array<i32>} : memref<80x64xf32, #tpu.memory_space<vmem>>, vector<16xf32>,
        %parallel_loop3A_212 = arith.index_cast %parallel_loop3A_151 : i32 to index
        %parallel_loop3A_213 = arith.constant 48 : index
        %parallel_loop3A_214 = tpu.vector_load %arg16[%parallel_loop3A_212, %parallel_loop3A_213] {strides = array<i32>} : memref<80x64xf32, #tpu.memory_space<vmem>>, vector<16xf32>,
        %parallel_loop3A_215 = arith.addf %parallel_loop3A_211, %parallel_loop3A_214 : vector<16xf32>
        %parallel_loop3A_216 = arith.addf %parallel_loop3A_215, %get3A_32 : vector<16xf32>
        %parallel_loop3A_217 = arith.constant 0.000000e+00 : f32
        %parallel_loop3A_218 = vector.broadcast %parallel_loop3A_217 : f32 to vector<16xf32>
        %parallel_loop3A_219 = arith.maximumf %parallel_loop3A_216, %parallel_loop3A_218 : vector<16xf32>
        %parallel_loop3A_220 = arith.constant 0.000000e+00 : f32
        %parallel_loop3A_221 = vector.broadcast %parallel_loop3A_220 : f32 to vector<16xf32>
        %parallel_loop3A_222 = arith.minimumf %parallel_loop3A_216, %parallel_loop3A_221 : vector<16xf32>
        %parallel_loop3A_223 = arith.mulf %get3A_24, %parallel_loop3A_222 : vector<16xf32>
        %parallel_loop3A_224 = arith.addf %parallel_loop3A_219, %parallel_loop3A_223 : vector<16xf32>
        %parallel_loop3A_225 = arith.index_cast %parallel_loop3A_151 : i32 to index
        %parallel_loop3A_226 = arith.constant 48 : index
        %parallel_loop3A_227 = tpu.vector_load %arg20[%parallel_loop3A_225, %parallel_loop3A_226] {strides = array<i32>} : memref<80x64xf32, #tpu.memory_space<vmem>>, vector<16xf32>,
        tpu.vector_store %arg20[%parallel_loop3A_225, %parallel_loop3A_226], %parallel_loop3A_224 {strides = array<i32>} : memref<80x64xf32, #tpu.memory_space<vmem>>, vector<16xf32>,
      } {sc.loop_unroll_factor = 2 : i64, sc.parallel_access}
      %dma_start3A = arith.constant 0 : i32
      %dma_start3A_142 = tpu.memref_slice %arg6[%mul3A_124, %dma_start3A] : memref<10000x64xf32, #tpu.memory_space<hbm>> -> memref<80x64xf32, #tpu.memory_space<hbm>>
      %dma_start3A_143 = arith.constant 0 : i32
      %dma_start3A_144 = tpu.memref_slice %arg6[%mul3A_124, %dma_start3A_143] : memref<10000x64xf32, #tpu.memory_space<hbm>> -> memref<80x64xf32, #tpu.memory_space<hbm>>
      tpu.enqueue_dma source(%arg20 : memref<80x64xf32, #tpu.memory_space<vmem>>) target(%dma_start3A_144 : memref<80x64xf32, #tpu.memory_space<hbm>>) target_semaphore(%arg40 : memref<!tpu.dma_semaphore, #tpu.memory_space<semaphore_mem>>)
      %dma_start3A_145 = arith.constant 0 : i32
      %dma_start3A_146 = arith.constant 0 : i32
      %dma_start3A_147 = tpu.memref_slice %arg30[%dma_start3A_145, %dma_start3A_146] : memref<2560x64xf32, #tpu.memory_space<vmem_shared>> -> memref<2560x64xf32, #tpu.memory_space<vmem_shared>>
      tpu.enqueue_indirect_dma source(%arg20 : memref<80x64xf32, #tpu.memory_space<vmem>>) target(%dma_start3A_147 : memref<2560x64xf32, #tpu.memory_space<vmem_shared>>) offsets(%arg24 : memref<80xi32, #tpu.memory_space<vmem>>) semaphore(%arg44 : memref<!tpu.dma_semaphore, #tpu.memory_space<semaphore_mem>>) {add = true}
      %dma_start3A_148 = arith.constant 0 : i32
      %dma_start3A_149 = arith.constant 0 : i32
      %dma_start3A_150 = tpu.memref_slice %arg31[%dma_start3A_148, %dma_start3A_149] : memref<2560x16xf32, #tpu.memory_space<vmem_shared>> -> memref<2560x16xf32, #tpu.memory_space<vmem_shared>>
      tpu.enqueue_indirect_dma source(%arg25 : memref<80x16xf32, #tpu.memory_space<vmem>>) target(%dma_start3A_150 : memref<2560x16xf32, #tpu.memory_space<vmem_shared>>) offsets(%arg24 : memref<80xi32, #tpu.memory_space<vmem>>) semaphore(%arg48 : memref<!tpu.dma_semaphore, #tpu.memory_space<semaphore_mem>>) {add = true}
    } else {
    }
    %add3A_86 = arith.constant 0 : i32
    %add3A_87 = arith.addi %add3A, %add3A_86 : i32
    %lt3A_88 = arith.constant 125 : i32
    %lt3A_89 = arith.cmpi slt, %add3A_87, %lt3A_88 : i32
    %convert_element_type3A_90 = arith.extui %lt3A_89 : i1 to i32
    %cond3A_91 = arith.constant 0 : i32
    %cond3A_92 = arith.cmpi ne, %convert_element_type3A_90, %cond3A_91 : i32
    scf.if %cond3A_92 {
      %mul3A_123 = arith.constant 80 : i32
      %mul3A_124 = arith.muli %add3A_87, %mul3A_123 : i32
      %dma_wait3A = arith.constant 0 : i32
      %dma_wait3A_125 = tpu.memref_slice %arg6[%mul3A_124, %dma_wait3A] : memref<10000x64xf32, #tpu.memory_space<hbm>> -> memref<80x64xf32, #tpu.memory_space<hbm>>
      %dma_wait3A_126 = arith.constant 0 : i32
      %dma_wait3A_127 = tpu.memref_slice %arg6[%mul3A_124, %dma_wait3A_126] : memref<10000x64xf32, #tpu.memory_space<hbm>> -> memref<80x64xf32, #tpu.memory_space<hbm>>
      tpu.wait_dma2 semaphore(%arg37 : memref<!tpu.dma_semaphore, #tpu.memory_space<semaphore_mem>>) src(%arg17 : memref<80x64xf32, #tpu.memory_space<vmem>>) dst(%dma_wait3A_127 : memref<80x64xf32, #tpu.memory_space<hbm>>)
      %dma_wait3A_128 = arith.constant 0 : i32
      %dma_wait3A_129 = arith.constant 0 : i32
      %dma_wait3A_130 = tpu.memref_slice %arg30[%dma_wait3A_128, %dma_wait3A_129] : memref<2560x64xf32, #tpu.memory_space<vmem_shared>> -> memref<2560x64xf32, #tpu.memory_space<vmem_shared>>
      tpu.wait_indirect_dma semaphore(%arg41 : memref<!tpu.dma_semaphore, #tpu.memory_space<semaphore_mem>>) src(%arg17 : memref<80x64xf32, #tpu.memory_space<vmem>>) dst(%dma_wait3A_130 : memref<2560x64xf32, #tpu.memory_space<vmem_shared>>)
      %dma_wait3A_131 = arith.constant 0 : i32
      %dma_wait3A_132 = arith.constant 0 : i32
      %dma_wait3A_133 = tpu.memref_slice %arg31[%dma_wait3A_131, %dma_wait3A_132] : memref<2560x16xf32, #tpu.memory_space<vmem_shared>> -> memref<2560x16xf32, #tpu.memory_space<vmem_shared>>
      tpu.wait_indirect_dma semaphore(%arg45 : memref<!tpu.dma_semaphore, #tpu.memory_space<semaphore_mem>>) src(%arg25 : memref<80x16xf32, #tpu.memory_space<vmem>>) dst(%dma_wait3A_133 : memref<2560x16xf32, #tpu.memory_space<vmem_shared>>)
    } else {
    }
    %add3A_93 = arith.constant 32 : i32
    %add3A_94 = arith.addi %add3A, %add3A_93 : i32
    %lt3A_95 = arith.constant 125 : i32
    %lt3A_96 = arith.cmpi slt, %add3A_94, %lt3A_95 : i32
    %convert_element_type3A_97 = arith.extui %lt3A_96 : i1 to i32
    %cond3A_98 = arith.constant 0 : i32
    %cond3A_99 = arith.cmpi ne, %convert_element_type3A_97, %cond3A_98 : i32
    scf.if %cond3A_99 {
      %mul3A_123 = arith.constant 80 : i32
      %mul3A_124 = arith.muli %add3A_94, %mul3A_123 : i32
      %dma_wait3A = arith.constant 0 : i32
      %dma_wait3A_125 = tpu.memref_slice %arg6[%mul3A_124, %dma_wait3A] : memref<10000x64xf32, #tpu.memory_space<hbm>> -> memref<80x64xf32, #tpu.memory_space<hbm>>
      %dma_wait3A_126 = arith.constant 0 : i32
      %dma_wait3A_127 = tpu.memref_slice %arg6[%mul3A_124, %dma_wait3A_126] : memref<10000x64xf32, #tpu.memory_space<hbm>> -> memref<80x64xf32, #tpu.memory_space<hbm>>
      tpu.wait_dma2 semaphore(%arg38 : memref<!tpu.dma_semaphore, #tpu.memory_space<semaphore_mem>>) src(%arg18 : memref<80x64xf32, #tpu.memory_space<vmem>>) dst(%dma_wait3A_127 : memref<80x64xf32, #tpu.memory_space<hbm>>)
      %dma_wait3A_128 = arith.constant 0 : i32
      %dma_wait3A_129 = arith.constant 0 : i32
      %dma_wait3A_130 = tpu.memref_slice %arg30[%dma_wait3A_128, %dma_wait3A_129] : memref<2560x64xf32, #tpu.memory_space<vmem_shared>> -> memref<2560x64xf32, #tpu.memory_space<vmem_shared>>
      tpu.wait_indirect_dma semaphore(%arg42 : memref<!tpu.dma_semaphore, #tpu.memory_space<semaphore_mem>>) src(%arg18 : memref<80x64xf32, #tpu.memory_space<vmem>>) dst(%dma_wait3A_130 : memref<2560x64xf32, #tpu.memory_space<vmem_shared>>)
      %dma_wait3A_131 = arith.constant 0 : i32
      %dma_wait3A_132 = arith.constant 0 : i32
      %dma_wait3A_133 = tpu.memref_slice %arg31[%dma_wait3A_131, %dma_wait3A_132] : memref<2560x16xf32, #tpu.memory_space<vmem_shared>> -> memref<2560x16xf32, #tpu.memory_space<vmem_shared>>
      tpu.wait_indirect_dma semaphore(%arg46 : memref<!tpu.dma_semaphore, #tpu.memory_space<semaphore_mem>>) src(%arg25 : memref<80x16xf32, #tpu.memory_space<vmem>>) dst(%dma_wait3A_133 : memref<2560x16xf32, #tpu.memory_space<vmem_shared>>)
    } else {
    }
    %add3A_100 = arith.constant 64 : i32
    %add3A_101 = arith.addi %add3A, %add3A_100 : i32
    %lt3A_102 = arith.constant 125 : i32
    %lt3A_103 = arith.cmpi slt, %add3A_101, %lt3A_102 : i32
    %convert_element_type3A_104 = arith.extui %lt3A_103 : i1 to i32
    %cond3A_105 = arith.constant 0 : i32
    %cond3A_106 = arith.cmpi ne, %convert_element_type3A_104, %cond3A_105 : i32
    scf.if %cond3A_106 {
      %mul3A_123 = arith.constant 80 : i32
      %mul3A_124 = arith.muli %add3A_101, %mul3A_123 : i32
      %dma_wait3A = arith.constant 0 : i32
      %dma_wait3A_125 = tpu.memref_slice %arg6[%mul3A_124, %dma_wait3A] : memref<10000x64xf32, #tpu.memory_space<hbm>> -> memref<80x64xf32, #tpu.memory_space<hbm>>
      %dma_wait3A_126 = arith.constant 0 : i32
      %dma_wait3A_127 = tpu.memref_slice %arg6[%mul3A_124, %dma_wait3A_126] : memref<10000x64xf32, #tpu.memory_space<hbm>> -> memref<80x64xf32, #tpu.memory_space<hbm>>
      tpu.wait_dma2 semaphore(%arg39 : memref<!tpu.dma_semaphore, #tpu.memory_space<semaphore_mem>>) src(%arg19 : memref<80x64xf32, #tpu.memory_space<vmem>>) dst(%dma_wait3A_127 : memref<80x64xf32, #tpu.memory_space<hbm>>)
      %dma_wait3A_128 = arith.constant 0 : i32
      %dma_wait3A_129 = arith.constant 0 : i32
      %dma_wait3A_130 = tpu.memref_slice %arg30[%dma_wait3A_128, %dma_wait3A_129] : memref<2560x64xf32, #tpu.memory_space<vmem_shared>> -> memref<2560x64xf32, #tpu.memory_space<vmem_shared>>
      tpu.wait_indirect_dma semaphore(%arg43 : memref<!tpu.dma_semaphore, #tpu.memory_space<semaphore_mem>>) src(%arg19 : memref<80x64xf32, #tpu.memory_space<vmem>>) dst(%dma_wait3A_130 : memref<2560x64xf32, #tpu.memory_space<vmem_shared>>)
      %dma_wait3A_131 = arith.constant 0 : i32
      %dma_wait3A_132 = arith.constant 0 : i32
      %dma_wait3A_133 = tpu.memref_slice %arg31[%dma_wait3A_131, %dma_wait3A_132] : memref<2560x16xf32, #tpu.memory_space<vmem_shared>> -> memref<2560x16xf32, #tpu.memory_space<vmem_shared>>
      tpu.wait_indirect_dma semaphore(%arg47 : memref<!tpu.dma_semaphore, #tpu.memory_space<semaphore_mem>>) src(%arg25 : memref<80x16xf32, #tpu.memory_space<vmem>>) dst(%dma_wait3A_133 : memref<2560x16xf32, #tpu.memory_space<vmem_shared>>)
    } else {
    }
    %add3A_107 = arith.constant 96 : i32
    %add3A_108 = arith.addi %add3A, %add3A_107 : i32
    %lt3A_109 = arith.constant 125 : i32
    %lt3A_110 = arith.cmpi slt, %add3A_108, %lt3A_109 : i32
    %convert_element_type3A_111 = arith.extui %lt3A_110 : i1 to i32
    %cond3A_112 = arith.constant 0 : i32
    %cond3A_113 = arith.cmpi ne, %convert_element_type3A_111, %cond3A_112 : i32
    scf.if %cond3A_113 {
      %mul3A_123 = arith.constant 80 : i32
      %mul3A_124 = arith.muli %add3A_108, %mul3A_123 : i32
      %dma_wait3A = arith.constant 0 : i32
      %dma_wait3A_125 = tpu.memref_slice %arg6[%mul3A_124, %dma_wait3A] : memref<10000x64xf32, #tpu.memory_space<hbm>> -> memref<80x64xf32, #tpu.memory_space<hbm>>
      %dma_wait3A_126 = arith.constant 0 : i32
      %dma_wait3A_127 = tpu.memref_slice %arg6[%mul3A_124, %dma_wait3A_126] : memref<10000x64xf32, #tpu.memory_space<hbm>> -> memref<80x64xf32, #tpu.memory_space<hbm>>
      tpu.wait_dma2 semaphore(%arg40 : memref<!tpu.dma_semaphore, #tpu.memory_space<semaphore_mem>>) src(%arg20 : memref<80x64xf32, #tpu.memory_space<vmem>>) dst(%dma_wait3A_127 : memref<80x64xf32, #tpu.memory_space<hbm>>)
      %dma_wait3A_128 = arith.constant 0 : i32
      %dma_wait3A_129 = arith.constant 0 : i32
      %dma_wait3A_130 = tpu.memref_slice %arg30[%dma_wait3A_128, %dma_wait3A_129] : memref<2560x64xf32, #tpu.memory_space<vmem_shared>> -> memref<2560x64xf32, #tpu.memory_space<vmem_shared>>
      tpu.wait_indirect_dma semaphore(%arg44 : memref<!tpu.dma_semaphore, #tpu.memory_space<semaphore_mem>>) src(%arg20 : memref<80x64xf32, #tpu.memory_space<vmem>>) dst(%dma_wait3A_130 : memref<2560x64xf32, #tpu.memory_space<vmem_shared>>)
      %dma_wait3A_131 = arith.constant 0 : i32
      %dma_wait3A_132 = arith.constant 0 : i32
      %dma_wait3A_133 = tpu.memref_slice %arg31[%dma_wait3A_131, %dma_wait3A_132] : memref<2560x16xf32, #tpu.memory_space<vmem_shared>> -> memref<2560x16xf32, #tpu.memory_space<vmem_shared>>
      tpu.wait_indirect_dma semaphore(%arg48 : memref<!tpu.dma_semaphore, #tpu.memory_space<semaphore_mem>>) src(%arg25 : memref<80x16xf32, #tpu.memory_space<vmem>>) dst(%dma_wait3A_133 : memref<2560x16xf32, #tpu.memory_space<vmem_shared>>)
    } else {
    }
    %barrier3A_114 = arith.constant 0 : index
    tpu.barrier barrier_id(%barrier3A_114)
    %mul3A_115 = arith.constant 160 : i32
    %mul3A_116 = arith.muli %arg1, %mul3A_115 : i32
    %mul3A_117 = arith.constant 160 : i32
    %mul3A_118 = arith.muli %arg1, %mul3A_117 : i32
    "tpu.region"() ({
      %run_scoped3A = tpu.sem_alloc : memref<!tpu.dma_semaphore, #tpu.memory_space<semaphore_mem>>
      %dma_start3A = arith.constant 0 : i32
      %dma_start3A_123 = arith.constant 0 : i32
      %dma_start3A_124 = tpu.memref_slice %arg7[%arg0, %dma_start3A, %dma_start3A_123] : memref<2x2560x64xf32, #tpu.memory_space<hbm>> -> memref<1x2560x64xf32, #tpu.memory_space<hbm>>
      %dma_start3A_125 = tpu.memref_squeeze %dma_start3A_124 : memref<1x2560x64xf32, #tpu.memory_space<hbm>> -> memref<2560x64xf32, #tpu.memory_space<hbm>>
      %dma_start3A_126 = arith.constant 0 : i32
      %dma_start3A_127 = tpu.memref_slice %dma_start3A_125[%mul3A_118, %dma_start3A_126] : memref<2560x64xf32, #tpu.memory_space<hbm>> -> memref<160x64xf32, #tpu.memory_space<hbm>>
      %dma_start3A_128 = arith.constant 0 : i32
      %dma_start3A_129 = tpu.memref_slice %arg30[%mul3A_116, %dma_start3A_128] : memref<2560x64xf32, #tpu.memory_space<vmem_shared>> -> memref<160x64xf32, #tpu.memory_space<vmem_shared>>
      tpu.enqueue_dma source(%dma_start3A_129 : memref<160x64xf32, #tpu.memory_space<vmem_shared>>) target(%dma_start3A_127 : memref<160x64xf32, #tpu.memory_space<hbm>>) target_semaphore(%run_scoped3A : memref<!tpu.dma_semaphore, #tpu.memory_space<semaphore_mem>>)
      %dma_wait3A = arith.constant 0 : i32
      %dma_wait3A_130 = arith.constant 0 : i32
      %dma_wait3A_131 = tpu.memref_slice %arg7[%arg0, %dma_wait3A, %dma_wait3A_130] : memref<2x2560x64xf32, #tpu.memory_space<hbm>> -> memref<1x2560x64xf32, #tpu.memory_space<hbm>>
      %dma_wait3A_132 = tpu.memref_squeeze %dma_wait3A_131 : memref<1x2560x64xf32, #tpu.memory_space<hbm>> -> memref<2560x64xf32, #tpu.memory_space<hbm>>
      %dma_wait3A_133 = arith.constant 0 : i32
      %dma_wait3A_134 = tpu.memref_slice %dma_wait3A_132[%mul3A_118, %dma_wait3A_133] : memref<2560x64xf32, #tpu.memory_space<hbm>> -> memref<160x64xf32, #tpu.memory_space<hbm>>
      %dma_wait3A_135 = arith.constant 0 : i32
      %dma_wait3A_136 = tpu.memref_slice %arg30[%mul3A_116, %dma_wait3A_135] : memref<2560x64xf32, #tpu.memory_space<vmem_shared>> -> memref<160x64xf32, #tpu.memory_space<vmem_shared>>
      tpu.wait_dma2 semaphore(%run_scoped3A : memref<!tpu.dma_semaphore, #tpu.memory_space<semaphore_mem>>) src(%dma_wait3A_136 : memref<160x64xf32, #tpu.memory_space<vmem_shared>>) dst(%dma_wait3A_134 : memref<160x64xf32, #tpu.memory_space<hbm>>)
      tpu.yield
    }) : () -> ()
    %mul3A_119 = arith.constant 160 : i32
    %mul3A_120 = arith.muli %arg1, %mul3A_119 : i32
    %mul3A_121 = arith.constant 160 : i32
    %mul3A_122 = arith.muli %arg1, %mul3A_121 : i32
    "tpu.region"() ({
      %run_scoped3A = tpu.sem_alloc : memref<!tpu.dma_semaphore, #tpu.memory_space<semaphore_mem>>
      %dma_start3A = arith.constant 0 : i32
      %dma_start3A_123 = arith.constant 0 : i32
      %dma_start3A_124 = tpu.memref_slice %arg8[%arg0, %dma_start3A, %dma_start3A_123] : memref<2x2560x16xf32, #tpu.memory_space<hbm>> -> memref<1x2560x16xf32, #tpu.memory_space<hbm>>
      %dma_start3A_125 = tpu.memref_squeeze %dma_start3A_124 : memref<1x2560x16xf32, #tpu.memory_space<hbm>> -> memref<2560x16xf32, #tpu.memory_space<hbm>>
      %dma_start3A_126 = arith.constant 0 : i32
      %dma_start3A_127 = tpu.memref_slice %dma_start3A_125[%mul3A_122, %dma_start3A_126] : memref<2560x16xf32, #tpu.memory_space<hbm>> -> memref<160x16xf32, #tpu.memory_space<hbm>>
      %dma_start3A_128 = arith.constant 0 : i32
      %dma_start3A_129 = tpu.memref_slice %arg31[%mul3A_120, %dma_start3A_128] : memref<2560x16xf32, #tpu.memory_space<vmem_shared>> -> memref<160x16xf32, #tpu.memory_space<vmem_shared>>
      tpu.enqueue_dma source(%dma_start3A_129 : memref<160x16xf32, #tpu.memory_space<vmem_shared>>) target(%dma_start3A_127 : memref<160x16xf32, #tpu.memory_space<hbm>>) target_semaphore(%run_scoped3A : memref<!tpu.dma_semaphore, #tpu.memory_space<semaphore_mem>>)
      %dma_wait3A = arith.constant 0 : i32
      %dma_wait3A_130 = arith.constant 0 : i32
      %dma_wait3A_131 = tpu.memref_slice %arg8[%arg0, %dma_wait3A, %dma_wait3A_130] : memref<2x2560x16xf32, #tpu.memory_space<hbm>> -> memref<1x2560x16xf32, #tpu.memory_space<hbm>>
      %dma_wait3A_132 = tpu.memref_squeeze %dma_wait3A_131 : memref<1x2560x16xf32, #tpu.memory_space<hbm>> -> memref<2560x16xf32, #tpu.memory_space<hbm>>
      %dma_wait3A_133 = arith.constant 0 : i32
      %dma_wait3A_134 = tpu.memref_slice %dma_wait3A_132[%mul3A_122, %dma_wait3A_133] : memref<2560x16xf32, #tpu.memory_space<hbm>> -> memref<160x16xf32, #tpu.memory_space<hbm>>
      %dma_wait3A_135 = arith.constant 0 : i32
      %dma_wait3A_136 = tpu.memref_slice %arg31[%mul3A_120, %dma_wait3A_135] : memref<2560x16xf32, #tpu.memory_space<vmem_shared>> -> memref<160x16xf32, #tpu.memory_space<vmem_shared>>
      tpu.wait_dma2 semaphore(%run_scoped3A : memref<!tpu.dma_semaphore, #tpu.memory_space<semaphore_mem>>) src(%dma_wait3A_136 : memref<160x16xf32, #tpu.memory_space<vmem_shared>>) dst(%dma_wait3A_134 : memref<160x16xf32, #tpu.memory_space<hbm>>)
      tpu.yield
    }) : () -> ()
    return
  }
}

module attributes {stable_mosaic.version = 14 : i64} {
  func.func @_dense_body(%arg0: memref<10000x128xf32, #tpu.memory_space<vmem>>, %arg1: memref<2500x128xf32, #tpu.memory_space<vmem>>, %arg2: memref<128x64xf32, #tpu.memory_space<vmem>>, %arg3: memref<1x64xf32, #tpu.memory_space<vmem>>, %arg4: memref<1x1xf32, #tpu.memory_space<vmem>>, %arg5: memref<10000x64xf32, #tpu.memory_space<vmem>>, %arg6: memref<2500x64xf32, #tpu.memory_space<vmem>>) attributes {dimension_semantics = [], scalar_prefetch = 0 : i64, scratch_operands = 0 : i64, tpu.core_type = #tpu.core_type<tc>} {
    %get3A = arith.constant 0 : index
    %get3A_0 = arith.constant 0 : index
    %get3A_1 = vector.load %arg2[%get3A, %get3A_0] : memref<128x64xf32, #tpu.memory_space<vmem>>, vector<128x64xf32>
    %get3A_2 = arith.constant 0 : index
    %get3A_3 = arith.constant 0 : index
    %get3A_4 = vector.load %arg0[%get3A_2, %get3A_3] : memref<10000x128xf32, #tpu.memory_space<vmem>>, vector<10000x128xf32>
    %dot_general3A = arith.constant dense<0.000000e+00> : vector<10000x64xf32>
    %dot_general3A_5 = tpu.matmul %get3A_4, %get3A_1, %dot_general3A {dimension_numbers = #tpu.dot_dimension_numbers<[1], [0], [0], [1], [0, 0, 1, 1], [], []>, transpose_lhs_hint = false} : vector<10000x128xf32>, vector<128x64xf32>, vector<10000x64xf32> -> vector<10000x64xf32>
    %swap3A = arith.constant 0 : index
    %swap3A_6 = arith.constant 0 : index
    %swap3A_7 = vector.load %arg5[%swap3A, %swap3A_6] : memref<10000x64xf32, #tpu.memory_space<vmem>>, vector<10000x64xf32>
    tpu.vector_store %arg5[%swap3A, %swap3A_6], %dot_general3A_5 {strides = array<i32>} : memref<10000x64xf32, #tpu.memory_space<vmem>>, vector<10000x64xf32>,
    %get3A_8 = arith.constant 0 : index
    %get3A_9 = arith.constant 0 : index
    %get3A_10 = vector.load %arg1[%get3A_8, %get3A_9] : memref<2500x128xf32, #tpu.memory_space<vmem>>, vector<2500x128xf32>
    %dot_general3A_11 = arith.constant dense<0.000000e+00> : vector<2500x64xf32>
    %dot_general3A_12 = tpu.matmul %get3A_10, %get3A_1, %dot_general3A_11 {dimension_numbers = #tpu.dot_dimension_numbers<[1], [0], [0], [1], [0, 0, 1, 1], [], []>, transpose_lhs_hint = false} : vector<2500x128xf32>, vector<128x64xf32>, vector<2500x64xf32> -> vector<2500x64xf32>
    %get3A_13 = arith.constant 0 : index
    %get3A_14 = arith.constant 0 : index
    %get3A_15 = vector.load %arg3[%get3A_13, %get3A_14] : memref<1x64xf32, #tpu.memory_space<vmem>>, vector<1x64xf32>
    %add3A = vector.broadcast %get3A_15 : vector<1x64xf32> to vector<2500x64xf32>
    %add3A_16 = arith.addf %dot_general3A_12, %add3A : vector<2500x64xf32>
    %get3A_17 = arith.constant 0 : index
    %get3A_18 = arith.constant 0 : index
    %get3A_19 = vector.load %arg4[%get3A_17, %get3A_18] : memref<1x1xf32, #tpu.memory_space<vmem>>, vector<1x1xf32>
    %get3A_20 = vector.extract %get3A_19[0, 0] : f32 from vector<1x1xf32>
    %max3A = arith.constant 0.000000e+00 : f32
    %max3A_21 = vector.broadcast %max3A : f32 to vector<2500x64xf32>
    %max3A_22 = arith.maximumf %add3A_16, %max3A_21 : vector<2500x64xf32>
    %min3A = arith.constant 0.000000e+00 : f32
    %min3A_23 = vector.broadcast %min3A : f32 to vector<2500x64xf32>
    %min3A_24 = arith.minimumf %add3A_16, %min3A_23 : vector<2500x64xf32>
    %mul3A = vector.broadcast %get3A_20 : f32 to vector<2500x64xf32>
    %mul3A_25 = arith.mulf %mul3A, %min3A_24 : vector<2500x64xf32>
    %add3A_26 = arith.addf %max3A_22, %mul3A_25 : vector<2500x64xf32>
    %swap3A_27 = arith.constant 0 : index
    %swap3A_28 = arith.constant 0 : index
    %swap3A_29 = vector.load %arg6[%swap3A_27, %swap3A_28] : memref<2500x64xf32, #tpu.memory_space<vmem>>, vector<2500x64xf32>
    tpu.vector_store %arg6[%swap3A_27, %swap3A_28], %add3A_26 {strides = array<i32>} : memref<2500x64xf32, #tpu.memory_space<vmem>>, vector<2500x64xf32>,
    return
  }
}

module attributes {stable_mosaic.version = 14 : i64} {
  func.func @_final_body(%arg0: memref<2x2560x64xf32, #tpu.memory_space<vmem>>, %arg1: memref<2x2560x16xf32, #tpu.memory_space<vmem>>, %arg2: memref<2500x64xf32, #tpu.memory_space<vmem>>, %arg3: memref<64x64xf32, #tpu.memory_space<vmem>>, %arg4: memref<1x1xf32, #tpu.memory_space<vmem>>, %arg5: memref<2500x64xf32, #tpu.memory_space<vmem>>, %arg6: memref<2500x1xf32, #tpu.memory_space<vmem>>) attributes {dimension_semantics = [], scalar_prefetch = 0 : i64, scratch_operands = 0 : i64, tpu.core_type = #tpu.core_type<tc>} {
    %get3A = arith.constant 0 : index
    %get3A_0 = arith.constant 0 : index
    %get3A_1 = arith.constant 0 : index
    %get3A_2 = vector.load %arg0[%get3A, %get3A_0, %get3A_1] : memref<2x2560x64xf32, #tpu.memory_space<vmem>>, vector<1x2500x64xf32>
    %get3A_3 = vector.shape_cast %get3A_2 : vector<1x2500x64xf32> to vector<2500x64xf32>
    %get3A_4 = arith.constant 1 : index
    %get3A_5 = arith.constant 0 : index
    %get3A_6 = arith.constant 0 : index
    %get3A_7 = vector.load %arg0[%get3A_4, %get3A_5, %get3A_6] : memref<2x2560x64xf32, #tpu.memory_space<vmem>>, vector<1x2500x64xf32>
    %get3A_8 = vector.shape_cast %get3A_7 : vector<1x2500x64xf32> to vector<2500x64xf32>
    %add3A = arith.addf %get3A_3, %get3A_8 : vector<2500x64xf32>
    %get3A_9 = arith.constant 0 : index
    %get3A_10 = arith.constant 0 : index
    %get3A_11 = arith.constant 0 : index
    %get3A_12 = vector.load %arg1[%get3A_9, %get3A_10, %get3A_11] : memref<2x2560x16xf32, #tpu.memory_space<vmem>>, vector<1x2500x1xf32>
    %get3A_13 = vector.shape_cast %get3A_12 : vector<1x2500x1xf32> to vector<2500x1xf32>
    %get3A_14 = arith.constant 1 : index
    %get3A_15 = arith.constant 0 : index
    %get3A_16 = arith.constant 0 : index
    %get3A_17 = vector.load %arg1[%get3A_14, %get3A_15, %get3A_16] : memref<2x2560x16xf32, #tpu.memory_space<vmem>>, vector<1x2500x1xf32>
    %get3A_18 = vector.shape_cast %get3A_17 : vector<1x2500x1xf32> to vector<2500x1xf32>
    %add3A_19 = arith.addf %get3A_13, %get3A_18 : vector<2500x1xf32>
    %max3A = arith.constant 1.000000e+00 : f32
    %max3A_20 = vector.broadcast %max3A : f32 to vector<2500x1xf32>
    %max3A_21 = arith.maximumf %add3A_19, %max3A_20 : vector<2500x1xf32>
    %div3A = vector.broadcast %max3A_21 : vector<2500x1xf32> to vector<2500x64xf32>
    %div3A_22 = arith.divf %add3A, %div3A : vector<2500x64xf32>
    %swap3A = arith.constant 0 : index
    %swap3A_23 = arith.constant 0 : index
    %swap3A_24 = vector.load %arg5[%swap3A, %swap3A_23] : memref<2500x64xf32, #tpu.memory_space<vmem>>, vector<2500x64xf32>
    tpu.vector_store %arg5[%swap3A, %swap3A_23], %div3A_22 {strides = array<i32>} : memref<2500x64xf32, #tpu.memory_space<vmem>>, vector<2500x64xf32>,
    %get3A_25 = arith.constant 0 : index
    %get3A_26 = arith.constant 0 : index
    %get3A_27 = vector.load %arg2[%get3A_25, %get3A_26] : memref<2500x64xf32, #tpu.memory_space<vmem>>, vector<2500x64xf32>
    %get3A_28 = arith.constant 0 : index
    %get3A_29 = arith.constant 0 : index
    %get3A_30 = vector.load %arg3[%get3A_28, %get3A_29] : memref<64x64xf32, #tpu.memory_space<vmem>>, vector<64x64xf32>
    %dot_general3A = arith.constant dense<0.000000e+00> : vector<2500x64xf32>
    %dot_general3A_31 = tpu.matmul %get3A_27, %get3A_30, %dot_general3A {dimension_numbers = #tpu.dot_dimension_numbers<[1], [0], [0], [1], [0, 0, 1, 1], [], []>, transpose_lhs_hint = false} : vector<2500x64xf32>, vector<64x64xf32>, vector<2500x64xf32> -> vector<2500x64xf32>
    %mul3A = arith.mulf %dot_general3A_31, %div3A_22 : vector<2500x64xf32>
    %reduce_sum3A = arith.constant dense<0.000000e+00> : vector<2500xf32>
    %reduce_sum3A_32 = vector.multi_reduction <add>, %mul3A, %reduce_sum3A [1] : vector<2500x64xf32> to vector<2500xf32>
    %broadcast_in_dim3A = vector.shape_cast %reduce_sum3A_32 : vector<2500xf32> to vector<2500x1xf32>
    %get3A_33 = arith.constant 0 : index
    %get3A_34 = arith.constant 0 : index
    %get3A_35 = vector.load %arg4[%get3A_33, %get3A_34] : memref<1x1xf32, #tpu.memory_space<vmem>>, vector<1x1xf32>
    %add3A_36 = vector.broadcast %get3A_35 : vector<1x1xf32> to vector<2500x1xf32>
    %add3A_37 = arith.addf %broadcast_in_dim3A, %add3A_36 : vector<2500x1xf32>
    %swap3A_38 = arith.constant 0 : index
    %swap3A_39 = arith.constant 0 : index
    %swap3A_40 = vector.load %arg6[%swap3A_38, %swap3A_39] : memref<2500x1xf32, #tpu.memory_space<vmem>>, vector<2500x1xf32>
    tpu.vector_store %arg6[%swap3A_38, %swap3A_39], %add3A_37 {strides = array<i32>} : memref<2500x1xf32, #tpu.memory_space<vmem>>, vector<2500x1xf32>,
    return
  }
}

</mosaic_0001>

<sc_bundles>
// kernel: kernel.6.cloned.1.call-start
scs
__scs_entry_jumppad:
0x0: {  	(pc) =	sbr.rel $0x88, $3  }
0x1: {  	(tag) =	ssettag $0x0;
	lr =	simm.s32 $0x1  }
0x2: {  	[smem:$0x3F97] =	sst lr;
	_ =	strace $0xD0000000  }
0x3: {  	_ = 	snop  }
0x4: {  	_ = 	snop  }
0x5: {  	_ = 	snop  }
0x6: {  	_ = 	snop  }
0x7: {  	_ = 	snop  }
__scs_overlays_trampoline_lowered:
0x8: {  	[smem:$0x3FA6] =	sst s0  }
0x9: {  	[smem:$0x3FA7] =	sst s1  }
0xa: {  	[smem:$0x3FA8] =	sst s2  }
0xb: {  	[smem:$0x3FA9] =	sst s3  }
0xc: {  	[smem:$0x3FAA] =	sst s4  }
0xd: {  	[smem:$0x3FAB] =	sst s5  }
0xe: {  	[smem:$0x3FAC] =	sst s6  }
0xf: {  	[smem:$0x3FAD] =	sst s7  }
0x10: {  	[smem:$0x3FAE] =	sst s8  }
0x11: {  	[smem:$0x3FAF] =	sst s9;
	s0 =	simm.s32 @!p0 $0x0  }
0x12: {  	s1 =	sld [smem:$0x3F95];
	s0 =	simm.s32 @p0 $0x1  }
0x13: {  	[smem:$0x3FB0] =	sst s0;
	s0 =	simm.s32 @!p1 $0x0  }
0x14: {  	s2 =	sld [smem:$0x3F94];
	s0 =	simm.s32 @p1 $0x1  }
0x15: {  	[smem:$0x3FB1] =	sst s0;
	s0 =	simm.s32 @!p2 $0x0  }
0x16: {  	s3 =	sld [smem:$0x3FDB];
	s0 =	simm.s32 @p2 $0x1  }
0x17: {  	s4 =	simm.s32 $0x1BF5;
	[smem:$0x3FB3] =	sst s0  }
0x18: {  	s0 =	sld [smem:$0x3F96];
	_ =	swait.ge [sflag:s4], $0x0  }
0x19: {  	s7 =	sld [smem:$0x3F97]  }
0x1a: {  	s8 =	sadd.s32 $0xFFFFE003, lr  }
0x1b: {  	s9 =	sadd.s32 $0xFFFFFEF7, lr;
	s5 =	simm.s32 $0xFFFFFFFF;
	p2 =	slt.u32 s8, $0xFFFFF086  }
0x1c: {  	p1 =	slt.u32 s9, $0xF7A;
	s5 =	simm.s32 @!p2 $0x0  }
0x1d: {  	s5 =	simm.s32 @p1 $0x1;
	p0 =	seq.s32 s7, s2  }
0x1e: {  	s7 =	smul.u32 @!p0 $0xF7A, s2;
	p2 =	seq.s32 @!p0 s5, $0x0  }
0x1f: {  	s9 =	smul.u32 $0xF7A, s1;
	s8 =	simm.s32 @!p0 $0x1BF5;
	p2 =	por !p2, p0  }
0x20: {  	[sflag:s8] =	ssyncset.s32 @!p0 $0xFFFFF086;
	s6 =	sadd.s32 @!p0 s3, s7;
	s7 =	simm.s32 @!p0 $0x108  }
0x21: {  	s3 =	sadd.s32 s3, s9;
	s6 =	sadd.s32 @!p0 $0x88, s6;
	s7 =	simm.s32 @p2 $0x1082  }
0x22: {  	[simem:s7], [sflag:s8] =	dma.local @!p0 [hbm:s6], $0xF7A  }
0x23: {  	s9 =	sor.u32 $0xD0000000, s2;
	s6 =	simm.s32 $0x108;
	_ =	swait.ge @!p0 [sflag:s8], $0x0  }
0x24: {  	s3 =	sadd.s32 $0x88, s3;
	s6 =	simm.s32 @!p1 $0x1082;
	[sflag:s4] =	ssyncset.s32 $0xFFFFF086  }
0x25: {  	[simem:s6], [sflag:s4] =	dma.local [hbm:s3], $0xF7A  }
0x26: {  	[smem:$0x3F97] =	sst s1;
	(tag) =	ssettag s2;
	_ =	strace s9  }
0x27: {  	s1 =	sld [smem:$0x3FA7]  }
0x28: {  	s2 =	sld [smem:$0x3FA8]  }
0x29: {  	s4 =	sld [smem:$0x3FAA]  }
0x2a: {  	p0 =	seq.s32 s5, $0x0;
	s5 =	sld [smem:$0x3FAB]  }
0x2b: {  	s6 =	sld [smem:$0x3FAC]  }
0x2c: {  	s7 =	sld [smem:$0x3FAD]  }
0x2d: {  	s3 =	simm.s32 $0x108;
	s8 =	sld [smem:$0x3FAE]  }
0x2e: {  	s3 =	simm.s32 @!p0 $0x1082;
	s9 =	sld [smem:$0x3FAF]  }
0x2f: {  	lr =	sadd.s32 s0, s3;
	s0 =	sld [smem:$0x3FA6]  }
0x30: {  	s3 =	sld [smem:$0x3FA9]  }
0x31: {  	[smem:$0x3FB2] =	sst s10  }
0x32: {  	s10 =	sld [smem:$0x3FB0];
	_ =	sdelay $0x3  }
0x33: {  	p0 =	seq.s32 s10, $0x1;
	s10 =	sld [smem:$0x3FB2];
	_ =	sdelay $0x3  }
0x34: {  	[smem:$0x3FB2] =	sst s10  }
0x35: {  	s10 =	sld [smem:$0x3FB1];
	_ =	sdelay $0x3  }
0x36: {  	p1 =	seq.s32 s10, $0x1;
	s10 =	sld [smem:$0x3FB2];
	_ =	sdelay $0x3  }
0x37: {  	[smem:$0x3FB2] =	sst s10  }
0x38: {  	s10 =	sld [smem:$0x3FB3]  }
0x39: {  	_ = 	snop;
	(pc) =	sbr.ind lr, $3  }
0x3a: {  	_ = 	snop  }
0x3b: {  	_ = 	snop  }
0x3c: {  	p2 =	seq.s32 s10, $0x1;
	s10 =	sld [smem:$0x3FB2]  }
0x3d: {  	_ =	shalt  }
0x3e: {  	_ =	shalt  }
0x3f: {  	_ =	shalt  }
0x40: {  	_ =	shalt  }
0x41: {  	_ =	shalt  }
0x42: {  	_ =	shalt  }
0x43: {  	_ =	shalt  }
0x44: {  	_ =	shalt  }
0x45: {  	_ =	shalt  }
0x46: {  	_ =	shalt  }
0x47: {  	_ =	shalt  }
0x48: {  	_ =	shalt  }
0x49: {  	_ =	shalt  }
0x4a: {  	_ =	shalt  }
0x4b: {  	_ =	shalt  }
0x4c: {  	_ =	shalt  }
0x4d: {  	_ =	shalt  }
0x4e: {  	_ =	shalt  }
0x4f: {  	_ =	shalt  }
0x50: {  	_ =	shalt  }
0x51: {  	_ =	shalt  }
0x52: {  	_ =	shalt  }
0x53: {  	_ =	shalt  }
0x54: {  	_ =	shalt  }
0x55: {  	_ =	shalt  }
0x56: {  	_ =	shalt  }
0x57: {  	_ =	shalt  }
0x58: {  	_ =	shalt  }
0x59: {  	_ =	shalt  }
0x5a: {  	_ =	shalt  }
0x5b: {  	_ =	shalt  }
0x5c: {  	_ =	shalt  }
0x5d: {  	_ =	shalt  }
0x5e: {  	_ =	shalt  }
0x5f: {  	_ =	shalt  }
0x60: {  	_ =	shalt  }
0x61: {  	_ =	shalt  }
0x62: {  	_ =	shalt  }
0x63: {  	_ =	shalt  }
0x64: {  	_ =	shalt  }
0x65: {  	_ =	shalt  }
0x66: {  	_ =	shalt  }
0x67: {  	_ =	shalt  }
0x68: {  	_ =	shalt  }
0x69: {  	_ =	shalt  }
0x6a: {  	_ =	shalt  }
0x6b: {  	_ =	shalt  }
0x6c: {  	_ =	shalt  }
0x6d: {  	_ =	shalt  }
0x6e: {  	_ =	shalt  }
0x6f: {  	_ =	shalt  }
0x70: {  	_ =	shalt  }
0x71: {  	_ =	shalt  }
0x72: {  	_ =	shalt  }
0x73: {  	_ =	shalt  }
0x74: {  	_ =	shalt  }
0x75: {  	_ =	shalt  }
0x76: {  	_ =	shalt  }
0x77: {  	_ =	shalt  }
0x78: {  	_ =	shalt  }
0x79: {  	_ =	shalt  }
0x7a: {  	_ =	shalt  }
0x7b: {  	_ =	shalt  }
0x7c: {  	_ =	shalt  }
0x7d: {  	_ =	shalt  }
0x7e: {  	_ =	shalt  }
0x7f: {  	_ =	shalt  }
0x80: {  	_ =	shalt  }
0x81: {  	_ =	shalt  }
0x82: {  	_ =	shalt  }
0x83: {  	_ =	shalt  }
0x84: {  	_ =	shalt  }
0x85: {  	_ =	shalt  }
0x86: {  	_ =	shalt  }
0x87: {  	_ =	shalt  }
.Lfunc_end0:
.L_simem_size_0:
called_computation_lowered:
.L_overlay_start_0:
0x88: {  	s2 =	sld [smem:$0x3FD9]  }
0x89: {  	s3 =	sld [smem:$0x3FFE];
	_ =	sdelay $0x1  }
0x8a: {  	s1 =	srdreg.scid  }
0x8b: {  	s0 =	sand.u32 $0x1, s1  }
0x8c: {  	s14 =	sshll.u32 s0, $0xA;
	s2 =	sadd.s32 s3, s2  }
0x8d: {  	s2 =	sadd.s32 s2, s14  }
0x8e: {  	[smem:$0x3FBE] =	sst s2  }
0x8f: {  	_ = 	snop  }
0x90: {  	s2 =	sld [smem:$0x3FD0];
	_ =	sdelay $0x2  }
0x91: {  	s4 =	simm.s32 $0xA;
	s5 =	simm.s32 $0x10;
	s15 =	sld [smem:$0x3FC7]  }
0x92: {  	[smem:s5], [sflag:s4] =	dma.local [hbm:s2], $0x1  }
0x93: {  	_ =	swait.eq [sflag:s4], $0x1  }
0x94: {  	[sflag:s4] =	ssyncset.done $0x0  }
0x95: {  	[sflag:s4] =	ssyncadd.s32 $0xFFFFFFFF  }
0x96: {  	s16 =	sld [smem:$0x10];
	(tm) =	ssettm $0x1  }
0x97: {  	s17 =	sld [smem:$0x3FFB];
	_ =	sdelay $0x3  }
0x98: {  	_ =	strace s17  }
0x99: {  	s4 =	sld [smem:$0x3FFC];
	_ =	sdelay $0x3  }
0x9a: {  	_ =	strace s4  }
0x9b: {  	s4 =	sld [smem:$0x3FFD];
	_ =	sdelay $0x3  }
0x9c: {  	_ =	strace s4  }
0x9d: {  	_ =	strace $0x8FFFFFFF  }
0x9e: {  	s18 =	sld [smem:$0x3FDB];
	_ =	sdelay $0x1  }
0x9f: {  	s19 =	simm.s32 $_scs_section_size  }
0xa0: {  	s6 =	simm.s32 $_size__tile_overlayer_lowered;
	s7 =	simm.s32 $_tile_overlayer_lowered  }
0xa1: {  	s22 =	simm.s32 $0x1BFF;
	s21 =	sshll.u32 s7, $0x1;
	s4 =	sadd.s32 s19, s18  }
0xa2: {  	s8 =	simm.s32 $0x0;
	s20 =	sshll.u32 s6, $0x1;
	s6 =	sadd.s32 s21, s4  }
0xa3: {  	[timem:s8], [sflag:s22] =	dma.local [hbm:s6], s20  }
0xa4: {  	_ =	swait.ge [sflag:s22], s20  }
0xa5: {  	s5 =	ssub.s32 $0x0, s20;
	[sflag:s22] =	ssyncset.done $0x0  }
0xa6: {  	[sflag:s22] =	ssyncadd.s32 s5;
	_ =	sdelay $0x1  }
0xa7: {  	s23 =	simm.s32 $0x1B8B  }
0xa8: {  	_ =	swait.ge [sflag:s23], $0x1  }
0xa9: {  	[sflag:s23] =	ssyncset.done $0x0  }
0xaa: {  	s25 =	simm.s32 $0x1B8E;
	s24 =	sld [smem:$0x3FFE];
	[sflag:s23] =	ssyncadd.s32 $0xFFFFFFFF  }
0xab: {  	s26 =	simm.s32 $execute0_lowered;
	[smem:$0x3FD2] =	sst s25  }
0xac: {  	s6 =	sshll.u32 s26, $0x1;
	_ =	strace $0x80000046;
	[dreg:$0x1] =	wrdreg $0xFFFFFFFF  }
0xad: {  	s28 =	simm.s32 $_size_execute0_lowered;
	s4 =	sadd.s32 s4, s6;
	[dreg:$0x0] =	wrdreg $0x0  }
0xae: {  	s6 =	sshll.u32 s28, $0x1;
	[dreg:$0x2] =	wrdreg s4  }
0xaf: {  	[dreg:$0x3] =	wrdreg s6  }
0xb0: {  	[dreg:$0x4] =	wrdreg $0xC0  }
0xb1: {  	_ =	task [dreg:s8], $0x5FFFF  }
0xb2: {  	[dreg:$0x1] =	wrdreg $0xFFFFFFFF  }
0xb3: {  	[dreg:$0x0] =	wrdreg $0x60  }
0xb4: {  	[dreg:$0x2] =	wrdreg s16  }
0xb5: {  	[dreg:$0x3] =	wrdreg s24  }
0xb6: {  	[dreg:$0x4] =	wrdreg s15  }
0xb7: {  	[dreg:$0x5] =	wrdreg $0x115300  }
0xb8: {  	[dreg:$0x6] =	wrdreg $0x9  }
0xb9: {  	_ =	task.clear_ibuf [dreg:s8], $0x7FFFF;
	_ =	strace $0x90000046  }
0xba: {  	s29 =	simm.s32 $0x9;
	_ =	strace $0x80000048  }
0xbb: {  	_ =	swait.ge [sflag:s29], $0x1  }
0xbc: {  	[sflag:s29] =	ssyncadd.s32 $0xFFFFFFFF  }
0xbd: {  	_ =	strace $0x90000048  }
0xbe: {  	_ =	sfence  }
0xbf: {  	s30 =	sld [smem:$0x0];
	_ =	sdelay $0x2  }
0xc0: {  	s31 =	sshll.u32 s1, $0xD;
	s1 =	sshrl.u32 s1, $0x2  }
0xc1: {  	s3 =	sand.u32 $0x4000, s31;
	s1 =	sadd.s32 s1, s30  }
0xc2: {  	s0 =	sor.u32 s3, s0;
	s1 =	sshll.u32 s1, $0x11  }
0xc3: {  	s0 =	sor.u32 s1, s0  }
0xc4: {  	s0 =	sadd.s32 $0x8F2B, s0  }
0xc5: {  	[sflag:s0] =	ssyncadd.remote.s32 $0x1  }
0xc6: {  	_ =	sfence.sel $0xFFFF  }
0xc7: {  	[dreg:$0x0] =	wrdreg $0xFFFFFFFF;
	(pc) =	sbr.abs _section_cstart, $3  }
0xc8: {  	[dreg:$0x1] =	wrdreg $0xFFFFFFFF  }
0xc9: {  	_ =	task.clear_ibuf [dreg:s8], $0x2FFFF;
	_ =	strace $0x9FFFFFFF  }
0xca: {  	(tm) =	ssettm $0x7FFFFFFF  }
0xcb: {  	_ =	shalt  }
tec
execute0_lowered:
.L_overlay_start_1:
0x0: {  	(tag) =	ssettag $0x1  }
0x1: {  	s0 =	rddreg [dreg:$0x0]  }
0x2: {  	s1 =	rddreg [dreg:$0x1]  }
0x3: {  	s2 =	srdreg.scid;
	s4 =	rddreg [dreg:$0x2]  }
0x4: {  	s3 =	rddreg [dreg:$0x3];
	s9 =	stileid.u32;
	s6 =	simm.s32 $0x0  }
0x5: {  	s18 =	simm.s32 $0x4E20;
	s19 =	simm.s32 $0x7530;
	s11 =	simm.s32 $0xA  }
0x6: {  	s31 =	simm.s32 $0x2;
	s2 =	sand.u32 $0x1, s2;
	s13 =	smul.u32 $0x28000, s9  }
0x7: {  	s29 =	simm.s32 $0x3;
	s15 =	smul.u32 $0xA000, s9;
	s5 =	sshll.u32 s2, $0x4  }
0x8: {  	s7 =	smul.u32 $0x14000, s2;
	s2 =	ssub.s32 $0x2, s2;
	s5 =	sor.u32 s9, s5  }
0x9: {  	s28 =	simm.s32 $0x10130;
	s8 =	sshrl.u32 s2, $0x1;
	s12 =	smul.u32 $0x2710, s5  }
0xa: {  	[smem:$0x7FF] =	sst s6;
	s5 =	smul.u32 $0x4E2, s5;
	s2 =	ssub.s32 s2, s8  }
0xb: {  	_ =	strace $0x80000047;
	s16 =	sshrl.u32 s13, $0x2;
	s2 =	smax.u32 s2, $0x1  }
0xc: {  	s6 =	sshrl.u32 s12, $0x3;
	s4 =	sadd.s32 s4, s5;
	[dreg:$0x9] =	wrdreg s2  }
0xd: {  	s6 =	sadd.s32 s6, s1;
	[dreg:$0x7] =	wrdreg s4;
	s4 =	sadd.s32 s16, s3  }
0xe: {  	s17 =	sshrl.u32 s15, $0x3;
	s14 =	sadd.s32 $0x1E00, s6;
	[dreg:$0x8] =	wrdreg s4  }
0xf: {  	s9 =	simm.s32 $0x9;
	s6 =	sadd.s32 $0xBA40, s6;
	[dreg:$0x5] =	wrdreg s14  }
0x10: {  	s2 =	simm.s32 $0x4;
	s20 =	sadd.s32 $0x1400, s4;
	[dreg:$0x6] =	wrdreg s6  }
0x11: {  	s5 =	simm.s32 $0x6;
	s21 =	sadd.s32 $0x2800, s4;
	[dreg:$0xa] =	wrdreg s20  }
0x12: {  	s1 =	sadd.s32 s7, s1;
	s22 =	sadd.s32 $0x3C00, s4;
	[dreg:$0xb] =	wrdreg s21  }
0x13: {  	s16 =	simm.s32 $0x8930;
	s23 =	sadd.s32 $0x5000, s4;
	[dreg:$0xc] =	wrdreg s22  }
0x14: {  	s7 =	simm.s32 $0x8;
	s24 =	sadd.s32 $0x6400, s4;
	[dreg:$0xd] =	wrdreg s23  }
0x15: {  	s1 =	sadd.s32 $0x15800, s1;
	s25 =	sadd.s32 $0x7800, s4;
	[dreg:$0xe] =	wrdreg s24  }
0x16: {  	s26 =	sadd.s32 $0x8C00, s4;
	s4 =	simm.s32 $0x0;
	[dreg:$0xf] =	wrdreg s25  }
0x17: {  	s6 =	sadd.s32 s15, s3;
	[dreg:$0x10] =	wrdreg s26;
	s15 =	simm.s32 $0x2710  }
0x18: {  	s22 =	simm.s32 $0x50;
	s1 =	sadd.s32 s17, s1;
	s17 =	simm.s32 $0x9D30  }
0x19: {  	s26 =	simm.s32 $0xC530;
	[dreg:$0x11] =	wrdreg s1;
	s30 =	sshrl.u32 s6, $0x3  }
0x1a: {  	v0 =	vimm.f32 $0.0e+00;
	s24 =	simm.s32 $0x5;
	s6 =	simm.s32 $0x7;
	[dreg:$0x12] =	wrdreg s30  }
.LBB2_1:
0x1b: {  	[dreg:$0x13] =	wrdreg s4  }
0x1c: {  	s1 =	simm.s32 $0x0;
	s23 =	rddreg [dreg:$0x5]  }
0x1d: {  	[tilespmem:s1], [sflag:$0x1] =	stream.linear.gather [hbm4b:s23+s1], $0x2710, $0x38;
	[tilespmem:$0x1B530] =	vst v63  }
0x1e: {  	s25 =	rddreg [dreg:$0x6]  }
0x1f: {  	[tilespmem:s15], [sflag:$0x1] =	stream.linear.gather [hbm4b:s25+s1], $0x2710, $0x38;
	[tilespmem:$0x1B530] =	vst v63  }
0x20: {  	s30 =	rddreg [dreg:$0x7];
	s8 =	simm.s32 $0x100;
	s4 =	simm.s32 $0x0  }
0x21: {  	[tilespmem:s18], [sflag:$0x1] =	stream.linear.gather [hbm4b:s30+s1], $0x2710, $0x38;
	[tilespmem:$0x1B530] =	vst v63  }
.LBB2_2:
0x22: {  	p0 =	sne.s32 s8, $0x4F00;
	[tilespmem:s4+$0x7560] =	vst v0;
	s10 =	smov.u32 s8;
	s8 =	sadd.s32 $0x100, s8  }
.Ltmp0:
0x23: {  	[tilespmem:s4+$0x7550] =	vst v0;
	(pc) =	sbr.rel @p0 .LBB2_2-.Ltmp0, $3  }
0x24: {  	[tilespmem:s4+$0x7530] =	vst v0  }
0x25: {  	[tilespmem:s4+$0x7540] =	vst v0;
	_ =	sdelay $0x1  }
0x26: {  	s4 =	sshra.s32 s10, $0x2  }
0x27: {  	[tilespmem:s4+$0x7560] =	vst v0  }
0x28: {  	[tilespmem:s4+$0x7550] =	vst v0  }
0x29: {  	[tilespmem:s4+$0x7530] =	vst v0  }
0x2a: {  	[tilespmem:s4+$0x7540] =	vst v0;
	s1 =	rddreg [dreg:$0x8]  }
0x2b: {  	[spmem:s1] =	stream.linear.scatter [tilespmem:s19], [sflag:$0xA], $0x1400, $0x38;
	[tilespmem:$0x1B530] =	vst v63  }
0x2c: {  	_ =	swait.ge [sflag:s11], $0x1400  }
0x2d: {  	[sflag:s11] =	ssyncset.done $0x0  }
0x2e: {  	s4 =	rddreg [dreg:$0xa];
	[sflag:s11] =	ssyncadd.s32 $0xFFFFEC00  }
0x2f: {  	[spmem:s4] =	stream.linear.scatter [tilespmem:s19], [sflag:$0xA], $0x1400, $0x38;
	[tilespmem:$0x1B530] =	vst v63  }
0x30: {  	_ =	swait.ge [sflag:s11], $0x1400  }
0x31: {  	[sflag:s11] =	ssyncset.done $0x0  }
0x32: {  	s8 =	rddreg [dreg:$0xb];
	[sflag:s11] =	ssyncadd.s32 $0xFFFFEC00  }
0x33: {  	[spmem:s8] =	stream.linear.scatter [tilespmem:s19], [sflag:$0xA], $0x1400, $0x38;
	[tilespmem:$0x1B530] =	vst v63  }
0x34: {  	_ =	swait.ge [sflag:s11], $0x1400  }
0x35: {  	[sflag:s11] =	ssyncset.done $0x0  }
0x36: {  	s10 =	rddreg [dreg:$0xc];
	[sflag:s11] =	ssyncadd.s32 $0xFFFFEC00  }
0x37: {  	[spmem:s10] =	stream.linear.scatter [tilespmem:s19], [sflag:$0xA], $0x1400, $0x38;
	[tilespmem:$0x1B530] =	vst v63  }
0x38: {  	_ =	swait.ge [sflag:s11], $0x1400  }
0x39: {  	[sflag:s11] =	ssyncset.done $0x0  }
0x3a: {  	s12 =	rddreg [dreg:$0xd];
	[sflag:s11] =	ssyncadd.s32 $0xFFFFEC00  }
0x3b: {  	[spmem:s12] =	stream.linear.scatter [tilespmem:s19], [sflag:$0xA], $0x1400, $0x38;
	[tilespmem:$0x1B530] =	vst v63  }
0x3c: {  	_ =	swait.ge [sflag:s11], $0x1400  }
0x3d: {  	[sflag:s11] =	ssyncset.done $0x0  }
0x3e: {  	s13 =	rddreg [dreg:$0xe];
	[sflag:s11] =	ssyncadd.s32 $0xFFFFEC00  }
0x3f: {  	[spmem:s13] =	stream.linear.scatter [tilespmem:s19], [sflag:$0xA], $0x1400, $0x38;
	[tilespmem:$0x1B530] =	vst v63  }
0x40: {  	_ =	swait.ge [sflag:s11], $0x1400  }
0x41: {  	[sflag:s11] =	ssyncset.done $0x0  }
0x42: {  	s14 =	rddreg [dreg:$0xf];
	[sflag:s11] =	ssyncadd.s32 $0xFFFFEC00  }
0x43: {  	[spmem:s14] =	stream.linear.scatter [tilespmem:s19], [sflag:$0xA], $0x1400, $0x38;
	[tilespmem:$0x1B530] =	vst v63  }
0x44: {  	_ =	swait.ge [sflag:s11], $0x1400  }
0x45: {  	[sflag:s11] =	ssyncset.done $0x0  }
0x46: {  	s20 =	rddreg [dreg:$0x10];
	[sflag:s11] =	ssyncadd.s32 $0xFFFFEC00  }
0x47: {  	[spmem:s20] =	stream.linear.scatter [tilespmem:s19], [sflag:$0xA], $0x1400, $0x38;
	[tilespmem:$0x1B530] =	vst v63  }
0x48: {  	_ =	swait.ge [sflag:s11], $0x1400  }
0x49: {  	[sflag:s11] =	ssyncset.done $0x0  }
0x4a: {  	s21 =	simm.s32 $0x1;
	[sflag:s11] =	ssyncadd.s32 $0xFFFFEC00  }
0x4b: {  	_ =	swait.ge [sflag:s21], $0x2710  }
0x4c: {  	[sflag:s21] =	ssyncset.done $0x0  }
0x4d: {  	[sflag:s21] =	ssyncadd.s32 $0xFFFFD8F0  }
0x4e: {  	_ =	swait.ge [sflag:s21], $0x2710  }
0x4f: {  	[sflag:s21] =	ssyncset.done $0x0  }
0x50: {  	[sflag:s21] =	ssyncadd.s32 $0xFFFFD8F0  }
0x51: {  	_ =	swait.ge [sflag:s21], $0x2710  }
0x52: {  	[sflag:s21] =	ssyncset.done $0x0  }
0x53: {  	[sflag:s21] =	ssyncadd.s32 $0xFFFFD8F0  }
0x54: {  	s23 =	simm.s32 $0x0;
	[bflag:$0x0] =	sbarrier.arrive $0xFFFF  }
0x55: {  	[tilespmem:s19], [sflag:$0x2] =	stream.indirect.gather [hbm4b:s0+s22], $0x40, s23, s22, $0xb8;
	[tilespmem:$0x1B530] =	vst v63  }
0x56: {  	s25 =	simm.s32 $0x1  }
0x57: {  	v1 =	vmov s23;
	[tilespmem:s16], [sflag:$0x3] =	stream.indirect.gather [hbm4b:s0+s22], $0x40, s22, s22, $0xb8;
	[tilespmem:$0x1B530] =	vst v63  }
0x58: {  	s30 =	simm.s32 $0x2;
	v2 =	vmov s25;
	v1 =	vand.u32 $0xFFFFFFFC, v1;
	s8 =	simm.s32 $0xA0  }
0x59: {  	v3 =	vmov s30;
	v2 =	vand.u32 $0xFFFFFFFD, v2;
	v1 =	vbroadcast v1, $0x0;
	[tilespmem:s17], [sflag:$0x4] =	stream.indirect.gather [hbm4b:s0+s22], $0x40, s8, s22, $0xb8;
	[tilespmem:$0x1B530] =	vst v63  }
0x5a: {  	v3 =	vand.u32 $0xFFFFFFFE, v3;
	v2 =	vbroadcast v2, $0x0;
	s10 =	simm.s32 $0xF0;
	s11 =	simm.s32 $0xB130  }
0x5b: {  	v3 =	vbroadcast v3, $0x0;
	[tilespmem:s11], [sflag:$0x5] =	stream.indirect.gather [hbm4b:s0+s22], $0x40, s10, s22, $0xb8;
	[tilespmem:$0x1B530] =	vst v63  }
0x5c: {  	_ =	swait.ge [sflag:s31], $0x1400  }
0x5d: {  	[sflag:s31] =	ssyncset.done $0x0  }
0x5e: {  	[sflag:s31] =	ssyncadd.s32 $0xFFFFEC00  }
0x5f: {  	s12 =	simm.s32 $0x3;
	v6 =	vld.idx.msk [tilespmem:v1+s18+$0x0], $0xffff  }
0x60: {  	v1 =	vmov s12;
	v7 =	vld.idx.msk [tilespmem:v2+s18+$0x0], $0xffff  }
0x61: {  	s14 =	simm.s32 $0x75B0;
	v10 =	vld.idx.msk [tilespmem:v3+s18+$0x0], $0xffff  }
0x62: {  	v2 =	vld [tilespmem:s14+$0x0]  }
0x63: {  	v4 =	vld [tilespmem:s14+$0xFFFFFF80]  }
0x64: {  	v5 =	vld [tilespmem:s14+$0xFFFFFFC0]  }
0x65: {  	v3 =	vld.idx.msk [tilespmem:v1+s18+$0x0], $0xffff  }
0x66: {  	v1 =	vld [tilespmem:s14+$0x40]  }
0x67: {  	s13 =	simm.s32 $0x4;
	v2 =	vmul.f32 v2, v10  }
0x68: {  	v8 =	vmov s13;
	s20 =	simm.s32 $0x5;
	s11 =	simm.s32 $0xC5B0;
	v4 =	vmul.f32 v4, v6  }
0x69: {  	v8 =	vand.u32 $0xFFFFFFFC, v8;
	v9 =	vmov s20;
	s8 =	simm.s32 $0x7;
	v5 =	vmul.f32 v5, v7;
	[tilespmem:s11+$0x0] =	vst v2  }
0x6a: {  	v8 =	vbroadcast v8, $0x0;
	v9 =	vand.u32 $0xFFFFFFFD, v9;
	v2 =	vmov s8;
	[tilespmem:s11+$0xFFFFFF80] =	vst v4;
	v4 =	vld [tilespmem:s14+$0x10]  }
0x6b: {  	v9 =	vbroadcast v9, $0x0;
	[tilespmem:s11+$0xFFFFFFC0] =	vst v5;
	v11 =	vld [tilespmem:s14+$0xFFFFFF90];
	v1 =	vmul.f32 v1, v3  }
0x6c: {  	s12 =	simm.s32 $0x76B0;
	v12 =	vld [tilespmem:s14+$0xFFFFFFD0]  }
0x6d: {  	s21 =	simm.s32 $0x6;
	v15 =	vld [tilespmem:s12+$0xFFFFFFC0];
	[tilespmem:s11+$0x40] =	vst v1  }
0x6e: {  	v1 =	vmov s21;
	v13 =	vld [tilespmem:s14+$0x50]  }
0x6f: {  	v5 =	vand.u32 $0xFFFFFFFE, v1;
	v1 =	vld.idx.msk [tilespmem:v2+s18+$0x0], $0xffff;
	v4 =	vmul.f32 v4, v10  }
0x70: {  	v2 =	vld.idx.msk [tilespmem:v8+s18+$0x0], $0xffff;
	v8 =	vmul.f32 v11, v6;
	v14 =	vbroadcast v5, $0x0  }
0x71: {  	v5 =	vld.idx.msk [tilespmem:v9+s18+$0x0], $0xffff;
	v9 =	vmul.f32 v12, v7;
	[tilespmem:s11+$0x10] =	vst v4  }
0x72: {  	[tilespmem:s11+$0xFFFFFF90] =	vst v8;
	v8 =	vld [tilespmem:s14+$0x20]  }
0x73: {  	v12 =	vld [tilespmem:s12+$0x0];
	[tilespmem:s11+$0xFFFFFFD0] =	vst v9  }
0x74: {  	v9 =	vld [tilespmem:s14+$0xFFFFFFE0]  }
0x75: {  	v11 =	vld [tilespmem:s14+$0xFFFFFFA0]  }
0x76: {  	v13 =	vmul.f32 v13, v3;
	v4 =	vld.idx.msk [tilespmem:v14+s18+$0x0], $0xffff  }
0x77: {  	v14 =	vld [tilespmem:s12+$0xFFFFFF80];
	v8 =	vmul.f32 v8, v10  }
0x78: {  	v15 =	vmul.f32 v15, v5;
	[tilespmem:s11+$0x50] =	vst v13  }
0x79: {  	s13 =	simm.s32 $0xC6B0;
	v16 =	vld [tilespmem:s12+$0x40];
	v9 =	vmul.f32 v9, v7;
	[tilespmem:s11+$0x20] =	vst v8  }
0x7a: {  	[tilespmem:s13+$0xFFFFFFC0] =	vst v15;
	v8 =	vmul.f32 v11, v6;
	v17 =	vld [tilespmem:s14+$0x30]  }
0x7b: {  	s23 =	simm.s32 $0x8;
	v18 =	vld [tilespmem:s14+$0x60];
	[tilespmem:s11+$0xFFFFFFE0] =	vst v9;
	v11 =	vmul.f32 v12, v4  }
0x7c: {  	s25 =	simm.s32 $0x9;
	s30 =	simm.s32 $0xB;
	[tilespmem:s11+$0xFFFFFFA0] =	vst v8;
	v8 =	vmul.f32 v14, v2;
	v9 =	vld [tilespmem:s14+$0xFFFFFFF0];
	v12 =	vmov s23  }
0x7d: {  	v13 =	vmov s25;
	v15 =	vmov s30;
	v14 =	vand.u32 $0xFFFFFFFC, v12;
	[tilespmem:s13+$0x0] =	vst v11;
	v11 =	vld [tilespmem:s14+$0xFFFFFFB0]  }
0x7e: {  	v20 =	vmul.f32 v16, v1;
	v19 =	vand.u32 $0xFFFFFFFD, v13;
	[tilespmem:s13+$0xFFFFFF80] =	vst v8;
	v13 =	vbroadcast v14, $0x0;
	v12 =	vld [tilespmem:s12+$0x10]  }
0x7f: {  	v14 =	vbroadcast v19, $0x0;
	v8 =	vld [tilespmem:s12+$0xFFFFFF90];
	v16 =	vmul.f32 v17, v10  }
0x80: {  	s4 =	simm.s32 $0xC;
	s8 =	simm.s32 $0xA;
	[tilespmem:s13+$0x40] =	vst v20;
	v10 =	vld [tilespmem:s12+$0xFFFFFFD0];
	v17 =	vmul.f32 v18, v3  }
.LBB2_4:
0x81: {  	p0 =	slt.u32 s4, $0x4C;
	v18 =	vmov s8;
	v19 =	vld [tilespmem:s12+$0x50];
	v9 =	vmul.f32 v9, v7;
	[tilespmem:s11+$0x30] =	vst v16;
	v7 =	vmov v5  }
0x82: {  	v5 =	vand.u32 $0xFFFFFFFE, v18;
	v15 =	vld.idx.msk [tilespmem:v15+s18+$0x0], $0xffff;
	v11 =	vmul.f32 v11, v6;
	[tilespmem:s11+$0x60] =	vst v17;
	v6 =	vmov v2  }
0x83: {  	v16 =	vbroadcast v5, $0x0;
	v12 =	vmul.f32 v12, v4;
	[tilespmem:s11+$0xFFFFFFF0] =	vst v9;
	v9 =	vld [tilespmem:s14+$0x70];
	s14 =	smov.u32 s12  }
0x84: {  	v2 =	vld.idx.msk [tilespmem:v13+s18+$0x0], $0xffff;
	v8 =	vmul.f32 v8, v6;
	[tilespmem:s11+$0xFFFFFFB0] =	vst v11  }
0x85: {  	v5 =	vld.idx.msk [tilespmem:v14+s18+$0x0], $0xffff;
	v10 =	vmul.f32 v10, v7;
	[tilespmem:s13+$0x10] =	vst v12  }
0x86: {  	[tilespmem:s13+$0xFFFFFF90] =	vst v8;
	v8 =	vld [tilespmem:s12+$0x20];
	v11 =	vmul.f32 v19, v1  }
0x87: {  	v12 =	vld [tilespmem:s12+$0xFFFFFFA0];
	[tilespmem:s13+$0xFFFFFFD0] =	vst v10  }
0x88: {  	v10 =	vld [tilespmem:s12+$0xFFFFFFE0];
	[tilespmem:s13+$0x50] =	vst v11;
	v9 =	vmul.f32 v9, v3;
	v3 =	vmov v1;
	v1 =	vmov v15  }
0x89: {  	s12 =	sadd.s32 $0x100, s12;
	v17 =	vld.idx.msk [tilespmem:v16+s18+$0x0], $0xffff  }
0x8a: {  	v11 =	vld [tilespmem:s12+$0x0];
	[tilespmem:s11+$0x70] =	vst v9;
	s11 =	smov.u32 s13  }
0x8b: {  	v9 =	vld [tilespmem:s12+$0xFFFFFF80];
	v8 =	vmul.f32 v8, v4  }
0x8c: {  	v13 =	vld [tilespmem:s12+$0xFFFFFFC0];
	v12 =	vmul.f32 v12, v6  }
0x8d: {  	v14 =	vld [tilespmem:s12+$0x40];
	v10 =	vmul.f32 v10, v7;
	[tilespmem:s13+$0x20] =	vst v8  }
0x8e: {  	[tilespmem:s13+$0xFFFFFFA0] =	vst v12;
	v16 =	vld [tilespmem:s14+$0x30]  }
0x8f: {  	s8 =	sadd.s32 $0x3, s4;
	v8 =	vmul.f32 v11, v17;
	[tilespmem:s13+$0xFFFFFFE0] =	vst v10;
	v18 =	vld [tilespmem:s14+$0x60]  }
.Ltmp1:
0x90: {  	s10 =	sadd.s32 $0x1, s4;
	v15 =	vmov s8;
	v10 =	vmov s4;
	s13 =	sadd.s32 $0x100, s13;
	v12 =	vmul.f32 v9, v2;
	v9 =	vld [tilespmem:s14+$0xFFFFFFF0];
	(pc) =	sbr.rel @p0 .LBB2_4-.Ltmp1, $4  }
0x91: {  	v19 =	vmov s10;
	v10 =	vand.u32 $0xFFFFFFFC, v10;
	v20 =	vmul.f32 v13, v5;
	[tilespmem:s13+$0x0] =	vst v8;
	v11 =	vld [tilespmem:s14+$0xFFFFFFB0]  }
0x92: {  	v13 =	vbroadcast v10, $0x0;
	v8 =	vand.u32 $0xFFFFFFFD, v19;
	[tilespmem:s13+$0xFFFFFF80] =	vst v12;
	v12 =	vld [tilespmem:s12+$0x10];
	v19 =	vmul.f32 v14, v1  }
0x93: {  	v14 =	vbroadcast v8, $0x0;
	v8 =	vld [tilespmem:s12+$0xFFFFFF90];
	[tilespmem:s13+$0xFFFFFFC0] =	vst v20;
	v16 =	vmul.f32 v16, v4;
	v4 =	vmov v17  }
0x94: {  	s8 =	sadd.s32 $0x2, s4;
	s4 =	sadd.s32 $0x4, s4;
	v10 =	vld [tilespmem:s12+$0xFFFFFFD0];
	[tilespmem:s13+$0x40] =	vst v19;
	v17 =	vmul.f32 v18, v3  }
0x95: {  	_ =	sdelay $0x2  }
0x96: {  	v18 =	vmov s8  }
0x97: {  	v15 =	vld.idx.msk [tilespmem:v15+s18+$0x0], $0xffff;
	v18 =	vand.u32 $0xFFFFFFFE, v18  }
0x98: {  	v13 =	vld.idx.msk [tilespmem:v13+s18+$0x0], $0xffff;
	v18 =	vbroadcast v18, $0x0  }
0x99: {  	v14 =	vld.idx.msk [tilespmem:v14+s18+$0x0], $0xffff;
	s4 =	sadd.s32 $0x100, s12  }
0x9a: {  	v19 =	vld [tilespmem:s4+$0x0]  }
0x9b: {  	v20 =	vld [tilespmem:s4+$0xFFFFFFC0]  }
0x9c: {  	v6 =	vmul.f32 v11, v6;
	v11 =	vld [tilespmem:s4+$0x40]  }
0x9d: {  	v7 =	vmul.f32 v9, v7;
	v9 =	vld [tilespmem:s4+$0xFFFFFF80]  }
0x9e: {  	[tilespmem:s11+$0x60] =	vst v17;
	v12 =	vmul.f32 v12, v4;
	v18 =	vld.idx.msk [tilespmem:v18+s18+$0x0], $0xffff  }
0x9f: {  	[tilespmem:s11+$0xFFFFFFF0] =	vst v7  }
0xa0: {  	[tilespmem:s13+$0x10] =	vst v12;
	v12 =	vmul.f32 v20, v14  }
0xa1: {  	s10 =	sadd.s32 $0x100, s13;
	v7 =	vld [tilespmem:s12+$0x50];
	[tilespmem:s11+$0xFFFFFFB0] =	vst v6;
	v11 =	vmul.f32 v11, v15  }
0xa2: {  	v63 =	vld [tilespmem:s14+$0x70];
	v9 =	vmul.f32 v9, v13;
	[tilespmem:s10+$0xFFFFFFC0] =	vst v12  }
0xa3: {  	[tilespmem:s10+$0x40] =	vst v11;
	v11 =	vld [tilespmem:s12+$0x20];
	v6 =	vmul.f32 v19, v18  }
0xa4: {  	[tilespmem:s10+$0xFFFFFF80] =	vst v9;
	v9 =	vld [tilespmem:s4+$0xFFFFFFD0]  }
0xa5: {  	v8 =	vmul.f32 v8, v2;
	v12 =	vld [tilespmem:s4+$0xFFFFFF90];
	[tilespmem:s10+$0x0] =	vst v6  }
0xa6: {  	v10 =	vmul.f32 v10, v5;
	v6 =	vld [tilespmem:s4+$0x10]  }
0xa7: {  	[tilespmem:s13+$0xFFFFFF90] =	vst v8;
	v3 =	vmul.f32 v63, v3;
	v8 =	vld [tilespmem:s4+$0x50]  }
0xa8: {  	[tilespmem:s13+$0xFFFFFFD0] =	vst v10;
	v7 =	vmul.f32 v7, v1  }
0xa9: {  	v10 =	vld [tilespmem:s12+$0xFFFFFFE0];
	[tilespmem:s11+$0x70] =	vst v3;
	v3 =	vmul.f32 v9, v14  }
0xaa: {  	[tilespmem:s13+$0x50] =	vst v7;
	v7 =	vld [tilespmem:s12+$0xFFFFFFA0];
	v12 =	vmul.f32 v12, v13  }
0xab: {  	v9 =	vld [tilespmem:s12+$0x60];
	[tilespmem:s10+$0xFFFFFFD0] =	vst v3;
	v6 =	vmul.f32 v6, v18  }
0xac: {  	v8 =	vmul.f32 v8, v15;
	v3 =	vmul.f32 v11, v4;
	[tilespmem:s10+$0xFFFFFF90] =	vst v12;
	v11 =	vld [tilespmem:s4+$0xFFFFFFE0]  }
0xad: {  	v12 =	vld [tilespmem:s4+$0xFFFFFFA0];
	[tilespmem:s10+$0x10] =	vst v6  }
0xae: {  	v10 =	vmul.f32 v10, v5;
	[tilespmem:s10+$0x50] =	vst v8;
	v6 =	vld [tilespmem:s4+$0x20]  }
0xaf: {  	v7 =	vmul.f32 v7, v2;
	[tilespmem:s13+$0x20] =	vst v3;
	v3 =	vld [tilespmem:s4+$0x60]  }
0xb0: {  	[tilespmem:s13+$0xFFFFFFE0] =	vst v10;
	v8 =	vld [tilespmem:s12+$0x30];
	v9 =	vmul.f32 v9, v1  }
0xb1: {  	[tilespmem:s13+$0xFFFFFFA0] =	vst v7;
	v7 =	vld [tilespmem:s12+$0xFFFFFFF0]  }
0xb2: {  	v10 =	vld [tilespmem:s12+$0xFFFFFFB0];
	[tilespmem:s13+$0x60] =	vst v9;
	v9 =	vmul.f32 v11, v14  }
0xb3: {  	[tilespmem:s11+$0x30] =	vst v16;
	v11 =	vld [tilespmem:s12+$0x70];
	v6 =	vmul.f32 v6, v18  }
0xb4: {  	v3 =	vmul.f32 v3, v15;
	[tilespmem:s10+$0xFFFFFFE0] =	vst v9  }
0xb5: {  	v12 =	vmul.f32 v12, v13;
	v4 =	vmul.f32 v8, v4;
	v8 =	vld [tilespmem:s4+$0xFFFFFFF0];
	[tilespmem:s10+$0x20] =	vst v6  }
0xb6: {  	v5 =	vmul.f32 v7, v5;
	[tilespmem:s10+$0x60] =	vst v3;
	v6 =	vld [tilespmem:s4+$0x30]  }
0xb7: {  	v2 =	vmul.f32 v10, v2;
	[tilespmem:s10+$0xFFFFFFA0] =	vst v12;
	v3 =	vld [tilespmem:s4+$0x70]  }
0xb8: {  	[tilespmem:s13+$0xFFFFFFF0] =	vst v5;
	v7 =	vld [tilespmem:s4+$0xFFFFFFB0];
	v1 =	vmul.f32 v11, v1  }
0xb9: {  	[tilespmem:s13+$0xFFFFFFB0] =	vst v2  }
0xba: {  	[tilespmem:s13+$0x70] =	vst v1;
	v1 =	vmul.f32 v8, v14  }
0xbb: {  	[tilespmem:s13+$0x30] =	vst v4;
	v2 =	vmul.f32 v6, v18  }
0xbc: {  	[tilespmem:s10+$0xFFFFFFF0] =	vst v1;
	v1 =	vmul.f32 v3, v15  }
0xbd: {  	s20 =	simm.s32 $0x52;
	[tilespmem:s10+$0x30] =	vst v2;
	v2 =	vmul.f32 v7, v13  }
0xbe: {  	v3 =	vmov s20;
	[tilespmem:s10+$0x70] =	vst v1  }
0xbf: {  	s1 =	simm.s32 $0x140;
	v3 =	vand.u32 $0xFFFFFFFE, v3;
	[tilespmem:s10+$0xFFFFFFB0] =	vst v2  }
0xc0: {  	v4 =	vbroadcast v3, $0x0;
	[tilespmem:s19], [sflag:$0x2] =	stream.indirect.gather [hbm4b:s0+s22], $0x40, s1, s22, $0xb8;
	[tilespmem:$0x1B530] =	vst v63  }
0xc1: {  	s14 =	simm.s32 $0x51;
	s13 =	simm.s32 $0x50  }
0xc2: {  	v2 =	vmov s13;
	[spmem:s3] =	stream.indirect.scatter.add.f32 [tilespmem:s26], [sflag:$0x6], $0x40, s15, s22, $0xb8;
	[tilespmem:$0x1B530] =	vst v63  }
0xc3: {  	v1 =	vand.u32 $0xFFFFFFFC, v2;
	v2 =	vmov s14;
	_ =	swait.ge [sflag:s29], $0x1400  }
0xc4: {  	v1 =	vbroadcast v1, $0x0;
	v2 =	vand.u32 $0xFFFFFFFD, v2;
	[sflag:s29] =	ssyncset.done $0x0  }
0xc5: {  	v2 =	vbroadcast v2, $0x0;
	[sflag:s29] =	ssyncadd.s32 $0xFFFFEC00  }
0xc6: {  	s21 =	simm.s32 $0x53;
	s11 =	simm.s32 $0x89B0;
	v4 =	vld.idx.msk [tilespmem:v4+s18+$0x0], $0xffff  }
0xc7: {  	v5 =	vmov s21;
	v6 =	vld [tilespmem:s11+$0x0]  }
0xc8: {  	v7 =	vld [tilespmem:s11+$0xFFFFFF80]  }
0xc9: {  	v8 =	vld [tilespmem:s11+$0xFFFFFFC0]  }
0xca: {  	v3 =	vld.idx.msk [tilespmem:v1+s18+$0x0], $0xffff  }
0xcb: {  	v1 =	vld.idx.msk [tilespmem:v2+s18+$0x0], $0xffff  }
0xcc: {  	v2 =	vld.idx.msk [tilespmem:v5+s18+$0x0], $0xffff  }
0xcd: {  	v5 =	vld [tilespmem:s11+$0x40]  }
0xce: {  	s23 =	simm.s32 $0x54;
	v6 =	vmul.f32 v6, v4  }
0xcf: {  	s25 =	simm.s32 $0x55;
	v9 =	vmov s23;
	s4 =	simm.s32 $0xD9B0;
	v7 =	vmul.f32 v7, v3  }
0xd0: {  	v10 =	vmov s25;
	v9 =	vand.u32 $0xFFFFFFFC, v9;
	s10 =	simm.s32 $0x57;
	v8 =	vmul.f32 v8, v1;
	[tilespmem:s4+$0x0] =	vst v6  }
0xd1: {  	v10 =	vand.u32 $0xFFFFFFFD, v10;
	v9 =	vbroadcast v9, $0x0;
	v6 =	vmov s10;
	[tilespmem:s4+$0xFFFFFF80] =	vst v7;
	v7 =	vld [tilespmem:s11+$0x10]  }
0xd2: {  	v10 =	vbroadcast v10, $0x0;
	v5 =	vmul.f32 v5, v2;
	v11 =	vld [tilespmem:s11+$0xFFFFFF90];
	[tilespmem:s4+$0xFFFFFFC0] =	vst v8  }
0xd3: {  	v8 =	vld [tilespmem:s11+$0xFFFFFFD0]  }
0xd4: {  	s30 =	simm.s32 $0x56;
	[tilespmem:s4+$0x40] =	vst v5  }
0xd5: {  	v5 =	vmov s30;
	v12 =	vld [tilespmem:s11+$0x50]  }
0xd6: {  	v13 =	vand.u32 $0xFFFFFFFE, v5;
	v5 =	vld.idx.msk [tilespmem:v6+s18+$0x0], $0xffff;
	v14 =	vmul.f32 v7, v4  }
0xd7: {  	v13 =	vbroadcast v13, $0x0;
	v7 =	vld.idx.msk [tilespmem:v9+s18+$0x0], $0xffff;
	v9 =	vmul.f32 v11, v3  }
0xd8: {  	v6 =	vld.idx.msk [tilespmem:v10+s18+$0x0], $0xffff;
	v8 =	vmul.f32 v8, v1;
	[tilespmem:s4+$0x10] =	vst v14  }
0xd9: {  	[tilespmem:s4+$0xFFFFFF90] =	vst v9;
	v9 =	vld [tilespmem:s11+$0x20]  }
0xda: {  	v10 =	vld [tilespmem:s11+$0xFFFFFFA0];
	[tilespmem:s4+$0xFFFFFFD0] =	vst v8  }
0xdb: {  	s8 =	simm.s32 $0x8AB0;
	v11 =	vld [tilespmem:s11+$0xFFFFFFE0]  }
0xdc: {  	v14 =	vld [tilespmem:s8+$0x0]  }
0xdd: {  	v12 =	vmul.f32 v12, v2;
	v8 =	vld.idx.msk [tilespmem:v13+s18+$0x0], $0xffff  }
0xde: {  	v13 =	vld [tilespmem:s8+$0xFFFFFF80];
	v9 =	vmul.f32 v9, v4  }
0xdf: {  	[tilespmem:s4+$0x50] =	vst v12;
	v12 =	vld [tilespmem:s8+$0xFFFFFFC0];
	v15 =	vmul.f32 v10, v3  }
0xe0: {  	v10 =	vld [tilespmem:s8+$0x40];
	[tilespmem:s4+$0x20] =	vst v9;
	v11 =	vmul.f32 v11, v1  }
0xe1: {  	s12 =	simm.s32 $0xD9B0;
	s10 =	simm.s32 $0x4;
	[tilespmem:s4+$0xFFFFFFA0] =	vst v15;
	v9 =	vld [tilespmem:s11+$0x30]  }
.LBB2_6:
0xe2: {  	s13 =	sadd.s32 $0x54, s10;
	s14 =	sadd.s32 $0x57, s10;
	v14 =	vmul.f32 v14, v8;
	[tilespmem:s4+$0xFFFFFFE0] =	vst v11;
	v11 =	vld [tilespmem:s11+$0x60]  }
0xe3: {  	s4 =	sadd.s32 $0x100, s4;
	v15 =	vmov s13;
	s13 =	sadd.s32 $0x55, s10;
	v16 =	vmov s14;
	v13 =	vmul.f32 v13, v7;
	v17 =	vld [tilespmem:s11+$0xFFFFFFB0]  }
0xe4: {  	v15 =	vand.u32 $0xFFFFFFFC, v15;
	v18 =	vmov s13;
	v12 =	vmul.f32 v12, v6;
	[tilespmem:s4+$0x0] =	vst v14;
	v14 =	vld [tilespmem:s11+$0xFFFFFFF0]  }
0xe5: {  	v15 =	vbroadcast v15, $0x0;
	v18 =	vand.u32 $0xFFFFFFFD, v18;
	[tilespmem:s4+$0xFFFFFF80] =	vst v13;
	v13 =	vld [tilespmem:s8+$0x10];
	v10 =	vmul.f32 v10, v5  }
0xe6: {  	v18 =	vbroadcast v18, $0x0;
	v19 =	vld [tilespmem:s8+$0xFFFFFF90];
	[tilespmem:s4+$0xFFFFFFC0] =	vst v12;
	v9 =	vmul.f32 v9, v4;
	v4 =	vmov v8  }
0xe7: {  	s13 =	sadd.s32 $0x56, s10;
	s10 =	sadd.s32 $0x4, s10;
	v8 =	vld [tilespmem:s8+$0xFFFFFFD0];
	[tilespmem:s4+$0x40] =	vst v10;
	v10 =	vmul.f32 v11, v2  }
0xe8: {  	p0 =	slt.u32 s10, $0x4C;
	v11 =	vmov s13;
	v12 =	vld [tilespmem:s8+$0x50];
	v17 =	vmul.f32 v17, v3;
	[tilespmem:s12+$0x30] =	vst v9;
	v3 =	vmov v7  }
0xe9: {  	v7 =	vand.u32 $0xFFFFFFFE, v11;
	v9 =	vld.idx.msk [tilespmem:v16+s18+$0x0], $0xffff;
	v11 =	vmul.f32 v14, v1;
	[tilespmem:s12+$0x60] =	vst v10;
	v1 =	vmov v6  }
0xea: {  	v10 =	vbroadcast v7, $0x0;
	v13 =	vmul.f32 v13, v4;
	[tilespmem:s12+$0xFFFFFFB0] =	vst v17;
	v14 =	vld [tilespmem:s11+$0x70];
	s11 =	smov.u32 s8  }
0xeb: {  	v7 =	vld.idx.msk [tilespmem:v15+s18+$0x0], $0xffff;
	v15 =	vmul.f32 v19, v3;
	[tilespmem:s12+$0xFFFFFFF0] =	vst v11  }
0xec: {  	v6 =	vld.idx.msk [tilespmem:v18+s18+$0x0], $0xffff;
	v8 =	vmul.f32 v8, v1;
	[tilespmem:s4+$0x10] =	vst v13  }
0xed: {  	[tilespmem:s4+$0xFFFFFF90] =	vst v15;
	v11 =	vld [tilespmem:s8+$0x20];
	v12 =	vmul.f32 v12, v5  }
0xee: {  	v15 =	vld [tilespmem:s8+$0xFFFFFFA0];
	[tilespmem:s4+$0xFFFFFFD0] =	vst v8  }
0xef: {  	v16 =	vld [tilespmem:s8+$0xFFFFFFE0];
	[tilespmem:s4+$0x50] =	vst v12;
	v12 =	vmul.f32 v14, v2;
	v2 =	vmov v5;
	v5 =	vmov v9  }
0xf0: {  	s8 =	sadd.s32 $0x100, s8;
	v8 =	vld.idx.msk [tilespmem:v10+s18+$0x0], $0xffff  }
.Ltmp2:
0xf1: {  	v14 =	vld [tilespmem:s8+$0x0];
	[tilespmem:s12+$0x70] =	vst v12;
	s12 =	smov.u32 s4;
	(pc) =	sbr.rel @p0 .LBB2_6-.Ltmp2, $4  }
0xf2: {  	v13 =	vld [tilespmem:s8+$0xFFFFFF80];
	v9 =	vmul.f32 v11, v4  }
0xf3: {  	v12 =	vld [tilespmem:s8+$0xFFFFFFC0];
	v15 =	vmul.f32 v15, v3  }
0xf4: {  	v10 =	vld [tilespmem:s8+$0x40];
	v11 =	vmul.f32 v16, v1;
	[tilespmem:s4+$0x20] =	vst v9  }
0xf5: {  	[tilespmem:s4+$0xFFFFFFA0] =	vst v15;
	v9 =	vld [tilespmem:s11+$0x30]  }
0xf6: {  	v14 =	vmul.f32 v14, v8  }
0xf7: {  	s10 =	sadd.s32 $0x100, s4;
	v13 =	vmul.f32 v13, v7  }
0xf8: {  	v12 =	vmul.f32 v12, v6;
	[tilespmem:s10+$0x0] =	vst v14  }
0xf9: {  	[tilespmem:s10+$0xFFFFFF80] =	vst v13;
	v13 =	vld [tilespmem:s8+$0x10];
	v10 =	vmul.f32 v10, v5  }
0xfa: {  	v14 =	vld [tilespmem:s8+$0xFFFFFF90];
	[tilespmem:s10+$0xFFFFFFC0] =	vst v12  }
0xfb: {  	v12 =	vld [tilespmem:s8+$0xFFFFFFD0];
	[tilespmem:s10+$0x40] =	vst v10  }
0xfc: {  	v10 =	vld [tilespmem:s8+$0x50];
	_ =	sdelay $0x1  }
0xfd: {  	v13 =	vmul.f32 v13, v8  }
0xfe: {  	v14 =	vmul.f32 v14, v7  }
0xff: {  	v15 =	vld [tilespmem:s11+$0x60];
	v12 =	vmul.f32 v12, v6;
	[tilespmem:s10+$0x10] =	vst v13  }
0x100: {  	[tilespmem:s10+$0xFFFFFF90] =	vst v14;
	v13 =	vld [tilespmem:s8+$0x20];
	v10 =	vmul.f32 v10, v5  }
0x101: {  	v14 =	vld [tilespmem:s8+$0xFFFFFFA0];
	[tilespmem:s10+$0xFFFFFFD0] =	vst v12  }
0x102: {  	v12 =	vld [tilespmem:s8+$0xFFFFFFE0];
	[tilespmem:s10+$0x50] =	vst v10  }
0x103: {  	v10 =	vld [tilespmem:s8+$0x60]  }
0x104: {  	v15 =	vmul.f32 v15, v2  }
0x105: {  	[tilespmem:s4+$0xFFFFFFE0] =	vst v11;
	v11 =	vld [tilespmem:s11+$0xFFFFFFB0];
	v13 =	vmul.f32 v13, v8  }
0x106: {  	v16 =	vld [tilespmem:s11+$0xFFFFFFF0];
	[tilespmem:s12+$0x60] =	vst v15;
	v14 =	vmul.f32 v14, v7  }
0x107: {  	v15 =	vld [tilespmem:s11+$0x70];
	v12 =	vmul.f32 v12, v6;
	[tilespmem:s10+$0x20] =	vst v13  }
0x108: {  	[tilespmem:s10+$0xFFFFFFA0] =	vst v14;
	v13 =	vld [tilespmem:s8+$0x30];
	v10 =	vmul.f32 v10, v5  }
0x109: {  	v4 =	vmul.f32 v9, v4;
	[tilespmem:s10+$0xFFFFFFE0] =	vst v12;
	v9 =	vld [tilespmem:s8+$0xFFFFFFB0]  }
0x10a: {  	v3 =	vmul.f32 v11, v3;
	v11 =	vld [tilespmem:s8+$0xFFFFFFF0];
	[tilespmem:s10+$0x60] =	vst v10  }
0x10b: {  	[tilespmem:s12+$0x30] =	vst v4;
	v1 =	vmul.f32 v16, v1;
	v4 =	vld [tilespmem:s8+$0x70]  }
0x10c: {  	[tilespmem:s12+$0xFFFFFFB0] =	vst v3;
	v2 =	vmul.f32 v15, v2  }
0x10d: {  	[tilespmem:s12+$0xFFFFFFF0] =	vst v1;
	v1 =	vmul.f32 v13, v8  }
0x10e: {  	[tilespmem:s12+$0x70] =	vst v2;
	v2 =	vmul.f32 v9, v7  }
0x10f: {  	[tilespmem:s10+$0x30] =	vst v1;
	v1 =	vmul.f32 v11, v6  }
0x110: {  	s12 =	simm.s32 $0xA0;
	[tilespmem:s10+$0xFFFFFFB0] =	vst v2;
	v2 =	vmul.f32 v4, v5  }
0x111: {  	s14 =	simm.s32 $0xA2;
	[tilespmem:s10+$0xFFFFFFF0] =	vst v1;
	v1 =	vmov s12  }
0x112: {  	s1 =	simm.s32 $0x190;
	v3 =	vmov s14;
	[tilespmem:s10+$0x70] =	vst v2;
	v1 =	vand.u32 $0xFFFFFFFC, v1  }
0x113: {  	v3 =	vand.u32 $0xFFFFFFFE, v3;
	[tilespmem:s16], [sflag:$0x3] =	stream.indirect.gather [hbm4b:s0+s22], $0x40, s1, s22, $0xb8;
	v1 =	vbroadcast v1, $0x0;
	[tilespmem:$0x1B530] =	vst v63  }
0x114: {  	s13 =	simm.s32 $0xA1;
	s15 =	simm.s32 $0x2760;
	v4 =	vbroadcast v3, $0x0;
	s16 =	simm.s32 $0xD930  }
0x115: {  	[spmem:s3] =	stream.indirect.scatter.add.f32 [tilespmem:s16], [sflag:$0x7], $0x40, s15, s22, $0xb8;
	[tilespmem:$0x1B530] =	vst v63  }
0x116: {  	v2 =	vmov s13;
	_ =	swait.ge [sflag:s2], $0x1400  }
0x117: {  	v2 =	vand.u32 $0xFFFFFFFD, v2;
	[sflag:s2] =	ssyncset.done $0x0  }
0x118: {  	v2 =	vbroadcast v2, $0x0;
	[sflag:s2] =	ssyncadd.s32 $0xFFFFEC00  }
0x119: {  	s20 =	simm.s32 $0xA3;
	v3 =	vld.idx.msk [tilespmem:v1+s18+$0x0], $0xffff  }
0x11a: {  	s11 =	simm.s32 $0x9DB0;
	v5 =	vmov s20;
	v4 =	vld.idx.msk [tilespmem:v4+s18+$0x0], $0xffff  }
0x11b: {  	v6 =	vld [tilespmem:s11+$0x0]  }
0x11c: {  	v7 =	vld [tilespmem:s11+$0xFFFFFF80]  }
0x11d: {  	v8 =	vld [tilespmem:s11+$0xFFFFFFC0]  }
0x11e: {  	v1 =	vld.idx.msk [tilespmem:v2+s18+$0x0], $0xffff  }
0x11f: {  	v2 =	vld.idx.msk [tilespmem:v5+s18+$0x0], $0xffff  }
0x120: {  	v5 =	vld [tilespmem:s11+$0x40]  }
0x121: {  	s21 =	simm.s32 $0xA4;
	v6 =	vmul.f32 v6, v4  }
0x122: {  	s4 =	simm.s32 $0xEDB0;
	s23 =	simm.s32 $0xA5;
	v9 =	vmov s21;
	v7 =	vmul.f32 v7, v3  }
0x123: {  	s25 =	simm.s32 $0xA7;
	v10 =	vmov s23;
	v9 =	vand.u32 $0xFFFFFFFC, v9;
	v8 =	vmul.f32 v8, v1;
	[tilespmem:s4+$0x0] =	vst v6  }
0x124: {  	v10 =	vand.u32 $0xFFFFFFFD, v10;
	v9 =	vbroadcast v9, $0x0;
	v6 =	vmov s25;
	[tilespmem:s4+$0xFFFFFF80] =	vst v7;
	v7 =	vld [tilespmem:s11+$0x10]  }
0x125: {  	v10 =	vbroadcast v10, $0x0;
	v5 =	vmul.f32 v5, v2;
	v11 =	vld [tilespmem:s11+$0xFFFFFF90];
	[tilespmem:s4+$0xFFFFFFC0] =	vst v8  }
0x126: {  	v8 =	vld [tilespmem:s11+$0xFFFFFFD0]  }
0x127: {  	s30 =	simm.s32 $0xA6;
	[tilespmem:s4+$0x40] =	vst v5  }
0x128: {  	v5 =	vmov s30;
	v12 =	vld [tilespmem:s11+$0x50]  }
0x129: {  	v13 =	vand.u32 $0xFFFFFFFE, v5;
	v5 =	vld.idx.msk [tilespmem:v6+s18+$0x0], $0xffff;
	v14 =	vmul.f32 v7, v4  }
0x12a: {  	v13 =	vbroadcast v13, $0x0;
	v7 =	vld.idx.msk [tilespmem:v9+s18+$0x0], $0xffff;
	v9 =	vmul.f32 v11, v3  }
0x12b: {  	v6 =	vld.idx.msk [tilespmem:v10+s18+$0x0], $0xffff;
	v8 =	vmul.f32 v8, v1;
	[tilespmem:s4+$0x10] =	vst v14  }
0x12c: {  	[tilespmem:s4+$0xFFFFFF90] =	vst v9;
	v9 =	vld [tilespmem:s11+$0x20]  }
0x12d: {  	v10 =	vld [tilespmem:s11+$0xFFFFFFA0];
	[tilespmem:s4+$0xFFFFFFD0] =	vst v8  }
0x12e: {  	s8 =	simm.s32 $0x9EB0;
	v11 =	vld [tilespmem:s11+$0xFFFFFFE0]  }
0x12f: {  	v14 =	vld [tilespmem:s8+$0x0]  }
0x130: {  	v12 =	vmul.f32 v12, v2;
	v8 =	vld.idx.msk [tilespmem:v13+s18+$0x0], $0xffff  }
0x131: {  	v13 =	vld [tilespmem:s8+$0xFFFFFF80];
	v9 =	vmul.f32 v9, v4  }
0x132: {  	[tilespmem:s4+$0x50] =	vst v12;
	v12 =	vld [tilespmem:s8+$0xFFFFFFC0];
	v15 =	vmul.f32 v10, v3  }
0x133: {  	v10 =	vld [tilespmem:s8+$0x40];
	v11 =	vmul.f32 v11, v1;
	[tilespmem:s4+$0x20] =	vst v9  }
0x134: {  	s12 =	simm.s32 $0xEDB0;
	s10 =	simm.s32 $0x4;
	[tilespmem:s4+$0xFFFFFFA0] =	vst v15;
	v9 =	vld [tilespmem:s11+$0x30]  }
.LBB2_8:
0x135: {  	s13 =	sadd.s32 $0xA4, s10;
	s14 =	sadd.s32 $0xA7, s10;
	v14 =	vmul.f32 v14, v8;
	[tilespmem:s4+$0xFFFFFFE0] =	vst v11;
	v11 =	vld [tilespmem:s11+$0x60]  }
0x136: {  	s4 =	sadd.s32 $0x100, s4;
	v15 =	vmov s13;
	s13 =	sadd.s32 $0xA5, s10;
	v16 =	vmov s14;
	v13 =	vmul.f32 v13, v7;
	v17 =	vld [tilespmem:s11+$0xFFFFFFB0]  }
0x137: {  	v15 =	vand.u32 $0xFFFFFFFC, v15;
	v18 =	vmov s13;
	v12 =	vmul.f32 v12, v6;
	[tilespmem:s4+$0x0] =	vst v14;
	v14 =	vld [tilespmem:s11+$0xFFFFFFF0]  }
0x138: {  	v15 =	vbroadcast v15, $0x0;
	v18 =	vand.u32 $0xFFFFFFFD, v18;
	[tilespmem:s4+$0xFFFFFF80] =	vst v13;
	v13 =	vld [tilespmem:s8+$0x10];
	v10 =	vmul.f32 v10, v5  }
0x139: {  	v18 =	vbroadcast v18, $0x0;
	v19 =	vld [tilespmem:s8+$0xFFFFFF90];
	[tilespmem:s4+$0xFFFFFFC0] =	vst v12;
	v9 =	vmul.f32 v9, v4;
	v4 =	vmov v8  }
0x13a: {  	s13 =	sadd.s32 $0xA6, s10;
	s10 =	sadd.s32 $0x4, s10;
	v8 =	vld [tilespmem:s8+$0xFFFFFFD0];
	[tilespmem:s4+$0x40] =	vst v10;
	v10 =	vmul.f32 v11, v2  }
0x13b: {  	p0 =	slt.u32 s10, $0x4C;
	v11 =	vmov s13;
	v12 =	vld [tilespmem:s8+$0x50];
	v17 =	vmul.f32 v17, v3;
	[tilespmem:s12+$0x30] =	vst v9;
	v3 =	vmov v7  }
0x13c: {  	v7 =	vand.u32 $0xFFFFFFFE, v11;
	v9 =	vld.idx.msk [tilespmem:v16+s18+$0x0], $0xffff;
	v11 =	vmul.f32 v14, v1;
	[tilespmem:s12+$0x60] =	vst v10;
	v1 =	vmov v6  }
0x13d: {  	v10 =	vbroadcast v7, $0x0;
	v13 =	vmul.f32 v13, v4;
	[tilespmem:s12+$0xFFFFFFB0] =	vst v17;
	v14 =	vld [tilespmem:s11+$0x70];
	s11 =	smov.u32 s8  }
0x13e: {  	v7 =	vld.idx.msk [tilespmem:v15+s18+$0x0], $0xffff;
	v15 =	vmul.f32 v19, v3;
	[tilespmem:s12+$0xFFFFFFF0] =	vst v11  }
0x13f: {  	v6 =	vld.idx.msk [tilespmem:v18+s18+$0x0], $0xffff;
	v8 =	vmul.f32 v8, v1;
	[tilespmem:s4+$0x10] =	vst v13  }
0x140: {  	[tilespmem:s4+$0xFFFFFF90] =	vst v15;
	v11 =	vld [tilespmem:s8+$0x20];
	v12 =	vmul.f32 v12, v5  }
0x141: {  	v15 =	vld [tilespmem:s8+$0xFFFFFFA0];
	[tilespmem:s4+$0xFFFFFFD0] =	vst v8  }
0x142: {  	v16 =	vld [tilespmem:s8+$0xFFFFFFE0];
	[tilespmem:s4+$0x50] =	vst v12;
	v12 =	vmul.f32 v14, v2;
	v2 =	vmov v5;
	v5 =	vmov v9  }
0x143: {  	s8 =	sadd.s32 $0x100, s8;
	v8 =	vld.idx.msk [tilespmem:v10+s18+$0x0], $0xffff  }
.Ltmp3:
0x144: {  	v14 =	vld [tilespmem:s8+$0x0];
	[tilespmem:s12+$0x70] =	vst v12;
	s12 =	smov.u32 s4;
	(pc) =	sbr.rel @p0 .LBB2_8-.Ltmp3, $4  }
0x145: {  	v13 =	vld [tilespmem:s8+$0xFFFFFF80];
	v9 =	vmul.f32 v11, v4  }
0x146: {  	v12 =	vld [tilespmem:s8+$0xFFFFFFC0];
	v15 =	vmul.f32 v15, v3  }
0x147: {  	v10 =	vld [tilespmem:s8+$0x40];
	v11 =	vmul.f32 v16, v1;
	[tilespmem:s4+$0x20] =	vst v9  }
0x148: {  	[tilespmem:s4+$0xFFFFFFA0] =	vst v15;
	v9 =	vld [tilespmem:s11+$0x30]  }
0x149: {  	v14 =	vmul.f32 v14, v8  }
0x14a: {  	s10 =	sadd.s32 $0x100, s4;
	v13 =	vmul.f32 v13, v7  }
0x14b: {  	v12 =	vmul.f32 v12, v6;
	[tilespmem:s10+$0x0] =	vst v14  }
0x14c: {  	[tilespmem:s10+$0xFFFFFF80] =	vst v13;
	v13 =	vld [tilespmem:s8+$0x10];
	v10 =	vmul.f32 v10, v5  }
0x14d: {  	v14 =	vld [tilespmem:s8+$0xFFFFFF90];
	[tilespmem:s10+$0xFFFFFFC0] =	vst v12  }
0x14e: {  	v12 =	vld [tilespmem:s8+$0xFFFFFFD0];
	[tilespmem:s10+$0x40] =	vst v10  }
0x14f: {  	v10 =	vld [tilespmem:s8+$0x50];
	_ =	sdelay $0x1  }
0x150: {  	v13 =	vmul.f32 v13, v8  }
0x151: {  	v14 =	vmul.f32 v14, v7  }
0x152: {  	v15 =	vld [tilespmem:s11+$0x60];
	v12 =	vmul.f32 v12, v6;
	[tilespmem:s10+$0x10] =	vst v13  }
0x153: {  	[tilespmem:s10+$0xFFFFFF90] =	vst v14;
	v13 =	vld [tilespmem:s8+$0x20];
	v10 =	vmul.f32 v10, v5  }
0x154: {  	v14 =	vld [tilespmem:s8+$0xFFFFFFA0];
	[tilespmem:s10+$0xFFFFFFD0] =	vst v12  }
0x155: {  	v12 =	vld [tilespmem:s8+$0xFFFFFFE0];
	[tilespmem:s10+$0x50] =	vst v10  }
0x156: {  	v10 =	vld [tilespmem:s8+$0x60]  }
0x157: {  	v15 =	vmul.f32 v15, v2  }
0x158: {  	[tilespmem:s4+$0xFFFFFFE0] =	vst v11;
	v11 =	vld [tilespmem:s11+$0xFFFFFFB0];
	v13 =	vmul.f32 v13, v8  }
0x159: {  	v16 =	vld [tilespmem:s11+$0xFFFFFFF0];
	[tilespmem:s12+$0x60] =	vst v15;
	v14 =	vmul.f32 v14, v7  }
0x15a: {  	v15 =	vld [tilespmem:s11+$0x70];
	v12 =	vmul.f32 v12, v6;
	[tilespmem:s10+$0x20] =	vst v13  }
0x15b: {  	[tilespmem:s10+$0xFFFFFFA0] =	vst v14;
	v13 =	vld [tilespmem:s8+$0x30];
	v10 =	vmul.f32 v10, v5  }
0x15c: {  	v4 =	vmul.f32 v9, v4;
	[tilespmem:s10+$0xFFFFFFE0] =	vst v12;
	v9 =	vld [tilespmem:s8+$0xFFFFFFB0]  }
0x15d: {  	v3 =	vmul.f32 v11, v3;
	v11 =	vld [tilespmem:s8+$0xFFFFFFF0];
	[tilespmem:s10+$0x60] =	vst v10  }
0x15e: {  	[tilespmem:s12+$0x30] =	vst v4;
	v1 =	vmul.f32 v16, v1;
	v4 =	vld [tilespmem:s8+$0x70]  }
0x15f: {  	[tilespmem:s12+$0xFFFFFFB0] =	vst v3;
	v2 =	vmul.f32 v15, v2  }
0x160: {  	[tilespmem:s12+$0xFFFFFFF0] =	vst v1;
	v1 =	vmul.f32 v13, v8  }
0x161: {  	[tilespmem:s12+$0x70] =	vst v2;
	v2 =	vmul.f32 v9, v7  }
0x162: {  	[tilespmem:s10+$0x30] =	vst v1;
	v1 =	vmul.f32 v11, v6  }
0x163: {  	s13 =	simm.s32 $0xF0;
	[tilespmem:s10+$0xFFFFFFB0] =	vst v2;
	v2 =	vmul.f32 v4, v5  }
0x164: {  	s15 =	simm.s32 $0xF2;
	[tilespmem:s10+$0xFFFFFFF0] =	vst v1;
	v1 =	vmov s13  }
0x165: {  	s1 =	simm.s32 $0x1E0;
	v3 =	vmov s15;
	[tilespmem:s10+$0x70] =	vst v2;
	v1 =	vand.u32 $0xFFFFFFFC, v1  }
0x166: {  	v3 =	vand.u32 $0xFFFFFFFE, v3;
	[tilespmem:s17], [sflag:$0x4] =	stream.indirect.gather [hbm4b:s0+s22], $0x40, s1, s22, $0xb8;
	v1 =	vbroadcast v1, $0x0;
	[tilespmem:$0x1B530] =	vst v63  }
0x167: {  	s14 =	simm.s32 $0xF1;
	s16 =	simm.s32 $0x27B0;
	v4 =	vbroadcast v3, $0x0;
	s17 =	simm.s32 $0xED30  }
0x168: {  	[spmem:s3] =	stream.indirect.scatter.add.f32 [tilespmem:s17], [sflag:$0x8], $0x40, s16, s22, $0xb8;
	[tilespmem:$0x1B530] =	vst v63  }
0x169: {  	v2 =	vmov s14;
	_ =	swait.ge [sflag:s24], $0x1400  }
0x16a: {  	v2 =	vand.u32 $0xFFFFFFFD, v2;
	[sflag:s24] =	ssyncset.done $0x0  }
0x16b: {  	v2 =	vbroadcast v2, $0x0;
	[sflag:s24] =	ssyncadd.s32 $0xFFFFEC00  }
0x16c: {  	s20 =	simm.s32 $0xF3;
	v3 =	vld.idx.msk [tilespmem:v1+s18+$0x0], $0xffff  }
0x16d: {  	s11 =	simm.s32 $0xB1B0;
	v5 =	vmov s20;
	v4 =	vld.idx.msk [tilespmem:v4+s18+$0x0], $0xffff  }
0x16e: {  	v6 =	vld [tilespmem:s11+$0x0]  }
0x16f: {  	v7 =	vld [tilespmem:s11+$0xFFFFFF80]  }
0x170: {  	v8 =	vld [tilespmem:s11+$0xFFFFFFC0]  }
0x171: {  	v1 =	vld.idx.msk [tilespmem:v2+s18+$0x0], $0xffff  }
0x172: {  	v2 =	vld.idx.msk [tilespmem:v5+s18+$0x0], $0xffff  }
0x173: {  	v5 =	vld [tilespmem:s11+$0x40]  }
0x174: {  	s21 =	simm.s32 $0xF4;
	v6 =	vmul.f32 v6, v4  }
0x175: {  	s4 =	simm.s32 $0x101B0;
	s23 =	simm.s32 $0xF5;
	v9 =	vmov s21;
	v7 =	vmul.f32 v7, v3  }
0x176: {  	s25 =	simm.s32 $0xF7;
	v10 =	vmov s23;
	v9 =	vand.u32 $0xFFFFFFFC, v9;
	v8 =	vmul.f32 v8, v1;
	[tilespmem:s4+$0x0] =	vst v6  }
0x177: {  	v10 =	vand.u32 $0xFFFFFFFD, v10;
	v9 =	vbroadcast v9, $0x0;
	v6 =	vmov s25;
	[tilespmem:s4+$0xFFFFFF80] =	vst v7;
	v7 =	vld [tilespmem:s11+$0x10]  }
0x178: {  	v10 =	vbroadcast v10, $0x0;
	v5 =	vmul.f32 v5, v2;
	v11 =	vld [tilespmem:s11+$0xFFFFFF90];
	[tilespmem:s4+$0xFFFFFFC0] =	vst v8  }
0x179: {  	v8 =	vld [tilespmem:s11+$0xFFFFFFD0]  }
0x17a: {  	s30 =	simm.s32 $0xF6;
	[tilespmem:s4+$0x40] =	vst v5  }
0x17b: {  	v5 =	vmov s30;
	v12 =	vld [tilespmem:s11+$0x50]  }
0x17c: {  	v13 =	vand.u32 $0xFFFFFFFE, v5;
	v5 =	vld.idx.msk [tilespmem:v6+s18+$0x0], $0xffff;
	v14 =	vmul.f32 v7, v4  }
0x17d: {  	v13 =	vbroadcast v13, $0x0;
	v7 =	vld.idx.msk [tilespmem:v9+s18+$0x0], $0xffff;
	v9 =	vmul.f32 v11, v3  }
0x17e: {  	v6 =	vld.idx.msk [tilespmem:v10+s18+$0x0], $0xffff;
	v8 =	vmul.f32 v8, v1;
	[tilespmem:s4+$0x10] =	vst v14  }
0x17f: {  	[tilespmem:s4+$0xFFFFFF90] =	vst v9;
	v9 =	vld [tilespmem:s11+$0x20]  }
0x180: {  	v10 =	vld [tilespmem:s11+$0xFFFFFFA0];
	[tilespmem:s4+$0xFFFFFFD0] =	vst v8  }
0x181: {  	s8 =	simm.s32 $0xB2B0;
	v11 =	vld [tilespmem:s11+$0xFFFFFFE0]  }
0x182: {  	v14 =	vld [tilespmem:s8+$0x0]  }
0x183: {  	v12 =	vmul.f32 v12, v2;
	v8 =	vld.idx.msk [tilespmem:v13+s18+$0x0], $0xffff  }
0x184: {  	v13 =	vld [tilespmem:s8+$0xFFFFFF80];
	v9 =	vmul.f32 v9, v4  }
0x185: {  	[tilespmem:s4+$0x50] =	vst v12;
	v12 =	vld [tilespmem:s8+$0xFFFFFFC0];
	v15 =	vmul.f32 v10, v3  }
0x186: {  	v10 =	vld [tilespmem:s8+$0x40];
	v11 =	vmul.f32 v11, v1;
	[tilespmem:s4+$0x20] =	vst v9  }
0x187: {  	s12 =	simm.s32 $0x101B0;
	s10 =	simm.s32 $0x4;
	[tilespmem:s4+$0xFFFFFFA0] =	vst v15;
	v9 =	vld [tilespmem:s11+$0x30]  }
.LBB2_10:
0x188: {  	s13 =	sadd.s32 $0xF4, s10;
	s14 =	sadd.s32 $0xF7, s10;
	v14 =	vmul.f32 v14, v8;
	[tilespmem:s4+$0xFFFFFFE0] =	vst v11;
	v11 =	vld [tilespmem:s11+$0x60]  }
0x189: {  	s4 =	sadd.s32 $0x100, s4;
	v15 =	vmov s13;
	s13 =	sadd.s32 $0xF5, s10;
	v16 =	vmov s14;
	v13 =	vmul.f32 v13, v7;
	v17 =	vld [tilespmem:s11+$0xFFFFFFB0]  }
0x18a: {  	v15 =	vand.u32 $0xFFFFFFFC, v15;
	v18 =	vmov s13;
	v12 =	vmul.f32 v12, v6;
	[tilespmem:s4+$0x0] =	vst v14;
	v14 =	vld [tilespmem:s11+$0xFFFFFFF0]  }
0x18b: {  	v15 =	vbroadcast v15, $0x0;
	v18 =	vand.u32 $0xFFFFFFFD, v18;
	[tilespmem:s4+$0xFFFFFF80] =	vst v13;
	v13 =	vld [tilespmem:s8+$0x10];
	v10 =	vmul.f32 v10, v5  }
0x18c: {  	v18 =	vbroadcast v18, $0x0;
	v19 =	vld [tilespmem:s8+$0xFFFFFF90];
	[tilespmem:s4+$0xFFFFFFC0] =	vst v12;
	v9 =	vmul.f32 v9, v4;
	v4 =	vmov v8  }
0x18d: {  	s13 =	sadd.s32 $0xF6, s10;
	s10 =	sadd.s32 $0x4, s10;
	v8 =	vld [tilespmem:s8+$0xFFFFFFD0];
	[tilespmem:s4+$0x40] =	vst v10;
	v10 =	vmul.f32 v11, v2  }
0x18e: {  	p0 =	slt.u32 s10, $0x4C;
	v11 =	vmov s13;
	v12 =	vld [tilespmem:s8+$0x50];
	v17 =	vmul.f32 v17, v3;
	[tilespmem:s12+$0x30] =	vst v9;
	v3 =	vmov v7  }
0x18f: {  	v7 =	vand.u32 $0xFFFFFFFE, v11;
	v9 =	vld.idx.msk [tilespmem:v16+s18+$0x0], $0xffff;
	v11 =	vmul.f32 v14, v1;
	[tilespmem:s12+$0x60] =	vst v10;
	v1 =	vmov v6  }
0x190: {  	v10 =	vbroadcast v7, $0x0;
	v13 =	vmul.f32 v13, v4;
	[tilespmem:s12+$0xFFFFFFB0] =	vst v17;
	v14 =	vld [tilespmem:s11+$0x70];
	s11 =	smov.u32 s8  }
0x191: {  	v7 =	vld.idx.msk [tilespmem:v15+s18+$0x0], $0xffff;
	v15 =	vmul.f32 v19, v3;
	[tilespmem:s12+$0xFFFFFFF0] =	vst v11  }
0x192: {  	v6 =	vld.idx.msk [tilespmem:v18+s18+$0x0], $0xffff;
	v8 =	vmul.f32 v8, v1;
	[tilespmem:s4+$0x10] =	vst v13  }
0x193: {  	[tilespmem:s4+$0xFFFFFF90] =	vst v15;
	v11 =	vld [tilespmem:s8+$0x20];
	v12 =	vmul.f32 v12, v5  }
0x194: {  	v15 =	vld [tilespmem:s8+$0xFFFFFFA0];
	[tilespmem:s4+$0xFFFFFFD0] =	vst v8  }
0x195: {  	v16 =	vld [tilespmem:s8+$0xFFFFFFE0];
	[tilespmem:s4+$0x50] =	vst v12;
	v12 =	vmul.f32 v14, v2;
	v2 =	vmov v5;
	v5 =	vmov v9  }
0x196: {  	s8 =	sadd.s32 $0x100, s8;
	v8 =	vld.idx.msk [tilespmem:v10+s18+$0x0], $0xffff  }
.Ltmp4:
0x197: {  	v14 =	vld [tilespmem:s8+$0x0];
	[tilespmem:s12+$0x70] =	vst v12;
	s12 =	smov.u32 s4;
	(pc) =	sbr.rel @p0 .LBB2_10-.Ltmp4, $4  }
0x198: {  	v13 =	vld [tilespmem:s8+$0xFFFFFF80];
	v9 =	vmul.f32 v11, v4  }
0x199: {  	v12 =	vld [tilespmem:s8+$0xFFFFFFC0];
	v15 =	vmul.f32 v15, v3  }
0x19a: {  	v10 =	vld [tilespmem:s8+$0x40];
	v11 =	vmul.f32 v16, v1;
	[tilespmem:s4+$0x20] =	vst v9  }
0x19b: {  	[tilespmem:s4+$0xFFFFFFA0] =	vst v15;
	v9 =	vld [tilespmem:s11+$0x30]  }
0x19c: {  	v14 =	vmul.f32 v14, v8  }
0x19d: {  	s10 =	sadd.s32 $0x100, s4;
	v13 =	vmul.f32 v13, v7  }
0x19e: {  	v12 =	vmul.f32 v12, v6;
	[tilespmem:s10+$0x0] =	vst v14  }
0x19f: {  	[tilespmem:s10+$0xFFFFFF80] =	vst v13;
	v58 =	vld [tilespmem:s8+$0x10];
	v10 =	vmul.f32 v10, v5  }
0x1a0: {  	v59 =	vld [tilespmem:s8+$0xFFFFFF90];
	[tilespmem:s10+$0xFFFFFFC0] =	vst v12  }
0x1a1: {  	v12 =	vld [tilespmem:s8+$0xFFFFFFD0];
	[tilespmem:s10+$0x40] =	vst v10  }
0x1a2: {  	v10 =	vld [tilespmem:s8+$0x50];
	_ =	sdelay $0x1  }
0x1a3: {  	v13 =	vmul.f32 v58, v8  }
0x1a4: {  	v14 =	vmul.f32 v59, v7  }
0x1a5: {  	v15 =	vld [tilespmem:s11+$0x60];
	v12 =	vmul.f32 v12, v6;
	[tilespmem:s10+$0x10] =	vst v13  }
0x1a6: {  	[tilespmem:s10+$0xFFFFFF90] =	vst v14;
	v13 =	vld [tilespmem:s8+$0x20];
	v10 =	vmul.f32 v10, v5  }
0x1a7: {  	v14 =	vld [tilespmem:s8+$0xFFFFFFA0];
	[tilespmem:s10+$0xFFFFFFD0] =	vst v12  }
0x1a8: {  	v12 =	vld [tilespmem:s8+$0xFFFFFFE0];
	[tilespmem:s10+$0x50] =	vst v10  }
0x1a9: {  	v10 =	vld [tilespmem:s8+$0x60]  }
0x1aa: {  	v15 =	vmul.f32 v15, v2  }
0x1ab: {  	[tilespmem:s4+$0xFFFFFFE0] =	vst v11;
	v60 =	vld [tilespmem:s11+$0xFFFFFFB0];
	v13 =	vmul.f32 v13, v8  }
0x1ac: {  	v16 =	vld [tilespmem:s11+$0xFFFFFFF0];
	[tilespmem:s12+$0x60] =	vst v15;
	v14 =	vmul.f32 v14, v7  }
0x1ad: {  	v15 =	vld [tilespmem:s11+$0x70];
	v12 =	vmul.f32 v12, v6;
	[tilespmem:s10+$0x20] =	vst v13  }
0x1ae: {  	[tilespmem:s10+$0xFFFFFFA0] =	vst v14;
	v13 =	vld [tilespmem:s8+$0x30];
	v10 =	vmul.f32 v10, v5  }
0x1af: {  	v4 =	vmul.f32 v9, v4;
	[tilespmem:s10+$0xFFFFFFE0] =	vst v12;
	v61 =	vld [tilespmem:s8+$0xFFFFFFB0]  }
0x1b0: {  	v3 =	vmul.f32 v60, v3;
	v62 =	vld [tilespmem:s8+$0xFFFFFFF0];
	[tilespmem:s10+$0x60] =	vst v10  }
0x1b1: {  	[tilespmem:s12+$0x30] =	vst v4;
	v1 =	vmul.f32 v16, v1;
	v63 =	vld [tilespmem:s8+$0x70]  }
0x1b2: {  	[tilespmem:s12+$0xFFFFFFB0] =	vst v3;
	v2 =	vmul.f32 v15, v2  }
0x1b3: {  	[tilespmem:s12+$0xFFFFFFF0] =	vst v1;
	v1 =	vmul.f32 v13, v8  }
0x1b4: {  	[tilespmem:s12+$0x70] =	vst v2;
	v2 =	vmul.f32 v61, v7  }
0x1b5: {  	[tilespmem:s10+$0x30] =	vst v1;
	v1 =	vmul.f32 v62, v6  }
0x1b6: {  	[tilespmem:s10+$0xFFFFFFB0] =	vst v2;
	v2 =	vmul.f32 v63, v5  }
0x1b7: {  	[tilespmem:s10+$0xFFFFFFF0] =	vst v1  }
0x1b8: {  	s1 =	simm.s32 $0xB130;
	s25 =	simm.s32 $0x230;
	[tilespmem:s10+$0x70] =	vst v2  }
0x1b9: {  	[tilespmem:s1], [sflag:$0x5] =	stream.indirect.gather [hbm4b:s0+s22], $0x40, s25, s22, $0xb8;
	[tilespmem:$0x1B530] =	vst v63  }
0x1ba: {  	s30 =	simm.s32 $0x2800;
	s11 =	simm.s32 $0x0;
	s12 =	simm.s32 $0x0  }
0x1bb: {  	[spmem:s3] =	stream.indirect.scatter.add.f32 [tilespmem:s28], [sflag:$0x9], $0x40, s30, s22, $0xb8;
	[tilespmem:$0x1B530] =	vst v63  }
.LBB2_12:
0x1bc: {  	s4 =	sadd.s32 $0xFFFFFFFC, s11  }
0x1bd: {  	s8 =	sadd.s32 $0x146, s4  }
0x1be: {  	v1 =	vmov s8  }
0x1bf: {  	v1 =	vand.u32 $0xFFFFFFFE, v1  }
0x1c0: {  	_ =	swait.ge [sflag:s31], $0x1400;
	v1 =	vbroadcast v1, $0x0  }
0x1c1: {  	[sflag:s31] =	ssyncset.done $0x0;
	s30 =	sadd.s32 $0x144, s4  }
0x1c2: {  	s1 =	sadd.s32 $0x145, s4;
	[sflag:s31] =	ssyncadd.s32 $0xFFFFEC00;
	v2 =	vmov s30  }
0x1c3: {  	v3 =	vmov s1;
	_ =	swait.ge [sflag:s5], $0x1400;
	v2 =	vand.u32 $0xFFFFFFFC, v2  }
0x1c4: {  	v3 =	vand.u32 $0xFFFFFFFD, v3;
	[sflag:s5] =	ssyncset.done $0x0;
	v2 =	vbroadcast v2, $0x0  }
0x1c5: {  	v3 =	vbroadcast v3, $0x0;
	[sflag:s5] =	ssyncadd.s32 $0xFFFFEC00  }
0x1c6: {  	s15 =	simm.s32 $0x75B0;
	s4 =	sadd.s32 $0x147, s4;
	v8 =	vld.idx.msk [tilespmem:v1+s18+$0x0], $0xffff  }
0x1c7: {  	v4 =	vmov s4;
	v1 =	vld [tilespmem:s15+$0x0];
	_ =	sdelay $0x1  }
0x1c8: {  	s10 =	sadd.s32 $0x0, s11;
	v5 =	vld [tilespmem:s15+$0xFFFFFF80]  }
0x1c9: {  	s14 =	sadd.s32 $0x146, s10;
	v2 =	vld.idx.msk [tilespmem:v2+s18+$0x0], $0xffff  }
0x1ca: {  	v7 =	vmov s14;
	v3 =	vld.idx.msk [tilespmem:v3+s18+$0x0], $0xffff  }
0x1cb: {  	v6 =	vmul.f32 v1, v8;
	v1 =	vld.idx.msk [tilespmem:v4+s18+$0x0], $0xffff;
	v4 =	vand.u32 $0xFFFFFFFE, v7  }
0x1cc: {  	v7 =	vld [tilespmem:s15+$0xFFFFFFC0];
	v4 =	vbroadcast v4, $0x0  }
0x1cd: {  	s13 =	simm.s32 $0xC5B0;
	s16 =	sadd.s32 $0x144, s10;
	v9 =	vld [tilespmem:s15+$0x40]  }
0x1ce: {  	v10 =	vmov s16;
	v5 =	vmul.f32 v5, v2;
	[tilespmem:s13+$0x0] =	vst v6  }
0x1cf: {  	s17 =	sadd.s32 $0x145, s10;
	v10 =	vand.u32 $0xFFFFFFFC, v10;
	v6 =	vld [tilespmem:s15+$0x10]  }
0x1d0: {  	v11 =	vmov s17;
	v10 =	vbroadcast v10, $0x0;
	[tilespmem:s13+$0xFFFFFF80] =	vst v5  }
0x1d1: {  	v5 =	vmul.f32 v7, v3;
	v7 =	vand.u32 $0xFFFFFFFD, v11;
	v11 =	vld [tilespmem:s15+$0xFFFFFF90]  }
0x1d2: {  	s23 =	simm.s32 $0x76B0;
	v12 =	vbroadcast v7, $0x0;
	v7 =	vld.idx.msk [tilespmem:v4+s18+$0x0], $0xffff;
	v4 =	vmul.f32 v9, v1  }
0x1d3: {  	s4 =	sadd.s32 $0x147, s10;
	[tilespmem:s13+$0xFFFFFFC0] =	vst v5;
	v5 =	vld [tilespmem:s23+$0x0]  }
0x1d4: {  	v9 =	vmov s4;
	v6 =	vmul.f32 v6, v8;
	v13 =	vld [tilespmem:s15+$0xFFFFFFD0];
	[tilespmem:s13+$0x40] =	vst v4  }
0x1d5: {  	v15 =	vld [tilespmem:s15+$0x50]  }
0x1d6: {  	[tilespmem:s13+$0x10] =	vst v6;
	v6 =	vld.idx.msk [tilespmem:v10+s18+$0x0], $0xffff  }
0x1d7: {  	v14 =	vld [tilespmem:s15+$0x20]  }
0x1d8: {  	s20 =	sadd.s32 $0x4, s11;
	v4 =	vld.idx.msk [tilespmem:v12+s18+$0x0], $0xffff;
	v10 =	vmul.f32 v5, v7  }
0x1d9: {  	s21 =	sadd.s32 $0x146, s20;
	s16 =	simm.s32 $0xC6B0;
	v11 =	vmul.f32 v11, v2;
	v5 =	vld.idx.msk [tilespmem:v9+s18+$0x0], $0xffff  }
0x1da: {  	v16 =	vmov s21;
	v9 =	vld [tilespmem:s23+$0xFFFFFF80];
	v13 =	vmul.f32 v13, v3;
	[tilespmem:s16+$0x0] =	vst v10  }
0x1db: {  	v16 =	vand.u32 $0xFFFFFFFE, v16;
	[tilespmem:s13+$0xFFFFFF90] =	vst v11;
	v12 =	vld [tilespmem:s23+$0x10]  }
0x1dc: {  	v16 =	vbroadcast v16, $0x0;
	v11 =	vmul.f32 v15, v1;
	[tilespmem:s13+$0xFFFFFFD0] =	vst v13;
	v13 =	vld [tilespmem:s15+$0xFFFFFFA0]  }
0x1dd: {  	v10 =	vmul.f32 v14, v8;
	v14 =	vld [tilespmem:s23+$0xFFFFFFC0]  }
0x1de: {  	s25 =	sadd.s32 $0x144, s20;
	v17 =	vld [tilespmem:s15+$0xFFFFFFE0];
	[tilespmem:s13+$0x50] =	vst v11  }
0x1df: {  	s30 =	sadd.s32 $0x145, s20;
	v9 =	vmul.f32 v9, v6;
	v11 =	vmov s25;
	[tilespmem:s13+$0x20] =	vst v10;
	v10 =	vld [tilespmem:s23+$0x40]  }
0x1e0: {  	v19 =	vmov s30;
	v11 =	vand.u32 $0xFFFFFFFC, v11;
	v15 =	vld [tilespmem:s15+$0x30];
	v12 =	vmul.f32 v12, v7  }
0x1e1: {  	v18 =	vld [tilespmem:s15+$0x60];
	[tilespmem:s16+$0xFFFFFF80] =	vst v9;
	v9 =	vand.u32 $0xFFFFFFFD, v19;
	v20 =	vbroadcast v11, $0x0  }
0x1e2: {  	v11 =	vld.idx.msk [tilespmem:v16+s18+$0x0], $0xffff;
	v9 =	vbroadcast v9, $0x0;
	v14 =	vmul.f32 v14, v4;
	[tilespmem:s16+$0x10] =	vst v12  }
0x1e3: {  	v12 =	vld [tilespmem:s23+$0x20]  }
0x1e4: {  	s4 =	sadd.s32 $0x147, s20;
	v19 =	vld [tilespmem:s23+$0xFFFFFF90];
	v10 =	vmul.f32 v10, v5;
	[tilespmem:s16+$0xFFFFFFC0] =	vst v14  }
0x1e5: {  	s25 =	simm.s32 $0x77B0;
	v14 =	vld [tilespmem:s23+$0xFFFFFFD0];
	v8 =	vmul.f32 v15, v8;
	v15 =	vmov s4  }
0x1e6: {  	v16 =	vld [tilespmem:s25+$0x0];
	[tilespmem:s16+$0x40] =	vst v10;
	v10 =	vmul.f32 v13, v2  }
0x1e7: {  	v21 =	vld [tilespmem:s23+$0x50];
	[tilespmem:s13+$0x30] =	vst v8;
	v8 =	vmul.f32 v17, v3  }
0x1e8: {  	v9 =	vld.idx.msk [tilespmem:v9+s18+$0x0], $0xffff;
	[tilespmem:s13+$0xFFFFFFA0] =	vst v10;
	v12 =	vmul.f32 v12, v7  }
0x1e9: {  	v13 =	vmul.f32 v19, v6;
	v10 =	vld.idx.msk [tilespmem:v20+s18+$0x0], $0xffff;
	[tilespmem:s13+$0xFFFFFFE0] =	vst v8  }
0x1ea: {  	v14 =	vmul.f32 v14, v4;
	v8 =	vld.idx.msk [tilespmem:v15+s18+$0x0], $0xffff;
	[tilespmem:s16+$0x20] =	vst v12  }
0x1eb: {  	[tilespmem:s16+$0xFFFFFF90] =	vst v13;
	v12 =	vmul.f32 v18, v1;
	v13 =	vld [tilespmem:s23+$0x30]  }
0x1ec: {  	v15 =	vld [tilespmem:s25+$0xFFFFFF80];
	[tilespmem:s16+$0xFFFFFFD0] =	vst v14;
	v14 =	vmul.f32 v16, v11  }
0x1ed: {  	s21 =	simm.s32 $0xC7B0;
	v17 =	vmul.f32 v21, v5;
	v16 =	vld [tilespmem:s25+$0xFFFFFFC0];
	[tilespmem:s13+$0x60] =	vst v12  }
0x1ee: {  	s14 =	sshll.u32 s12, $0x2;
	v12 =	vld [tilespmem:s25+$0x40];
	[tilespmem:s21+$0x0] =	vst v14  }
0x1ef: {  	s10 =	simm.s32 $0x8;
	s8 =	simm.s32 $0xC7B0;
	s4 =	sadd.s32 $0x4, s14;
	[tilespmem:s16+$0x50] =	vst v17;
	v14 =	vld [tilespmem:s25+$0x10]  }
.LBB2_13:
0x1f0: {  	s20 =	sadd.s32 s10, s11;
	s10 =	sadd.s32 $0x4, s10;
	v17 =	vld [tilespmem:s23+$0xFFFFFFA0];
	v13 =	vmul.f32 v13, v7;
	v7 =	vmov v11  }
0x1f1: {  	s30 =	sadd.s32 $0x144, s20;
	s1 =	sadd.s32 $0x146, s20;
	p0 =	slt.u32 s10, $0x4C;
	v11 =	vmul.f32 v15, v10;
	v15 =	vld [tilespmem:s23+$0xFFFFFFE0]  }
0x1f2: {  	v18 =	vmov s30;
	s30 =	sadd.s32 $0x145, s20;
	v19 =	vmov s1;
	s1 =	sadd.s32 $0x147, s20;
	v16 =	vmul.f32 v16, v9;
	[tilespmem:s16+$0x30] =	vst v13;
	v13 =	vld [tilespmem:s23+$0x60]  }
0x1f3: {  	v18 =	vand.u32 $0xFFFFFFFC, v18;
	v20 =	vmov s30;
	v19 =	vand.u32 $0xFFFFFFFE, v19;
	[tilespmem:s21+$0xFFFFFF80] =	vst v11;
	v11 =	vld [tilespmem:s15+$0xFFFFFFB0]  }
0x1f4: {  	v20 =	vand.u32 $0xFFFFFFFD, v20;
	v19 =	vbroadcast v19, $0x0;
	v21 =	vld [tilespmem:s25+$0xFFFFFF90];
	[tilespmem:s21+$0xFFFFFFC0] =	vst v16;
	v14 =	vmul.f32 v14, v7  }
0x1f5: {  	v16 =	vbroadcast v18, $0x0;
	v18 =	vbroadcast v20, $0x0;
	v20 =	vmov s1;
	v22 =	vld [tilespmem:s25+$0xFFFFFFD0]  }
0x1f6: {  	v12 =	vmul.f32 v12, v8;
	[tilespmem:s21+$0x10] =	vst v14;
	v14 =	vmul.f32 v17, v6;
	v17 =	vld [tilespmem:s15+$0xFFFFFFF0]  }
0x1f7: {  	v15 =	vmul.f32 v15, v4;
	v23 =	vld [tilespmem:s25+$0x20];
	v13 =	vmul.f32 v13, v5  }
0x1f8: {  	[tilespmem:s21+$0x40] =	vst v12;
	v12 =	vmul.f32 v11, v2;
	v24 =	vld [tilespmem:s15+$0x70];
	v2 =	vmov v6;
	v6 =	vmov v10;
	s15 =	smov.u32 s23;
	s23 =	smov.u32 s25  }
0x1f9: {  	v10 =	vmul.f32 v21, v6;
	v21 =	vld [tilespmem:s25+$0x50];
	[tilespmem:s16+$0xFFFFFFA0] =	vst v14  }
0x1fa: {  	s25 =	sadd.s32 $0x100, s25;
	v11 =	vld.idx.msk [tilespmem:v19+s18+$0x0], $0xffff;
	v14 =	vmul.f32 v22, v9;
	[tilespmem:s16+$0xFFFFFFE0] =	vst v15  }
0x1fb: {  	v19 =	vld [tilespmem:s25+$0x0];
	[tilespmem:s21+$0xFFFFFF90] =	vst v10;
	v17 =	vmul.f32 v17, v3;
	v3 =	vmov v4;
	v4 =	vmov v9  }
0x1fc: {  	v10 =	vld.idx.msk [tilespmem:v16+s18+$0x0], $0xffff;
	[tilespmem:s21+$0xFFFFFFD0] =	vst v14;
	v14 =	vmul.f32 v23, v7  }
0x1fd: {  	v9 =	vld.idx.msk [tilespmem:v18+s18+$0x0], $0xffff;
	[tilespmem:s16+$0x60] =	vst v13;
	v18 =	vmul.f32 v24, v1;
	v1 =	vmov v5;
	v5 =	vmov v8  }
0x1fe: {  	v8 =	vld.idx.msk [tilespmem:v20+s18+$0x0], $0xffff;
	[tilespmem:s21+$0x20] =	vst v14;
	v14 =	vmul.f32 v21, v5  }
.Ltmp5:
0x1ff: {  	v13 =	vld [tilespmem:s23+$0x30];
	[tilespmem:s13+$0xFFFFFFB0] =	vst v12;
	(pc) =	sbr.rel @p0 .LBB2_13-.Ltmp5, $4  }
0x200: {  	v15 =	vld [tilespmem:s25+$0xFFFFFF80];
	v12 =	vmul.f32 v19, v11;
	[tilespmem:s21+$0x50] =	vst v14  }
0x201: {  	s21 =	sadd.s32 $0x100, s21;
	v16 =	vld [tilespmem:s25+$0xFFFFFFC0];
	[tilespmem:s13+$0xFFFFFFF0] =	vst v17  }
0x202: {  	[tilespmem:s21+$0x0] =	vst v12;
	v12 =	vld [tilespmem:s25+$0x40]  }
0x203: {  	v14 =	vld [tilespmem:s25+$0x10];
	[tilespmem:s13+$0x70] =	vst v18;
	s13 =	smov.u32 s16;
	s16 =	smov.u32 s8;
	s8 =	smov.u32 s21  }
0x204: {  	_ = 	snop  }
0x205: {  	v15 =	vmul.f32 v15, v10  }
0x206: {  	v17 =	vld [tilespmem:s23+$0xFFFFFFA0];
	v16 =	vmul.f32 v16, v9  }
0x207: {  	v7 =	vmul.f32 v13, v7;
	v13 =	vld [tilespmem:s23+$0xFFFFFFE0];
	[tilespmem:s21+$0xFFFFFF80] =	vst v15  }
0x208: {  	v12 =	vmul.f32 v12, v8;
	v15 =	vld [tilespmem:s25+$0xFFFFFF90];
	[tilespmem:s21+$0xFFFFFFC0] =	vst v16  }
0x209: {  	v14 =	vmul.f32 v14, v11;
	v16 =	vld [tilespmem:s25+$0xFFFFFFD0]  }
0x20a: {  	v18 =	vld [tilespmem:s15+$0xFFFFFFB0];
	[tilespmem:s21+$0x40] =	vst v12  }
0x20b: {  	v12 =	vld [tilespmem:s25+$0x50];
	[tilespmem:s21+$0x10] =	vst v14  }
0x20c: {  	v14 =	vmul.f32 v17, v6;
	v17 =	vld [tilespmem:s25+$0x20]  }
0x20d: {  	[tilespmem:s16+$0x30] =	vst v7;
	v15 =	vmul.f32 v15, v10  }
0x20e: {  	v7 =	vld [tilespmem:s23+$0x60];
	[tilespmem:s16+$0xFFFFFFA0] =	vst v14;
	v14 =	vmul.f32 v16, v9  }
0x20f: {  	v13 =	vmul.f32 v13, v4;
	v16 =	vld [tilespmem:s15+$0xFFFFFFF0];
	[tilespmem:s21+$0xFFFFFF90] =	vst v15  }
0x210: {  	v12 =	vmul.f32 v12, v8;
	[tilespmem:s21+$0xFFFFFFD0] =	vst v14;
	v14 =	vld [tilespmem:s25+$0xFFFFFFA0]  }
0x211: {  	v2 =	vmul.f32 v18, v2;
	[tilespmem:s16+$0xFFFFFFE0] =	vst v13;
	v15 =	vmul.f32 v17, v11;
	v17 =	vld [tilespmem:s15+$0x70]  }
0x212: {  	[tilespmem:s21+$0x50] =	vst v12;
	v12 =	vld [tilespmem:s25+$0xFFFFFFE0]  }
0x213: {  	v7 =	vmul.f32 v7, v5;
	[tilespmem:s13+$0xFFFFFFB0] =	vst v2;
	v13 =	vld [tilespmem:s25+$0x60]  }
0x214: {  	v2 =	vld [tilespmem:s23+$0xFFFFFFB0];
	[tilespmem:s21+$0x20] =	vst v15;
	v3 =	vmul.f32 v16, v3  }
0x215: {  	[tilespmem:s16+$0x60] =	vst v7;
	v7 =	vld [tilespmem:s25+$0x30];
	v14 =	vmul.f32 v14, v10  }
0x216: {  	[tilespmem:s13+$0xFFFFFFF0] =	vst v3;
	v1 =	vmul.f32 v17, v1  }
0x217: {  	v3 =	vld [tilespmem:s23+$0xFFFFFFF0];
	v12 =	vmul.f32 v12, v9;
	[tilespmem:s8+$0xFFFFFFA0] =	vst v14  }
0x218: {  	v15 =	vld [tilespmem:s23+$0x70];
	v13 =	vmul.f32 v13, v8;
	[tilespmem:s13+$0x70] =	vst v1  }
0x219: {  	[tilespmem:s8+$0xFFFFFFE0] =	vst v12;
	v12 =	vld [tilespmem:s25+$0xFFFFFFB0]  }
0x21a: {  	v1 =	vmul.f32 v2, v6;
	v7 =	vmul.f32 v7, v11;
	[tilespmem:s8+$0x60] =	vst v13;
	v11 =	vld [tilespmem:s25+$0xFFFFFFF0]  }
0x21b: {  	v2 =	vld [tilespmem:s25+$0x70]  }
0x21c: {  	[tilespmem:s16+$0xFFFFFFB0] =	vst v1;
	v3 =	vmul.f32 v3, v4  }
0x21d: {  	[tilespmem:s8+$0x30] =	vst v7;
	v4 =	vmul.f32 v15, v5  }
0x21e: {  	[tilespmem:s16+$0xFFFFFFF0] =	vst v3;
	v1 =	vmul.f32 v12, v10  }
0x21f: {  	s1 =	smul.u32 $0x500, s12;
	[tilespmem:s16+$0x70] =	vst v4;
	v3 =	vmul.f32 v11, v9  }
0x220: {  	v2 =	vmul.f32 v2, v8;
	[tilespmem:s8+$0xFFFFFFB0] =	vst v1  }
0x221: {  	s13 =	sshra.s32 s1, $0x2;
	[tilespmem:s8+$0xFFFFFFF0] =	vst v3  }
0x222: {  	s10 =	smul.u32 $0x140, s4;
	s15 =	sadd.s32 $0xFFFFFFFC, s11;
	s1 =	sadd.s32 $0x280, s13;
	[tilespmem:s8+$0x70] =	vst v2  }
0x223: {  	[tilespmem:s19], [sflag:$0x2] =	stream.indirect.gather [hbm4b:s0+s22], $0x40, s1, s22, $0xb8;
	[tilespmem:$0x1B530] =	vst v63  }
0x224: {  	s16 =	sadd.s32 $0x196, s15;
	s1 =	sshra.s32 s10, $0x2  }
0x225: {  	v1 =	vmov s16;
	s1 =	sadd.s32 $0x2710, s1  }
0x226: {  	v1 =	vand.u32 $0xFFFFFFFE, v1;
	[spmem:s3] =	stream.indirect.scatter.add.f32 [tilespmem:s26], [sflag:$0x6], $0x40, s1, s22, $0xb8;
	[tilespmem:$0x1B530] =	vst v63  }
0x227: {  	s17 =	sadd.s32 $0x194, s15;
	v1 =	vbroadcast v1, $0x0;
	_ =	swait.ge [sflag:s29], $0x1400  }
0x228: {  	v2 =	vmov s17;
	[sflag:s29] =	ssyncset.done $0x0  }
0x229: {  	s20 =	sadd.s32 $0x195, s15;
	v2 =	vand.u32 $0xFFFFFFFC, v2;
	[sflag:s29] =	ssyncadd.s32 $0xFFFFEC00  }
0x22a: {  	v3 =	vmov s20;
	v2 =	vbroadcast v2, $0x0;
	_ =	swait.ge [sflag:s6], $0x1400  }
0x22b: {  	v3 =	vand.u32 $0xFFFFFFFD, v3;
	[sflag:s6] =	ssyncset.done $0x0  }
0x22c: {  	v3 =	vbroadcast v3, $0x0;
	[sflag:s6] =	ssyncadd.s32 $0xFFFFEC00  }
0x22d: {  	s21 =	sadd.s32 $0x197, s15;
	s16 =	simm.s32 $0x89B0;
	v8 =	vld.idx.msk [tilespmem:v1+s18+$0x0], $0xffff  }
0x22e: {  	v4 =	vmov s21;
	v1 =	vld [tilespmem:s16+$0x0];
	_ =	sdelay $0x1  }
0x22f: {  	s23 =	sadd.s32 $0x0, s11;
	v2 =	vld.idx.msk [tilespmem:v2+s18+$0x0], $0xffff  }
0x230: {  	s30 =	sadd.s32 $0x196, s23;
	v5 =	vld [tilespmem:s16+$0xFFFFFF80]  }
0x231: {  	v7 =	vmov s30;
	v3 =	vld.idx.msk [tilespmem:v3+s18+$0x0], $0xffff  }
0x232: {  	v6 =	vmul.f32 v1, v8;
	v1 =	vld.idx.msk [tilespmem:v4+s18+$0x0], $0xffff;
	v4 =	vand.u32 $0xFFFFFFFE, v7  }
0x233: {  	v7 =	vld [tilespmem:s16+$0xFFFFFFC0];
	v4 =	vbroadcast v4, $0x0  }
0x234: {  	s15 =	simm.s32 $0xD9B0;
	s8 =	sadd.s32 $0x194, s23;
	v9 =	vld [tilespmem:s16+$0x40]  }
0x235: {  	v10 =	vmov s8;
	v5 =	vmul.f32 v5, v2;
	[tilespmem:s15+$0x0] =	vst v6  }
0x236: {  	s10 =	sadd.s32 $0x195, s23;
	v10 =	vand.u32 $0xFFFFFFFC, v10;
	v6 =	vld [tilespmem:s16+$0x10]  }
0x237: {  	v11 =	vmov s10;
	v10 =	vbroadcast v10, $0x0;
	[tilespmem:s15+$0xFFFFFF80] =	vst v5  }
0x238: {  	v5 =	vmul.f32 v7, v3;
	v7 =	vand.u32 $0xFFFFFFFD, v11;
	v11 =	vld [tilespmem:s16+$0xFFFFFF90]  }
0x239: {  	s25 =	simm.s32 $0x8AB0;
	v12 =	vbroadcast v7, $0x0;
	v7 =	vld.idx.msk [tilespmem:v4+s18+$0x0], $0xffff;
	v4 =	vmul.f32 v9, v1  }
0x23a: {  	s1 =	sadd.s32 $0x197, s23;
	[tilespmem:s15+$0xFFFFFFC0] =	vst v5;
	v5 =	vld [tilespmem:s25+$0x0]  }
0x23b: {  	v9 =	vmov s1;
	v6 =	vmul.f32 v6, v8;
	v13 =	vld [tilespmem:s16+$0xFFFFFFD0];
	[tilespmem:s15+$0x40] =	vst v4  }
0x23c: {  	v15 =	vld [tilespmem:s16+$0x50]  }
0x23d: {  	[tilespmem:s15+$0x10] =	vst v6;
	v6 =	vld.idx.msk [tilespmem:v10+s18+$0x0], $0xffff  }
0x23e: {  	v14 =	vld [tilespmem:s16+$0x20]  }
0x23f: {  	s17 =	sadd.s32 $0x4, s11;
	v4 =	vld.idx.msk [tilespmem:v12+s18+$0x0], $0xffff;
	v10 =	vmul.f32 v5, v7  }
0x240: {  	s20 =	sadd.s32 $0x196, s17;
	s23 =	simm.s32 $0xDAB0;
	v11 =	vmul.f32 v11, v2;
	v5 =	vld.idx.msk [tilespmem:v9+s18+$0x0], $0xffff  }
0x241: {  	v16 =	vmov s20;
	v9 =	vld [tilespmem:s25+$0xFFFFFF80];
	v13 =	vmul.f32 v13, v3;
	[tilespmem:s23+$0x0] =	vst v10  }
0x242: {  	v16 =	vand.u32 $0xFFFFFFFE, v16;
	[tilespmem:s15+$0xFFFFFF90] =	vst v11;
	v12 =	vld [tilespmem:s25+$0x10]  }
0x243: {  	v16 =	vbroadcast v16, $0x0;
	v11 =	vmul.f32 v15, v1;
	[tilespmem:s15+$0xFFFFFFD0] =	vst v13;
	v13 =	vld [tilespmem:s16+$0xFFFFFFA0]  }
0x244: {  	v10 =	vmul.f32 v14, v8;
	v14 =	vld [tilespmem:s25+$0xFFFFFFC0]  }
0x245: {  	s21 =	sadd.s32 $0x194, s17;
	v17 =	vld [tilespmem:s16+$0xFFFFFFE0];
	[tilespmem:s15+$0x50] =	vst v11  }
0x246: {  	s30 =	sadd.s32 $0x195, s17;
	v9 =	vmul.f32 v9, v6;
	v11 =	vmov s21;
	[tilespmem:s15+$0x20] =	vst v10;
	v10 =	vld [tilespmem:s25+$0x40]  }
0x247: {  	v19 =	vmov s30;
	v11 =	vand.u32 $0xFFFFFFFC, v11;
	v15 =	vld [tilespmem:s16+$0x30];
	v12 =	vmul.f32 v12, v7  }
0x248: {  	v18 =	vld [tilespmem:s16+$0x60];
	[tilespmem:s23+$0xFFFFFF80] =	vst v9;
	v9 =	vand.u32 $0xFFFFFFFD, v19;
	v20 =	vbroadcast v11, $0x0  }
0x249: {  	v11 =	vld.idx.msk [tilespmem:v16+s18+$0x0], $0xffff;
	v9 =	vbroadcast v9, $0x0;
	v14 =	vmul.f32 v14, v4;
	[tilespmem:s23+$0x10] =	vst v12  }
0x24a: {  	v12 =	vld [tilespmem:s25+$0x20]  }
0x24b: {  	s1 =	sadd.s32 $0x197, s17;
	v19 =	vld [tilespmem:s25+$0xFFFFFF90];
	v10 =	vmul.f32 v10, v5;
	[tilespmem:s23+$0xFFFFFFC0] =	vst v14  }
0x24c: {  	s8 =	simm.s32 $0x8BB0;
	v14 =	vld [tilespmem:s25+$0xFFFFFFD0];
	v8 =	vmul.f32 v15, v8;
	v15 =	vmov s1  }
0x24d: {  	v16 =	vld [tilespmem:s8+$0x0];
	[tilespmem:s23+$0x40] =	vst v10;
	v10 =	vmul.f32 v13, v2  }
0x24e: {  	v21 =	vld [tilespmem:s25+$0x50];
	[tilespmem:s15+$0x30] =	vst v8;
	v8 =	vmul.f32 v17, v3  }
0x24f: {  	v9 =	vld.idx.msk [tilespmem:v9+s18+$0x0], $0xffff;
	[tilespmem:s15+$0xFFFFFFA0] =	vst v10;
	v12 =	vmul.f32 v12, v7  }
0x250: {  	v13 =	vmul.f32 v19, v6;
	v10 =	vld.idx.msk [tilespmem:v20+s18+$0x0], $0xffff;
	[tilespmem:s15+$0xFFFFFFE0] =	vst v8  }
0x251: {  	v14 =	vmul.f32 v14, v4;
	v8 =	vld.idx.msk [tilespmem:v15+s18+$0x0], $0xffff;
	[tilespmem:s23+$0x20] =	vst v12  }
0x252: {  	[tilespmem:s23+$0xFFFFFF90] =	vst v13;
	v12 =	vmul.f32 v18, v1;
	v13 =	vld [tilespmem:s25+$0x30]  }
0x253: {  	v15 =	vld [tilespmem:s8+$0xFFFFFF80];
	[tilespmem:s23+$0xFFFFFFD0] =	vst v14;
	v14 =	vmul.f32 v16, v11  }
0x254: {  	s10 =	simm.s32 $0xDBB0;
	v17 =	vmul.f32 v21, v5;
	v16 =	vld [tilespmem:s8+$0xFFFFFFC0];
	[tilespmem:s15+$0x60] =	vst v12  }
0x255: {  	v12 =	vld [tilespmem:s8+$0x40];
	[tilespmem:s10+$0x0] =	vst v14  }
0x256: {  	s4 =	sadd.s32 $0x5, s14;
	s20 =	simm.s32 $0x8;
	s21 =	simm.s32 $0xDBB0;
	[tilespmem:s23+$0x50] =	vst v17;
	v14 =	vld [tilespmem:s8+$0x10]  }
.LBB2_15:
0x257: {  	s1 =	sadd.s32 s20, s11;
	s20 =	sadd.s32 $0x4, s20;
	v17 =	vld [tilespmem:s25+$0xFFFFFFA0];
	v13 =	vmul.f32 v13, v7;
	v7 =	vmov v11  }
0x258: {  	s30 =	sadd.s32 $0x194, s1;
	s17 =	sadd.s32 $0x196, s1;
	p0 =	slt.u32 s20, $0x4C;
	v11 =	vmul.f32 v15, v10;
	v15 =	vld [tilespmem:s25+$0xFFFFFFE0]  }
0x259: {  	v18 =	vmov s30;
	s30 =	sadd.s32 $0x195, s1;
	v19 =	vmov s17;
	s1 =	sadd.s32 $0x197, s1;
	v16 =	vmul.f32 v16, v9;
	[tilespmem:s23+$0x30] =	vst v13;
	v13 =	vld [tilespmem:s25+$0x60]  }
0x25a: {  	v18 =	vand.u32 $0xFFFFFFFC, v18;
	v20 =	vmov s30;
	v19 =	vand.u32 $0xFFFFFFFE, v19;
	[tilespmem:s10+$0xFFFFFF80] =	vst v11;
	v11 =	vld [tilespmem:s16+$0xFFFFFFB0]  }
0x25b: {  	v20 =	vand.u32 $0xFFFFFFFD, v20;
	v19 =	vbroadcast v19, $0x0;
	v21 =	vld [tilespmem:s8+$0xFFFFFF90];
	[tilespmem:s10+$0xFFFFFFC0] =	vst v16;
	v14 =	vmul.f32 v14, v7  }
0x25c: {  	v16 =	vbroadcast v18, $0x0;
	v18 =	vbroadcast v20, $0x0;
	v20 =	vmov s1;
	v22 =	vld [tilespmem:s8+$0xFFFFFFD0]  }
0x25d: {  	v12 =	vmul.f32 v12, v8;
	[tilespmem:s10+$0x10] =	vst v14;
	v14 =	vmul.f32 v17, v6;
	v17 =	vld [tilespmem:s16+$0xFFFFFFF0]  }
0x25e: {  	v15 =	vmul.f32 v15, v4;
	v23 =	vld [tilespmem:s8+$0x20];
	v13 =	vmul.f32 v13, v5  }
0x25f: {  	[tilespmem:s10+$0x40] =	vst v12;
	v12 =	vmul.f32 v11, v2;
	v24 =	vld [tilespmem:s16+$0x70];
	v2 =	vmov v6;
	v6 =	vmov v10;
	s16 =	smov.u32 s25;
	s25 =	smov.u32 s8  }
0x260: {  	v10 =	vmul.f32 v21, v6;
	v21 =	vld [tilespmem:s8+$0x50];
	[tilespmem:s23+$0xFFFFFFA0] =	vst v14  }
0x261: {  	s8 =	sadd.s32 $0x100, s8;
	v11 =	vld.idx.msk [tilespmem:v19+s18+$0x0], $0xffff;
	v14 =	vmul.f32 v22, v9;
	[tilespmem:s23+$0xFFFFFFE0] =	vst v15  }
0x262: {  	v19 =	vld [tilespmem:s8+$0x0];
	[tilespmem:s10+$0xFFFFFF90] =	vst v10;
	v17 =	vmul.f32 v17, v3;
	v3 =	vmov v4;
	v4 =	vmov v9  }
0x263: {  	v10 =	vld.idx.msk [tilespmem:v16+s18+$0x0], $0xffff;
	[tilespmem:s10+$0xFFFFFFD0] =	vst v14;
	v14 =	vmul.f32 v23, v7  }
0x264: {  	v9 =	vld.idx.msk [tilespmem:v18+s18+$0x0], $0xffff;
	[tilespmem:s23+$0x60] =	vst v13;
	v18 =	vmul.f32 v24, v1;
	v1 =	vmov v5;
	v5 =	vmov v8  }
0x265: {  	v8 =	vld.idx.msk [tilespmem:v20+s18+$0x0], $0xffff;
	[tilespmem:s10+$0x20] =	vst v14;
	v14 =	vmul.f32 v21, v5  }
.Ltmp6:
0x266: {  	v13 =	vld [tilespmem:s25+$0x30];
	[tilespmem:s15+$0xFFFFFFB0] =	vst v12;
	(pc) =	sbr.rel @p0 .LBB2_15-.Ltmp6, $4  }
0x267: {  	v15 =	vld [tilespmem:s8+$0xFFFFFF80];
	v12 =	vmul.f32 v19, v11;
	[tilespmem:s10+$0x50] =	vst v14  }
0x268: {  	s10 =	sadd.s32 $0x100, s10;
	v16 =	vld [tilespmem:s8+$0xFFFFFFC0];
	[tilespmem:s15+$0xFFFFFFF0] =	vst v17  }
0x269: {  	[tilespmem:s10+$0x0] =	vst v12;
	v12 =	vld [tilespmem:s8+$0x40]  }
0x26a: {  	v14 =	vld [tilespmem:s8+$0x10];
	[tilespmem:s15+$0x70] =	vst v18;
	s15 =	smov.u32 s23;
	s23 =	smov.u32 s21;
	s21 =	smov.u32 s10  }
0x26b: {  	_ = 	snop  }
0x26c: {  	v15 =	vmul.f32 v15, v10  }
0x26d: {  	v17 =	vld [tilespmem:s25+$0xFFFFFFA0];
	v16 =	vmul.f32 v16, v9  }
0x26e: {  	v7 =	vmul.f32 v13, v7;
	v13 =	vld [tilespmem:s25+$0xFFFFFFE0];
	[tilespmem:s10+$0xFFFFFF80] =	vst v15  }
0x26f: {  	v12 =	vmul.f32 v12, v8;
	v15 =	vld [tilespmem:s8+$0xFFFFFF90];
	[tilespmem:s10+$0xFFFFFFC0] =	vst v16  }
0x270: {  	v14 =	vmul.f32 v14, v11;
	v16 =	vld [tilespmem:s8+$0xFFFFFFD0]  }
0x271: {  	v18 =	vld [tilespmem:s16+$0xFFFFFFB0];
	[tilespmem:s10+$0x40] =	vst v12  }
0x272: {  	v12 =	vld [tilespmem:s8+$0x50];
	[tilespmem:s10+$0x10] =	vst v14  }
0x273: {  	v14 =	vmul.f32 v17, v6;
	v17 =	vld [tilespmem:s8+$0x20]  }
0x274: {  	[tilespmem:s23+$0x30] =	vst v7;
	v15 =	vmul.f32 v15, v10  }
0x275: {  	v7 =	vld [tilespmem:s25+$0x60];
	[tilespmem:s23+$0xFFFFFFA0] =	vst v14;
	v14 =	vmul.f32 v16, v9  }
0x276: {  	v13 =	vmul.f32 v13, v4;
	v16 =	vld [tilespmem:s16+$0xFFFFFFF0];
	[tilespmem:s10+$0xFFFFFF90] =	vst v15  }
0x277: {  	v12 =	vmul.f32 v12, v8;
	[tilespmem:s10+$0xFFFFFFD0] =	vst v14;
	v14 =	vld [tilespmem:s8+$0xFFFFFFA0]  }
0x278: {  	v2 =	vmul.f32 v18, v2;
	[tilespmem:s23+$0xFFFFFFE0] =	vst v13;
	v15 =	vmul.f32 v17, v11;
	v17 =	vld [tilespmem:s16+$0x70]  }
0x279: {  	[tilespmem:s10+$0x50] =	vst v12;
	v12 =	vld [tilespmem:s8+$0xFFFFFFE0]  }
0x27a: {  	v7 =	vmul.f32 v7, v5;
	[tilespmem:s15+$0xFFFFFFB0] =	vst v2;
	v13 =	vld [tilespmem:s8+$0x60]  }
0x27b: {  	v2 =	vld [tilespmem:s25+$0xFFFFFFB0];
	[tilespmem:s10+$0x20] =	vst v15;
	v3 =	vmul.f32 v16, v3  }
0x27c: {  	[tilespmem:s23+$0x60] =	vst v7;
	v7 =	vld [tilespmem:s8+$0x30];
	v14 =	vmul.f32 v14, v10  }
0x27d: {  	[tilespmem:s15+$0xFFFFFFF0] =	vst v3;
	v1 =	vmul.f32 v17, v1  }
0x27e: {  	v3 =	vld [tilespmem:s25+$0xFFFFFFF0];
	v12 =	vmul.f32 v12, v9;
	[tilespmem:s21+$0xFFFFFFA0] =	vst v14  }
0x27f: {  	v15 =	vld [tilespmem:s25+$0x70];
	v13 =	vmul.f32 v13, v8;
	[tilespmem:s15+$0x70] =	vst v1  }
0x280: {  	[tilespmem:s21+$0xFFFFFFE0] =	vst v12;
	v12 =	vld [tilespmem:s8+$0xFFFFFFB0]  }
0x281: {  	v1 =	vmul.f32 v2, v6;
	v7 =	vmul.f32 v7, v11;
	[tilespmem:s21+$0x60] =	vst v13;
	v11 =	vld [tilespmem:s8+$0xFFFFFFF0]  }
0x282: {  	v2 =	vld [tilespmem:s8+$0x70]  }
0x283: {  	[tilespmem:s23+$0xFFFFFFB0] =	vst v1;
	v3 =	vmul.f32 v3, v4  }
0x284: {  	[tilespmem:s21+$0x30] =	vst v7;
	v4 =	vmul.f32 v15, v5  }
0x285: {  	[tilespmem:s23+$0xFFFFFFF0] =	vst v3;
	v1 =	vmul.f32 v12, v10  }
0x286: {  	[tilespmem:s23+$0x70] =	vst v4;
	v3 =	vmul.f32 v11, v9  }
0x287: {  	v2 =	vmul.f32 v2, v8;
	[tilespmem:s21+$0xFFFFFFB0] =	vst v1  }
0x288: {  	p0 =	seq.s32 s12, $0x1D;
	[tilespmem:s21+$0xFFFFFFF0] =	vst v3  }
0x289: {  	s1 =	sadd.s32 @!p0 $0x2D0, s13;
	s10 =	simm.s32 @!p0 $0x8930;
	s8 =	simm.s32 @!p0 $0x50;
	[tilespmem:s21+$0x70] =	vst v2  }
0x28a: {  	[tilespmem:s10], [sflag:$0x3] =	stream.indirect.gather @!p0 [hbm4b:s0+s8], $0x40, s1, s8, $0xb8;
	[tilespmem:$0x1B530] =	vst v63  }
0x28b: {  	s8 =	smul.u32 $0x140, s4  }
0x28c: {  	s10 =	sadd.s32 $0xFFFFFFFC, s11  }
0x28d: {  	s15 =	sadd.s32 $0x1E6, s10;
	s1 =	sshra.s32 s8, $0x2  }
0x28e: {  	s16 =	simm.s32 $0xD930;
	v1 =	vmov s15;
	s1 =	sadd.s32 $0x2710, s1  }
0x28f: {  	v1 =	vand.u32 $0xFFFFFFFE, v1;
	[spmem:s3] =	stream.indirect.scatter.add.f32 [tilespmem:s16], [sflag:$0x7], $0x40, s1, s22, $0xb8;
	[tilespmem:$0x1B530] =	vst v63  }
0x290: {  	s17 =	sadd.s32 $0x1E4, s10;
	v1 =	vbroadcast v1, $0x0;
	_ =	swait.ge [sflag:s2], $0x1400  }
0x291: {  	v2 =	vmov s17;
	[sflag:s2] =	ssyncset.done $0x0  }
0x292: {  	s20 =	sadd.s32 $0x1E5, s10;
	v2 =	vand.u32 $0xFFFFFFFC, v2;
	[sflag:s2] =	ssyncadd.s32 $0xFFFFEC00  }
0x293: {  	v3 =	vmov s20;
	v2 =	vbroadcast v2, $0x0;
	_ =	swait.ge [sflag:s7], $0x1400  }
0x294: {  	v3 =	vand.u32 $0xFFFFFFFD, v3;
	[sflag:s7] =	ssyncset.done $0x0  }
0x295: {  	v3 =	vbroadcast v3, $0x0;
	[sflag:s7] =	ssyncadd.s32 $0xFFFFEC00  }
0x296: {  	s21 =	sadd.s32 $0x1E7, s10;
	s16 =	simm.s32 $0x9DB0;
	v8 =	vld.idx.msk [tilespmem:v1+s18+$0x0], $0xffff  }
0x297: {  	v4 =	vmov s21;
	v1 =	vld [tilespmem:s16+$0x0];
	_ =	sdelay $0x1  }
0x298: {  	s23 =	sadd.s32 $0x0, s11;
	v2 =	vld.idx.msk [tilespmem:v2+s18+$0x0], $0xffff  }
0x299: {  	s30 =	sadd.s32 $0x1E6, s23;
	v5 =	vld [tilespmem:s16+$0xFFFFFF80]  }
0x29a: {  	v7 =	vmov s30;
	v3 =	vld.idx.msk [tilespmem:v3+s18+$0x0], $0xffff  }
0x29b: {  	v6 =	vmul.f32 v1, v8;
	v1 =	vld.idx.msk [tilespmem:v4+s18+$0x0], $0xffff;
	v4 =	vand.u32 $0xFFFFFFFE, v7  }
0x29c: {  	v7 =	vld [tilespmem:s16+$0xFFFFFFC0];
	v4 =	vbroadcast v4, $0x0  }
0x29d: {  	s15 =	simm.s32 $0xEDB0;
	s8 =	sadd.s32 $0x1E4, s23;
	v9 =	vld [tilespmem:s16+$0x40]  }
0x29e: {  	v10 =	vmov s8;
	v5 =	vmul.f32 v5, v2;
	[tilespmem:s15+$0x0] =	vst v6  }
0x29f: {  	s10 =	sadd.s32 $0x1E5, s23;
	v10 =	vand.u32 $0xFFFFFFFC, v10;
	v6 =	vld [tilespmem:s16+$0x10]  }
0x2a0: {  	v11 =	vmov s10;
	v10 =	vbroadcast v10, $0x0;
	[tilespmem:s15+$0xFFFFFF80] =	vst v5  }
0x2a1: {  	v5 =	vmul.f32 v7, v3;
	v7 =	vand.u32 $0xFFFFFFFD, v11;
	v11 =	vld [tilespmem:s16+$0xFFFFFF90]  }
0x2a2: {  	s25 =	simm.s32 $0x9EB0;
	v12 =	vbroadcast v7, $0x0;
	v7 =	vld.idx.msk [tilespmem:v4+s18+$0x0], $0xffff;
	v4 =	vmul.f32 v9, v1  }
0x2a3: {  	s1 =	sadd.s32 $0x1E7, s23;
	[tilespmem:s15+$0xFFFFFFC0] =	vst v5;
	v5 =	vld [tilespmem:s25+$0x0]  }
0x2a4: {  	v9 =	vmov s1;
	v6 =	vmul.f32 v6, v8;
	v13 =	vld [tilespmem:s16+$0xFFFFFFD0];
	[tilespmem:s15+$0x40] =	vst v4  }
0x2a5: {  	v15 =	vld [tilespmem:s16+$0x50]  }
0x2a6: {  	[tilespmem:s15+$0x10] =	vst v6;
	v6 =	vld.idx.msk [tilespmem:v10+s18+$0x0], $0xffff  }
0x2a7: {  	v14 =	vld [tilespmem:s16+$0x20]  }
0x2a8: {  	s17 =	sadd.s32 $0x4, s11;
	v4 =	vld.idx.msk [tilespmem:v12+s18+$0x0], $0xffff;
	v10 =	vmul.f32 v5, v7  }
0x2a9: {  	s20 =	sadd.s32 $0x1E6, s17;
	s23 =	simm.s32 $0xEEB0;
	v11 =	vmul.f32 v11, v2;
	v5 =	vld.idx.msk [tilespmem:v9+s18+$0x0], $0xffff  }
0x2aa: {  	v16 =	vmov s20;
	v9 =	vld [tilespmem:s25+$0xFFFFFF80];
	v13 =	vmul.f32 v13, v3;
	[tilespmem:s23+$0x0] =	vst v10  }
0x2ab: {  	v16 =	vand.u32 $0xFFFFFFFE, v16;
	[tilespmem:s15+$0xFFFFFF90] =	vst v11;
	v12 =	vld [tilespmem:s25+$0x10]  }
0x2ac: {  	v16 =	vbroadcast v16, $0x0;
	v11 =	vmul.f32 v15, v1;
	[tilespmem:s15+$0xFFFFFFD0] =	vst v13;
	v13 =	vld [tilespmem:s16+$0xFFFFFFA0]  }
0x2ad: {  	v10 =	vmul.f32 v14, v8;
	v14 =	vld [tilespmem:s25+$0xFFFFFFC0]  }
0x2ae: {  	s21 =	sadd.s32 $0x1E4, s17;
	v17 =	vld [tilespmem:s16+$0xFFFFFFE0];
	[tilespmem:s15+$0x50] =	vst v11  }
0x2af: {  	s30 =	sadd.s32 $0x1E5, s17;
	v9 =	vmul.f32 v9, v6;
	v11 =	vmov s21;
	[tilespmem:s15+$0x20] =	vst v10;
	v10 =	vld [tilespmem:s25+$0x40]  }
0x2b0: {  	v19 =	vmov s30;
	v11 =	vand.u32 $0xFFFFFFFC, v11;
	v15 =	vld [tilespmem:s16+$0x30];
	v12 =	vmul.f32 v12, v7  }
0x2b1: {  	v18 =	vld [tilespmem:s16+$0x60];
	[tilespmem:s23+$0xFFFFFF80] =	vst v9;
	v9 =	vand.u32 $0xFFFFFFFD, v19;
	v20 =	vbroadcast v11, $0x0  }
0x2b2: {  	v11 =	vld.idx.msk [tilespmem:v16+s18+$0x0], $0xffff;
	v9 =	vbroadcast v9, $0x0;
	v14 =	vmul.f32 v14, v4;
	[tilespmem:s23+$0x10] =	vst v12  }
0x2b3: {  	v12 =	vld [tilespmem:s25+$0x20]  }
0x2b4: {  	s1 =	sadd.s32 $0x1E7, s17;
	v19 =	vld [tilespmem:s25+$0xFFFFFF90];
	v10 =	vmul.f32 v10, v5;
	[tilespmem:s23+$0xFFFFFFC0] =	vst v14  }
0x2b5: {  	s8 =	simm.s32 $0x9FB0;
	v14 =	vld [tilespmem:s25+$0xFFFFFFD0];
	v8 =	vmul.f32 v15, v8;
	v15 =	vmov s1  }
0x2b6: {  	v16 =	vld [tilespmem:s8+$0x0];
	[tilespmem:s23+$0x40] =	vst v10;
	v10 =	vmul.f32 v13, v2  }
0x2b7: {  	v21 =	vld [tilespmem:s25+$0x50];
	[tilespmem:s15+$0x30] =	vst v8;
	v8 =	vmul.f32 v17, v3  }
0x2b8: {  	v9 =	vld.idx.msk [tilespmem:v9+s18+$0x0], $0xffff;
	[tilespmem:s15+$0xFFFFFFA0] =	vst v10;
	v12 =	vmul.f32 v12, v7  }
0x2b9: {  	v13 =	vmul.f32 v19, v6;
	v10 =	vld.idx.msk [tilespmem:v20+s18+$0x0], $0xffff;
	[tilespmem:s15+$0xFFFFFFE0] =	vst v8  }
0x2ba: {  	v14 =	vmul.f32 v14, v4;
	v8 =	vld.idx.msk [tilespmem:v15+s18+$0x0], $0xffff;
	[tilespmem:s23+$0x20] =	vst v12  }
0x2bb: {  	[tilespmem:s23+$0xFFFFFF90] =	vst v13;
	v12 =	vmul.f32 v18, v1;
	v13 =	vld [tilespmem:s25+$0x30]  }
0x2bc: {  	v15 =	vld [tilespmem:s8+$0xFFFFFF80];
	[tilespmem:s23+$0xFFFFFFD0] =	vst v14;
	v14 =	vmul.f32 v16, v11  }
0x2bd: {  	s10 =	simm.s32 $0xEFB0;
	v17 =	vmul.f32 v21, v5;
	v16 =	vld [tilespmem:s8+$0xFFFFFFC0];
	[tilespmem:s15+$0x60] =	vst v12  }
0x2be: {  	v12 =	vld [tilespmem:s8+$0x40];
	[tilespmem:s10+$0x0] =	vst v14  }
0x2bf: {  	s4 =	sadd.s32 $0x6, s14;
	s20 =	simm.s32 $0x8;
	s21 =	simm.s32 $0xEFB0;
	[tilespmem:s23+$0x50] =	vst v17;
	v14 =	vld [tilespmem:s8+$0x10]  }
.LBB2_17:
0x2c0: {  	s1 =	sadd.s32 s20, s11;
	s20 =	sadd.s32 $0x4, s20;
	v17 =	vld [tilespmem:s25+$0xFFFFFFA0];
	v13 =	vmul.f32 v13, v7;
	v7 =	vmov v11  }
0x2c1: {  	s17 =	sadd.s32 $0x1E4, s1;
	s30 =	sadd.s32 $0x1E6, s1;
	p1 =	slt.u32 s20, $0x4C;
	v11 =	vmul.f32 v15, v10;
	v15 =	vld [tilespmem:s25+$0xFFFFFFE0]  }
0x2c2: {  	v18 =	vmov s17;
	s17 =	sadd.s32 $0x1E5, s1;
	v19 =	vmov s30;
	s1 =	sadd.s32 $0x1E7, s1;
	v16 =	vmul.f32 v16, v9;
	[tilespmem:s23+$0x30] =	vst v13;
	v13 =	vld [tilespmem:s25+$0x60]  }
0x2c3: {  	v18 =	vand.u32 $0xFFFFFFFC, v18;
	v20 =	vmov s17;
	v19 =	vand.u32 $0xFFFFFFFE, v19;
	[tilespmem:s10+$0xFFFFFF80] =	vst v11;
	v11 =	vld [tilespmem:s16+$0xFFFFFFB0]  }
0x2c4: {  	v20 =	vand.u32 $0xFFFFFFFD, v20;
	v19 =	vbroadcast v19, $0x0;
	v21 =	vld [tilespmem:s8+$0xFFFFFF90];
	[tilespmem:s10+$0xFFFFFFC0] =	vst v16;
	v14 =	vmul.f32 v14, v7  }
0x2c5: {  	v16 =	vbroadcast v18, $0x0;
	v18 =	vbroadcast v20, $0x0;
	v20 =	vmov s1;
	v22 =	vld [tilespmem:s8+$0xFFFFFFD0]  }
0x2c6: {  	v12 =	vmul.f32 v12, v8;
	[tilespmem:s10+$0x10] =	vst v14;
	v14 =	vmul.f32 v17, v6;
	v17 =	vld [tilespmem:s16+$0xFFFFFFF0]  }
0x2c7: {  	v15 =	vmul.f32 v15, v4;
	v23 =	vld [tilespmem:s8+$0x20];
	v13 =	vmul.f32 v13, v5  }
0x2c8: {  	[tilespmem:s10+$0x40] =	vst v12;
	v12 =	vmul.f32 v11, v2;
	v24 =	vld [tilespmem:s16+$0x70];
	v2 =	vmov v6;
	v6 =	vmov v10;
	s16 =	smov.u32 s25;
	s25 =	smov.u32 s8  }
0x2c9: {  	v10 =	vmul.f32 v21, v6;
	v21 =	vld [tilespmem:s8+$0x50];
	[tilespmem:s23+$0xFFFFFFA0] =	vst v14  }
0x2ca: {  	s8 =	sadd.s32 $0x100, s8;
	v11 =	vld.idx.msk [tilespmem:v19+s18+$0x0], $0xffff;
	v14 =	vmul.f32 v22, v9;
	[tilespmem:s23+$0xFFFFFFE0] =	vst v15  }
0x2cb: {  	v19 =	vld [tilespmem:s8+$0x0];
	[tilespmem:s10+$0xFFFFFF90] =	vst v10;
	v17 =	vmul.f32 v17, v3;
	v3 =	vmov v4;
	v4 =	vmov v9  }
0x2cc: {  	v10 =	vld.idx.msk [tilespmem:v16+s18+$0x0], $0xffff;
	[tilespmem:s10+$0xFFFFFFD0] =	vst v14;
	v14 =	vmul.f32 v23, v7  }
0x2cd: {  	v9 =	vld.idx.msk [tilespmem:v18+s18+$0x0], $0xffff;
	[tilespmem:s23+$0x60] =	vst v13;
	v18 =	vmul.f32 v24, v1;
	v1 =	vmov v5;
	v5 =	vmov v8  }
0x2ce: {  	v8 =	vld.idx.msk [tilespmem:v20+s18+$0x0], $0xffff;
	[tilespmem:s10+$0x20] =	vst v14;
	v14 =	vmul.f32 v21, v5  }
.Ltmp7:
0x2cf: {  	v13 =	vld [tilespmem:s25+$0x30];
	[tilespmem:s15+$0xFFFFFFB0] =	vst v12;
	(pc) =	sbr.rel @p1 .LBB2_17-.Ltmp7, $4  }
0x2d0: {  	v15 =	vld [tilespmem:s8+$0xFFFFFF80];
	v12 =	vmul.f32 v19, v11;
	[tilespmem:s10+$0x50] =	vst v14  }
0x2d1: {  	s10 =	sadd.s32 $0x100, s10;
	v16 =	vld [tilespmem:s8+$0xFFFFFFC0];
	[tilespmem:s15+$0xFFFFFFF0] =	vst v17  }
0x2d2: {  	[tilespmem:s10+$0x0] =	vst v12;
	v12 =	vld [tilespmem:s8+$0x40]  }
0x2d3: {  	v14 =	vld [tilespmem:s8+$0x10];
	[tilespmem:s15+$0x70] =	vst v18;
	s15 =	smov.u32 s23;
	s23 =	smov.u32 s21;
	s21 =	smov.u32 s10  }
0x2d4: {  	_ = 	snop  }
0x2d5: {  	v15 =	vmul.f32 v15, v10  }
0x2d6: {  	v17 =	vld [tilespmem:s25+$0xFFFFFFA0];
	v16 =	vmul.f32 v16, v9  }
0x2d7: {  	v7 =	vmul.f32 v13, v7;
	v13 =	vld [tilespmem:s25+$0xFFFFFFE0];
	[tilespmem:s10+$0xFFFFFF80] =	vst v15  }
0x2d8: {  	v12 =	vmul.f32 v12, v8;
	v15 =	vld [tilespmem:s8+$0xFFFFFF90];
	[tilespmem:s10+$0xFFFFFFC0] =	vst v16  }
0x2d9: {  	v14 =	vmul.f32 v14, v11;
	v16 =	vld [tilespmem:s8+$0xFFFFFFD0]  }
0x2da: {  	v18 =	vld [tilespmem:s16+$0xFFFFFFB0];
	[tilespmem:s10+$0x40] =	vst v12  }
0x2db: {  	v12 =	vld [tilespmem:s8+$0x50];
	[tilespmem:s10+$0x10] =	vst v14  }
0x2dc: {  	v14 =	vmul.f32 v17, v6;
	v17 =	vld [tilespmem:s8+$0x20]  }
0x2dd: {  	[tilespmem:s23+$0x30] =	vst v7;
	v15 =	vmul.f32 v15, v10  }
0x2de: {  	v7 =	vld [tilespmem:s25+$0x60];
	[tilespmem:s23+$0xFFFFFFA0] =	vst v14;
	v14 =	vmul.f32 v16, v9  }
0x2df: {  	v13 =	vmul.f32 v13, v4;
	v16 =	vld [tilespmem:s16+$0xFFFFFFF0];
	[tilespmem:s10+$0xFFFFFF90] =	vst v15  }
0x2e0: {  	v12 =	vmul.f32 v12, v8;
	[tilespmem:s10+$0xFFFFFFD0] =	vst v14;
	v14 =	vld [tilespmem:s8+$0xFFFFFFA0]  }
0x2e1: {  	v2 =	vmul.f32 v18, v2;
	[tilespmem:s23+$0xFFFFFFE0] =	vst v13;
	v15 =	vmul.f32 v17, v11;
	v17 =	vld [tilespmem:s16+$0x70]  }
0x2e2: {  	[tilespmem:s10+$0x50] =	vst v12;
	v12 =	vld [tilespmem:s8+$0xFFFFFFE0]  }
0x2e3: {  	v7 =	vmul.f32 v7, v5;
	[tilespmem:s15+$0xFFFFFFB0] =	vst v2;
	v13 =	vld [tilespmem:s8+$0x60]  }
0x2e4: {  	v2 =	vld [tilespmem:s25+$0xFFFFFFB0];
	[tilespmem:s10+$0x20] =	vst v15;
	v3 =	vmul.f32 v16, v3  }
0x2e5: {  	[tilespmem:s23+$0x60] =	vst v7;
	v7 =	vld [tilespmem:s8+$0x30];
	v14 =	vmul.f32 v14, v10  }
0x2e6: {  	[tilespmem:s15+$0xFFFFFFF0] =	vst v3;
	v1 =	vmul.f32 v17, v1  }
0x2e7: {  	v3 =	vld [tilespmem:s25+$0xFFFFFFF0];
	v12 =	vmul.f32 v12, v9;
	[tilespmem:s21+$0xFFFFFFA0] =	vst v14  }
0x2e8: {  	v15 =	vld [tilespmem:s25+$0x70];
	v13 =	vmul.f32 v13, v8;
	[tilespmem:s15+$0x70] =	vst v1  }
0x2e9: {  	[tilespmem:s21+$0xFFFFFFE0] =	vst v12;
	v12 =	vld [tilespmem:s8+$0xFFFFFFB0]  }
0x2ea: {  	v1 =	vmul.f32 v2, v6;
	v7 =	vmul.f32 v7, v11;
	[tilespmem:s21+$0x60] =	vst v13;
	v11 =	vld [tilespmem:s8+$0xFFFFFFF0]  }
0x2eb: {  	v2 =	vld [tilespmem:s8+$0x70]  }
0x2ec: {  	[tilespmem:s23+$0xFFFFFFB0] =	vst v1;
	v3 =	vmul.f32 v3, v4  }
0x2ed: {  	[tilespmem:s21+$0x30] =	vst v7;
	v4 =	vmul.f32 v15, v5  }
0x2ee: {  	[tilespmem:s23+$0xFFFFFFF0] =	vst v3;
	v1 =	vmul.f32 v12, v10  }
0x2ef: {  	[tilespmem:s23+$0x70] =	vst v4;
	v3 =	vmul.f32 v11, v9  }
0x2f0: {  	v2 =	vmul.f32 v2, v8;
	[tilespmem:s21+$0xFFFFFFB0] =	vst v1  }
0x2f1: {  	[tilespmem:s21+$0xFFFFFFF0] =	vst v3  }
0x2f2: {  	s1 =	sadd.s32 @!p0 $0x320, s13;
	s10 =	simm.s32 @!p0 $0x9D30;
	s8 =	simm.s32 @!p0 $0x50;
	[tilespmem:s21+$0x70] =	vst v2  }
0x2f3: {  	[tilespmem:s10], [sflag:$0x4] =	stream.indirect.gather @!p0 [hbm4b:s0+s8], $0x40, s1, s8, $0xb8;
	[tilespmem:$0x1B530] =	vst v63  }
0x2f4: {  	s8 =	smul.u32 $0x140, s4  }
0x2f5: {  	s10 =	sadd.s32 $0xFFFFFFFC, s11  }
0x2f6: {  	s15 =	sadd.s32 $0x236, s10;
	s1 =	sshra.s32 s8, $0x2  }
0x2f7: {  	s16 =	simm.s32 $0xED30;
	v1 =	vmov s15;
	s1 =	sadd.s32 $0x2710, s1  }
0x2f8: {  	v1 =	vand.u32 $0xFFFFFFFE, v1;
	[spmem:s3] =	stream.indirect.scatter.add.f32 [tilespmem:s16], [sflag:$0x8], $0x40, s1, s22, $0xb8;
	[tilespmem:$0x1B530] =	vst v63  }
0x2f9: {  	s17 =	sadd.s32 $0x234, s10;
	v1 =	vbroadcast v1, $0x0;
	_ =	swait.ge [sflag:s24], $0x1400  }
0x2fa: {  	v2 =	vmov s17;
	[sflag:s24] =	ssyncset.done $0x0  }
0x2fb: {  	s20 =	sadd.s32 $0x235, s10;
	v2 =	vand.u32 $0xFFFFFFFC, v2;
	[sflag:s24] =	ssyncadd.s32 $0xFFFFEC00  }
0x2fc: {  	v3 =	vmov s20;
	v2 =	vbroadcast v2, $0x0;
	_ =	swait.ge [sflag:s9], $0x1400  }
0x2fd: {  	v3 =	vand.u32 $0xFFFFFFFD, v3;
	[sflag:s9] =	ssyncset.done $0x0  }
0x2fe: {  	v3 =	vbroadcast v3, $0x0;
	[sflag:s9] =	ssyncadd.s32 $0xFFFFEC00  }
0x2ff: {  	s21 =	sadd.s32 $0x237, s10;
	s16 =	simm.s32 $0xB1B0;
	v8 =	vld.idx.msk [tilespmem:v1+s18+$0x0], $0xffff  }
0x300: {  	v4 =	vmov s21;
	v1 =	vld [tilespmem:s16+$0x0];
	_ =	sdelay $0x1  }
0x301: {  	s23 =	sadd.s32 $0x0, s11;
	v2 =	vld.idx.msk [tilespmem:v2+s18+$0x0], $0xffff  }
0x302: {  	s30 =	sadd.s32 $0x236, s23;
	v5 =	vld [tilespmem:s16+$0xFFFFFF80]  }
0x303: {  	v7 =	vmov s30;
	v3 =	vld.idx.msk [tilespmem:v3+s18+$0x0], $0xffff  }
0x304: {  	v6 =	vmul.f32 v1, v8;
	v1 =	vld.idx.msk [tilespmem:v4+s18+$0x0], $0xffff;
	v4 =	vand.u32 $0xFFFFFFFE, v7  }
0x305: {  	v7 =	vld [tilespmem:s16+$0xFFFFFFC0];
	v4 =	vbroadcast v4, $0x0  }
0x306: {  	s15 =	simm.s32 $0x101B0;
	s8 =	sadd.s32 $0x234, s23;
	v9 =	vld [tilespmem:s16+$0x40]  }
0x307: {  	v10 =	vmov s8;
	v5 =	vmul.f32 v5, v2;
	[tilespmem:s15+$0x0] =	vst v6  }
0x308: {  	s10 =	sadd.s32 $0x235, s23;
	v10 =	vand.u32 $0xFFFFFFFC, v10;
	v6 =	vld [tilespmem:s16+$0x10]  }
0x309: {  	v11 =	vmov s10;
	v10 =	vbroadcast v10, $0x0;
	[tilespmem:s15+$0xFFFFFF80] =	vst v5  }
0x30a: {  	v5 =	vmul.f32 v7, v3;
	v7 =	vand.u32 $0xFFFFFFFD, v11;
	v11 =	vld [tilespmem:s16+$0xFFFFFF90]  }
0x30b: {  	s25 =	simm.s32 $0xB2B0;
	v12 =	vbroadcast v7, $0x0;
	v7 =	vld.idx.msk [tilespmem:v4+s18+$0x0], $0xffff;
	v4 =	vmul.f32 v9, v1  }
0x30c: {  	s1 =	sadd.s32 $0x237, s23;
	[tilespmem:s15+$0xFFFFFFC0] =	vst v5;
	v5 =	vld [tilespmem:s25+$0x0]  }
0x30d: {  	v9 =	vmov s1;
	v6 =	vmul.f32 v6, v8;
	v13 =	vld [tilespmem:s16+$0xFFFFFFD0];
	[tilespmem:s15+$0x40] =	vst v4  }
0x30e: {  	v15 =	vld [tilespmem:s16+$0x50]  }
0x30f: {  	[tilespmem:s15+$0x10] =	vst v6;
	v6 =	vld.idx.msk [tilespmem:v10+s18+$0x0], $0xffff  }
0x310: {  	v14 =	vld [tilespmem:s16+$0x20]  }
0x311: {  	s17 =	sadd.s32 $0x4, s11;
	v4 =	vld.idx.msk [tilespmem:v12+s18+$0x0], $0xffff;
	v10 =	vmul.f32 v5, v7  }
0x312: {  	s20 =	sadd.s32 $0x236, s17;
	s23 =	simm.s32 $0x102B0;
	v11 =	vmul.f32 v11, v2;
	v5 =	vld.idx.msk [tilespmem:v9+s18+$0x0], $0xffff  }
0x313: {  	v16 =	vmov s20;
	v9 =	vld [tilespmem:s25+$0xFFFFFF80];
	v13 =	vmul.f32 v13, v3;
	[tilespmem:s23+$0x0] =	vst v10  }
0x314: {  	v16 =	vand.u32 $0xFFFFFFFE, v16;
	[tilespmem:s15+$0xFFFFFF90] =	vst v11;
	v12 =	vld [tilespmem:s25+$0x10]  }
0x315: {  	v16 =	vbroadcast v16, $0x0;
	v11 =	vmul.f32 v15, v1;
	[tilespmem:s15+$0xFFFFFFD0] =	vst v13;
	v13 =	vld [tilespmem:s16+$0xFFFFFFA0]  }
0x316: {  	v10 =	vmul.f32 v14, v8;
	v14 =	vld [tilespmem:s25+$0xFFFFFFC0]  }
0x317: {  	s21 =	sadd.s32 $0x234, s17;
	v17 =	vld [tilespmem:s16+$0xFFFFFFE0];
	[tilespmem:s15+$0x50] =	vst v11  }
0x318: {  	s30 =	sadd.s32 $0x235, s17;
	v9 =	vmul.f32 v9, v6;
	v11 =	vmov s21;
	[tilespmem:s15+$0x20] =	vst v10;
	v10 =	vld [tilespmem:s25+$0x40]  }
0x319: {  	v19 =	vmov s30;
	v11 =	vand.u32 $0xFFFFFFFC, v11;
	v15 =	vld [tilespmem:s16+$0x30];
	v12 =	vmul.f32 v12, v7  }
0x31a: {  	v18 =	vld [tilespmem:s16+$0x60];
	[tilespmem:s23+$0xFFFFFF80] =	vst v9;
	v9 =	vand.u32 $0xFFFFFFFD, v19;
	v20 =	vbroadcast v11, $0x0  }
0x31b: {  	v11 =	vld.idx.msk [tilespmem:v16+s18+$0x0], $0xffff;
	v9 =	vbroadcast v9, $0x0;
	v14 =	vmul.f32 v14, v4;
	[tilespmem:s23+$0x10] =	vst v12  }
0x31c: {  	v12 =	vld [tilespmem:s25+$0x20]  }
0x31d: {  	s1 =	sadd.s32 $0x237, s17;
	v19 =	vld [tilespmem:s25+$0xFFFFFF90];
	v10 =	vmul.f32 v10, v5;
	[tilespmem:s23+$0xFFFFFFC0] =	vst v14  }
0x31e: {  	s8 =	simm.s32 $0xB3B0;
	v14 =	vld [tilespmem:s25+$0xFFFFFFD0];
	v8 =	vmul.f32 v15, v8;
	v15 =	vmov s1  }
0x31f: {  	v16 =	vld [tilespmem:s8+$0x0];
	[tilespmem:s23+$0x40] =	vst v10;
	v10 =	vmul.f32 v13, v2  }
0x320: {  	v21 =	vld [tilespmem:s25+$0x50];
	[tilespmem:s15+$0x30] =	vst v8;
	v8 =	vmul.f32 v17, v3  }
0x321: {  	v9 =	vld.idx.msk [tilespmem:v9+s18+$0x0], $0xffff;
	[tilespmem:s15+$0xFFFFFFA0] =	vst v10;
	v12 =	vmul.f32 v12, v7  }
0x322: {  	v13 =	vmul.f32 v19, v6;
	v10 =	vld.idx.msk [tilespmem:v20+s18+$0x0], $0xffff;
	[tilespmem:s15+$0xFFFFFFE0] =	vst v8  }
0x323: {  	v14 =	vmul.f32 v14, v4;
	v8 =	vld.idx.msk [tilespmem:v15+s18+$0x0], $0xffff;
	[tilespmem:s23+$0x20] =	vst v12  }
0x324: {  	[tilespmem:s23+$0xFFFFFF90] =	vst v13;
	v12 =	vmul.f32 v18, v1;
	v13 =	vld [tilespmem:s25+$0x30]  }
0x325: {  	v15 =	vld [tilespmem:s8+$0xFFFFFF80];
	[tilespmem:s23+$0xFFFFFFD0] =	vst v14;
	v14 =	vmul.f32 v16, v11  }
0x326: {  	s10 =	simm.s32 $0x103B0;
	v17 =	vmul.f32 v21, v5;
	v16 =	vld [tilespmem:s8+$0xFFFFFFC0];
	[tilespmem:s15+$0x60] =	vst v12  }
0x327: {  	v12 =	vld [tilespmem:s8+$0x40];
	[tilespmem:s10+$0x0] =	vst v14  }
0x328: {  	s4 =	sadd.s32 $0x7, s14;
	s14 =	simm.s32 $0x103B0;
	s20 =	simm.s32 $0x8;
	[tilespmem:s23+$0x50] =	vst v17;
	v14 =	vld [tilespmem:s8+$0x10]  }
.LBB2_19:
0x329: {  	s1 =	sadd.s32 s20, s11;
	s20 =	sadd.s32 $0x4, s20;
	v17 =	vld [tilespmem:s25+$0xFFFFFFA0];
	v13 =	vmul.f32 v13, v7;
	v7 =	vmov v11  }
0x32a: {  	s17 =	sadd.s32 $0x234, s1;
	s21 =	sadd.s32 $0x236, s1;
	p1 =	slt.u32 s20, $0x4C;
	v11 =	vmul.f32 v15, v10;
	v15 =	vld [tilespmem:s25+$0xFFFFFFE0]  }
0x32b: {  	v18 =	vmov s17;
	s17 =	sadd.s32 $0x235, s1;
	v19 =	vmov s21;
	s1 =	sadd.s32 $0x237, s1;
	v16 =	vmul.f32 v16, v9;
	[tilespmem:s23+$0x30] =	vst v13;
	v13 =	vld [tilespmem:s25+$0x60]  }
0x32c: {  	v18 =	vand.u32 $0xFFFFFFFC, v18;
	v20 =	vmov s17;
	v19 =	vand.u32 $0xFFFFFFFE, v19;
	[tilespmem:s10+$0xFFFFFF80] =	vst v11;
	v11 =	vld [tilespmem:s16+$0xFFFFFFB0]  }
0x32d: {  	v20 =	vand.u32 $0xFFFFFFFD, v20;
	v19 =	vbroadcast v19, $0x0;
	v21 =	vld [tilespmem:s8+$0xFFFFFF90];
	[tilespmem:s10+$0xFFFFFFC0] =	vst v16;
	v14 =	vmul.f32 v14, v7  }
0x32e: {  	v16 =	vbroadcast v18, $0x0;
	v18 =	vbroadcast v20, $0x0;
	v20 =	vmov s1;
	v22 =	vld [tilespmem:s8+$0xFFFFFFD0]  }
0x32f: {  	v12 =	vmul.f32 v12, v8;
	[tilespmem:s10+$0x10] =	vst v14;
	v14 =	vmul.f32 v17, v6;
	v17 =	vld [tilespmem:s16+$0xFFFFFFF0]  }
0x330: {  	v15 =	vmul.f32 v15, v4;
	v23 =	vld [tilespmem:s8+$0x20];
	v13 =	vmul.f32 v13, v5  }
0x331: {  	[tilespmem:s10+$0x40] =	vst v12;
	v12 =	vmul.f32 v11, v2;
	v24 =	vld [tilespmem:s16+$0x70];
	v2 =	vmov v6;
	v6 =	vmov v10;
	s16 =	smov.u32 s25;
	s25 =	smov.u32 s8  }
0x332: {  	v10 =	vmul.f32 v21, v6;
	v21 =	vld [tilespmem:s8+$0x50];
	[tilespmem:s23+$0xFFFFFFA0] =	vst v14  }
0x333: {  	s8 =	sadd.s32 $0x100, s8;
	v11 =	vld.idx.msk [tilespmem:v19+s18+$0x0], $0xffff;
	v14 =	vmul.f32 v22, v9;
	[tilespmem:s23+$0xFFFFFFE0] =	vst v15  }
0x334: {  	v19 =	vld [tilespmem:s8+$0x0];
	[tilespmem:s10+$0xFFFFFF90] =	vst v10;
	v17 =	vmul.f32 v17, v3;
	v3 =	vmov v4;
	v4 =	vmov v9  }
0x335: {  	v10 =	vld.idx.msk [tilespmem:v16+s18+$0x0], $0xffff;
	[tilespmem:s10+$0xFFFFFFD0] =	vst v14;
	v14 =	vmul.f32 v23, v7  }
0x336: {  	v9 =	vld.idx.msk [tilespmem:v18+s18+$0x0], $0xffff;
	[tilespmem:s23+$0x60] =	vst v13;
	v18 =	vmul.f32 v24, v1;
	v1 =	vmov v5;
	v5 =	vmov v8  }
0x337: {  	v8 =	vld.idx.msk [tilespmem:v20+s18+$0x0], $0xffff;
	[tilespmem:s10+$0x20] =	vst v14;
	v14 =	vmul.f32 v21, v5  }
.Ltmp8:
0x338: {  	v13 =	vld [tilespmem:s25+$0x30];
	[tilespmem:s15+$0xFFFFFFB0] =	vst v12;
	(pc) =	sbr.rel @p1 .LBB2_19-.Ltmp8, $4  }
0x339: {  	v15 =	vld [tilespmem:s8+$0xFFFFFF80];
	v12 =	vmul.f32 v19, v11;
	[tilespmem:s10+$0x50] =	vst v14  }
0x33a: {  	s10 =	sadd.s32 $0x100, s10;
	v16 =	vld [tilespmem:s8+$0xFFFFFFC0];
	[tilespmem:s15+$0xFFFFFFF0] =	vst v17  }
0x33b: {  	[tilespmem:s10+$0x0] =	vst v12;
	v12 =	vld [tilespmem:s8+$0x40]  }
0x33c: {  	v14 =	vld [tilespmem:s8+$0x10];
	[tilespmem:s15+$0x70] =	vst v18;
	s15 =	smov.u32 s23;
	s23 =	smov.u32 s14;
	s14 =	smov.u32 s10  }
0x33d: {  	_ = 	snop  }
0x33e: {  	v15 =	vmul.f32 v15, v10  }
0x33f: {  	v17 =	vld [tilespmem:s25+$0xFFFFFFA0];
	v16 =	vmul.f32 v16, v9  }
0x340: {  	v48 =	vld [tilespmem:s25+$0xFFFFFFE0];
	[tilespmem:s10+$0xFFFFFF80] =	vst v15;
	v12 =	vmul.f32 v12, v8  }
0x341: {  	v15 =	vld [tilespmem:s8+$0xFFFFFF90];
	[tilespmem:s10+$0xFFFFFFC0] =	vst v16  }
0x342: {  	v7 =	vmul.f32 v13, v7;
	v16 =	vld [tilespmem:s8+$0xFFFFFFD0];
	[tilespmem:s10+$0x40] =	vst v12  }
0x343: {  	v14 =	vmul.f32 v14, v11;
	v12 =	vld [tilespmem:s8+$0x50]  }
0x344: {  	v51 =	vld [tilespmem:s25+$0x60];
	[tilespmem:s23+$0x30] =	vst v7;
	v49 =	vmul.f32 v17, v6  }
0x345: {  	v18 =	vld [tilespmem:s16+$0xFFFFFFB0];
	v13 =	vmul.f32 v48, v4;
	[tilespmem:s10+$0x10] =	vst v14  }
0x346: {  	v53 =	vld [tilespmem:s16+$0xFFFFFFF0];
	[tilespmem:s23+$0xFFFFFFA0] =	vst v49;
	v15 =	vmul.f32 v15, v10  }
0x347: {  	v58 =	vld [tilespmem:s16+$0x70];
	[tilespmem:s23+$0xFFFFFFE0] =	vst v13;
	v52 =	vmul.f32 v16, v9  }
0x348: {  	v50 =	vld [tilespmem:s8+$0x20];
	[tilespmem:s10+$0xFFFFFF90] =	vst v15;
	v12 =	vmul.f32 v12, v8  }
0x349: {  	v7 =	vmul.f32 v51, v5;
	[tilespmem:s10+$0xFFFFFFD0] =	vst v52;
	v54 =	vld [tilespmem:s8+$0xFFFFFFA0]  }
0x34a: {  	v2 =	vmul.f32 v18, v2;
	[tilespmem:s10+$0x50] =	vst v12;
	v56 =	vld [tilespmem:s8+$0xFFFFFFE0]  }
0x34b: {  	v3 =	vmul.f32 v53, v3;
	[tilespmem:s23+$0x60] =	vst v7;
	v57 =	vld [tilespmem:s8+$0x60]  }
0x34c: {  	v1 =	vmul.f32 v58, v1;
	[tilespmem:s15+$0xFFFFFFB0] =	vst v2  }
0x34d: {  	[tilespmem:s15+$0xFFFFFFF0] =	vst v3;
	v2 =	vld [tilespmem:s25+$0xFFFFFFB0];
	v55 =	vmul.f32 v50, v11  }
0x34e: {  	[tilespmem:s15+$0x70] =	vst v1;
	v3 =	vld [tilespmem:s25+$0xFFFFFFF0];
	v14 =	vmul.f32 v54, v10  }
0x34f: {  	v60 =	vld [tilespmem:s25+$0x70];
	[tilespmem:s10+$0x20] =	vst v55;
	v12 =	vmul.f32 v56, v9  }
0x350: {  	v59 =	vld [tilespmem:s8+$0x30];
	v13 =	vmul.f32 v57, v8;
	[tilespmem:s14+$0xFFFFFFA0] =	vst v14  }
0x351: {  	[tilespmem:s14+$0xFFFFFFE0] =	vst v12;
	v61 =	vld [tilespmem:s8+$0xFFFFFFB0]  }
0x352: {  	v1 =	vmul.f32 v2, v6;
	[tilespmem:s14+$0x60] =	vst v13;
	v62 =	vld [tilespmem:s8+$0xFFFFFFF0]  }
0x353: {  	v3 =	vmul.f32 v3, v4;
	v2 =	vld [tilespmem:s8+$0x70]  }
0x354: {  	v63 =	vmul.f32 v60, v5;
	[tilespmem:s23+$0xFFFFFFB0] =	vst v1  }
0x355: {  	[tilespmem:s23+$0xFFFFFFF0] =	vst v3;
	v7 =	vmul.f32 v59, v11  }
.Ltmp9:
0x356: {  	[tilespmem:s23+$0x70] =	vst v63;
	v1 =	vmul.f32 v61, v10;
	(pc) =	sbr.rel @p0 .LBB2_22-.Ltmp9, $4  }
0x357: {  	[tilespmem:s14+$0x30] =	vst v7;
	v3 =	vmul.f32 v62, v9  }
0x358: {  	s1 =	smul.u32 $0x140, s4;
	v2 =	vmul.f32 v2, v8;
	[tilespmem:s14+$0xFFFFFFB0] =	vst v1  }
0x359: {  	[tilespmem:s14+$0xFFFFFFF0] =	vst v3  }
0x35a: {  	s4 =	sshra.s32 s1, $0x2;
	[tilespmem:s14+$0x70] =	vst v2  }
.Ltmp10:
0x35b: {  	(pc) =	sbr.rel .LBB2_12-.Ltmp10, $4  }
0x35c: {  	s1 =	sadd.s32 $0x370, s13;
	s8 =	simm.s32 $0xB130  }
0x35d: {  	[tilespmem:s8], [sflag:$0x5] =	stream.indirect.gather [hbm4b:s0+s22], $0x40, s1, s22, $0xb8;
	[tilespmem:$0x1B530] =	vst v63  }
0x35e: {  	s30 =	sadd.s32 $0x2710, s4;
	s12 =	sadd.s32 $0x1, s12;
	s11 =	sadd.s32 $0x140, s11  }
0x35f: {  	[spmem:s3] =	stream.indirect.scatter.add.f32 [tilespmem:s28], [sflag:$0x9], $0x40, s30, s22, $0xb8;
	[tilespmem:$0x1B530] =	vst v63  }
.LBB2_22:
0x360: {  	s1 =	sadd.s32 $0x2710, s4  }
0x361: {  	[spmem:s3] =	stream.indirect.scatter.add.f32 [tilespmem:s28], [sflag:$0x9], $0x40, s1, s22, $0xb8;
	[tilespmem:$0x1B530] =	vst v63  }
0x362: {  	s20 =	simm.s32 $0x26C2;
	_ =	swait.ge [sflag:s31], $0x1400  }
0x363: {  	s16 =	simm.s32 $0x26C0;
	v3 =	vmov s20;
	[sflag:s31] =	ssyncset.done $0x0  }
0x364: {  	s17 =	simm.s32 $0x26C1;
	v1 =	vmov s16;
	v3 =	vand.u32 $0xFFFFFFFE, v3;
	[sflag:s31] =	ssyncadd.s32 $0xFFFFEC00  }
0x365: {  	v2 =	vmov s17;
	v1 =	vand.u32 $0xFFFFFFFC, v1;
	v4 =	vbroadcast v3, $0x0;
	_ =	swait.ge [sflag:s5], $0x1400  }
0x366: {  	v2 =	vand.u32 $0xFFFFFFFD, v2;
	v1 =	vbroadcast v1, $0x0;
	[sflag:s5] =	ssyncset.done $0x0  }
0x367: {  	s11 =	simm.s32 $0x75B0;
	v2 =	vbroadcast v2, $0x0;
	[sflag:s5] =	ssyncadd.s32 $0xFFFFEC00  }
0x368: {  	s21 =	simm.s32 $0x26C3;
	v6 =	vld [tilespmem:s11+$0x0]  }
0x369: {  	v5 =	vmov s21;
	v7 =	vld [tilespmem:s11+$0xFFFFFF80]  }
0x36a: {  	v8 =	vld [tilespmem:s11+$0xFFFFFFC0]  }
0x36b: {  	v4 =	vld.idx.msk [tilespmem:v4+s18+$0x0], $0xffff  }
0x36c: {  	v3 =	vld.idx.msk [tilespmem:v1+s18+$0x0], $0xffff  }
0x36d: {  	v1 =	vld.idx.msk [tilespmem:v2+s18+$0x0], $0xffff  }
0x36e: {  	v2 =	vld.idx.msk [tilespmem:v5+s18+$0x0], $0xffff  }
0x36f: {  	v5 =	vld [tilespmem:s11+$0x40]  }
0x370: {  	s23 =	simm.s32 $0x26C4;
	v6 =	vmul.f32 v6, v4  }
0x371: {  	s4 =	simm.s32 $0xC5B0;
	s25 =	simm.s32 $0x26C5;
	v9 =	vmov s23;
	v7 =	vmul.f32 v7, v3  }
0x372: {  	s8 =	simm.s32 $0x26C7;
	v10 =	vmov s25;
	v9 =	vand.u32 $0xFFFFFFFC, v9;
	v8 =	vmul.f32 v8, v1;
	[tilespmem:s4+$0x0] =	vst v6  }
0x373: {  	v10 =	vand.u32 $0xFFFFFFFD, v10;
	v9 =	vbroadcast v9, $0x0;
	v6 =	vmov s8;
	[tilespmem:s4+$0xFFFFFF80] =	vst v7;
	v7 =	vld [tilespmem:s11+$0x10]  }
0x374: {  	v10 =	vbroadcast v10, $0x0;
	v5 =	vmul.f32 v5, v2;
	[tilespmem:s4+$0xFFFFFFC0] =	vst v8;
	v11 =	vld [tilespmem:s11+$0xFFFFFF90]  }
0x375: {  	s30 =	simm.s32 $0x26C6;
	v8 =	vld [tilespmem:s11+$0xFFFFFFD0]  }
0x376: {  	[tilespmem:s4+$0x40] =	vst v5;
	v5 =	vmov s30  }
0x377: {  	v12 =	vld [tilespmem:s11+$0x50];
	v13 =	vand.u32 $0xFFFFFFFE, v5  }
0x378: {  	v13 =	vbroadcast v13, $0x0;
	v5 =	vld.idx.msk [tilespmem:v6+s18+$0x0], $0xffff;
	v14 =	vmul.f32 v7, v4  }
0x379: {  	v7 =	vld.idx.msk [tilespmem:v9+s18+$0x0], $0xffff;
	v9 =	vmul.f32 v11, v3  }
0x37a: {  	v6 =	vld.idx.msk [tilespmem:v10+s18+$0x0], $0xffff;
	v8 =	vmul.f32 v8, v1;
	[tilespmem:s4+$0x10] =	vst v14  }
0x37b: {  	[tilespmem:s4+$0xFFFFFF90] =	vst v9;
	v9 =	vld [tilespmem:s11+$0x20]  }
0x37c: {  	[tilespmem:s4+$0xFFFFFFD0] =	vst v8;
	v10 =	vld [tilespmem:s11+$0xFFFFFFA0]  }
0x37d: {  	v11 =	vld [tilespmem:s11+$0xFFFFFFE0]  }
0x37e: {  	s8 =	simm.s32 $0x76B0;
	v8 =	vld.idx.msk [tilespmem:v13+s18+$0x0], $0xffff  }
0x37f: {  	v12 =	vmul.f32 v12, v2;
	v14 =	vld [tilespmem:s8+$0x0]  }
0x380: {  	v13 =	vld [tilespmem:s8+$0xFFFFFF80];
	v9 =	vmul.f32 v9, v4  }
0x381: {  	[tilespmem:s4+$0x50] =	vst v12;
	v12 =	vld [tilespmem:s8+$0xFFFFFFC0];
	v15 =	vmul.f32 v10, v3  }
0x382: {  	v10 =	vld [tilespmem:s8+$0x40];
	v11 =	vmul.f32 v11, v1;
	[tilespmem:s4+$0x20] =	vst v9  }
0x383: {  	s10 =	simm.s32 $0x4;
	s12 =	simm.s32 $0xC5B0;
	s15 =	simm.s32 $0x2710;
	[tilespmem:s4+$0xFFFFFFA0] =	vst v15;
	v9 =	vld [tilespmem:s11+$0x30]  }
.LBB2_23:
0x384: {  	s1 =	sadd.s32 $0x26C4, s10;
	s13 =	sadd.s32 $0x26C7, s10;
	v14 =	vmul.f32 v14, v8;
	[tilespmem:s4+$0xFFFFFFE0] =	vst v11;
	v11 =	vld [tilespmem:s11+$0x60]  }
0x385: {  	s4 =	sadd.s32 $0x100, s4;
	v15 =	vmov s1;
	s1 =	sadd.s32 $0x26C5, s10;
	v16 =	vmov s13;
	v13 =	vmul.f32 v13, v7;
	v17 =	vld [tilespmem:s11+$0xFFFFFFB0]  }
0x386: {  	v15 =	vand.u32 $0xFFFFFFFC, v15;
	v18 =	vmov s1;
	v12 =	vmul.f32 v12, v6;
	[tilespmem:s4+$0x0] =	vst v14;
	v14 =	vld [tilespmem:s11+$0xFFFFFFF0]  }
0x387: {  	v15 =	vbroadcast v15, $0x0;
	v18 =	vand.u32 $0xFFFFFFFD, v18;
	[tilespmem:s4+$0xFFFFFF80] =	vst v13;
	v13 =	vld [tilespmem:s8+$0x10];
	v10 =	vmul.f32 v10, v5  }
0x388: {  	v18 =	vbroadcast v18, $0x0;
	v19 =	vld [tilespmem:s8+$0xFFFFFF90];
	[tilespmem:s4+$0xFFFFFFC0] =	vst v12;
	v9 =	vmul.f32 v9, v4;
	v4 =	vmov v8  }
0x389: {  	s1 =	sadd.s32 $0x26C6, s10;
	s10 =	sadd.s32 $0x4, s10;
	v8 =	vld [tilespmem:s8+$0xFFFFFFD0];
	[tilespmem:s4+$0x40] =	vst v10;
	v10 =	vmul.f32 v11, v2  }
0x38a: {  	p0 =	slt.u32 s10, $0x4C;
	v11 =	vmov s1;
	v12 =	vld [tilespmem:s8+$0x50];
	v17 =	vmul.f32 v17, v3;
	[tilespmem:s12+$0x30] =	vst v9;
	v3 =	vmov v7  }
0x38b: {  	v7 =	vand.u32 $0xFFFFFFFE, v11;
	v9 =	vld.idx.msk [tilespmem:v16+s18+$0x0], $0xffff;
	v11 =	vmul.f32 v14, v1;
	[tilespmem:s12+$0x60] =	vst v10;
	v1 =	vmov v6  }
0x38c: {  	v10 =	vbroadcast v7, $0x0;
	v13 =	vmul.f32 v13, v4;
	[tilespmem:s12+$0xFFFFFFB0] =	vst v17;
	v14 =	vld [tilespmem:s11+$0x70];
	s11 =	smov.u32 s8  }
0x38d: {  	v7 =	vld.idx.msk [tilespmem:v15+s18+$0x0], $0xffff;
	v15 =	vmul.f32 v19, v3;
	[tilespmem:s12+$0xFFFFFFF0] =	vst v11  }
0x38e: {  	v6 =	vld.idx.msk [tilespmem:v18+s18+$0x0], $0xffff;
	v8 =	vmul.f32 v8, v1;
	[tilespmem:s4+$0x10] =	vst v13  }
0x38f: {  	[tilespmem:s4+$0xFFFFFF90] =	vst v15;
	v11 =	vld [tilespmem:s8+$0x20];
	v12 =	vmul.f32 v12, v5  }
0x390: {  	v15 =	vld [tilespmem:s8+$0xFFFFFFA0];
	[tilespmem:s4+$0xFFFFFFD0] =	vst v8  }
0x391: {  	v16 =	vld [tilespmem:s8+$0xFFFFFFE0];
	[tilespmem:s4+$0x50] =	vst v12;
	v12 =	vmul.f32 v14, v2;
	v2 =	vmov v5;
	v5 =	vmov v9  }
0x392: {  	s8 =	sadd.s32 $0x100, s8;
	v8 =	vld.idx.msk [tilespmem:v10+s18+$0x0], $0xffff  }
.Ltmp11:
0x393: {  	v14 =	vld [tilespmem:s8+$0x0];
	[tilespmem:s12+$0x70] =	vst v12;
	s12 =	smov.u32 s4;
	(pc) =	sbr.rel @p0 .LBB2_23-.Ltmp11, $4  }
0x394: {  	v13 =	vld [tilespmem:s8+$0xFFFFFF80];
	v9 =	vmul.f32 v11, v4  }
0x395: {  	v12 =	vld [tilespmem:s8+$0xFFFFFFC0];
	v15 =	vmul.f32 v15, v3  }
0x396: {  	v10 =	vld [tilespmem:s8+$0x40];
	v11 =	vmul.f32 v16, v1;
	[tilespmem:s4+$0x20] =	vst v9  }
0x397: {  	[tilespmem:s4+$0xFFFFFFA0] =	vst v15;
	v9 =	vld [tilespmem:s11+$0x30]  }
0x398: {  	v14 =	vmul.f32 v14, v8  }
0x399: {  	s1 =	sadd.s32 $0x100, s4;
	v13 =	vmul.f32 v13, v7  }
0x39a: {  	v12 =	vmul.f32 v12, v6;
	[tilespmem:s1+$0x0] =	vst v14  }
0x39b: {  	[tilespmem:s1+$0xFFFFFF80] =	vst v13;
	v58 =	vld [tilespmem:s8+$0x10];
	v10 =	vmul.f32 v10, v5  }
0x39c: {  	v59 =	vld [tilespmem:s8+$0xFFFFFF90];
	[tilespmem:s1+$0xFFFFFFC0] =	vst v12  }
0x39d: {  	v12 =	vld [tilespmem:s8+$0xFFFFFFD0];
	[tilespmem:s1+$0x40] =	vst v10  }
0x39e: {  	v10 =	vld [tilespmem:s8+$0x50];
	_ =	sdelay $0x1  }
0x39f: {  	v13 =	vmul.f32 v58, v8  }
0x3a0: {  	v14 =	vmul.f32 v59, v7  }
0x3a1: {  	v15 =	vld [tilespmem:s11+$0x60];
	v12 =	vmul.f32 v12, v6;
	[tilespmem:s1+$0x10] =	vst v13  }
0x3a2: {  	[tilespmem:s1+$0xFFFFFF90] =	vst v14;
	v13 =	vld [tilespmem:s8+$0x20];
	v10 =	vmul.f32 v10, v5  }
0x3a3: {  	v14 =	vld [tilespmem:s8+$0xFFFFFFA0];
	[tilespmem:s1+$0xFFFFFFD0] =	vst v12  }
0x3a4: {  	v12 =	vld [tilespmem:s8+$0xFFFFFFE0];
	[tilespmem:s1+$0x50] =	vst v10  }
0x3a5: {  	v10 =	vld [tilespmem:s8+$0x60]  }
0x3a6: {  	v15 =	vmul.f32 v15, v2  }
0x3a7: {  	[tilespmem:s4+$0xFFFFFFE0] =	vst v11;
	v60 =	vld [tilespmem:s11+$0xFFFFFFB0];
	v13 =	vmul.f32 v13, v8  }
0x3a8: {  	v16 =	vld [tilespmem:s11+$0xFFFFFFF0];
	[tilespmem:s12+$0x60] =	vst v15;
	v14 =	vmul.f32 v14, v7  }
0x3a9: {  	v15 =	vld [tilespmem:s11+$0x70];
	v12 =	vmul.f32 v12, v6;
	[tilespmem:s1+$0x20] =	vst v13  }
0x3aa: {  	[tilespmem:s1+$0xFFFFFFA0] =	vst v14;
	v13 =	vld [tilespmem:s8+$0x30];
	v10 =	vmul.f32 v10, v5  }
0x3ab: {  	v4 =	vmul.f32 v9, v4;
	[tilespmem:s1+$0xFFFFFFE0] =	vst v12;
	v61 =	vld [tilespmem:s8+$0xFFFFFFB0]  }
0x3ac: {  	v3 =	vmul.f32 v60, v3;
	v62 =	vld [tilespmem:s8+$0xFFFFFFF0];
	[tilespmem:s1+$0x60] =	vst v10  }
0x3ad: {  	[tilespmem:s12+$0x30] =	vst v4;
	v1 =	vmul.f32 v16, v1;
	v63 =	vld [tilespmem:s8+$0x70]  }
0x3ae: {  	[tilespmem:s12+$0xFFFFFFB0] =	vst v3;
	v2 =	vmul.f32 v15, v2  }
0x3af: {  	[tilespmem:s12+$0xFFFFFFF0] =	vst v1;
	v1 =	vmul.f32 v13, v8  }
0x3b0: {  	[tilespmem:s12+$0x70] =	vst v2;
	v2 =	vmul.f32 v61, v7  }
0x3b1: {  	[tilespmem:s1+$0x30] =	vst v1;
	v1 =	vmul.f32 v62, v6  }
0x3b2: {  	[tilespmem:s1+$0xFFFFFFB0] =	vst v2;
	v2 =	vmul.f32 v63, v5  }
0x3b3: {  	[tilespmem:s1+$0xFFFFFFF0] =	vst v1  }
0x3b4: {  	s17 =	simm.s32 $0x4DD0;
	[tilespmem:s1+$0x70] =	vst v2  }
0x3b5: {  	[spmem:s3] =	stream.indirect.scatter.add.f32 [tilespmem:s26], [sflag:$0x6], $0x40, s17, s22, $0xb8;
	[tilespmem:$0x1B530] =	vst v63  }
0x3b6: {  	_ =	swait.ge [sflag:s5], $0x1400  }
0x3b7: {  	[sflag:s5] =	ssyncset.done $0x0  }
0x3b8: {  	[sflag:s5] =	ssyncadd.s32 $0xFFFFEC00  }
0x3b9: {  	_ =	swait.ge [sflag:s6], $0x1400  }
0x3ba: {  	[sflag:s6] =	ssyncset.done $0x0  }
0x3bb: {  	[sflag:s6] =	ssyncadd.s32 $0xFFFFEC00  }
0x3bc: {  	_ =	swait.ge [sflag:s7], $0x1400  }
0x3bd: {  	[sflag:s7] =	ssyncset.done $0x0  }
0x3be: {  	[sflag:s7] =	ssyncadd.s32 $0xFFFFEC00  }
0x3bf: {  	_ =	swait.ge [sflag:s9], $0x1400  }
0x3c0: {  	[sflag:s9] =	ssyncset.done $0x0  }
0x3c1: {  	[sflag:s9] =	ssyncadd.s32 $0xFFFFEC00  }
0x3c2: {  	s20 =	stileid.u32;
	[bflag:$0x0] =	sbarrier.arrive $0xFFFF  }
0x3c3: {  	s1 =	sshll.u32 s20, $0x6;
	s21 =	rddreg [dreg:$0x11]  }
0x3c4: {  	s11 =	simm.s32 $0xA;
	s1 =	sor.u32 $0x1C0A, s1;
	s23 =	rddreg [dreg:$0x12]  }
0x3c5: {  	[hbm:s21], [sflag:s1] =	dma.local [spmem:s23], $0x1400  }
0x3c6: {  	_ =	swait.ge [sflag:s11], $0x1400  }
0x3c7: {  	s25 =	rddreg [dreg:$0x13]  }
0x3c8: {  	s30 =	rddreg [dreg:$0x9];
	s4 =	sadd.s32 $0x1, s25  }
0x3c9: {  	p0 =	sne.s32 s4, s30  }
.Ltmp12:
0x3ca: {  	_ = 	snop;
	(pc) =	sbr.rel @p0 .LBB2_1-.Ltmp12, $3  }
0x3cb: {  	_ =	sdelay $0x1  }
0x3cc: {  	[sflag:s11] =	ssyncset.done $0x0  }
0x3cd: {  	s16 =	simm.s32 $0x8930;
	s17 =	simm.s32 $0x9D30;
	[sflag:s11] =	ssyncadd.s32 $0xFFFFEC00  }
0x3ce: {  	_ =	sfence.sel $0x180000  }
0x3cf: {  	[bflag:$0x0] =	sbarrier.arrive $0xFFFF  }
0x3d0: {  	_ =	strace $0x90000047  }
0x3d1: {  	s0 =	stileid.u32;
	[bflag:$0x2] =	sbarrier.arrive $0xFFFF  }
0x3d2: {  	p0 =	sne.s32 s0, $0x0;
	s0 =	rddreg [dreg:$0x4]  }
0x3d3: {  	s0 =	sadd.s32 @!p0 $0x100000, s0  }
0x3d4: {  	[sflag:s0] =	ssyncadd.tile.s32 @!p0 $0x1;
	_ =	shalt  }
.Lfunc_end2:
_tile_overlayer_lowered:
.L_overlay_start_2:
0x3d5: {  	(tag) =	ssettag $0x2  }
0x3d6: {  	s0 =	rddreg [dreg:$0x0];
	s2 =	stileid.u32  }
0x3d7: {  	s1 =	rddreg [dreg:$0x1];
	p0 =	sne.s32 s2, $0x0  }
0x3d8: {  	s3 =	rddreg [dreg:$0x2];
	[bflag:$0x3] =	sbarrier.arrive $0xFFFF;
	s2 =	simm.s32 @!p0 $0x1C0A  }
0x3d9: {  	[timem:s3], [sflag:s2] =	dma.local @!p0 [hbm:s0], s1  }
0x3da: {  	s0 =	simm.s32 @!p0 $0xA  }
0x3db: {  	_ =	swait.ge @!p0 [sflag:s0], s1  }
0x3dc: {  	s1 =	ssub.s32 @!p0 $0x0, s1;
	[sflag:s0] =	ssyncset.done @!p0 $0x0  }
0x3dd: {  	[sflag:s0] =	ssyncadd.s32 @!p0 s1  }
0x3de: {  	[bflag:$0x3] =	sbarrier.arrive $0xFFFF  }
0x3df: {  	_ =	shalt  }

// kernel: kernel.9.cloned.1.call-start
scs
__scs_entry_jumppad:
0x0: {  	(pc) =	sbr.rel $0x88, $3  }
0x1: {  	(tag) =	ssettag $0x0;
	lr =	simm.s32 $0x1  }
0x2: {  	[smem:$0x3F97] =	sst lr;
	_ =	strace $0xD0000000  }
0x3: {  	_ = 	snop  }
0x4: {  	_ = 	snop  }
0x5: {  	_ = 	snop  }
0x6: {  	_ = 	snop  }
0x7: {  	_ = 	snop  }
__scs_overlays_trampoline_lowered:
0x8: {  	[smem:$0x3FA6] =	sst s0  }
0x9: {  	[smem:$0x3FA7] =	sst s1  }
0xa: {  	[smem:$0x3FA8] =	sst s2  }
0xb: {  	[smem:$0x3FA9] =	sst s3  }
0xc: {  	[smem:$0x3FAA] =	sst s4  }
0xd: {  	[smem:$0x3FAB] =	sst s5  }
0xe: {  	[smem:$0x3FAC] =	sst s6  }
0xf: {  	[smem:$0x3FAD] =	sst s7  }
0x10: {  	[smem:$0x3FAE] =	sst s8  }
0x11: {  	[smem:$0x3FAF] =	sst s9;
	s0 =	simm.s32 @!p0 $0x0  }
0x12: {  	s1 =	sld [smem:$0x3F95];
	s0 =	simm.s32 @p0 $0x1  }
0x13: {  	[smem:$0x3FB0] =	sst s0;
	s0 =	simm.s32 @!p1 $0x0  }
0x14: {  	s2 =	sld [smem:$0x3F94];
	s0 =	simm.s32 @p1 $0x1  }
0x15: {  	[smem:$0x3FB1] =	sst s0;
	s0 =	simm.s32 @!p2 $0x0  }
0x16: {  	s3 =	sld [smem:$0x3FDB];
	s0 =	simm.s32 @p2 $0x1  }
0x17: {  	s4 =	simm.s32 $0x1BF5;
	[smem:$0x3FB3] =	sst s0  }
0x18: {  	s0 =	sld [smem:$0x3F96];
	_ =	swait.ge [sflag:s4], $0x0  }
0x19: {  	s7 =	sld [smem:$0x3F97]  }
0x1a: {  	s8 =	sadd.s32 $0xFFFFE003, lr  }
0x1b: {  	s9 =	sadd.s32 $0xFFFFFEF7, lr;
	s5 =	simm.s32 $0xFFFFFFFF;
	p2 =	slt.u32 s8, $0xFFFFF086  }
0x1c: {  	p1 =	slt.u32 s9, $0xF7A;
	s5 =	simm.s32 @!p2 $0x0  }
0x1d: {  	s5 =	simm.s32 @p1 $0x1;
	p0 =	seq.s32 s7, s2  }
0x1e: {  	s7 =	smul.u32 @!p0 $0xF7A, s2;
	p2 =	seq.s32 @!p0 s5, $0x0  }
0x1f: {  	s9 =	smul.u32 $0xF7A, s1;
	s8 =	simm.s32 @!p0 $0x1BF5;
	p2 =	por !p2, p0  }
0x20: {  	[sflag:s8] =	ssyncset.s32 @!p0 $0xFFFFF086;
	s6 =	sadd.s32 @!p0 s3, s7;
	s7 =	simm.s32 @!p0 $0x108  }
0x21: {  	s3 =	sadd.s32 s3, s9;
	s6 =	sadd.s32 @!p0 $0x88, s6;
	s7 =	simm.s32 @p2 $0x1082  }
0x22: {  	[simem:s7], [sflag:s8] =	dma.local @!p0 [hbm:s6], $0xF7A  }
0x23: {  	s9 =	sor.u32 $0xD0000000, s2;
	s6 =	simm.s32 $0x108;
	_ =	swait.ge @!p0 [sflag:s8], $0x0  }
0x24: {  	s3 =	sadd.s32 $0x88, s3;
	s6 =	simm.s32 @!p1 $0x1082;
	[sflag:s4] =	ssyncset.s32 $0xFFFFF086  }
0x25: {  	[simem:s6], [sflag:s4] =	dma.local [hbm:s3], $0xF7A  }
0x26: {  	[smem:$0x3F97] =	sst s1;
	(tag) =	ssettag s2;
	_ =	strace s9  }
0x27: {  	s1 =	sld [smem:$0x3FA7]  }
0x28: {  	s2 =	sld [smem:$0x3FA8]  }
0x29: {  	s4 =	sld [smem:$0x3FAA]  }
0x2a: {  	p0 =	seq.s32 s5, $0x0;
	s5 =	sld [smem:$0x3FAB]  }
0x2b: {  	s6 =	sld [smem:$0x3FAC]  }
0x2c: {  	s7 =	sld [smem:$0x3FAD]  }
0x2d: {  	s3 =	simm.s32 $0x108;
	s8 =	sld [smem:$0x3FAE]  }
0x2e: {  	s3 =	simm.s32 @!p0 $0x1082;
	s9 =	sld [smem:$0x3FAF]  }
0x2f: {  	lr =	sadd.s32 s0, s3;
	s0 =	sld [smem:$0x3FA6]  }
0x30: {  	s3 =	sld [smem:$0x3FA9]  }
0x31: {  	[smem:$0x3FB2] =	sst s10  }
0x32: {  	s10 =	sld [smem:$0x3FB0];
	_ =	sdelay $0x3  }
0x33: {  	p0 =	seq.s32 s10, $0x1;
	s10 =	sld [smem:$0x3FB2];
	_ =	sdelay $0x3  }
0x34: {  	[smem:$0x3FB2] =	sst s10  }
0x35: {  	s10 =	sld [smem:$0x3FB1];
	_ =	sdelay $0x3  }
0x36: {  	p1 =	seq.s32 s10, $0x1;
	s10 =	sld [smem:$0x3FB2];
	_ =	sdelay $0x3  }
0x37: {  	[smem:$0x3FB2] =	sst s10  }
0x38: {  	s10 =	sld [smem:$0x3FB3]  }
0x39: {  	_ = 	snop;
	(pc) =	sbr.ind lr, $3  }
0x3a: {  	_ = 	snop  }
0x3b: {  	_ = 	snop  }
0x3c: {  	p2 =	seq.s32 s10, $0x1;
	s10 =	sld [smem:$0x3FB2]  }
0x3d: {  	_ =	shalt  }
0x3e: {  	_ =	shalt  }
0x3f: {  	_ =	shalt  }
0x40: {  	_ =	shalt  }
0x41: {  	_ =	shalt  }
0x42: {  	_ =	shalt  }
0x43: {  	_ =	shalt  }
0x44: {  	_ =	shalt  }
0x45: {  	_ =	shalt  }
0x46: {  	_ =	shalt  }
0x47: {  	_ =	shalt  }
0x48: {  	_ =	shalt  }
0x49: {  	_ =	shalt  }
0x4a: {  	_ =	shalt  }
0x4b: {  	_ =	shalt  }
0x4c: {  	_ =	shalt  }
0x4d: {  	_ =	shalt  }
0x4e: {  	_ =	shalt  }
0x4f: {  	_ =	shalt  }
0x50: {  	_ =	shalt  }
0x51: {  	_ =	shalt  }
0x52: {  	_ =	shalt  }
0x53: {  	_ =	shalt  }
0x54: {  	_ =	shalt  }
0x55: {  	_ =	shalt  }
0x56: {  	_ =	shalt  }
0x57: {  	_ =	shalt  }
0x58: {  	_ =	shalt  }
0x59: {  	_ =	shalt  }
0x5a: {  	_ =	shalt  }
0x5b: {  	_ =	shalt  }
0x5c: {  	_ =	shalt  }
0x5d: {  	_ =	shalt  }
0x5e: {  	_ =	shalt  }
0x5f: {  	_ =	shalt  }
0x60: {  	_ =	shalt  }
0x61: {  	_ =	shalt  }
0x62: {  	_ =	shalt  }
0x63: {  	_ =	shalt  }
0x64: {  	_ =	shalt  }
0x65: {  	_ =	shalt  }
0x66: {  	_ =	shalt  }
0x67: {  	_ =	shalt  }
0x68: {  	_ =	shalt  }
0x69: {  	_ =	shalt  }
0x6a: {  	_ =	shalt  }
0x6b: {  	_ =	shalt  }
0x6c: {  	_ =	shalt  }
0x6d: {  	_ =	shalt  }
0x6e: {  	_ =	shalt  }
0x6f: {  	_ =	shalt  }
0x70: {  	_ =	shalt  }
0x71: {  	_ =	shalt  }
0x72: {  	_ =	shalt  }
0x73: {  	_ =	shalt  }
0x74: {  	_ =	shalt  }
0x75: {  	_ =	shalt  }
0x76: {  	_ =	shalt  }
0x77: {  	_ =	shalt  }
0x78: {  	_ =	shalt  }
0x79: {  	_ =	shalt  }
0x7a: {  	_ =	shalt  }
0x7b: {  	_ =	shalt  }
0x7c: {  	_ =	shalt  }
0x7d: {  	_ =	shalt  }
0x7e: {  	_ =	shalt  }
0x7f: {  	_ =	shalt  }
0x80: {  	_ =	shalt  }
0x81: {  	_ =	shalt  }
0x82: {  	_ =	shalt  }
0x83: {  	_ =	shalt  }
0x84: {  	_ =	shalt  }
0x85: {  	_ =	shalt  }
0x86: {  	_ =	shalt  }
0x87: {  	_ =	shalt  }
.Lfunc_end0:
.L_simem_size_0:
called_computation.1_lowered:
.L_overlay_start_0:
0x88: {  	s2 =	sld [smem:$0x3FD9]  }
0x89: {  	s3 =	sld [smem:$0x3FFE];
	_ =	sdelay $0x1  }
0x8a: {  	s1 =	srdreg.scid  }
0x8b: {  	s0 =	sand.u32 $0x1, s1  }
0x8c: {  	s14 =	sshll.u32 s0, $0xA;
	s2 =	sadd.s32 s3, s2  }
0x8d: {  	s2 =	sadd.s32 s2, s14  }
0x8e: {  	[smem:$0x3FBE] =	sst s2  }
0x8f: {  	_ = 	snop  }
0x90: {  	s2 =	sld [smem:$0x3FD0];
	_ =	sdelay $0x1  }
0x91: {  	s15 =	sld [smem:$0x3FC6]  }
0x92: {  	s5 =	simm.s32 $0xA;
	s6 =	simm.s32 $0x10;
	s4 =	sld [smem:$0x3FC3]  }
0x93: {  	[smem:s6], [sflag:s5] =	dma.local [hbm:s2], $0x1  }
0x94: {  	_ =	swait.eq [sflag:s5], $0x1  }
0x95: {  	[sflag:s5] =	ssyncset.done $0x0  }
0x96: {  	s16 =	sld [smem:$0x10];
	[sflag:s5] =	ssyncadd.s32 $0xFFFFFFFF  }
0x97: {  	s17 =	sld [smem:$0x11];
	(tm) =	ssettm $0x1  }
0x98: {  	s18 =	sld [smem:$0x3FFB];
	_ =	sdelay $0x3  }
0x99: {  	_ =	strace s18  }
0x9a: {  	s6 =	sld [smem:$0x3FFC];
	_ =	sdelay $0x3  }
0x9b: {  	_ =	strace s6  }
0x9c: {  	s6 =	sld [smem:$0x3FFD];
	_ =	sdelay $0x3  }
0x9d: {  	_ =	strace s6  }
0x9e: {  	_ =	strace $0x8FFFFFFF  }
0x9f: {  	s19 =	sld [smem:$0x3FDB];
	_ =	sdelay $0x1  }
0xa0: {  	s7 =	simm.s32 $_scs_section_size  }
0xa1: {  	s8 =	simm.s32 $_size__tile_overlayer_lowered;
	s9 =	simm.s32 $_tile_overlayer_lowered  }
0xa2: {  	s22 =	simm.s32 $0x1BFF;
	s21 =	sshll.u32 s9, $0x1;
	s6 =	sadd.s32 s7, s19  }
0xa3: {  	s10 =	simm.s32 $0x0;
	s20 =	sshll.u32 s8, $0x1;
	s8 =	sadd.s32 s21, s6  }
0xa4: {  	[timem:s10], [sflag:s22] =	dma.local [hbm:s8], s20  }
0xa5: {  	_ =	swait.ge [sflag:s22], s20  }
0xa6: {  	s7 =	ssub.s32 $0x0, s20;
	[sflag:s22] =	ssyncset.done $0x0  }
0xa7: {  	[sflag:s22] =	ssyncadd.s32 s7;
	_ =	sdelay $0x1  }
0xa8: {  	s23 =	simm.s32 $0x1B8B  }
0xa9: {  	_ =	swait.ge [sflag:s23], $0x1  }
0xaa: {  	[sflag:s23] =	ssyncset.done $0x0  }
0xab: {  	s25 =	simm.s32 $0x1B8E;
	s24 =	sld [smem:$0x3FFE];
	[sflag:s23] =	ssyncadd.s32 $0xFFFFFFFF  }
0xac: {  	s26 =	simm.s32 $execute0_lowered;
	[smem:$0x3FD2] =	sst s25  }
0xad: {  	s8 =	sshll.u32 s26, $0x1;
	_ =	strace $0x80000049;
	[dreg:$0x1] =	wrdreg $0xFFFFFFFF  }
0xae: {  	s28 =	simm.s32 $_size_execute0_lowered;
	s6 =	sadd.s32 s6, s8;
	[dreg:$0x0] =	wrdreg $0x0  }
0xaf: {  	s8 =	sshll.u32 s28, $0x1;
	[dreg:$0x2] =	wrdreg s6  }
0xb0: {  	[dreg:$0x3] =	wrdreg s8  }
0xb1: {  	[dreg:$0x4] =	wrdreg $0xC0  }
0xb2: {  	_ =	task [dreg:s10], $0x5FFFF  }
0xb3: {  	[dreg:$0x1] =	wrdreg $0xFFFFFFFF  }
0xb4: {  	[dreg:$0x0] =	wrdreg $0x60  }
0xb5: {  	[dreg:$0x2] =	wrdreg s24  }
0xb6: {  	[dreg:$0x3] =	wrdreg s15  }
0xb7: {  	[dreg:$0x4] =	wrdreg s4  }
0xb8: {  	[dreg:$0x5] =	wrdreg s16  }
0xb9: {  	[dreg:$0x6] =	wrdreg s17  }
0xba: {  	[dreg:$0x7] =	wrdreg $0x10F900  }
0xbb: {  	[dreg:$0x8] =	wrdreg $0x137900  }
0xbc: {  	[dreg:$0x9] =	wrdreg $0x9  }
0xbd: {  	_ =	task.clear_ibuf [dreg:s10], $0xAFFFF;
	_ =	strace $0x90000049  }
0xbe: {  	s29 =	simm.s32 $0x9;
	_ =	strace $0x8000004B  }
0xbf: {  	_ =	swait.ge [sflag:s29], $0x1  }
0xc0: {  	[sflag:s29] =	ssyncadd.s32 $0xFFFFFFFF  }
0xc1: {  	_ =	strace $0x9000004B  }
0xc2: {  	_ =	sfence  }
0xc3: {  	s30 =	sld [smem:$0x0];
	_ =	sdelay $0x2  }
0xc4: {  	s31 =	sshll.u32 s1, $0xD;
	s1 =	sshrl.u32 s1, $0x2  }
0xc5: {  	s3 =	sand.u32 $0x4000, s31;
	s1 =	sadd.s32 s1, s30  }
0xc6: {  	s0 =	sor.u32 s3, s0;
	s1 =	sshll.u32 s1, $0x11  }
0xc7: {  	s0 =	sor.u32 s1, s0  }
0xc8: {  	s0 =	sadd.s32 $0x8F2B, s0  }
0xc9: {  	[sflag:s0] =	ssyncadd.remote.s32 $0x1  }
0xca: {  	_ =	sfence.sel $0xFFFF  }
0xcb: {  	[dreg:$0x0] =	wrdreg $0xFFFFFFFF;
	(pc) =	sbr.abs _section_cstart, $3  }
0xcc: {  	[dreg:$0x1] =	wrdreg $0xFFFFFFFF  }
0xcd: {  	_ =	task.clear_ibuf [dreg:s10], $0x2FFFF;
	_ =	strace $0x9FFFFFFF  }
0xce: {  	(tm) =	ssettm $0x7FFFFFFF  }
0xcf: {  	_ =	shalt  }
tec
execute0_lowered:
.L_overlay_start_1:
0x0: {  	(tag) =	ssettag $0x1  }
0x1: {  	s4 =	srdreg.scid  }
0x2: {  	s0 =	rddreg [dreg:$0x0];
	s6 =	sand.u32 $0x1, s4  }
0x3: {  	s1 =	rddreg [dreg:$0x1];
	s20 =	stileid.u32;
	s8 =	sshll.u32 s6, $0x4  }
0x4: {  	s3 =	rddreg [dreg:$0x3];
	s7 =	smul.u32 $0x5000, s6;
	s8 =	sor.u32 s20, s8  }
0x5: {  	s5 =	rddreg [dreg:$0x4];
	s9 =	smul.u32 $0x1400, s8  }
0x6: {  	s11 =	ssub.s32 $0x2, s6;
	s12 =	smul.u32 $0xA, s8;
	s13 =	sor.u32 $0x20, s8  }
0x7: {  	s2 =	rddreg [dreg:$0x5];
	s15 =	sshrl.u32 s11, $0x1;
	s16 =	smul.u32 $0x1400, s13  }
0x8: {  	s11 =	ssub.s32 s11, s15;
	s17 =	sor.u32 $0x40, s8;
	s15 =	smul.u32 $0xA, s13  }
0x9: {  	s31 =	simm.s32 $0x12;
	s19 =	sor.u32 $0x60, s8;
	s18 =	smul.u32 $0x1400, s17  }
0xa: {  	s4 =	rddreg [dreg:$0x6];
	s14 =	sadd.s32 $0x15800, s0;
	s30 =	smul.u32 $0x1400, s19  }
0xb: {  	s21 =	smul.u32 $0xA, s17;
	s9 =	sshrl.u32 s9, $0x3;
	s12 =	sadd.s32 s1, s12  }
0xc: {  	s22 =	sadd.s32 s14, s9;
	s26 =	sshrl.u32 s16, $0x3;
	s18 =	sshrl.u32 s18, $0x3  }
0xd: {  	s25 =	sshrl.u32 s30, $0x3;
	s9 =	simm.s32 $0x0;
	[dreg:$0xc] =	wrdreg s12  }
0xe: {  	s30 =	smul.u32 $0x280, s17;
	s17 =	sadd.s32 s1, s15;
	s23 =	sadd.s32 s14, s26  }
0xf: {  	s24 =	sadd.s32 s14, s18;
	s26 =	smul.u32 $0xA, s19;
	[smem:$0x7FF] =	sst s9  }
0x10: {  	[dreg:$0xd] =	wrdreg s17;
	s18 =	sadd.s32 s1, s21;
	s21 =	smul.u32 $0x280, s8  }
0x11: {  	s13 =	smul.u32 $0x280, s13;
	[dreg:$0xe] =	wrdreg s18;
	s1 =	sadd.s32 s1, s26  }
0x12: {  	s25 =	sadd.s32 s14, s25;
	s14 =	sadd.s32 s3, s21;
	[dreg:$0xf] =	wrdreg s1  }
0x13: {  	s13 =	sadd.s32 s3, s13;
	_ =	strace $0x8000004A;
	[dreg:$0x10] =	wrdreg s14  }
0x14: {  	s6 =	smul.u32 $0x1400, s6;
	s12 =	sadd.s32 s3, s30;
	[dreg:$0x11] =	wrdreg s13  }
0x15: {  	s28 =	simm.s32 $0xF000;
	s29 =	simm.s32 $0x0;
	[dreg:$0x12] =	wrdreg s12  }
0x16: {  	s10 =	smul.u32 $0xA0, s20;
	s5 =	sadd.s32 s5, s6;
	[dreg:$0x8] =	wrdreg s22  }
0x17: {  	p0 =	sgt.u32 s8, $0x1C;
	s26 =	smul.u32 $0x280, s19;
	[dreg:$0x9] =	wrdreg s23  }
0x18: {  	s16 =	sadd.s32 $0x50, s10;
	s30 =	smul.u32 $0x2800, s20;
	[dreg:$0xa] =	wrdreg s24  }
0x19: {  	s18 =	sshll.u32 s16, $0x6;
	s1 =	sadd.s32 s3, s26;
	[dreg:$0xb] =	wrdreg s25  }
0x1a: {  	s12 =	sadd.s32 s7, s0;
	s0 =	sadd.s32 $0x1E00, s0;
	[dreg:$0x13] =	wrdreg s1  }
0x1b: {  	s13 =	smul.u32 $0xA00, s20;
	s20 =	smax.u32 s11, $0x1;
	[dreg:$0x14] =	wrdreg s0  }
0x1c: {  	s19 =	sadd.s32 s30, s2;
	s22 =	sadd.s32 $0x14000, s22;
	[dreg:$0x19] =	wrdreg s20  }
0x1d: {  	s14 =	sshrl.u32 s30, $0x3;
	s23 =	sadd.s32 $0x14000, s23;
	[dreg:$0x1a] =	wrdreg s22  }
0x1e: {  	s26 =	sadd.s32 $0x14000, s24;
	s30 =	sadd.s32 $0x14000, s25;
	[dreg:$0x1b] =	wrdreg s23  }
0x1f: {  	s3 =	sadd.s32 $0x2000, s12;
	s0 =	sshll.u32 s16, $0x4;
	[dreg:$0x1c] =	wrdreg s26  }
0x20: {  	[dreg:$0x1d] =	wrdreg s30;
	s12 =	simm.s32 $0x2;
	s16 =	simm.s32 $0x4  }
0x21: {  	s15 =	sadd.s32 s14, s3;
	s21 =	sadd.s32 s13, s4;
	s17 =	sshrl.u32 s13, $0x3  }
.Ltmp0:
0x22: {  	s0 =	sadd.s32 s0, s4;
	s4 =	simm.s32 $0xF0A0;
	(pc) =	sbr.rel .LBB2_1-.Ltmp0, $4  }
0x23: {  	s13 =	simm.s32 $0x50;
	s3 =	simm.s32 $0xF140;
	[dreg:$0x15] =	wrdreg s15  }
0x24: {  	s14 =	simm.s32 $0x3;
	s1 =	sadd.s32 s17, s5;
	[dreg:$0x18] =	wrdreg s0  }
0x25: {  	s17 =	simm.s32 $0x1;
	[dreg:$0x16] =	wrdreg s1;
	s1 =	sadd.s32 s18, s2  }
0x26: {  	v0 =	vimm.f32 $1.000000000e+00;
	v1 =	vimm.f32 $0.0e+00;
	s2 =	simm.s32 $0xF050;
	s18 =	simm.s32 $0x5;
	[dreg:$0x17] =	wrdreg s1  }
.LBB2_12:
0x27: {  	v6 =	vadd.f32 v23, v20  }
0x28: {  	s23 =	sadd.s32 $0x80, s23  }
0x29: {  	v33 =	vadd.f32 v24, v22;
	[tilespmem:s23+$0x0] =	vst v6  }
0x2a: {  	v6 =	vld [tilespmem:s0+$0x10]  }
0x2b: {  	[tilespmem:s23+$0xFFFFFFC0] =	vst v33;
	v34 =	vld [tilespmem:s20+$0x10]  }
0x2c: {  	v35 =	vld [tilespmem:s20+$0xFFFFFFD0]  }
0x2d: {  	v36 =	vld [tilespmem:s0+$0xFFFFFFD0];
	_ =	sdelay $0x1  }
0x2e: {  	v14 =	vadd.f32 v14, v17;
	v37 =	vadd.f32 v21, v5;
	_ =	sdelay $0x1  }
0x2f: {  	v14 =	vadd.f32 v14, v5;
	v21 =	vmin.f32 v37, $0.0e+00;
	v6 =	vadd.f32 v34, v6  }
0x30: {  	v21 =	vmul.f32 v21, v2;
	v22 =	vadd.f32 v35, v36  }
0x31: {  	v17 =	vmax.f32 v37, $0.0e+00;
	v38 =	vmin.f32 v14, $0.0e+00;
	v6 =	vadd.f32 v6, v5  }
0x32: {  	v20 =	vmul.f32 v38, v2;
	v17 =	vadd.f32 v21, v17;
	v39 =	vadd.f32 v22, v5  }
0x33: {  	v14 =	vmax.f32 v14, $0.0e+00;
	v40 =	vmin.f32 v6, $0.0e+00  }
0x34: {  	v14 =	vadd.f32 v20, v14;
	[tilespmem:s22+$0x10] =	vst v17;
	v41 =	vmin.f32 v39, $0.0e+00;
	v20 =	vmul.f32 v40, v2  }
0x35: {  	v42 =	vld [tilespmem:s15+$0x20];
	v6 =	vmax.f32 v6, $0.0e+00;
	v17 =	vmul.f32 v41, v2  }
0x36: {  	v45 =	vld [tilespmem:s11+$0x20];
	[tilespmem:s22+$0xFFFFFFD0] =	vst v14;
	v5 =	vmax.f32 v39, $0.0e+00;
	v6 =	vadd.f32 v20, v6  }
0x37: {  	v43 =	vld [tilespmem:s15+$0xFFFFFFE0];
	v5 =	vadd.f32 v17, v5  }
0x38: {  	v9 =	vadd.f32 v12, v9;
	v44 =	vld [tilespmem:s11+$0xFFFFFFE0];
	[tilespmem:s23+$0x10] =	vst v6  }
0x39: {  	v15 =	vadd.f32 v16, v15;
	[tilespmem:s23+$0xFFFFFFD0] =	vst v5;
	v46 =	vld [tilespmem:s0+$0x20]  }
0x3a: {  	v9 =	vadd.f32 v9, v4;
	v48 =	vld [tilespmem:s0+$0xFFFFFFE0]  }
0x3b: {  	v49 =	vadd.f32 v19, v18;
	v47 =	vadd.f32 v15, v4;
	v50 =	vld [tilespmem:s20+$0xFFFFFFE0]  }
0x3c: {  	v54 =	vmin.f32 v10, $0.0e+00;
	v52 =	vmin.f32 v9, $0.0e+00;
	v12 =	vadd.f32 v45, v42;
	v53 =	vld [tilespmem:s20+$0x20]  }
0x3d: {  	v7 =	vmax.f32 v7, $0.0e+00;
	[tilespmem:s5+$0x20] =	vst v49;
	v51 =	vmin.f32 v47, $0.0e+00;
	v19 =	vmul.f32 v52, v2  }
0x3e: {  	v16 =	vld [tilespmem:s1+$0x30];
	v9 =	vmax.f32 v9, $0.0e+00;
	v20 =	vadd.f32 v44, v43;
	v12 =	vadd.f32 v12, v4  }
0x3f: {  	v56 =	vld [tilespmem:s7+$0x30];
	v18 =	vmul.f32 v51, v2;
	v9 =	vadd.f32 v19, v9;
	v6 =	vmax.f32 v47, $0.0e+00  }
0x40: {  	v20 =	vadd.f32 v20, v4;
	v60 =	vmin.f32 v12, $0.0e+00;
	v15 =	vadd.f32 v50, v48  }
0x41: {  	[tilespmem:s6+$0x20] =	vst v9;
	v6 =	vadd.f32 v18, v6;
	v62 =	vmul.f32 v60, v2;
	v5 =	vadd.f32 v53, v46  }
0x42: {  	v61 =	vld [tilespmem:s8+$0x30];
	v12 =	vmax.f32 v12, $0.0e+00;
	v55 =	vmin.f32 v20, $0.0e+00;
	v15 =	vadd.f32 v15, v4  }
0x43: {  	v22 =	vld [tilespmem:s10+$0x30];
	[tilespmem:s6+$0xFFFFFFE0] =	vst v6;
	v57 =	vmul.f32 v55, v2;
	v25 =	vadd.f32 v62, v12;
	v63 =	vadd.f32 v5, v4  }
0x44: {  	v28 =	vadd.f32 v16, v56;
	v59 =	vmax.f32 v20, $0.0e+00;
	v58 =	vld [tilespmem:s10+$0xFFFFFFF0];
	v23 =	vmin.f32 v15, $0.0e+00  }
0x45: {  	v24 =	vld [tilespmem:s8+$0xFFFFFFF0];
	v6 =	vadd.f32 v57, v59;
	[tilespmem:s22+$0x20] =	vst v25;
	v27 =	vmin.f32 v63, $0.0e+00;
	v26 =	vmul.f32 v23, v2  }
0x46: {  	v21 =	vadd.f32 v13, v11;
	v34 =	vld [tilespmem:s11+$0x30];
	v15 =	vmax.f32 v15, $0.0e+00;
	v12 =	vmul.f32 v27, v2  }
0x47: {  	v33 =	vadd.f32 v28, v3;
	v35 =	vld [tilespmem:s15+$0x30];
	[tilespmem:s22+$0xFFFFFFE0] =	vst v6;
	v4 =	vmax.f32 v63, $0.0e+00;
	v31 =	vadd.f32 v26, v15  }
0x48: {  	v14 =	vmul.f32 v54, v2;
	v11 =	vadd.f32 v61, v22;
	v29 =	vld [tilespmem:s15+$0xFFFFFFF0];
	v4 =	vadd.f32 v12, v4  }
0x49: {  	v32 =	vmax.f32 v10, $0.0e+00;
	v36 =	vadd.f32 v8, v7;
	v5 =	vadd.f32 v21, v3;
	v30 =	vld [tilespmem:s11+$0xFFFFFFF0];
	[tilespmem:s23+$0xFFFFFFE0] =	vst v31  }
0x4a: {  	v9 =	vadd.f32 v14, v32;
	v38 =	vmin.f32 v33, $0.0e+00;
	v11 =	vadd.f32 v11, v3;
	[tilespmem:s23+$0x20] =	vst v4;
	v39 =	vld [tilespmem:s0+$0xFFFFFFF0]  }
0x4b: {  	v10 =	vmax.f32 v33, $0.0e+00;
	v41 =	vadd.f32 v24, v58;
	v37 =	vmin.f32 v5, $0.0e+00;
	v42 =	vld [tilespmem:s20+$0x30]  }
0x4c: {  	v40 =	vmul.f32 v38, v2;
	v44 =	vmin.f32 v11, $0.0e+00;
	v7 =	vmul.f32 v37, v2;
	v43 =	vld [tilespmem:s0+$0x30]  }
0x4d: {  	v46 =	vmul.f32 v44, v2;
	v5 =	vmax.f32 v5, $0.0e+00;
	v8 =	vadd.f32 v41, v3;
	v45 =	vld [tilespmem:s20+$0xFFFFFFF0]  }
0x4e: {  	v11 =	vmax.f32 v11, $0.0e+00;
	v5 =	vadd.f32 v7, v5;
	v47 =	vadd.f32 v30, v29  }
0x4f: {  	v48 =	vmin.f32 v8, $0.0e+00;
	v12 =	vadd.f32 v34, v35;
	v7 =	vadd.f32 v46, v11  }
0x50: {  	v49 =	vmul.f32 v48, v2;
	v4 =	vadd.f32 v40, v10;
	v10 =	vadd.f32 v47, v3  }
0x51: {  	v8 =	vmax.f32 v8, $0.0e+00;
	v50 =	vadd.f32 v12, v3;
	v51 =	vadd.f32 v42, v43  }
0x52: {  	[tilespmem:s30+$0xFFFFFFF0] =	vst v36;
	v8 =	vadd.f32 v49, v8;
	v52 =	vadd.f32 v45, v39  }
0x53: {  	[tilespmem:s30+$0x30] =	vst v9;
	v53 =	vmin.f32 v10, $0.0e+00;
	v54 =	vmin.f32 v50, $0.0e+00;
	v12 =	vadd.f32 v51, v3  }
0x54: {  	[tilespmem:s5+$0xFFFFFFF0] =	vst v5;
	v57 =	vmax.f32 v50, $0.0e+00;
	v56 =	vmul.f32 v54, v2;
	v3 =	vadd.f32 v52, v3  }
0x55: {  	[tilespmem:s6+$0x30] =	vst v7;
	v58 =	vmax.f32 v10, $0.0e+00;
	v55 =	vmul.f32 v53, v2;
	v59 =	vmin.f32 v12, $0.0e+00  }
0x56: {  	[tilespmem:s5+$0x30] =	vst v4;
	v5 =	vadd.f32 v56, v57;
	v60 =	vmin.f32 v3, $0.0e+00;
	v61 =	vmul.f32 v59, v2  }
0x57: {  	[tilespmem:s6+$0xFFFFFFF0] =	vst v8;
	v4 =	vadd.f32 v55, v58;
	v62 =	vmax.f32 v12, $0.0e+00;
	v2 =	vmul.f32 v60, v2  }
0x58: {  	[tilespmem:s22+$0x30] =	vst v5;
	v3 =	vmax.f32 v3, $0.0e+00;
	v63 =	vadd.f32 v61, v62  }
0x59: {  	[tilespmem:s22+$0xFFFFFFF0] =	vst v4;
	v2 =	vadd.f32 v2, v3  }
0x5a: {  	[tilespmem:s23+$0x30] =	vst v63  }
0x5b: {  	[tilespmem:s23+$0xFFFFFFF0] =	vst v2  }
0x5c: {  	s24 =	simm.s32 $0xDC00;
	s23 =	rddreg [dreg:$0x13]  }
0x5d: {  	[hbm4b:s23+s9] =	stream.linear.scatter [tilespmem:s24], [sflag:$0x9], $0x1400, $0x38;
	[tilespmem:$0x14190] =	vst v63  }
0x5e: {  	s25 =	rddreg [dreg:$0x5];
	s26 =	simm.s32 $0xF0F0  }
0x5f: {  	[spmem:s25] =	stream.indirect.scatter.add.f32 [tilespmem:s24], [sflag:$0xD], $0x40, s26, s13, $0xb8;
	[tilespmem:$0x14190] =	vst v63  }
0x60: {  	s30 =	rddreg [dreg:$0x6]  }
0x61: {  	[spmem:s30] =	stream.indirect.scatter.add.f32 [tilespmem:s3], [sflag:$0x11], $0x10, s26, s13, $0xb8;
	[tilespmem:$0x14190] =	vst v63  }
.LBB2_13:
0x62: {  	s0 =	simm.s32 $0x6  }
0x63: {  	_ =	swait.ge [sflag:s0], $0x1400  }
0x64: {  	[sflag:s0] =	ssyncset.done $0x0  }
0x65: {  	s7 =	simm.s32 $0xA;
	[sflag:s0] =	ssyncadd.s32 $0xFFFFEC00  }
0x66: {  	_ =	swait.ge [sflag:s7], $0x1400  }
0x67: {  	[sflag:s7] =	ssyncset.done $0x0  }
0x68: {  	s8 =	simm.s32 $0xE;
	[sflag:s7] =	ssyncadd.s32 $0xFFFFEC00  }
0x69: {  	_ =	swait.ge [sflag:s8], $0x500  }
0x6a: {  	[sflag:s8] =	ssyncset.done $0x0  }
0x6b: {  	s10 =	simm.s32 $0x7;
	[sflag:s8] =	ssyncadd.s32 $0xFFFFFB00  }
0x6c: {  	_ =	swait.ge [sflag:s10], $0x1400  }
0x6d: {  	[sflag:s10] =	ssyncset.done $0x0  }
0x6e: {  	s11 =	simm.s32 $0xB;
	[sflag:s10] =	ssyncadd.s32 $0xFFFFEC00  }
0x6f: {  	_ =	swait.ge [sflag:s11], $0x1400  }
0x70: {  	[sflag:s11] =	ssyncset.done $0x0  }
0x71: {  	s15 =	simm.s32 $0xF;
	[sflag:s11] =	ssyncadd.s32 $0xFFFFEC00  }
0x72: {  	_ =	swait.ge [sflag:s15], $0x500  }
0x73: {  	[sflag:s15] =	ssyncset.done $0x0  }
0x74: {  	s20 =	simm.s32 $0x8;
	[sflag:s15] =	ssyncadd.s32 $0xFFFFFB00  }
0x75: {  	_ =	swait.ge [sflag:s20], $0x1400  }
0x76: {  	[sflag:s20] =	ssyncset.done $0x0  }
0x77: {  	s22 =	simm.s32 $0xC;
	[sflag:s20] =	ssyncadd.s32 $0xFFFFEC00  }
0x78: {  	_ =	swait.ge [sflag:s22], $0x1400  }
0x79: {  	[sflag:s22] =	ssyncset.done $0x0  }
0x7a: {  	s23 =	simm.s32 $0x10;
	[sflag:s22] =	ssyncadd.s32 $0xFFFFEC00  }
0x7b: {  	_ =	swait.ge [sflag:s23], $0x500  }
0x7c: {  	[sflag:s23] =	ssyncset.done $0x0  }
0x7d: {  	s0 =	simm.s32 @!p0 $0x9;
	[sflag:s23] =	ssyncadd.s32 $0xFFFFFB00  }
0x7e: {  	_ =	swait.ge @!p0 [sflag:s0], $0x1400  }
0x7f: {  	[sflag:s0] =	ssyncset.done @!p0 $0x0  }
0x80: {  	[sflag:s0] =	ssyncadd.s32 @!p0 $0xFFFFEC00;
	s0 =	simm.s32 @!p0 $0xD  }
0x81: {  	_ =	swait.ge @!p0 [sflag:s0], $0x1400  }
0x82: {  	[sflag:s0] =	ssyncset.done @!p0 $0x0  }
0x83: {  	[sflag:s0] =	ssyncadd.s32 @!p0 $0xFFFFEC00;
	s0 =	simm.s32 @!p0 $0x11  }
0x84: {  	_ =	swait.ge @!p0 [sflag:s0], $0x500  }
0x85: {  	[sflag:s0] =	ssyncset.done @!p0 $0x0  }
0x86: {  	s24 =	stileid.u32;
	[sflag:s0] =	ssyncadd.s32 @!p0 $0xFFFFFB00  }
0x87: {  	s0 =	sshll.u32 s24, $0x6;
	[bflag:$0x0] =	sbarrier.arrive $0xFFFF  }
0x88: {  	s1 =	sshrl.u32 s19, $0x3;
	s0 =	sor.u32 $0x1C12, s0;
	s5 =	rddreg [dreg:$0x15]  }
0x89: {  	[hbm:s5], [sflag:s0] =	dma.local [spmem:s1], $0x500  }
0x8a: {  	_ =	swait.ge [sflag:s31], $0x500  }
0x8b: {  	[sflag:s31] =	ssyncset.done $0x0  }
0x8c: {  	s25 =	sshrl.u32 s21, $0x3;
	s26 =	rddreg [dreg:$0x16];
	[sflag:s31] =	ssyncadd.s32 $0xFFFFFB00  }
0x8d: {  	[hbm:s26], [sflag:s0] =	dma.local [spmem:s25], $0x140  }
0x8e: {  	_ =	swait.ge [sflag:s31], $0x140  }
0x8f: {  	s29 =	sadd.s32 $0x1, s29;
	s30 =	rddreg [dreg:$0x19]  }
0x90: {  	p1 =	sne.s32 s29, s30  }
.Ltmp1:
0x91: {  	_ = 	snop;
	(pc) =	sbr.rel @!p1 .LBB2_14-.Ltmp1, $3  }
0x92: {  	_ =	sdelay $0x1  }
0x93: {  	[sflag:s31] =	ssyncset.done $0x0  }
0x94: {  	[sflag:s31] =	ssyncadd.s32 $0xFFFFFEC0  }
.LBB2_1:
0x95: {  	s0 =	rddreg [dreg:$0x2];
	s1 =	simm.s32 $0x10F40  }
0x96: {  	[tilespmem:s1], [sflag:$0x1] =	stream.linear.gather [hbm4b:s0+s9], $0x40, $0x38;
	[tilespmem:$0x14190] =	vst v63  }
0x97: {  	s25 =	rddreg [dreg:$0x14];
	s26 =	simm.s32 $0x10F80;
	s30 =	simm.s32 $0x0  }
0x98: {  	[tilespmem:s26], [sflag:$0x1] =	stream.linear.gather [hbm4b:s25+s9], $0x10, $0x38;
	[tilespmem:$0x14190] =	vst v63  }
0x99: {  	[tilespmem:s30+$0xF140] =	vst v0  }
0x9a: {  	s0 =	simm.s32 $0xF660;
	[tilespmem:s30+$0x10A40] =	vst v1  }
0x9b: {  	[tilespmem:s0+$0xFFFFFFF0] =	vst v1  }
0x9c: {  	[tilespmem:s0+$0xFFFFFFE0] =	vst v1  }
0x9d: {  	s1 =	simm.s32 $0x40;
	[tilespmem:s0+$0x0] =	vst v1  }
.LBB2_2:
0x9e: {  	s5 =	sshra.s32 s1, $0x2;
	[tilespmem:s0+$0x10] =	vst v1;
	p1 =	sne.s32 s1, $0x13C0  }
.Ltmp2:
0x9f: {  	[tilespmem:s5+$0xF140] =	vst v0;
	(pc) =	sbr.rel @p1 .LBB2_2-.Ltmp2, $4  }
0xa0: {  	s1 =	sadd.s32 $0x40, s1;
	s0 =	sadd.s32 $0x40, s0;
	[tilespmem:s5+$0x10A40] =	vst v1  }
0xa1: {  	[tilespmem:s0+$0xFFFFFFF0] =	vst v1  }
0xa2: {  	[tilespmem:s0+$0xFFFFFFE0] =	vst v1  }
0xa3: {  	[tilespmem:s0+$0x0] =	vst v1  }
0xa4: {  	[tilespmem:s0+$0x10] =	vst v1;
	s1 =	simm.s32 $0xF640  }
0xa5: {  	[spmem:s19] =	stream.linear.scatter [tilespmem:s1], [sflag:$0x12], $0x1400, $0x38;
	[tilespmem:$0x14190] =	vst v63  }
0xa6: {  	_ =	swait.ge [sflag:s31], $0x1400  }
0xa7: {  	[sflag:s31] =	ssyncset.done $0x0  }
0xa8: {  	s5 =	simm.s32 $0x10A40;
	[sflag:s31] =	ssyncadd.s32 $0xFFFFEC00  }
0xa9: {  	[spmem:s21] =	stream.linear.scatter [tilespmem:s5], [sflag:$0x12], $0x500, $0x38;
	[tilespmem:$0x14190] =	vst v63  }
0xaa: {  	_ =	swait.ge [sflag:s31], $0x500  }
0xab: {  	[sflag:s31] =	ssyncset.done $0x0  }
0xac: {  	s26 =	rddreg [dreg:$0x17];
	[sflag:s31] =	ssyncadd.s32 $0xFFFFFB00  }
0xad: {  	[spmem:s26] =	stream.linear.scatter [tilespmem:s1], [sflag:$0x12], $0x1400, $0x38;
	[tilespmem:$0x14190] =	vst v63  }
0xae: {  	_ =	swait.ge [sflag:s31], $0x1400  }
0xaf: {  	[sflag:s31] =	ssyncset.done $0x0  }
0xb0: {  	s1 =	rddreg [dreg:$0x18];
	[sflag:s31] =	ssyncadd.s32 $0xFFFFEC00  }
0xb1: {  	[spmem:s1] =	stream.linear.scatter [tilespmem:s5], [sflag:$0x12], $0x500, $0x38;
	[tilespmem:$0x14190] =	vst v63  }
0xb2: {  	_ =	swait.ge [sflag:s31], $0x500  }
0xb3: {  	[sflag:s31] =	ssyncset.done $0x0  }
0xb4: {  	[sflag:s31] =	ssyncadd.s32 $0xFFFFFB00  }
0xb5: {  	_ =	swait.ge [sflag:s17], $0x40  }
0xb6: {  	[sflag:s17] =	ssyncset.done $0x0  }
0xb7: {  	[sflag:s17] =	ssyncadd.s32 $0xFFFFFFC0  }
0xb8: {  	_ =	swait.ge [sflag:s17], $0x10  }
0xb9: {  	[sflag:s17] =	ssyncset.done $0x0  }
0xba: {  	[sflag:s17] =	ssyncadd.s32 $0xFFFFFFF0  }
0xbb: {  	[bflag:$0x0] =	sbarrier.arrive $0xFFFF  }
0xbc: {  	v2 =	vld [tilespmem:$0x10F80]  }
0xbd: {  	v6 =	vld [tilespmem:$0x10F40]  }
0xbe: {  	v5 =	vld [tilespmem:$0x10F50]  }
0xbf: {  	v4 =	vld [tilespmem:$0x10F60];
	s5 =	rddreg [dreg:$0x8]  }
0xc0: {  	v3 =	vld [tilespmem:$0x10F70];
	[tilespmem:s9], [sflag:$0x2] =	stream.linear.gather [hbm4b:s5+s9], $0x1400, $0x38  }
0xc1: {  	s7 =	simm.s32 $0x5000;
	s6 =	rddreg [dreg:$0x1a]  }
0xc2: {  	[tilespmem:s7], [sflag:$0x2] =	stream.linear.gather [hbm4b:s6+s9], $0x1400, $0x38;
	[tilespmem:$0x14190] =	vst v63  }
0xc3: {  	s8 =	rddreg [dreg:$0xc]  }
0xc4: {  	[tilespmem:s28], [sflag:$0x2] =	stream.linear.gather [hbm4b:s8+s9], $0x50, $0x38;
	[tilespmem:$0x14190] =	vst v63  }
0xc5: {  	s11 =	simm.s32 $0x1400;
	s10 =	rddreg [dreg:$0x9]  }
0xc6: {  	[tilespmem:s11], [sflag:$0x3] =	stream.linear.gather [hbm4b:s10+s9], $0x1400, $0x38;
	[tilespmem:$0x14190] =	vst v63  }
0xc7: {  	s20 =	simm.s32 $0x6400;
	s15 =	rddreg [dreg:$0x1b]  }
0xc8: {  	[tilespmem:s20], [sflag:$0x3] =	stream.linear.gather [hbm4b:s15+s9], $0x1400, $0x38;
	[tilespmem:$0x14190] =	vst v63  }
0xc9: {  	s22 =	rddreg [dreg:$0xd]  }
0xca: {  	[tilespmem:s2], [sflag:$0x3] =	stream.linear.gather [hbm4b:s22+s9], $0x50, $0x38;
	[tilespmem:$0x14190] =	vst v63  }
0xcb: {  	s24 =	simm.s32 $0x2800;
	s23 =	rddreg [dreg:$0xa]  }
0xcc: {  	[tilespmem:s24], [sflag:$0x4] =	stream.linear.gather [hbm4b:s23+s9], $0x1400, $0x38;
	[tilespmem:$0x14190] =	vst v63  }
0xcd: {  	s26 =	simm.s32 $0x7800;
	s25 =	rddreg [dreg:$0x1c]  }
0xce: {  	[tilespmem:s26], [sflag:$0x4] =	stream.linear.gather [hbm4b:s25+s9], $0x1400, $0x38;
	[tilespmem:$0x14190] =	vst v63  }
0xcf: {  	s28 =	rddreg [dreg:$0xe]  }
0xd0: {  	[tilespmem:s4], [sflag:$0x4] =	stream.linear.gather [hbm4b:s28+s9], $0x50, $0x38;
	[tilespmem:$0x14190] =	vst v63  }
0xd1: {  	s0 =	simm.s32 @!p0 $0x0;
	s1 =	simm.s32 @!p0 $0x3C00;
	s5 =	rddreg [dreg:$0xb]  }
0xd2: {  	[tilespmem:s1], [sflag:$0x5] =	stream.linear.gather @!p0 [hbm4b:s5+s0], $0x1400, $0x38;
	[tilespmem:$0x14190] =	vst v63  }
0xd3: {  	s1 =	simm.s32 @!p0 $0x8C00;
	s5 =	rddreg [dreg:$0x1d]  }
0xd4: {  	[tilespmem:s1], [sflag:$0x5] =	stream.linear.gather @!p0 [hbm4b:s5+s0], $0x1400, $0x38;
	[tilespmem:$0x14190] =	vst v63  }
0xd5: {  	s1 =	simm.s32 @!p0 $0xF0F0;
	s5 =	rddreg [dreg:$0xf]  }
0xd6: {  	[tilespmem:s1], [sflag:$0x5] =	stream.linear.gather @!p0 [hbm4b:s5+s0], $0x50, $0x38;
	[tilespmem:$0x14190] =	vst v63  }
0xd7: {  	_ =	swait.ge [sflag:s12], $0x1400  }
0xd8: {  	[sflag:s12] =	ssyncset.done $0x0  }
0xd9: {  	[sflag:s12] =	ssyncadd.s32 $0xFFFFEC00  }
0xda: {  	_ =	swait.ge [sflag:s12], $0x1400  }
0xdb: {  	[sflag:s12] =	ssyncset.done $0x0  }
0xdc: {  	[sflag:s12] =	ssyncadd.s32 $0xFFFFEC00  }
0xdd: {  	_ =	swait.ge [sflag:s12], $0x50  }
0xde: {  	[sflag:s12] =	ssyncset.done $0x0  }
0xdf: {  	s23 =	simm.s32 $0x5040;
	[sflag:s12] =	ssyncadd.s32 $0xFFFFFFB0  }
0xe0: {  	s22 =	simm.s32 $0x40;
	v7 =	vld [tilespmem:s23+$0x0]  }
0xe1: {  	v8 =	vld [tilespmem:s22+$0x0]  }
0xe2: {  	v9 =	vld [tilespmem:s23+$0xFFFFFFC0]  }
0xe3: {  	v10 =	vld [tilespmem:s22+$0xFFFFFFC0];
	_ =	sdelay $0x3  }
0xe4: {  	v7 =	vadd.f32 v7, v8  }
0xe5: {  	v8 =	vadd.f32 v9, v10  }
0xe6: {  	v7 =	vadd.f32 v7, v6  }
0xe7: {  	v8 =	vadd.f32 v8, v6  }
0xe8: {  	s8 =	simm.s32 $0x50C0;
	v9 =	vmin.f32 v7, $0.0e+00  }
0xe9: {  	s7 =	simm.s32 $0xC0;
	v11 =	vld [tilespmem:s8+$0x0];
	v10 =	vmin.f32 v8, $0.0e+00;
	v9 =	vmul.f32 v9, v2  }
0xea: {  	v12 =	vld [tilespmem:s7+$0xFFFFFFC0];
	v7 =	vmax.f32 v7, $0.0e+00;
	v10 =	vmul.f32 v10, v2  }
0xeb: {  	v8 =	vmax.f32 v8, $0.0e+00;
	v7 =	vadd.f32 v9, v7;
	v9 =	vld [tilespmem:s7+$0x0]  }
0xec: {  	s30 =	simm.s32 $0xA040;
	v8 =	vadd.f32 v10, v8;
	v10 =	vld [tilespmem:s8+$0xFFFFFFC0]  }
0xed: {  	[tilespmem:s30+$0x0] =	vst v7  }
0xee: {  	[tilespmem:s30+$0xFFFFFFC0] =	vst v8;
	v7 =	vld [tilespmem:s22+$0x10]  }
0xef: {  	v8 =	vld [tilespmem:s23+$0xFFFFFFD0]  }
0xf0: {  	v9 =	vadd.f32 v11, v9;
	v11 =	vld [tilespmem:s22+$0xFFFFFFD0]  }
0xf1: {  	v13 =	vld [tilespmem:s23+$0x10];
	v10 =	vadd.f32 v10, v12  }
0xf2: {  	v9 =	vadd.f32 v9, v6  }
0xf3: {  	v10 =	vadd.f32 v10, v6  }
0xf4: {  	v12 =	vmin.f32 v9, $0.0e+00  }
0xf5: {  	s1 =	simm.s32 $0x5140;
	v12 =	vmul.f32 v12, v2;
	v8 =	vadd.f32 v8, v11;
	v11 =	vmin.f32 v10, $0.0e+00  }
0xf6: {  	s10 =	simm.s32 $0x140;
	v7 =	vadd.f32 v13, v7;
	v13 =	vld [tilespmem:s1+$0x0];
	v9 =	vmax.f32 v9, $0.0e+00;
	v11 =	vmul.f32 v11, v2  }
0xf7: {  	v10 =	vmax.f32 v10, $0.0e+00;
	v9 =	vadd.f32 v12, v9;
	v12 =	vld [tilespmem:s10+$0x0];
	v8 =	vadd.f32 v8, v5  }
0xf8: {  	s5 =	simm.s32 $0xA0C0;
	v14 =	vld [tilespmem:s1+$0xFFFFFFC0];
	v10 =	vadd.f32 v11, v10  }
0xf9: {  	v7 =	vadd.f32 v7, v5;
	v11 =	vld [tilespmem:s10+$0xFFFFFFC0];
	[tilespmem:s5+$0x0] =	vst v9;
	v9 =	vmin.f32 v8, $0.0e+00  }
0xfa: {  	v15 =	vld [tilespmem:s7+$0x10];
	v9 =	vmul.f32 v9, v2;
	[tilespmem:s5+$0xFFFFFFC0] =	vst v10  }
0xfb: {  	v8 =	vmax.f32 v8, $0.0e+00;
	v10 =	vmin.f32 v7, $0.0e+00;
	v17 =	vld [tilespmem:s8+$0xFFFFFFD0]  }
0xfc: {  	v10 =	vmul.f32 v10, v2;
	v8 =	vadd.f32 v9, v8;
	v9 =	vadd.f32 v13, v12;
	v12 =	vld [tilespmem:s7+$0xFFFFFFD0]  }
0xfd: {  	s11 =	simm.s32 $0x51C0;
	v16 =	vld [tilespmem:s8+$0x10];
	v7 =	vmax.f32 v7, $0.0e+00  }
0xfe: {  	v18 =	vld [tilespmem:s11+$0xFFFFFFC0];
	v7 =	vadd.f32 v10, v7;
	[tilespmem:s30+$0xFFFFFFD0] =	vst v8;
	v9 =	vadd.f32 v9, v6  }
0xff: {  	v8 =	vadd.f32 v14, v11;
	v10 =	vld [tilespmem:s22+$0xFFFFFFE0]  }
0x100: {  	s0 =	simm.s32 $0x240;
	[tilespmem:s30+$0x10] =	vst v7;
	v7 =	vld [tilespmem:s23+$0xFFFFFFE0];
	v13 =	vmin.f32 v9, $0.0e+00  }
0x101: {  	v22 =	vld [tilespmem:s0+$0x0];
	v8 =	vadd.f32 v8, v6;
	v13 =	vmul.f32 v13, v2;
	v12 =	vadd.f32 v17, v12  }
0x102: {  	v14 =	vadd.f32 v16, v15;
	v11 =	vld [tilespmem:s22+$0x20];
	v9 =	vmax.f32 v9, $0.0e+00  }
0x103: {  	v15 =	vld [tilespmem:s23+$0x20];
	v16 =	vmin.f32 v8, $0.0e+00;
	v9 =	vadd.f32 v13, v9;
	v12 =	vadd.f32 v12, v5  }
0x104: {  	s6 =	simm.s32 $0xA140;
	s15 =	simm.s32 $0x1C0;
	v17 =	vld [tilespmem:s11+$0x0];
	v14 =	vadd.f32 v14, v5;
	v16 =	vmul.f32 v16, v2  }
0x105: {  	v8 =	vmax.f32 v8, $0.0e+00;
	v13 =	vld [tilespmem:s15+$0x0];
	v7 =	vadd.f32 v7, v10;
	[tilespmem:s6+$0x0] =	vst v9;
	v9 =	vmin.f32 v12, $0.0e+00  }
0x106: {  	v10 =	vmin.f32 v14, $0.0e+00;
	v8 =	vadd.f32 v16, v8;
	v16 =	vld [tilespmem:s15+$0xFFFFFFC0];
	v9 =	vmul.f32 v9, v2  }
0x107: {  	v10 =	vmul.f32 v10, v2;
	v12 =	vmax.f32 v12, $0.0e+00;
	v7 =	vadd.f32 v7, v4;
	v19 =	vld [tilespmem:s10+$0x10]  }
0x108: {  	v14 =	vmax.f32 v14, $0.0e+00;
	v11 =	vadd.f32 v15, v11;
	[tilespmem:s6+$0xFFFFFFC0] =	vst v8;
	v8 =	vld [tilespmem:s1+$0x10];
	v9 =	vadd.f32 v9, v12  }
0x109: {  	v10 =	vadd.f32 v10, v14;
	v14 =	vmin.f32 v7, $0.0e+00;
	v20 =	vld [tilespmem:s1+$0xFFFFFFD0]  }
0x10a: {  	v11 =	vadd.f32 v11, v4;
	v12 =	vmul.f32 v14, v2;
	v14 =	vld [tilespmem:s10+$0xFFFFFFD0];
	[tilespmem:s5+$0xFFFFFFD0] =	vst v9  }
0x10b: {  	v7 =	vmax.f32 v7, $0.0e+00;
	[tilespmem:s5+$0x10] =	vst v10;
	v10 =	vadd.f32 v17, v13;
	v13 =	vld [tilespmem:s7+$0xFFFFFFE0]  }
0x10c: {  	v15 =	vadd.f32 v18, v16;
	v16 =	vmin.f32 v11, $0.0e+00;
	v7 =	vadd.f32 v12, v7;
	v12 =	vld [tilespmem:s8+$0xFFFFFFE0]  }
0x10d: {  	v9 =	vld [tilespmem:s7+$0x20];
	v10 =	vadd.f32 v10, v6;
	v16 =	vmul.f32 v16, v2  }
0x10e: {  	v17 =	vld [tilespmem:s8+$0x20];
	v11 =	vmax.f32 v11, $0.0e+00;
	v15 =	vadd.f32 v15, v6;
	v8 =	vadd.f32 v8, v19;
	[tilespmem:s30+$0xFFFFFFE0] =	vst v7  }
0x10f: {  	v18 =	vmax.f32 v10, $0.0e+00;
	v10 =	vmin.f32 v10, $0.0e+00;
	v11 =	vadd.f32 v16, v11;
	v7 =	vld [tilespmem:s22+$0xFFFFFFF0]  }
0x110: {  	s20 =	simm.s32 $0x5240;
	v21 =	vld [tilespmem:s23+$0xFFFFFFF0];
	v16 =	vmin.f32 v15, $0.0e+00;
	v10 =	vmul.f32 v10, v2;
	v14 =	vadd.f32 v20, v14  }
0x111: {  	v19 =	vld [tilespmem:s20+$0x0];
	v8 =	vadd.f32 v8, v5;
	v16 =	vmul.f32 v16, v2;
	v12 =	vadd.f32 v12, v13  }
0x112: {  	v20 =	vld [tilespmem:s20+$0xFFFFFFC0];
	[tilespmem:s30+$0x20] =	vst v11;
	v11 =	vmax.f32 v15, $0.0e+00;
	v10 =	vadd.f32 v10, v18;
	v13 =	vadd.f32 v14, v5  }
0x113: {  	v9 =	vadd.f32 v17, v9;
	v15 =	vld [tilespmem:s23+$0x30];
	s23 =	simm.s32 $0xA1C0;
	v14 =	vmin.f32 v8, $0.0e+00;
	v11 =	vadd.f32 v16, v11  }
0x114: {  	v18 =	vld [tilespmem:s0+$0xFFFFFFC0];
	v14 =	vmul.f32 v14, v2;
	v12 =	vadd.f32 v12, v4;
	[tilespmem:s23+$0x0] =	vst v10;
	v10 =	vmin.f32 v13, $0.0e+00  }
0x115: {  	v8 =	vmax.f32 v8, $0.0e+00;
	v16 =	vld [tilespmem:s22+$0x30];
	v7 =	vadd.f32 v21, v7;
	v10 =	vmul.f32 v10, v2  }
0x116: {  	v21 =	vld [tilespmem:s15+$0x10];
	[tilespmem:s23+$0xFFFFFFC0] =	vst v11;
	v11 =	vmax.f32 v13, $0.0e+00;
	v8 =	vadd.f32 v14, v8;
	v23 =	vmin.f32 v12, $0.0e+00  }
0x117: {  	v25 =	vld [tilespmem:s11+$0x10];
	v13 =	vadd.f32 v19, v22;
	v10 =	vadd.f32 v10, v11;
	v11 =	vmul.f32 v23, v2  }
0x118: {  	v14 =	vld [tilespmem:s11+$0xFFFFFFD0];
	v7 =	vadd.f32 v7, v3;
	[tilespmem:s6+$0x10] =	vst v8;
	v8 =	vmax.f32 v12, $0.0e+00;
	v12 =	vadd.f32 v9, v4  }
0x119: {  	v17 =	vld [tilespmem:s15+$0xFFFFFFD0];
	v18 =	vadd.f32 v20, v18;
	v13 =	vadd.f32 v13, v6  }
0x11a: {  	v9 =	vld [tilespmem:s10+$0x20];
	v19 =	vadd.f32 v15, v16;
	v11 =	vadd.f32 v11, v8  }
0x11b: {  	[tilespmem:s6+$0xFFFFFFD0] =	vst v10;
	v22 =	vadd.f32 v18, v6;
	v18 =	vmax.f32 v12, $0.0e+00;
	v24 =	vmin.f32 v12, $0.0e+00;
	v12 =	vld [tilespmem:s1+$0x20]  }
0x11c: {  	v10 =	vmin.f32 v7, $0.0e+00;
	v20 =	vmax.f32 v13, $0.0e+00;
	v15 =	vld [tilespmem:s10+$0xFFFFFFE0]  }
0x11d: {  	v13 =	vmin.f32 v13, $0.0e+00;
	v8 =	vmul.f32 v10, v2;
	v16 =	vld [tilespmem:s1+$0xFFFFFFE0];
	v10 =	vadd.f32 v19, v3;
	[tilespmem:s5+$0xFFFFFFE0] =	vst v11  }
0x11e: {  	s24 =	simm.s32 $0x8;
	v23 =	vmul.f32 v13, v2;
	v19 =	vmul.f32 v24, v2;
	v26 =	vmin.f32 v22, $0.0e+00;
	v11 =	vld [tilespmem:s7+$0xFFFFFFF0]  }
0x11f: {  	s25 =	simm.s32 $0x52C0;
	s26 =	simm.s32 $0x2C0;
	s22 =	simm.s32 $0xA1C0;
	v21 =	vadd.f32 v25, v21;
	v22 =	vmax.f32 v22, $0.0e+00;
	v24 =	vmul.f32 v26, v2;
	v13 =	vld [tilespmem:s8+$0xFFFFFFF0]  }
.LBB2_4:
0x120: {  	v25 =	vld [tilespmem:s25+$0x0];
	s24 =	sadd.s32 $0x2, s24;
	v20 =	vadd.f32 v23, v20;
	v18 =	vadd.f32 v19, v18;
	v19 =	vmin.f32 v10, $0.0e+00  }
0x121: {  	v14 =	vadd.f32 v14, v17;
	s23 =	sadd.s32 $0x80, s23;
	v23 =	vld [tilespmem:s26+$0x0];
	p1 =	slt.u32 s24, $0x4E;
	v22 =	vadd.f32 v24, v22;
	v17 =	vmul.f32 v19, v2  }
0x122: {  	v10 =	vmax.f32 v10, $0.0e+00;
	v21 =	vadd.f32 v21, v5;
	v15 =	vadd.f32 v16, v15;
	v19 =	vld [tilespmem:s25+$0xFFFFFFC0];
	[tilespmem:s5+$0x20] =	vst v18  }
0x123: {  	v7 =	vmax.f32 v7, $0.0e+00;
	v14 =	vadd.f32 v14, v5;
	v16 =	vld [tilespmem:s8+$0x30];
	v10 =	vadd.f32 v17, v10;
	s8 =	smov.u32 s1;
	s1 =	smov.u32 s11;
	s11 =	smov.u32 s20  }
0x124: {  	v17 =	vmin.f32 v21, $0.0e+00;
	v15 =	vadd.f32 v15, v4;
	s20 =	smov.u32 s25;
	[tilespmem:s23+$0xFFFFFFC0] =	vst v22;
	v11 =	vadd.f32 v13, v11;
	v13 =	vld [tilespmem:s7+$0x30];
	s7 =	smov.u32 s10;
	s10 =	smov.u32 s15  }
0x125: {  	v7 =	vadd.f32 v8, v7;
	v17 =	vmul.f32 v17, v2;
	s15 =	smov.u32 s0;
	s0 =	smov.u32 s26;
	v18 =	vld [tilespmem:s26+$0xFFFFFFC0];
	[tilespmem:s23+$0x0] =	vst v20;
	v20 =	vmin.f32 v14, $0.0e+00  }
0x126: {  	v26 =	vld [tilespmem:s15+$0x10];
	v8 =	vmul.f32 v20, v2;
	v20 =	vmax.f32 v21, $0.0e+00;
	v21 =	vmin.f32 v15, $0.0e+00;
	[tilespmem:s30+$0x30] =	vst v10  }
0x127: {  	v9 =	vadd.f32 v12, v9;
	v10 =	vmax.f32 v14, $0.0e+00;
	v27 =	vld [tilespmem:s11+$0x10];
	v20 =	vadd.f32 v17, v20;
	[tilespmem:s30+$0xFFFFFFF0] =	vst v7;
	s30 =	smov.u32 s5;
	s5 =	smov.u32 s6;
	s6 =	smov.u32 s22  }
0x128: {  	v7 =	vadd.f32 v11, v3;
	s22 =	smov.u32 s23;
	v14 =	vld [tilespmem:s11+$0xFFFFFFD0];
	v8 =	vadd.f32 v8, v10;
	v10 =	vmul.f32 v21, v2  }
0x129: {  	v12 =	vmax.f32 v15, $0.0e+00;
	v11 =	vadd.f32 v25, v23;
	v17 =	vld [tilespmem:s15+$0xFFFFFFD0];
	[tilespmem:s6+$0x10] =	vst v20;
	v20 =	vadd.f32 v9, v4  }
0x12a: {  	v13 =	vadd.f32 v16, v13;
	v18 =	vadd.f32 v19, v18;
	[tilespmem:s6+$0xFFFFFFD0] =	vst v8;
	v9 =	vld [tilespmem:s10+$0x20];
	v8 =	vmin.f32 v7, $0.0e+00  }
.Ltmp3:
0x12b: {  	v11 =	vadd.f32 v11, v6;
	v10 =	vadd.f32 v10, v12;
	v15 =	vld [tilespmem:s10+$0xFFFFFFE0];
	v8 =	vmul.f32 v8, v2;
	(pc) =	sbr.rel @p1 .LBB2_4-.Ltmp3, $4  }
0x12c: {  	v19 =	vmin.f32 v20, $0.0e+00;
	v21 =	vadd.f32 v18, v6;
	v16 =	vld [tilespmem:s1+$0xFFFFFFE0];
	v18 =	vmax.f32 v20, $0.0e+00  }
0x12d: {  	v20 =	vmax.f32 v11, $0.0e+00;
	v11 =	vmin.f32 v11, $0.0e+00;
	v12 =	vld [tilespmem:s1+$0x20];
	[tilespmem:s5+$0xFFFFFFE0] =	vst v10;
	v10 =	vadd.f32 v13, v3  }
0x12e: {  	v19 =	vmul.f32 v19, v2;
	v23 =	vmul.f32 v11, v2;
	v13 =	vmin.f32 v21, $0.0e+00;
	v11 =	vld [tilespmem:s7+$0xFFFFFFF0]  }
0x12f: {  	s25 =	sadd.s32 $0x80, s25;
	s26 =	sadd.s32 $0x80, s26;
	v22 =	vmax.f32 v21, $0.0e+00;
	v21 =	vadd.f32 v27, v26;
	v24 =	vmul.f32 v13, v2;
	v13 =	vld [tilespmem:s8+$0xFFFFFFF0]  }
0x130: {  	v20 =	vadd.f32 v23, v20  }
0x131: {  	s23 =	sadd.s32 $0x80, s23  }
0x132: {  	v22 =	vadd.f32 v24, v22;
	[tilespmem:s23+$0x0] =	vst v20  }
0x133: {  	v20 =	vld [tilespmem:s0+$0x10]  }
0x134: {  	[tilespmem:s23+$0xFFFFFFC0] =	vst v22;
	v22 =	vld [tilespmem:s20+$0x10]  }
0x135: {  	v23 =	vld [tilespmem:s20+$0xFFFFFFD0]  }
0x136: {  	v24 =	vld [tilespmem:s0+$0xFFFFFFD0]  }
0x137: {  	v14 =	vadd.f32 v14, v17  }
0x138: {  	v17 =	vadd.f32 v21, v5  }
0x139: {  	v14 =	vadd.f32 v14, v5  }
0x13a: {  	v21 =	vmin.f32 v17, $0.0e+00;
	v20 =	vadd.f32 v22, v20  }
0x13b: {  	v21 =	vmul.f32 v21, v2;
	v22 =	vmin.f32 v14, $0.0e+00;
	v23 =	vadd.f32 v23, v24  }
0x13c: {  	v17 =	vmax.f32 v17, $0.0e+00;
	v22 =	vmul.f32 v22, v2;
	v20 =	vadd.f32 v20, v5  }
0x13d: {  	v17 =	vadd.f32 v21, v17;
	v14 =	vmax.f32 v14, $0.0e+00;
	v21 =	vadd.f32 v23, v5  }
0x13e: {  	v14 =	vadd.f32 v22, v14;
	v22 =	vmin.f32 v20, $0.0e+00  }
0x13f: {  	[tilespmem:s22+$0x10] =	vst v17;
	v17 =	vmin.f32 v21, $0.0e+00;
	v22 =	vmul.f32 v22, v2  }
0x140: {  	v9 =	vadd.f32 v12, v9;
	v12 =	vld [tilespmem:s11+$0x20];
	v20 =	vmax.f32 v20, $0.0e+00;
	[tilespmem:s22+$0xFFFFFFD0] =	vst v14;
	v17 =	vmul.f32 v17, v2  }
0x141: {  	v21 =	vmax.f32 v21, $0.0e+00;
	v23 =	vld [tilespmem:s15+$0xFFFFFFE0];
	v20 =	vadd.f32 v22, v20  }
0x142: {  	v22 =	vld [tilespmem:s11+$0xFFFFFFE0];
	v17 =	vadd.f32 v17, v21  }
0x143: {  	v15 =	vadd.f32 v16, v15;
	v14 =	vld [tilespmem:s15+$0x20];
	[tilespmem:s23+$0x10] =	vst v20  }
0x144: {  	v9 =	vadd.f32 v9, v4;
	[tilespmem:s23+$0xFFFFFFD0] =	vst v17;
	v16 =	vld [tilespmem:s0+$0x20]  }
0x145: {  	v15 =	vadd.f32 v15, v4;
	v17 =	vld [tilespmem:s0+$0xFFFFFFE0]  }
0x146: {  	v18 =	vadd.f32 v19, v18;
	v21 =	vmin.f32 v9, $0.0e+00;
	v19 =	vld [tilespmem:s20+$0xFFFFFFE0]  }
0x147: {  	v20 =	vmin.f32 v15, $0.0e+00;
	v21 =	vmul.f32 v21, v2;
	v22 =	vadd.f32 v22, v23;
	v23 =	vld [tilespmem:s20+$0x20]  }
0x148: {  	v9 =	vmax.f32 v9, $0.0e+00;
	v20 =	vmul.f32 v20, v2;
	v12 =	vadd.f32 v12, v14  }
0x149: {  	v15 =	vmax.f32 v15, $0.0e+00;
	v9 =	vadd.f32 v21, v9;
	v22 =	vadd.f32 v22, v4  }
0x14a: {  	[tilespmem:s5+$0x20] =	vst v18;
	v11 =	vadd.f32 v13, v11;
	v15 =	vadd.f32 v20, v15  }
0x14b: {  	v18 =	vld [tilespmem:s8+$0x30];
	v12 =	vadd.f32 v12, v4;
	[tilespmem:s6+$0x20] =	vst v9;
	v20 =	vmin.f32 v22, $0.0e+00;
	v17 =	vadd.f32 v19, v17  }
0x14c: {  	v11 =	vadd.f32 v11, v3;
	[tilespmem:s6+$0xFFFFFFE0] =	vst v15;
	v19 =	vld [tilespmem:s7+$0x30];
	v15 =	vmul.f32 v20, v2;
	v16 =	vadd.f32 v23, v16  }
0x14d: {  	v21 =	vmin.f32 v12, $0.0e+00;
	v13 =	vld [tilespmem:s10+$0x30];
	v9 =	vmax.f32 v22, $0.0e+00;
	v17 =	vadd.f32 v17, v4  }
0x14e: {  	v22 =	vld [tilespmem:s1+$0x30];
	v9 =	vadd.f32 v15, v9;
	v15 =	vmul.f32 v21, v2;
	v16 =	vadd.f32 v16, v4  }
0x14f: {  	v14 =	vmin.f32 v10, $0.0e+00;
	v12 =	vmax.f32 v12, $0.0e+00;
	v20 =	vld [tilespmem:s10+$0xFFFFFFF0];
	v21 =	vmin.f32 v17, $0.0e+00  }
0x150: {  	v23 =	vld [tilespmem:s1+$0xFFFFFFF0];
	[tilespmem:s22+$0xFFFFFFE0] =	vst v9;
	v9 =	vadd.f32 v15, v12;
	v12 =	vmul.f32 v21, v2;
	v15 =	vmin.f32 v16, $0.0e+00  }
0x151: {  	v17 =	vmax.f32 v17, $0.0e+00;
	v18 =	vadd.f32 v18, v19;
	v19 =	vld [tilespmem:s15+$0xFFFFFFF0];
	v15 =	vmul.f32 v15, v2  }
0x152: {  	v14 =	vmul.f32 v14, v2;
	v21 =	vld [tilespmem:s11+$0xFFFFFFF0];
	[tilespmem:s22+$0x20] =	vst v9;
	v9 =	vadd.f32 v12, v17;
	v12 =	vmax.f32 v16, $0.0e+00  }
0x153: {  	v10 =	vmax.f32 v10, $0.0e+00;
	v16 =	vadd.f32 v18, v3;
	v17 =	vld [tilespmem:s11+$0x30];
	v12 =	vadd.f32 v15, v12  }
0x154: {  	v7 =	vmax.f32 v7, $0.0e+00;
	v10 =	vadd.f32 v14, v10;
	v13 =	vadd.f32 v22, v13;
	v14 =	vld [tilespmem:s15+$0x30];
	[tilespmem:s23+$0xFFFFFFE0] =	vst v9  }
0x155: {  	v7 =	vadd.f32 v8, v7;
	v8 =	vmin.f32 v11, $0.0e+00;
	v9 =	vmin.f32 v16, $0.0e+00;
	v15 =	vld [tilespmem:s0+$0xFFFFFFF0];
	[tilespmem:s23+$0x20] =	vst v12  }
0x156: {  	v13 =	vadd.f32 v13, v3;
	v9 =	vmul.f32 v9, v2;
	v12 =	vadd.f32 v23, v20;
	v18 =	vld [tilespmem:s20+$0x30]  }
0x157: {  	v11 =	vmax.f32 v11, $0.0e+00;
	v8 =	vmul.f32 v8, v2;
	v16 =	vmax.f32 v16, $0.0e+00;
	v20 =	vld [tilespmem:s0+$0x30]  }
0x158: {  	v22 =	vld [tilespmem:s20+$0xFFFFFFF0];
	v9 =	vadd.f32 v9, v16;
	v12 =	vadd.f32 v12, v3;
	v16 =	vmin.f32 v13, $0.0e+00  }
0x159: {  	v8 =	vadd.f32 v8, v11;
	v11 =	vmul.f32 v16, v2;
	v16 =	vadd.f32 v21, v19  }
0x15a: {  	v13 =	vmax.f32 v13, $0.0e+00;
	v14 =	vadd.f32 v17, v14;
	v19 =	vmin.f32 v12, $0.0e+00  }
0x15b: {  	v17 =	vmul.f32 v19, v2;
	v11 =	vadd.f32 v11, v13;
	v13 =	vadd.f32 v16, v3  }
0x15c: {  	[tilespmem:s30+$0xFFFFFFF0] =	vst v7;
	v12 =	vmax.f32 v12, $0.0e+00;
	v14 =	vadd.f32 v14, v3;
	v16 =	vadd.f32 v18, v20  }
0x15d: {  	[tilespmem:s30+$0x30] =	vst v10;
	v10 =	vadd.f32 v17, v12;
	v12 =	vadd.f32 v22, v15  }
0x15e: {  	[tilespmem:s5+$0xFFFFFFF0] =	vst v8;
	v7 =	vmin.f32 v13, $0.0e+00;
	v15 =	vmin.f32 v14, $0.0e+00;
	v16 =	vadd.f32 v16, v3  }
0x15f: {  	[tilespmem:s5+$0x30] =	vst v9;
	v8 =	vmax.f32 v14, $0.0e+00;
	v9 =	vmul.f32 v15, v2;
	v12 =	vadd.f32 v12, v3  }
0x160: {  	v13 =	vmax.f32 v13, $0.0e+00;
	v7 =	vmul.f32 v7, v2;
	v14 =	vmin.f32 v16, $0.0e+00  }
0x161: {  	[tilespmem:s6+$0x30] =	vst v11;
	v8 =	vadd.f32 v9, v8;
	v9 =	vmin.f32 v12, $0.0e+00;
	v11 =	vmul.f32 v14, v2  }
0x162: {  	[tilespmem:s6+$0xFFFFFFF0] =	vst v10;
	v7 =	vadd.f32 v7, v13;
	v10 =	vmax.f32 v16, $0.0e+00;
	v9 =	vmul.f32 v9, v2  }
0x163: {  	[tilespmem:s22+$0x30] =	vst v8;
	v8 =	vmax.f32 v12, $0.0e+00;
	v10 =	vadd.f32 v11, v10  }
0x164: {  	[tilespmem:s22+$0xFFFFFFF0] =	vst v7;
	v7 =	vadd.f32 v9, v8  }
0x165: {  	[tilespmem:s23+$0x30] =	vst v10  }
0x166: {  	[tilespmem:s23+$0xFFFFFFF0] =	vst v7  }
0x167: {  	s2 =	simm.s32 $0xA000;
	s20 =	rddreg [dreg:$0x10]  }
0x168: {  	[hbm4b:s20+s9] =	stream.linear.scatter [tilespmem:s2], [sflag:$0x6], $0x1400, $0x38;
	[tilespmem:$0x14190] =	vst v63  }
0x169: {  	s22 =	simm.s32 $0xF000;
	s23 =	rddreg [dreg:$0x5]  }
0x16a: {  	[spmem:s23] =	stream.indirect.scatter.add.f32 [tilespmem:s2], [sflag:$0xA], $0x40, s22, s13, $0xb8;
	[tilespmem:$0x14190] =	vst v63  }
0x16b: {  	s24 =	rddreg [dreg:$0x6]  }
0x16c: {  	[spmem:s24] =	stream.indirect.scatter.add.f32 [tilespmem:s3], [sflag:$0xE], $0x10, s22, s13, $0xb8;
	[tilespmem:$0x14190] =	vst v63  }
0x16d: {  	_ =	swait.ge [sflag:s14], $0x1400  }
0x16e: {  	[sflag:s14] =	ssyncset.done $0x0  }
0x16f: {  	[sflag:s14] =	ssyncadd.s32 $0xFFFFEC00  }
0x170: {  	_ =	swait.ge [sflag:s14], $0x1400  }
0x171: {  	[sflag:s14] =	ssyncset.done $0x0  }
0x172: {  	[sflag:s14] =	ssyncadd.s32 $0xFFFFEC00  }
0x173: {  	_ =	swait.ge [sflag:s14], $0x50  }
0x174: {  	[sflag:s14] =	ssyncset.done $0x0  }
0x175: {  	s25 =	simm.s32 $0x6440;
	[sflag:s14] =	ssyncadd.s32 $0xFFFFFFB0  }
0x176: {  	s26 =	simm.s32 $0x1440;
	v7 =	vld [tilespmem:s25+$0x0]  }
0x177: {  	v8 =	vld [tilespmem:s26+$0x0]  }
0x178: {  	v9 =	vld [tilespmem:s25+$0xFFFFFFC0]  }
0x179: {  	v10 =	vld [tilespmem:s26+$0xFFFFFFC0];
	_ =	sdelay $0x3  }
0x17a: {  	v7 =	vadd.f32 v7, v8  }
0x17b: {  	v8 =	vadd.f32 v9, v10  }
0x17c: {  	v7 =	vadd.f32 v7, v6  }
0x17d: {  	v8 =	vadd.f32 v8, v6  }
0x17e: {  	s1 =	simm.s32 $0x64C0;
	v9 =	vmin.f32 v7, $0.0e+00  }
0x17f: {  	s7 =	simm.s32 $0x14C0;
	v11 =	vld [tilespmem:s1+$0x0];
	v10 =	vmin.f32 v8, $0.0e+00;
	v9 =	vmul.f32 v9, v2  }
0x180: {  	v12 =	vld [tilespmem:s7+$0xFFFFFFC0];
	v7 =	vmax.f32 v7, $0.0e+00;
	v10 =	vmul.f32 v10, v2  }
0x181: {  	v8 =	vmax.f32 v8, $0.0e+00;
	v7 =	vadd.f32 v9, v7;
	v9 =	vld [tilespmem:s7+$0x0]  }
0x182: {  	s30 =	simm.s32 $0xB440;
	v8 =	vadd.f32 v10, v8;
	v10 =	vld [tilespmem:s1+$0xFFFFFFC0]  }
0x183: {  	[tilespmem:s30+$0x0] =	vst v7  }
0x184: {  	[tilespmem:s30+$0xFFFFFFC0] =	vst v8;
	v7 =	vld [tilespmem:s26+$0x10]  }
0x185: {  	v8 =	vld [tilespmem:s25+$0xFFFFFFD0]  }
0x186: {  	v9 =	vadd.f32 v11, v9;
	v11 =	vld [tilespmem:s26+$0xFFFFFFD0]  }
0x187: {  	v13 =	vld [tilespmem:s25+$0x10];
	v10 =	vadd.f32 v10, v12  }
0x188: {  	v9 =	vadd.f32 v9, v6  }
0x189: {  	v10 =	vadd.f32 v10, v6  }
0x18a: {  	v12 =	vmin.f32 v9, $0.0e+00  }
0x18b: {  	s8 =	simm.s32 $0x6540;
	v12 =	vmul.f32 v12, v2;
	v8 =	vadd.f32 v8, v11;
	v11 =	vmin.f32 v10, $0.0e+00  }
0x18c: {  	s10 =	simm.s32 $0x1540;
	v7 =	vadd.f32 v13, v7;
	v13 =	vld [tilespmem:s8+$0x0];
	v9 =	vmax.f32 v9, $0.0e+00;
	v11 =	vmul.f32 v11, v2  }
0x18d: {  	v10 =	vmax.f32 v10, $0.0e+00;
	v9 =	vadd.f32 v12, v9;
	v12 =	vld [tilespmem:s10+$0x0];
	v8 =	vadd.f32 v8, v5  }
0x18e: {  	s5 =	simm.s32 $0xB4C0;
	v14 =	vld [tilespmem:s8+$0xFFFFFFC0];
	v10 =	vadd.f32 v11, v10  }
0x18f: {  	v7 =	vadd.f32 v7, v5;
	v11 =	vld [tilespmem:s10+$0xFFFFFFC0];
	[tilespmem:s5+$0x0] =	vst v9;
	v9 =	vmin.f32 v8, $0.0e+00  }
0x190: {  	v15 =	vld [tilespmem:s7+$0x10];
	v9 =	vmul.f32 v9, v2;
	[tilespmem:s5+$0xFFFFFFC0] =	vst v10  }
0x191: {  	v8 =	vmax.f32 v8, $0.0e+00;
	v10 =	vmin.f32 v7, $0.0e+00;
	v17 =	vld [tilespmem:s1+$0xFFFFFFD0]  }
0x192: {  	v10 =	vmul.f32 v10, v2;
	v8 =	vadd.f32 v9, v8;
	v9 =	vadd.f32 v13, v12;
	v12 =	vld [tilespmem:s7+$0xFFFFFFD0]  }
0x193: {  	s11 =	simm.s32 $0x65C0;
	v16 =	vld [tilespmem:s1+$0x10];
	v7 =	vmax.f32 v7, $0.0e+00  }
0x194: {  	v18 =	vld [tilespmem:s11+$0xFFFFFFC0];
	v7 =	vadd.f32 v10, v7;
	[tilespmem:s30+$0xFFFFFFD0] =	vst v8;
	v9 =	vadd.f32 v9, v6  }
0x195: {  	v8 =	vadd.f32 v14, v11;
	v10 =	vld [tilespmem:s26+$0xFFFFFFE0]  }
0x196: {  	s0 =	simm.s32 $0x1640;
	[tilespmem:s30+$0x10] =	vst v7;
	v7 =	vld [tilespmem:s25+$0xFFFFFFE0];
	v13 =	vmin.f32 v9, $0.0e+00  }
0x197: {  	v22 =	vld [tilespmem:s0+$0x0];
	v8 =	vadd.f32 v8, v6;
	v13 =	vmul.f32 v13, v2;
	v12 =	vadd.f32 v17, v12  }
0x198: {  	v14 =	vadd.f32 v16, v15;
	v11 =	vld [tilespmem:s26+$0x20];
	v9 =	vmax.f32 v9, $0.0e+00  }
0x199: {  	v15 =	vld [tilespmem:s25+$0x20];
	v16 =	vmin.f32 v8, $0.0e+00;
	v9 =	vadd.f32 v13, v9;
	v12 =	vadd.f32 v12, v5  }
0x19a: {  	s15 =	simm.s32 $0x15C0;
	s6 =	simm.s32 $0xB540;
	v17 =	vld [tilespmem:s11+$0x0];
	v14 =	vadd.f32 v14, v5;
	v16 =	vmul.f32 v16, v2  }
0x19b: {  	v8 =	vmax.f32 v8, $0.0e+00;
	v13 =	vld [tilespmem:s15+$0x0];
	v7 =	vadd.f32 v7, v10;
	[tilespmem:s6+$0x0] =	vst v9;
	v9 =	vmin.f32 v12, $0.0e+00  }
0x19c: {  	v10 =	vmin.f32 v14, $0.0e+00;
	v8 =	vadd.f32 v16, v8;
	v16 =	vld [tilespmem:s15+$0xFFFFFFC0];
	v9 =	vmul.f32 v9, v2  }
0x19d: {  	v10 =	vmul.f32 v10, v2;
	v12 =	vmax.f32 v12, $0.0e+00;
	v7 =	vadd.f32 v7, v4;
	v19 =	vld [tilespmem:s10+$0x10]  }
0x19e: {  	v14 =	vmax.f32 v14, $0.0e+00;
	v11 =	vadd.f32 v15, v11;
	[tilespmem:s6+$0xFFFFFFC0] =	vst v8;
	v8 =	vld [tilespmem:s8+$0x10];
	v9 =	vadd.f32 v9, v12  }
0x19f: {  	v10 =	vadd.f32 v10, v14;
	v14 =	vmin.f32 v7, $0.0e+00;
	v20 =	vld [tilespmem:s8+$0xFFFFFFD0]  }
0x1a0: {  	v11 =	vadd.f32 v11, v4;
	v12 =	vmul.f32 v14, v2;
	v14 =	vld [tilespmem:s10+$0xFFFFFFD0];
	[tilespmem:s5+$0xFFFFFFD0] =	vst v9  }
0x1a1: {  	v7 =	vmax.f32 v7, $0.0e+00;
	[tilespmem:s5+$0x10] =	vst v10;
	v10 =	vadd.f32 v17, v13;
	v13 =	vld [tilespmem:s7+$0xFFFFFFE0]  }
0x1a2: {  	v15 =	vadd.f32 v18, v16;
	v16 =	vmin.f32 v11, $0.0e+00;
	v7 =	vadd.f32 v12, v7;
	v12 =	vld [tilespmem:s1+$0xFFFFFFE0]  }
0x1a3: {  	v9 =	vld [tilespmem:s7+$0x20];
	v10 =	vadd.f32 v10, v6;
	v16 =	vmul.f32 v16, v2  }
0x1a4: {  	v17 =	vld [tilespmem:s1+$0x20];
	v11 =	vmax.f32 v11, $0.0e+00;
	v15 =	vadd.f32 v15, v6;
	v8 =	vadd.f32 v8, v19;
	[tilespmem:s30+$0xFFFFFFE0] =	vst v7  }
0x1a5: {  	v18 =	vmax.f32 v10, $0.0e+00;
	v10 =	vmin.f32 v10, $0.0e+00;
	v11 =	vadd.f32 v16, v11;
	v7 =	vld [tilespmem:s26+$0xFFFFFFF0]  }
0x1a6: {  	s20 =	simm.s32 $0x6640;
	v21 =	vld [tilespmem:s25+$0xFFFFFFF0];
	v16 =	vmin.f32 v15, $0.0e+00;
	v10 =	vmul.f32 v10, v2;
	v14 =	vadd.f32 v20, v14  }
0x1a7: {  	v19 =	vld [tilespmem:s20+$0x0];
	v8 =	vadd.f32 v8, v5;
	v16 =	vmul.f32 v16, v2;
	v12 =	vadd.f32 v12, v13  }
0x1a8: {  	v20 =	vld [tilespmem:s20+$0xFFFFFFC0];
	[tilespmem:s30+$0x20] =	vst v11;
	v11 =	vmax.f32 v15, $0.0e+00;
	v10 =	vadd.f32 v10, v18;
	v13 =	vadd.f32 v14, v5  }
0x1a9: {  	s23 =	simm.s32 $0xB5C0;
	v9 =	vadd.f32 v17, v9;
	v15 =	vld [tilespmem:s25+$0x30];
	v14 =	vmin.f32 v8, $0.0e+00;
	v11 =	vadd.f32 v16, v11  }
0x1aa: {  	v18 =	vld [tilespmem:s0+$0xFFFFFFC0];
	v14 =	vmul.f32 v14, v2;
	v12 =	vadd.f32 v12, v4;
	[tilespmem:s23+$0x0] =	vst v10;
	v10 =	vmin.f32 v13, $0.0e+00  }
0x1ab: {  	v8 =	vmax.f32 v8, $0.0e+00;
	v16 =	vld [tilespmem:s26+$0x30];
	v7 =	vadd.f32 v21, v7;
	v10 =	vmul.f32 v10, v2  }
0x1ac: {  	v21 =	vld [tilespmem:s15+$0x10];
	[tilespmem:s23+$0xFFFFFFC0] =	vst v11;
	v11 =	vmax.f32 v13, $0.0e+00;
	v8 =	vadd.f32 v14, v8;
	v23 =	vmin.f32 v12, $0.0e+00  }
0x1ad: {  	v25 =	vld [tilespmem:s11+$0x10];
	v13 =	vadd.f32 v19, v22;
	v10 =	vadd.f32 v10, v11;
	v11 =	vmul.f32 v23, v2  }
0x1ae: {  	v14 =	vld [tilespmem:s11+$0xFFFFFFD0];
	v7 =	vadd.f32 v7, v3;
	[tilespmem:s6+$0x10] =	vst v8;
	v8 =	vmax.f32 v12, $0.0e+00;
	v12 =	vadd.f32 v9, v4  }
0x1af: {  	v17 =	vld [tilespmem:s15+$0xFFFFFFD0];
	v18 =	vadd.f32 v20, v18;
	v13 =	vadd.f32 v13, v6  }
0x1b0: {  	v9 =	vld [tilespmem:s10+$0x20];
	v19 =	vadd.f32 v15, v16;
	v11 =	vadd.f32 v11, v8  }
0x1b1: {  	[tilespmem:s6+$0xFFFFFFD0] =	vst v10;
	v22 =	vadd.f32 v18, v6;
	v18 =	vmax.f32 v12, $0.0e+00;
	v24 =	vmin.f32 v12, $0.0e+00;
	v12 =	vld [tilespmem:s8+$0x20]  }
0x1b2: {  	v10 =	vmin.f32 v7, $0.0e+00;
	v20 =	vmax.f32 v13, $0.0e+00;
	v15 =	vld [tilespmem:s10+$0xFFFFFFE0]  }
0x1b3: {  	v13 =	vmin.f32 v13, $0.0e+00;
	v8 =	vmul.f32 v10, v2;
	v16 =	vld [tilespmem:s8+$0xFFFFFFE0];
	v10 =	vadd.f32 v19, v3;
	[tilespmem:s5+$0xFFFFFFE0] =	vst v11  }
0x1b4: {  	s28 =	simm.s32 $0xF000;
	s24 =	simm.s32 $0x8;
	v23 =	vmul.f32 v13, v2;
	v19 =	vmul.f32 v24, v2;
	v26 =	vmin.f32 v22, $0.0e+00;
	v11 =	vld [tilespmem:s7+$0xFFFFFFF0]  }
0x1b5: {  	s22 =	simm.s32 $0xB5C0;
	s25 =	simm.s32 $0x66C0;
	s26 =	simm.s32 $0x16C0;
	v21 =	vadd.f32 v25, v21;
	v22 =	vmax.f32 v22, $0.0e+00;
	v24 =	vmul.f32 v26, v2;
	v13 =	vld [tilespmem:s1+$0xFFFFFFF0]  }
.LBB2_6:
0x1b6: {  	v25 =	vld [tilespmem:s25+$0x0];
	s24 =	sadd.s32 $0x2, s24;
	v20 =	vadd.f32 v23, v20;
	v18 =	vadd.f32 v19, v18;
	v19 =	vmin.f32 v10, $0.0e+00  }
0x1b7: {  	v14 =	vadd.f32 v14, v17;
	s23 =	sadd.s32 $0x80, s23;
	v23 =	vld [tilespmem:s26+$0x0];
	p1 =	slt.u32 s24, $0x4E;
	v22 =	vadd.f32 v24, v22;
	v17 =	vmul.f32 v19, v2  }
0x1b8: {  	v10 =	vmax.f32 v10, $0.0e+00;
	v21 =	vadd.f32 v21, v5;
	v15 =	vadd.f32 v16, v15;
	v19 =	vld [tilespmem:s25+$0xFFFFFFC0];
	[tilespmem:s5+$0x20] =	vst v18  }
0x1b9: {  	v7 =	vmax.f32 v7, $0.0e+00;
	v14 =	vadd.f32 v14, v5;
	v16 =	vld [tilespmem:s1+$0x30];
	v10 =	vadd.f32 v17, v10;
	s1 =	smov.u32 s8;
	s8 =	smov.u32 s11;
	s11 =	smov.u32 s20  }
0x1ba: {  	v17 =	vmin.f32 v21, $0.0e+00;
	v15 =	vadd.f32 v15, v4;
	s20 =	smov.u32 s25;
	[tilespmem:s23+$0xFFFFFFC0] =	vst v22;
	v11 =	vadd.f32 v13, v11;
	v13 =	vld [tilespmem:s7+$0x30];
	s7 =	smov.u32 s10;
	s10 =	smov.u32 s15  }
0x1bb: {  	v7 =	vadd.f32 v8, v7;
	v17 =	vmul.f32 v17, v2;
	s15 =	smov.u32 s0;
	s0 =	smov.u32 s26;
	v18 =	vld [tilespmem:s26+$0xFFFFFFC0];
	[tilespmem:s23+$0x0] =	vst v20;
	v20 =	vmin.f32 v14, $0.0e+00  }
0x1bc: {  	v26 =	vld [tilespmem:s15+$0x10];
	v8 =	vmul.f32 v20, v2;
	v20 =	vmax.f32 v21, $0.0e+00;
	v21 =	vmin.f32 v15, $0.0e+00;
	[tilespmem:s30+$0x30] =	vst v10  }
0x1bd: {  	v9 =	vadd.f32 v12, v9;
	v10 =	vmax.f32 v14, $0.0e+00;
	v27 =	vld [tilespmem:s11+$0x10];
	v20 =	vadd.f32 v17, v20;
	[tilespmem:s30+$0xFFFFFFF0] =	vst v7;
	s30 =	smov.u32 s5;
	s5 =	smov.u32 s6;
	s6 =	smov.u32 s22  }
0x1be: {  	v7 =	vadd.f32 v11, v3;
	s22 =	smov.u32 s23;
	v14 =	vld [tilespmem:s11+$0xFFFFFFD0];
	v8 =	vadd.f32 v8, v10;
	v10 =	vmul.f32 v21, v2  }
0x1bf: {  	v12 =	vmax.f32 v15, $0.0e+00;
	v11 =	vadd.f32 v25, v23;
	v17 =	vld [tilespmem:s15+$0xFFFFFFD0];
	[tilespmem:s6+$0x10] =	vst v20;
	v20 =	vadd.f32 v9, v4  }
0x1c0: {  	v13 =	vadd.f32 v16, v13;
	v18 =	vadd.f32 v19, v18;
	[tilespmem:s6+$0xFFFFFFD0] =	vst v8;
	v9 =	vld [tilespmem:s10+$0x20];
	v8 =	vmin.f32 v7, $0.0e+00  }
.Ltmp4:
0x1c1: {  	v11 =	vadd.f32 v11, v6;
	v10 =	vadd.f32 v10, v12;
	v15 =	vld [tilespmem:s10+$0xFFFFFFE0];
	v8 =	vmul.f32 v8, v2;
	(pc) =	sbr.rel @p1 .LBB2_6-.Ltmp4, $4  }
0x1c2: {  	v19 =	vmin.f32 v20, $0.0e+00;
	v21 =	vadd.f32 v18, v6;
	v16 =	vld [tilespmem:s8+$0xFFFFFFE0];
	v18 =	vmax.f32 v20, $0.0e+00  }
0x1c3: {  	v20 =	vmax.f32 v11, $0.0e+00;
	v11 =	vmin.f32 v11, $0.0e+00;
	v12 =	vld [tilespmem:s8+$0x20];
	[tilespmem:s5+$0xFFFFFFE0] =	vst v10;
	v10 =	vadd.f32 v13, v3  }
0x1c4: {  	v19 =	vmul.f32 v19, v2;
	v23 =	vmul.f32 v11, v2;
	v13 =	vmin.f32 v21, $0.0e+00;
	v11 =	vld [tilespmem:s7+$0xFFFFFFF0]  }
0x1c5: {  	s25 =	sadd.s32 $0x80, s25;
	s26 =	sadd.s32 $0x80, s26;
	v22 =	vmax.f32 v21, $0.0e+00;
	v21 =	vadd.f32 v27, v26;
	v24 =	vmul.f32 v13, v2;
	v13 =	vld [tilespmem:s1+$0xFFFFFFF0]  }
0x1c6: {  	v20 =	vadd.f32 v23, v20  }
0x1c7: {  	s23 =	sadd.s32 $0x80, s23  }
0x1c8: {  	v22 =	vadd.f32 v24, v22;
	[tilespmem:s23+$0x0] =	vst v20  }
0x1c9: {  	v20 =	vld [tilespmem:s0+$0x10]  }
0x1ca: {  	[tilespmem:s23+$0xFFFFFFC0] =	vst v22;
	v22 =	vld [tilespmem:s20+$0x10]  }
0x1cb: {  	v23 =	vld [tilespmem:s20+$0xFFFFFFD0]  }
0x1cc: {  	v24 =	vld [tilespmem:s0+$0xFFFFFFD0]  }
0x1cd: {  	v14 =	vadd.f32 v14, v17  }
0x1ce: {  	v17 =	vadd.f32 v21, v5  }
0x1cf: {  	v14 =	vadd.f32 v14, v5  }
0x1d0: {  	v21 =	vmin.f32 v17, $0.0e+00;
	v20 =	vadd.f32 v22, v20  }
0x1d1: {  	v21 =	vmul.f32 v21, v2;
	v22 =	vmin.f32 v14, $0.0e+00;
	v23 =	vadd.f32 v23, v24  }
0x1d2: {  	v17 =	vmax.f32 v17, $0.0e+00;
	v22 =	vmul.f32 v22, v2;
	v20 =	vadd.f32 v20, v5  }
0x1d3: {  	v17 =	vadd.f32 v21, v17;
	v14 =	vmax.f32 v14, $0.0e+00;
	v21 =	vadd.f32 v23, v5  }
0x1d4: {  	v14 =	vadd.f32 v22, v14;
	v22 =	vmin.f32 v20, $0.0e+00  }
0x1d5: {  	[tilespmem:s22+$0x10] =	vst v17;
	v17 =	vmin.f32 v21, $0.0e+00;
	v22 =	vmul.f32 v22, v2  }
0x1d6: {  	v9 =	vadd.f32 v12, v9;
	v12 =	vld [tilespmem:s11+$0x20];
	v20 =	vmax.f32 v20, $0.0e+00;
	[tilespmem:s22+$0xFFFFFFD0] =	vst v14;
	v17 =	vmul.f32 v17, v2  }
0x1d7: {  	v21 =	vmax.f32 v21, $0.0e+00;
	v23 =	vld [tilespmem:s15+$0xFFFFFFE0];
	v20 =	vadd.f32 v22, v20  }
0x1d8: {  	v22 =	vld [tilespmem:s11+$0xFFFFFFE0];
	v17 =	vadd.f32 v17, v21  }
0x1d9: {  	v15 =	vadd.f32 v16, v15;
	v14 =	vld [tilespmem:s15+$0x20];
	[tilespmem:s23+$0x10] =	vst v20  }
0x1da: {  	v9 =	vadd.f32 v9, v4;
	[tilespmem:s23+$0xFFFFFFD0] =	vst v17;
	v16 =	vld [tilespmem:s0+$0x20]  }
0x1db: {  	v15 =	vadd.f32 v15, v4;
	v17 =	vld [tilespmem:s0+$0xFFFFFFE0]  }
0x1dc: {  	v18 =	vadd.f32 v19, v18;
	v21 =	vmin.f32 v9, $0.0e+00;
	v19 =	vld [tilespmem:s20+$0xFFFFFFE0]  }
0x1dd: {  	v20 =	vmin.f32 v15, $0.0e+00;
	v21 =	vmul.f32 v21, v2;
	v22 =	vadd.f32 v22, v23;
	v23 =	vld [tilespmem:s20+$0x20]  }
0x1de: {  	v9 =	vmax.f32 v9, $0.0e+00;
	v20 =	vmul.f32 v20, v2;
	v12 =	vadd.f32 v12, v14  }
0x1df: {  	v15 =	vmax.f32 v15, $0.0e+00;
	v9 =	vadd.f32 v21, v9;
	v22 =	vadd.f32 v22, v4  }
0x1e0: {  	[tilespmem:s5+$0x20] =	vst v18;
	v11 =	vadd.f32 v13, v11;
	v15 =	vadd.f32 v20, v15  }
0x1e1: {  	v18 =	vld [tilespmem:s1+$0x30];
	v12 =	vadd.f32 v12, v4;
	[tilespmem:s6+$0x20] =	vst v9;
	v20 =	vmin.f32 v22, $0.0e+00;
	v17 =	vadd.f32 v19, v17  }
0x1e2: {  	v11 =	vadd.f32 v11, v3;
	[tilespmem:s6+$0xFFFFFFE0] =	vst v15;
	v19 =	vld [tilespmem:s7+$0x30];
	v15 =	vmul.f32 v20, v2;
	v16 =	vadd.f32 v23, v16  }
0x1e3: {  	v21 =	vmin.f32 v12, $0.0e+00;
	v13 =	vld [tilespmem:s10+$0x30];
	v9 =	vmax.f32 v22, $0.0e+00;
	v17 =	vadd.f32 v17, v4  }
0x1e4: {  	v22 =	vld [tilespmem:s8+$0x30];
	v9 =	vadd.f32 v15, v9;
	v15 =	vmul.f32 v21, v2;
	v16 =	vadd.f32 v16, v4  }
0x1e5: {  	v14 =	vmin.f32 v10, $0.0e+00;
	v12 =	vmax.f32 v12, $0.0e+00;
	v20 =	vld [tilespmem:s10+$0xFFFFFFF0];
	v21 =	vmin.f32 v17, $0.0e+00  }
0x1e6: {  	v23 =	vld [tilespmem:s8+$0xFFFFFFF0];
	[tilespmem:s22+$0xFFFFFFE0] =	vst v9;
	v9 =	vadd.f32 v15, v12;
	v12 =	vmul.f32 v21, v2;
	v15 =	vmin.f32 v16, $0.0e+00  }
0x1e7: {  	v17 =	vmax.f32 v17, $0.0e+00;
	v18 =	vadd.f32 v18, v19;
	v19 =	vld [tilespmem:s15+$0xFFFFFFF0];
	v15 =	vmul.f32 v15, v2  }
0x1e8: {  	v14 =	vmul.f32 v14, v2;
	v21 =	vld [tilespmem:s11+$0xFFFFFFF0];
	[tilespmem:s22+$0x20] =	vst v9;
	v9 =	vadd.f32 v12, v17;
	v12 =	vmax.f32 v16, $0.0e+00  }
0x1e9: {  	v10 =	vmax.f32 v10, $0.0e+00;
	v16 =	vadd.f32 v18, v3;
	v17 =	vld [tilespmem:s11+$0x30];
	v12 =	vadd.f32 v15, v12  }
0x1ea: {  	v7 =	vmax.f32 v7, $0.0e+00;
	v10 =	vadd.f32 v14, v10;
	v13 =	vadd.f32 v22, v13;
	v14 =	vld [tilespmem:s15+$0x30];
	[tilespmem:s23+$0xFFFFFFE0] =	vst v9  }
0x1eb: {  	v7 =	vadd.f32 v8, v7;
	v8 =	vmin.f32 v11, $0.0e+00;
	v9 =	vmin.f32 v16, $0.0e+00;
	v15 =	vld [tilespmem:s0+$0xFFFFFFF0];
	[tilespmem:s23+$0x20] =	vst v12  }
0x1ec: {  	v13 =	vadd.f32 v13, v3;
	v9 =	vmul.f32 v9, v2;
	v12 =	vadd.f32 v23, v20;
	v18 =	vld [tilespmem:s20+$0x30]  }
0x1ed: {  	v11 =	vmax.f32 v11, $0.0e+00;
	v8 =	vmul.f32 v8, v2;
	v16 =	vmax.f32 v16, $0.0e+00;
	v20 =	vld [tilespmem:s0+$0x30]  }
0x1ee: {  	v22 =	vld [tilespmem:s20+$0xFFFFFFF0];
	v9 =	vadd.f32 v9, v16;
	v12 =	vadd.f32 v12, v3;
	v16 =	vmin.f32 v13, $0.0e+00  }
0x1ef: {  	v8 =	vadd.f32 v8, v11;
	v11 =	vmul.f32 v16, v2;
	v16 =	vadd.f32 v21, v19  }
0x1f0: {  	v13 =	vmax.f32 v13, $0.0e+00;
	v14 =	vadd.f32 v17, v14;
	v19 =	vmin.f32 v12, $0.0e+00  }
0x1f1: {  	v17 =	vmul.f32 v19, v2;
	v11 =	vadd.f32 v11, v13;
	v13 =	vadd.f32 v16, v3  }
0x1f2: {  	[tilespmem:s30+$0xFFFFFFF0] =	vst v7;
	v12 =	vmax.f32 v12, $0.0e+00;
	v14 =	vadd.f32 v14, v3;
	v16 =	vadd.f32 v18, v20  }
0x1f3: {  	[tilespmem:s30+$0x30] =	vst v10;
	v10 =	vadd.f32 v17, v12;
	v12 =	vadd.f32 v22, v15  }
0x1f4: {  	[tilespmem:s5+$0xFFFFFFF0] =	vst v8;
	v7 =	vmin.f32 v13, $0.0e+00;
	v15 =	vmin.f32 v14, $0.0e+00;
	v16 =	vadd.f32 v16, v3  }
0x1f5: {  	[tilespmem:s5+$0x30] =	vst v9;
	v8 =	vmax.f32 v14, $0.0e+00;
	v9 =	vmul.f32 v15, v2;
	v12 =	vadd.f32 v12, v3  }
0x1f6: {  	v13 =	vmax.f32 v13, $0.0e+00;
	v7 =	vmul.f32 v7, v2;
	v14 =	vmin.f32 v16, $0.0e+00  }
0x1f7: {  	[tilespmem:s6+$0x30] =	vst v11;
	v8 =	vadd.f32 v9, v8;
	v9 =	vmin.f32 v12, $0.0e+00;
	v11 =	vmul.f32 v14, v2  }
0x1f8: {  	[tilespmem:s6+$0xFFFFFFF0] =	vst v10;
	v7 =	vadd.f32 v7, v13;
	v10 =	vmax.f32 v16, $0.0e+00;
	v9 =	vmul.f32 v9, v2  }
0x1f9: {  	[tilespmem:s22+$0x30] =	vst v8;
	v8 =	vmax.f32 v12, $0.0e+00;
	v10 =	vadd.f32 v11, v10  }
0x1fa: {  	[tilespmem:s22+$0xFFFFFFF0] =	vst v7;
	v7 =	vadd.f32 v9, v8  }
0x1fb: {  	[tilespmem:s23+$0x30] =	vst v10  }
0x1fc: {  	[tilespmem:s23+$0xFFFFFFF0] =	vst v7  }
0x1fd: {  	s2 =	simm.s32 $0xB400;
	s20 =	rddreg [dreg:$0x11]  }
0x1fe: {  	[hbm4b:s20+s9] =	stream.linear.scatter [tilespmem:s2], [sflag:$0x7], $0x1400, $0x38;
	[tilespmem:$0x14190] =	vst v63  }
0x1ff: {  	s22 =	simm.s32 $0xF050;
	s23 =	rddreg [dreg:$0x5]  }
0x200: {  	[spmem:s23] =	stream.indirect.scatter.add.f32 [tilespmem:s2], [sflag:$0xB], $0x40, s22, s13, $0xb8;
	[tilespmem:$0x14190] =	vst v63  }
0x201: {  	s24 =	rddreg [dreg:$0x6]  }
0x202: {  	[spmem:s24] =	stream.indirect.scatter.add.f32 [tilespmem:s3], [sflag:$0xF], $0x10, s22, s13, $0xb8;
	[tilespmem:$0x14190] =	vst v63  }
0x203: {  	_ =	swait.ge [sflag:s16], $0x1400  }
0x204: {  	[sflag:s16] =	ssyncset.done $0x0  }
0x205: {  	[sflag:s16] =	ssyncadd.s32 $0xFFFFEC00  }
0x206: {  	_ =	swait.ge [sflag:s16], $0x1400  }
0x207: {  	[sflag:s16] =	ssyncset.done $0x0  }
0x208: {  	[sflag:s16] =	ssyncadd.s32 $0xFFFFEC00  }
0x209: {  	_ =	swait.ge [sflag:s16], $0x50  }
0x20a: {  	[sflag:s16] =	ssyncset.done $0x0  }
0x20b: {  	s25 =	simm.s32 $0x7840;
	[sflag:s16] =	ssyncadd.s32 $0xFFFFFFB0  }
0x20c: {  	s26 =	simm.s32 $0x2840;
	v7 =	vld [tilespmem:s25+$0x0]  }
0x20d: {  	v8 =	vld [tilespmem:s26+$0x0]  }
0x20e: {  	v9 =	vld [tilespmem:s25+$0xFFFFFFC0]  }
0x20f: {  	v10 =	vld [tilespmem:s26+$0xFFFFFFC0];
	_ =	sdelay $0x3  }
0x210: {  	v7 =	vadd.f32 v7, v8  }
0x211: {  	v8 =	vadd.f32 v9, v10  }
0x212: {  	v7 =	vadd.f32 v7, v6  }
0x213: {  	v8 =	vadd.f32 v8, v6  }
0x214: {  	s1 =	simm.s32 $0x78C0;
	v9 =	vmin.f32 v7, $0.0e+00  }
0x215: {  	s7 =	simm.s32 $0x28C0;
	v11 =	vld [tilespmem:s1+$0x0];
	v10 =	vmin.f32 v8, $0.0e+00;
	v9 =	vmul.f32 v9, v2  }
0x216: {  	v12 =	vld [tilespmem:s7+$0xFFFFFFC0];
	v7 =	vmax.f32 v7, $0.0e+00;
	v10 =	vmul.f32 v10, v2  }
0x217: {  	v8 =	vmax.f32 v8, $0.0e+00;
	v7 =	vadd.f32 v9, v7;
	v9 =	vld [tilespmem:s7+$0x0]  }
0x218: {  	s30 =	simm.s32 $0xC840;
	v8 =	vadd.f32 v10, v8;
	v10 =	vld [tilespmem:s1+$0xFFFFFFC0]  }
0x219: {  	[tilespmem:s30+$0x0] =	vst v7  }
0x21a: {  	[tilespmem:s30+$0xFFFFFFC0] =	vst v8;
	v7 =	vld [tilespmem:s26+$0x10]  }
0x21b: {  	v8 =	vld [tilespmem:s25+$0xFFFFFFD0]  }
0x21c: {  	v9 =	vadd.f32 v11, v9;
	v11 =	vld [tilespmem:s26+$0xFFFFFFD0]  }
0x21d: {  	v13 =	vld [tilespmem:s25+$0x10];
	v10 =	vadd.f32 v10, v12  }
0x21e: {  	v9 =	vadd.f32 v9, v6  }
0x21f: {  	v10 =	vadd.f32 v10, v6  }
0x220: {  	v12 =	vmin.f32 v9, $0.0e+00  }
0x221: {  	s8 =	simm.s32 $0x7940;
	v12 =	vmul.f32 v12, v2;
	v8 =	vadd.f32 v8, v11;
	v11 =	vmin.f32 v10, $0.0e+00  }
0x222: {  	s10 =	simm.s32 $0x2940;
	v7 =	vadd.f32 v13, v7;
	v13 =	vld [tilespmem:s8+$0x0];
	v9 =	vmax.f32 v9, $0.0e+00;
	v11 =	vmul.f32 v11, v2  }
0x223: {  	v10 =	vmax.f32 v10, $0.0e+00;
	v9 =	vadd.f32 v12, v9;
	v12 =	vld [tilespmem:s10+$0x0];
	v8 =	vadd.f32 v8, v5  }
0x224: {  	s5 =	simm.s32 $0xC8C0;
	v14 =	vld [tilespmem:s8+$0xFFFFFFC0];
	v10 =	vadd.f32 v11, v10  }
0x225: {  	v7 =	vadd.f32 v7, v5;
	v11 =	vld [tilespmem:s10+$0xFFFFFFC0];
	[tilespmem:s5+$0x0] =	vst v9;
	v9 =	vmin.f32 v8, $0.0e+00  }
0x226: {  	v15 =	vld [tilespmem:s7+$0x10];
	v9 =	vmul.f32 v9, v2;
	[tilespmem:s5+$0xFFFFFFC0] =	vst v10  }
0x227: {  	v8 =	vmax.f32 v8, $0.0e+00;
	v10 =	vmin.f32 v7, $0.0e+00;
	v17 =	vld [tilespmem:s1+$0xFFFFFFD0]  }
0x228: {  	v10 =	vmul.f32 v10, v2;
	v8 =	vadd.f32 v9, v8;
	v9 =	vadd.f32 v13, v12;
	v12 =	vld [tilespmem:s7+$0xFFFFFFD0]  }
0x229: {  	s11 =	simm.s32 $0x79C0;
	v16 =	vld [tilespmem:s1+$0x10];
	v7 =	vmax.f32 v7, $0.0e+00  }
0x22a: {  	v18 =	vld [tilespmem:s11+$0xFFFFFFC0];
	v7 =	vadd.f32 v10, v7;
	[tilespmem:s30+$0xFFFFFFD0] =	vst v8;
	v9 =	vadd.f32 v9, v6  }
0x22b: {  	v8 =	vadd.f32 v14, v11;
	v10 =	vld [tilespmem:s26+$0xFFFFFFE0]  }
0x22c: {  	s0 =	simm.s32 $0x2A40;
	[tilespmem:s30+$0x10] =	vst v7;
	v7 =	vld [tilespmem:s25+$0xFFFFFFE0];
	v13 =	vmin.f32 v9, $0.0e+00  }
0x22d: {  	v22 =	vld [tilespmem:s0+$0x0];
	v8 =	vadd.f32 v8, v6;
	v13 =	vmul.f32 v13, v2;
	v12 =	vadd.f32 v17, v12  }
0x22e: {  	v14 =	vadd.f32 v16, v15;
	v11 =	vld [tilespmem:s26+$0x20];
	v9 =	vmax.f32 v9, $0.0e+00  }
0x22f: {  	v15 =	vld [tilespmem:s25+$0x20];
	v16 =	vmin.f32 v8, $0.0e+00;
	v9 =	vadd.f32 v13, v9;
	v12 =	vadd.f32 v12, v5  }
0x230: {  	s15 =	simm.s32 $0x29C0;
	s6 =	simm.s32 $0xC940;
	v17 =	vld [tilespmem:s11+$0x0];
	v14 =	vadd.f32 v14, v5;
	v16 =	vmul.f32 v16, v2  }
0x231: {  	v8 =	vmax.f32 v8, $0.0e+00;
	v13 =	vld [tilespmem:s15+$0x0];
	v7 =	vadd.f32 v7, v10;
	[tilespmem:s6+$0x0] =	vst v9;
	v9 =	vmin.f32 v12, $0.0e+00  }
0x232: {  	v10 =	vmin.f32 v14, $0.0e+00;
	v8 =	vadd.f32 v16, v8;
	v16 =	vld [tilespmem:s15+$0xFFFFFFC0];
	v9 =	vmul.f32 v9, v2  }
0x233: {  	v10 =	vmul.f32 v10, v2;
	v12 =	vmax.f32 v12, $0.0e+00;
	v7 =	vadd.f32 v7, v4;
	v19 =	vld [tilespmem:s10+$0x10]  }
0x234: {  	v14 =	vmax.f32 v14, $0.0e+00;
	v11 =	vadd.f32 v15, v11;
	[tilespmem:s6+$0xFFFFFFC0] =	vst v8;
	v8 =	vld [tilespmem:s8+$0x10];
	v9 =	vadd.f32 v9, v12  }
0x235: {  	v10 =	vadd.f32 v10, v14;
	v14 =	vmin.f32 v7, $0.0e+00;
	v20 =	vld [tilespmem:s8+$0xFFFFFFD0]  }
0x236: {  	v11 =	vadd.f32 v11, v4;
	v12 =	vmul.f32 v14, v2;
	v14 =	vld [tilespmem:s10+$0xFFFFFFD0];
	[tilespmem:s5+$0xFFFFFFD0] =	vst v9  }
0x237: {  	v7 =	vmax.f32 v7, $0.0e+00;
	[tilespmem:s5+$0x10] =	vst v10;
	v10 =	vadd.f32 v17, v13;
	v13 =	vld [tilespmem:s7+$0xFFFFFFE0]  }
0x238: {  	v15 =	vadd.f32 v18, v16;
	v16 =	vmin.f32 v11, $0.0e+00;
	v7 =	vadd.f32 v12, v7;
	v12 =	vld [tilespmem:s1+$0xFFFFFFE0]  }
0x239: {  	v9 =	vld [tilespmem:s7+$0x20];
	v10 =	vadd.f32 v10, v6;
	v16 =	vmul.f32 v16, v2  }
0x23a: {  	v17 =	vld [tilespmem:s1+$0x20];
	v11 =	vmax.f32 v11, $0.0e+00;
	v15 =	vadd.f32 v15, v6;
	v8 =	vadd.f32 v8, v19;
	[tilespmem:s30+$0xFFFFFFE0] =	vst v7  }
0x23b: {  	v18 =	vmax.f32 v10, $0.0e+00;
	v10 =	vmin.f32 v10, $0.0e+00;
	v11 =	vadd.f32 v16, v11;
	v7 =	vld [tilespmem:s26+$0xFFFFFFF0]  }
0x23c: {  	s20 =	simm.s32 $0x7A40;
	v21 =	vld [tilespmem:s25+$0xFFFFFFF0];
	v16 =	vmin.f32 v15, $0.0e+00;
	v10 =	vmul.f32 v10, v2;
	v14 =	vadd.f32 v20, v14  }
0x23d: {  	v19 =	vld [tilespmem:s20+$0x0];
	v8 =	vadd.f32 v8, v5;
	v16 =	vmul.f32 v16, v2;
	v12 =	vadd.f32 v12, v13  }
0x23e: {  	v20 =	vld [tilespmem:s20+$0xFFFFFFC0];
	[tilespmem:s30+$0x20] =	vst v11;
	v11 =	vmax.f32 v15, $0.0e+00;
	v10 =	vadd.f32 v10, v18;
	v13 =	vadd.f32 v14, v5  }
0x23f: {  	s23 =	simm.s32 $0xC9C0;
	v9 =	vadd.f32 v17, v9;
	v15 =	vld [tilespmem:s25+$0x30];
	v14 =	vmin.f32 v8, $0.0e+00;
	v11 =	vadd.f32 v16, v11  }
0x240: {  	v18 =	vld [tilespmem:s0+$0xFFFFFFC0];
	v14 =	vmul.f32 v14, v2;
	v12 =	vadd.f32 v12, v4;
	[tilespmem:s23+$0x0] =	vst v10;
	v10 =	vmin.f32 v13, $0.0e+00  }
0x241: {  	v8 =	vmax.f32 v8, $0.0e+00;
	v16 =	vld [tilespmem:s26+$0x30];
	v7 =	vadd.f32 v21, v7;
	v10 =	vmul.f32 v10, v2  }
0x242: {  	v21 =	vld [tilespmem:s15+$0x10];
	[tilespmem:s23+$0xFFFFFFC0] =	vst v11;
	v11 =	vmax.f32 v13, $0.0e+00;
	v8 =	vadd.f32 v14, v8;
	v23 =	vmin.f32 v12, $0.0e+00  }
0x243: {  	v25 =	vld [tilespmem:s11+$0x10];
	v13 =	vadd.f32 v19, v22;
	v10 =	vadd.f32 v10, v11;
	v11 =	vmul.f32 v23, v2  }
0x244: {  	v14 =	vld [tilespmem:s11+$0xFFFFFFD0];
	v7 =	vadd.f32 v7, v3;
	[tilespmem:s6+$0x10] =	vst v8;
	v8 =	vmax.f32 v12, $0.0e+00;
	v12 =	vadd.f32 v9, v4  }
0x245: {  	v17 =	vld [tilespmem:s15+$0xFFFFFFD0];
	v18 =	vadd.f32 v20, v18;
	v13 =	vadd.f32 v13, v6  }
0x246: {  	v9 =	vld [tilespmem:s10+$0x20];
	v19 =	vadd.f32 v15, v16;
	v11 =	vadd.f32 v11, v8  }
0x247: {  	[tilespmem:s6+$0xFFFFFFD0] =	vst v10;
	v22 =	vadd.f32 v18, v6;
	v18 =	vmax.f32 v12, $0.0e+00;
	v24 =	vmin.f32 v12, $0.0e+00;
	v12 =	vld [tilespmem:s8+$0x20]  }
0x248: {  	v10 =	vmin.f32 v7, $0.0e+00;
	v20 =	vmax.f32 v13, $0.0e+00;
	v15 =	vld [tilespmem:s10+$0xFFFFFFE0]  }
0x249: {  	v13 =	vmin.f32 v13, $0.0e+00;
	v8 =	vmul.f32 v10, v2;
	v16 =	vld [tilespmem:s8+$0xFFFFFFE0];
	v10 =	vadd.f32 v19, v3;
	[tilespmem:s5+$0xFFFFFFE0] =	vst v11  }
0x24a: {  	s2 =	simm.s32 $0xF050;
	s24 =	simm.s32 $0x8;
	v23 =	vmul.f32 v13, v2;
	v19 =	vmul.f32 v24, v2;
	v26 =	vmin.f32 v22, $0.0e+00;
	v11 =	vld [tilespmem:s7+$0xFFFFFFF0]  }
0x24b: {  	s22 =	simm.s32 $0xC9C0;
	s25 =	simm.s32 $0x7AC0;
	s26 =	simm.s32 $0x2AC0;
	v21 =	vadd.f32 v25, v21;
	v22 =	vmax.f32 v22, $0.0e+00;
	v24 =	vmul.f32 v26, v2;
	v13 =	vld [tilespmem:s1+$0xFFFFFFF0]  }
.LBB2_8:
0x24c: {  	v25 =	vld [tilespmem:s25+$0x0];
	s24 =	sadd.s32 $0x2, s24;
	v20 =	vadd.f32 v23, v20;
	v18 =	vadd.f32 v19, v18;
	v19 =	vmin.f32 v10, $0.0e+00  }
0x24d: {  	v14 =	vadd.f32 v14, v17;
	s23 =	sadd.s32 $0x80, s23;
	v23 =	vld [tilespmem:s26+$0x0];
	p1 =	slt.u32 s24, $0x4E;
	v22 =	vadd.f32 v24, v22;
	v17 =	vmul.f32 v19, v2  }
0x24e: {  	v10 =	vmax.f32 v10, $0.0e+00;
	v21 =	vadd.f32 v21, v5;
	v15 =	vadd.f32 v16, v15;
	v19 =	vld [tilespmem:s25+$0xFFFFFFC0];
	[tilespmem:s5+$0x20] =	vst v18  }
0x24f: {  	v7 =	vmax.f32 v7, $0.0e+00;
	v14 =	vadd.f32 v14, v5;
	v16 =	vld [tilespmem:s1+$0x30];
	v10 =	vadd.f32 v17, v10;
	s1 =	smov.u32 s8;
	s8 =	smov.u32 s11;
	s11 =	smov.u32 s20  }
0x250: {  	v17 =	vmin.f32 v21, $0.0e+00;
	v15 =	vadd.f32 v15, v4;
	s20 =	smov.u32 s25;
	[tilespmem:s23+$0xFFFFFFC0] =	vst v22;
	v11 =	vadd.f32 v13, v11;
	v13 =	vld [tilespmem:s7+$0x30];
	s7 =	smov.u32 s10;
	s10 =	smov.u32 s15  }
0x251: {  	v7 =	vadd.f32 v8, v7;
	v17 =	vmul.f32 v17, v2;
	s15 =	smov.u32 s0;
	s0 =	smov.u32 s26;
	v18 =	vld [tilespmem:s26+$0xFFFFFFC0];
	[tilespmem:s23+$0x0] =	vst v20;
	v20 =	vmin.f32 v14, $0.0e+00  }
0x252: {  	v26 =	vld [tilespmem:s15+$0x10];
	v8 =	vmul.f32 v20, v2;
	v20 =	vmax.f32 v21, $0.0e+00;
	v21 =	vmin.f32 v15, $0.0e+00;
	[tilespmem:s30+$0x30] =	vst v10  }
0x253: {  	v9 =	vadd.f32 v12, v9;
	v10 =	vmax.f32 v14, $0.0e+00;
	v27 =	vld [tilespmem:s11+$0x10];
	v20 =	vadd.f32 v17, v20;
	[tilespmem:s30+$0xFFFFFFF0] =	vst v7;
	s30 =	smov.u32 s5;
	s5 =	smov.u32 s6;
	s6 =	smov.u32 s22  }
0x254: {  	v7 =	vadd.f32 v11, v3;
	s22 =	smov.u32 s23;
	v14 =	vld [tilespmem:s11+$0xFFFFFFD0];
	v8 =	vadd.f32 v8, v10;
	v10 =	vmul.f32 v21, v2  }
0x255: {  	v12 =	vmax.f32 v15, $0.0e+00;
	v11 =	vadd.f32 v25, v23;
	v17 =	vld [tilespmem:s15+$0xFFFFFFD0];
	[tilespmem:s6+$0x10] =	vst v20;
	v20 =	vadd.f32 v9, v4  }
0x256: {  	v13 =	vadd.f32 v16, v13;
	v18 =	vadd.f32 v19, v18;
	[tilespmem:s6+$0xFFFFFFD0] =	vst v8;
	v9 =	vld [tilespmem:s10+$0x20];
	v8 =	vmin.f32 v7, $0.0e+00  }
.Ltmp5:
0x257: {  	v11 =	vadd.f32 v11, v6;
	v10 =	vadd.f32 v10, v12;
	v15 =	vld [tilespmem:s10+$0xFFFFFFE0];
	v8 =	vmul.f32 v8, v2;
	(pc) =	sbr.rel @p1 .LBB2_8-.Ltmp5, $4  }
0x258: {  	v19 =	vmin.f32 v20, $0.0e+00;
	v21 =	vadd.f32 v18, v6;
	v16 =	vld [tilespmem:s8+$0xFFFFFFE0];
	v18 =	vmax.f32 v20, $0.0e+00  }
0x259: {  	v20 =	vmax.f32 v11, $0.0e+00;
	v11 =	vmin.f32 v11, $0.0e+00;
	v12 =	vld [tilespmem:s8+$0x20];
	[tilespmem:s5+$0xFFFFFFE0] =	vst v10;
	v10 =	vadd.f32 v13, v3  }
0x25a: {  	v19 =	vmul.f32 v19, v2;
	v23 =	vmul.f32 v11, v2;
	v13 =	vmin.f32 v21, $0.0e+00;
	v11 =	vld [tilespmem:s7+$0xFFFFFFF0]  }
0x25b: {  	s25 =	sadd.s32 $0x80, s25;
	s26 =	sadd.s32 $0x80, s26;
	v22 =	vmax.f32 v21, $0.0e+00;
	v21 =	vadd.f32 v27, v26;
	v24 =	vmul.f32 v13, v2;
	v13 =	vld [tilespmem:s1+$0xFFFFFFF0]  }
0x25c: {  	v20 =	vadd.f32 v23, v20  }
0x25d: {  	s23 =	sadd.s32 $0x80, s23  }
0x25e: {  	v22 =	vadd.f32 v24, v22;
	[tilespmem:s23+$0x0] =	vst v20  }
0x25f: {  	v20 =	vld [tilespmem:s0+$0x10]  }
0x260: {  	[tilespmem:s23+$0xFFFFFFC0] =	vst v22;
	v43 =	vld [tilespmem:s20+$0x10]  }
0x261: {  	v44 =	vld [tilespmem:s20+$0xFFFFFFD0]  }
0x262: {  	v45 =	vld [tilespmem:s0+$0xFFFFFFD0]  }
0x263: {  	v14 =	vadd.f32 v14, v17;
	v46 =	vadd.f32 v21, v5;
	_ =	sdelay $0x1  }
0x264: {  	v14 =	vadd.f32 v14, v5;
	v21 =	vmin.f32 v46, $0.0e+00;
	v20 =	vadd.f32 v43, v20  }
0x265: {  	v17 =	vmax.f32 v46, $0.0e+00;
	v21 =	vmul.f32 v21, v2  }
0x266: {  	v47 =	vmin.f32 v14, $0.0e+00;
	v23 =	vadd.f32 v44, v45;
	v20 =	vadd.f32 v20, v5  }
0x267: {  	v22 =	vmul.f32 v47, v2;
	v17 =	vadd.f32 v21, v17  }
0x268: {  	v14 =	vmax.f32 v14, $0.0e+00;
	v48 =	vadd.f32 v23, v5;
	v49 =	vmin.f32 v20, $0.0e+00  }
0x269: {  	v14 =	vadd.f32 v22, v14;
	[tilespmem:s22+$0x10] =	vst v17;
	v22 =	vmul.f32 v49, v2  }
0x26a: {  	v51 =	vld [tilespmem:s15+$0x20];
	v20 =	vmax.f32 v20, $0.0e+00;
	v50 =	vmin.f32 v48, $0.0e+00  }
0x26b: {  	[tilespmem:s22+$0xFFFFFFD0] =	vst v14;
	v54 =	vld [tilespmem:s11+$0x20];
	v17 =	vmul.f32 v50, v2;
	v20 =	vadd.f32 v22, v20  }
0x26c: {  	v9 =	vadd.f32 v12, v9;
	v52 =	vld [tilespmem:s15+$0xFFFFFFE0];
	v21 =	vmax.f32 v48, $0.0e+00  }
0x26d: {  	v15 =	vadd.f32 v16, v15;
	v53 =	vld [tilespmem:s11+$0xFFFFFFE0];
	v17 =	vadd.f32 v17, v21;
	[tilespmem:s23+$0x10] =	vst v20  }
0x26e: {  	v9 =	vadd.f32 v9, v4;
	v55 =	vld [tilespmem:s0+$0x20]  }
0x26f: {  	v18 =	vadd.f32 v19, v18;
	v15 =	vadd.f32 v15, v4;
	[tilespmem:s23+$0xFFFFFFD0] =	vst v17;
	v59 =	vld [tilespmem:s20+$0x20]  }
0x270: {  	v60 =	vmin.f32 v10, $0.0e+00;
	v58 =	vmin.f32 v9, $0.0e+00;
	v12 =	vadd.f32 v54, v51;
	v17 =	vld [tilespmem:s0+$0xFFFFFFE0]  }
0x271: {  	v7 =	vmax.f32 v7, $0.0e+00;
	v57 =	vmin.f32 v15, $0.0e+00;
	v21 =	vmul.f32 v58, v2;
	v56 =	vld [tilespmem:s20+$0xFFFFFFE0]  }
0x272: {  	v9 =	vmax.f32 v9, $0.0e+00;
	v22 =	vadd.f32 v53, v52;
	v12 =	vadd.f32 v12, v4  }
0x273: {  	[tilespmem:s5+$0x20] =	vst v18;
	v15 =	vmax.f32 v15, $0.0e+00;
	v20 =	vmul.f32 v57, v2;
	v9 =	vadd.f32 v21, v9  }
0x274: {  	v18 =	vld [tilespmem:s1+$0x30];
	v22 =	vadd.f32 v22, v4;
	v26 =	vmin.f32 v12, $0.0e+00;
	v16 =	vadd.f32 v59, v55  }
0x275: {  	v62 =	vld [tilespmem:s7+$0x30];
	v12 =	vmax.f32 v12, $0.0e+00;
	v15 =	vadd.f32 v20, v15;
	v28 =	vmul.f32 v26, v2;
	[tilespmem:s6+$0x20] =	vst v9  }
0x276: {  	v61 =	vmin.f32 v22, $0.0e+00;
	v27 =	vld [tilespmem:s8+$0x30];
	v17 =	vadd.f32 v56, v17;
	v16 =	vadd.f32 v16, v4  }
0x277: {  	v11 =	vadd.f32 v13, v11;
	v63 =	vmul.f32 v61, v2;
	[tilespmem:s6+$0xFFFFFFE0] =	vst v15;
	v29 =	vld [tilespmem:s10+$0x30];
	v32 =	vadd.f32 v28, v12  }
0x278: {  	v25 =	vmax.f32 v22, $0.0e+00;
	v24 =	vld [tilespmem:s10+$0xFFFFFFF0];
	v17 =	vadd.f32 v17, v4;
	v34 =	vmin.f32 v16, $0.0e+00  }
0x279: {  	v11 =	vadd.f32 v11, v3;
	v9 =	vadd.f32 v63, v25;
	v31 =	vld [tilespmem:s8+$0xFFFFFFF0];
	[tilespmem:s22+$0x20] =	vst v32;
	v15 =	vmul.f32 v34, v2  }
0x27a: {  	v18 =	vadd.f32 v18, v62;
	v41 =	vld [tilespmem:s11+$0x30];
	v38 =	vmax.f32 v16, $0.0e+00;
	v30 =	vmin.f32 v17, $0.0e+00  }
0x27b: {  	v7 =	vadd.f32 v8, v7;
	[tilespmem:s22+$0xFFFFFFE0] =	vst v9;
	v42 =	vld [tilespmem:s15+$0x30];
	v33 =	vmul.f32 v30, v2;
	v12 =	vadd.f32 v15, v38  }
0x27c: {  	v8 =	vmin.f32 v11, $0.0e+00;
	v40 =	vadd.f32 v18, v3;
	v35 =	vld [tilespmem:s15+$0xFFFFFFF0];
	v17 =	vmax.f32 v17, $0.0e+00  }
0x27d: {  	v14 =	vmul.f32 v60, v2;
	v36 =	vld [tilespmem:s11+$0xFFFFFFF0];
	v13 =	vadd.f32 v27, v29;
	v37 =	vadd.f32 v33, v17;
	[tilespmem:s23+$0x20] =	vst v12  }
0x27e: {  	v39 =	vmax.f32 v10, $0.0e+00;
	v11 =	vmax.f32 v11, $0.0e+00;
	v8 =	vmul.f32 v8, v2;
	v46 =	vld [tilespmem:s20+$0x30]  }
0x27f: {  	v10 =	vadd.f32 v14, v39;
	v43 =	vmin.f32 v40, $0.0e+00;
	v13 =	vadd.f32 v13, v3;
	[tilespmem:s23+$0xFFFFFFE0] =	vst v37;
	v47 =	vld [tilespmem:s0+$0x30]  }
0x280: {  	v8 =	vadd.f32 v8, v11;
	v9 =	vmul.f32 v43, v2;
	v45 =	vadd.f32 v31, v24;
	v44 =	vld [tilespmem:s0+$0xFFFFFFF0]  }
0x281: {  	v16 =	vmax.f32 v40, $0.0e+00;
	v14 =	vadd.f32 v41, v42;
	v48 =	vmin.f32 v13, $0.0e+00;
	v49 =	vld [tilespmem:s20+$0xFFFFFFF0]  }
0x282: {  	v9 =	vadd.f32 v9, v16;
	v51 =	vadd.f32 v36, v35;
	v50 =	vmul.f32 v48, v2  }
0x283: {  	v13 =	vmax.f32 v13, $0.0e+00;
	v14 =	vadd.f32 v14, v3;
	v12 =	vadd.f32 v45, v3  }
0x284: {  	v54 =	vadd.f32 v51, v3;
	v11 =	vadd.f32 v50, v13  }
0x285: {  	v58 =	vmin.f32 v14, $0.0e+00;
	v52 =	vmin.f32 v12, $0.0e+00;
	v55 =	vadd.f32 v46, v47  }
0x286: {  	[tilespmem:s5+$0xFFFFFFF0] =	vst v8;
	v8 =	vmax.f32 v14, $0.0e+00;
	v53 =	vmul.f32 v52, v2;
	v57 =	vadd.f32 v49, v44  }
0x287: {  	[tilespmem:s30+$0xFFFFFFF0] =	vst v7;
	v12 =	vmax.f32 v12, $0.0e+00;
	v59 =	vmul.f32 v58, v2;
	v16 =	vadd.f32 v55, v3  }
0x288: {  	[tilespmem:s30+$0x30] =	vst v10;
	v7 =	vmin.f32 v54, $0.0e+00;
	v56 =	vadd.f32 v53, v12;
	v12 =	vadd.f32 v57, v3  }
0x289: {  	[tilespmem:s5+$0x30] =	vst v9;
	v7 =	vmul.f32 v7, v2;
	v8 =	vadd.f32 v59, v8;
	v60 =	vmin.f32 v16, $0.0e+00  }
0x28a: {  	v13 =	vmax.f32 v54, $0.0e+00;
	[tilespmem:s6+$0x30] =	vst v11;
	v61 =	vmin.f32 v12, $0.0e+00;
	v62 =	vmul.f32 v60, v2  }
0x28b: {  	v7 =	vadd.f32 v7, v13;
	[tilespmem:s22+$0x30] =	vst v8;
	v63 =	vmax.f32 v16, $0.0e+00;
	v9 =	vmul.f32 v61, v2  }
0x28c: {  	[tilespmem:s6+$0xFFFFFFF0] =	vst v56;
	v8 =	vmax.f32 v12, $0.0e+00;
	v10 =	vadd.f32 v62, v63  }
0x28d: {  	[tilespmem:s22+$0xFFFFFFF0] =	vst v7;
	v7 =	vadd.f32 v9, v8  }
0x28e: {  	[tilespmem:s23+$0x30] =	vst v10  }
0x28f: {  	[tilespmem:s23+$0xFFFFFFF0] =	vst v7  }
0x290: {  	s4 =	simm.s32 $0xC800;
	s24 =	rddreg [dreg:$0x12]  }
0x291: {  	[hbm4b:s24+s9] =	stream.linear.scatter [tilespmem:s4], [sflag:$0x8], $0x1400, $0x38;
	[tilespmem:$0x14190] =	vst v63  }
.Ltmp6:
0x292: {  	_ = 	snop;
	(pc) =	sbr.rel @p0 .LBB2_13-.Ltmp6, $4  }
0x293: {  	s25 =	rddreg [dreg:$0x5];
	s26 =	simm.s32 $0xF0A0  }
0x294: {  	[spmem:s25] =	stream.indirect.scatter.add.f32 [tilespmem:s4], [sflag:$0xC], $0x40, s26, s13, $0xb8;
	[tilespmem:$0x14190] =	vst v63  }
0x295: {  	s30 =	rddreg [dreg:$0x6];
	s4 =	simm.s32 $0xF0A0  }
0x296: {  	[spmem:s30] =	stream.indirect.scatter.add.f32 [tilespmem:s3], [sflag:$0x10], $0x10, s26, s13, $0xb8;
	[tilespmem:$0x14190] =	vst v63  }
0x297: {  	_ =	swait.ge [sflag:s18], $0x1400  }
0x298: {  	[sflag:s18] =	ssyncset.done $0x0  }
0x299: {  	[sflag:s18] =	ssyncadd.s32 $0xFFFFEC00  }
0x29a: {  	_ =	swait.ge [sflag:s18], $0x1400  }
0x29b: {  	[sflag:s18] =	ssyncset.done $0x0  }
0x29c: {  	[sflag:s18] =	ssyncadd.s32 $0xFFFFEC00  }
0x29d: {  	_ =	swait.ge [sflag:s18], $0x50  }
0x29e: {  	[sflag:s18] =	ssyncset.done $0x0  }
0x29f: {  	s23 =	simm.s32 $0x8C40;
	[sflag:s18] =	ssyncadd.s32 $0xFFFFFFB0  }
0x2a0: {  	s22 =	simm.s32 $0x3C40;
	v7 =	vld [tilespmem:s23+$0x0]  }
0x2a1: {  	v8 =	vld [tilespmem:s22+$0x0]  }
0x2a2: {  	v9 =	vld [tilespmem:s23+$0xFFFFFFC0]  }
0x2a3: {  	v10 =	vld [tilespmem:s22+$0xFFFFFFC0];
	_ =	sdelay $0x3  }
0x2a4: {  	v7 =	vadd.f32 v7, v8  }
0x2a5: {  	v8 =	vadd.f32 v9, v10  }
0x2a6: {  	v7 =	vadd.f32 v7, v6  }
0x2a7: {  	v8 =	vadd.f32 v8, v6  }
0x2a8: {  	s1 =	simm.s32 $0x8CC0;
	v9 =	vmin.f32 v7, $0.0e+00  }
0x2a9: {  	s7 =	simm.s32 $0x3CC0;
	v11 =	vld [tilespmem:s1+$0x0];
	v10 =	vmin.f32 v8, $0.0e+00;
	v9 =	vmul.f32 v9, v2  }
0x2aa: {  	v12 =	vld [tilespmem:s7+$0xFFFFFFC0];
	v7 =	vmax.f32 v7, $0.0e+00;
	v10 =	vmul.f32 v10, v2  }
0x2ab: {  	v8 =	vmax.f32 v8, $0.0e+00;
	v7 =	vadd.f32 v9, v7;
	v9 =	vld [tilespmem:s7+$0x0]  }
0x2ac: {  	s30 =	simm.s32 $0xDC40;
	v8 =	vadd.f32 v10, v8;
	v10 =	vld [tilespmem:s1+$0xFFFFFFC0]  }
0x2ad: {  	[tilespmem:s30+$0x0] =	vst v7  }
0x2ae: {  	[tilespmem:s30+$0xFFFFFFC0] =	vst v8;
	v7 =	vld [tilespmem:s22+$0x10]  }
0x2af: {  	v8 =	vld [tilespmem:s23+$0xFFFFFFD0]  }
0x2b0: {  	v9 =	vadd.f32 v11, v9;
	v11 =	vld [tilespmem:s22+$0xFFFFFFD0]  }
0x2b1: {  	v13 =	vld [tilespmem:s23+$0x10];
	v10 =	vadd.f32 v10, v12  }
0x2b2: {  	v9 =	vadd.f32 v9, v6  }
0x2b3: {  	v10 =	vadd.f32 v10, v6  }
0x2b4: {  	v12 =	vmin.f32 v9, $0.0e+00  }
0x2b5: {  	s8 =	simm.s32 $0x8D40;
	v12 =	vmul.f32 v12, v2;
	v8 =	vadd.f32 v8, v11;
	v11 =	vmin.f32 v10, $0.0e+00  }
0x2b6: {  	s10 =	simm.s32 $0x3D40;
	v7 =	vadd.f32 v13, v7;
	v13 =	vld [tilespmem:s8+$0x0];
	v9 =	vmax.f32 v9, $0.0e+00;
	v11 =	vmul.f32 v11, v2  }
0x2b7: {  	v10 =	vmax.f32 v10, $0.0e+00;
	v9 =	vadd.f32 v12, v9;
	v12 =	vld [tilespmem:s10+$0x0];
	v8 =	vadd.f32 v8, v5  }
0x2b8: {  	s5 =	simm.s32 $0xDCC0;
	v14 =	vld [tilespmem:s8+$0xFFFFFFC0];
	v10 =	vadd.f32 v11, v10  }
0x2b9: {  	v7 =	vadd.f32 v7, v5;
	v11 =	vld [tilespmem:s10+$0xFFFFFFC0];
	[tilespmem:s5+$0x0] =	vst v9;
	v9 =	vmin.f32 v8, $0.0e+00  }
0x2ba: {  	v15 =	vld [tilespmem:s7+$0x10];
	v9 =	vmul.f32 v9, v2;
	[tilespmem:s5+$0xFFFFFFC0] =	vst v10  }
0x2bb: {  	v8 =	vmax.f32 v8, $0.0e+00;
	v10 =	vmin.f32 v7, $0.0e+00;
	v17 =	vld [tilespmem:s1+$0xFFFFFFD0]  }
0x2bc: {  	v10 =	vmul.f32 v10, v2;
	v8 =	vadd.f32 v9, v8;
	v9 =	vadd.f32 v13, v12;
	v12 =	vld [tilespmem:s7+$0xFFFFFFD0]  }
0x2bd: {  	s11 =	simm.s32 $0x8DC0;
	v16 =	vld [tilespmem:s1+$0x10];
	v7 =	vmax.f32 v7, $0.0e+00  }
0x2be: {  	v18 =	vld [tilespmem:s11+$0xFFFFFFC0];
	v7 =	vadd.f32 v10, v7;
	[tilespmem:s30+$0xFFFFFFD0] =	vst v8;
	v9 =	vadd.f32 v9, v6  }
0x2bf: {  	v8 =	vadd.f32 v14, v11;
	v10 =	vld [tilespmem:s22+$0xFFFFFFE0]  }
0x2c0: {  	s0 =	simm.s32 $0x3E40;
	[tilespmem:s30+$0x10] =	vst v7;
	v7 =	vld [tilespmem:s23+$0xFFFFFFE0];
	v13 =	vmin.f32 v9, $0.0e+00  }
0x2c1: {  	v22 =	vld [tilespmem:s0+$0x0];
	v8 =	vadd.f32 v8, v6;
	v13 =	vmul.f32 v13, v2;
	v12 =	vadd.f32 v17, v12  }
0x2c2: {  	v14 =	vadd.f32 v16, v15;
	v11 =	vld [tilespmem:s22+$0x20];
	v9 =	vmax.f32 v9, $0.0e+00  }
0x2c3: {  	v15 =	vld [tilespmem:s23+$0x20];
	v16 =	vmin.f32 v8, $0.0e+00;
	v9 =	vadd.f32 v13, v9;
	v12 =	vadd.f32 v12, v5  }
0x2c4: {  	s15 =	simm.s32 $0x3DC0;
	s6 =	simm.s32 $0xDD40;
	v17 =	vld [tilespmem:s11+$0x0];
	v14 =	vadd.f32 v14, v5;
	v16 =	vmul.f32 v16, v2  }
0x2c5: {  	v8 =	vmax.f32 v8, $0.0e+00;
	v13 =	vld [tilespmem:s15+$0x0];
	v7 =	vadd.f32 v7, v10;
	[tilespmem:s6+$0x0] =	vst v9;
	v9 =	vmin.f32 v12, $0.0e+00  }
0x2c6: {  	v10 =	vmin.f32 v14, $0.0e+00;
	v8 =	vadd.f32 v16, v8;
	v16 =	vld [tilespmem:s15+$0xFFFFFFC0];
	v9 =	vmul.f32 v9, v2  }
0x2c7: {  	v10 =	vmul.f32 v10, v2;
	v12 =	vmax.f32 v12, $0.0e+00;
	v7 =	vadd.f32 v7, v4;
	v19 =	vld [tilespmem:s10+$0x10]  }
0x2c8: {  	v14 =	vmax.f32 v14, $0.0e+00;
	v11 =	vadd.f32 v15, v11;
	[tilespmem:s6+$0xFFFFFFC0] =	vst v8;
	v8 =	vld [tilespmem:s8+$0x10];
	v9 =	vadd.f32 v9, v12  }
0x2c9: {  	v10 =	vadd.f32 v10, v14;
	v14 =	vmin.f32 v7, $0.0e+00;
	v20 =	vld [tilespmem:s8+$0xFFFFFFD0]  }
0x2ca: {  	v11 =	vadd.f32 v11, v4;
	v12 =	vmul.f32 v14, v2;
	v14 =	vld [tilespmem:s10+$0xFFFFFFD0];
	[tilespmem:s5+$0xFFFFFFD0] =	vst v9  }
0x2cb: {  	v7 =	vmax.f32 v7, $0.0e+00;
	[tilespmem:s5+$0x10] =	vst v10;
	v10 =	vadd.f32 v17, v13;
	v13 =	vld [tilespmem:s7+$0xFFFFFFE0]  }
0x2cc: {  	v15 =	vadd.f32 v18, v16;
	v16 =	vmin.f32 v11, $0.0e+00;
	v7 =	vadd.f32 v12, v7;
	v12 =	vld [tilespmem:s1+$0xFFFFFFE0]  }
0x2cd: {  	v9 =	vld [tilespmem:s7+$0x20];
	v10 =	vadd.f32 v10, v6;
	v16 =	vmul.f32 v16, v2  }
0x2ce: {  	v17 =	vld [tilespmem:s1+$0x20];
	v11 =	vmax.f32 v11, $0.0e+00;
	v15 =	vadd.f32 v15, v6;
	v8 =	vadd.f32 v8, v19;
	[tilespmem:s30+$0xFFFFFFE0] =	vst v7  }
0x2cf: {  	v18 =	vmax.f32 v10, $0.0e+00;
	v10 =	vmin.f32 v10, $0.0e+00;
	v11 =	vadd.f32 v16, v11;
	v7 =	vld [tilespmem:s22+$0xFFFFFFF0]  }
0x2d0: {  	s20 =	simm.s32 $0x8E40;
	v21 =	vld [tilespmem:s23+$0xFFFFFFF0];
	v16 =	vmin.f32 v15, $0.0e+00;
	v10 =	vmul.f32 v10, v2;
	v14 =	vadd.f32 v20, v14  }
0x2d1: {  	v19 =	vld [tilespmem:s20+$0x0];
	v8 =	vadd.f32 v8, v5;
	v16 =	vmul.f32 v16, v2;
	v12 =	vadd.f32 v12, v13  }
0x2d2: {  	v20 =	vld [tilespmem:s20+$0xFFFFFFC0];
	[tilespmem:s30+$0x20] =	vst v11;
	v11 =	vmax.f32 v15, $0.0e+00;
	v10 =	vadd.f32 v10, v18;
	v13 =	vadd.f32 v14, v5  }
0x2d3: {  	v9 =	vadd.f32 v17, v9;
	v15 =	vld [tilespmem:s23+$0x30];
	s23 =	simm.s32 $0xDDC0;
	v14 =	vmin.f32 v8, $0.0e+00;
	v11 =	vadd.f32 v16, v11  }
0x2d4: {  	v18 =	vld [tilespmem:s0+$0xFFFFFFC0];
	v14 =	vmul.f32 v14, v2;
	v12 =	vadd.f32 v12, v4;
	[tilespmem:s23+$0x0] =	vst v10;
	v10 =	vmin.f32 v13, $0.0e+00  }
0x2d5: {  	v8 =	vmax.f32 v8, $0.0e+00;
	v16 =	vld [tilespmem:s22+$0x30];
	v7 =	vadd.f32 v21, v7;
	v10 =	vmul.f32 v10, v2  }
0x2d6: {  	v21 =	vld [tilespmem:s15+$0x10];
	[tilespmem:s23+$0xFFFFFFC0] =	vst v11;
	v11 =	vmax.f32 v13, $0.0e+00;
	v8 =	vadd.f32 v14, v8;
	v23 =	vmin.f32 v12, $0.0e+00  }
0x2d7: {  	v25 =	vld [tilespmem:s11+$0x10];
	v13 =	vadd.f32 v19, v22;
	v10 =	vadd.f32 v10, v11;
	v11 =	vmul.f32 v23, v2  }
0x2d8: {  	v14 =	vld [tilespmem:s11+$0xFFFFFFD0];
	v7 =	vadd.f32 v7, v3;
	[tilespmem:s6+$0x10] =	vst v8;
	v8 =	vmax.f32 v12, $0.0e+00;
	v12 =	vadd.f32 v9, v4  }
0x2d9: {  	v17 =	vld [tilespmem:s15+$0xFFFFFFD0];
	v18 =	vadd.f32 v20, v18;
	v13 =	vadd.f32 v13, v6  }
0x2da: {  	v9 =	vld [tilespmem:s10+$0x20];
	v19 =	vadd.f32 v15, v16;
	v11 =	vadd.f32 v11, v8  }
0x2db: {  	[tilespmem:s6+$0xFFFFFFD0] =	vst v10;
	v22 =	vadd.f32 v18, v6;
	v18 =	vmax.f32 v12, $0.0e+00;
	v24 =	vmin.f32 v12, $0.0e+00;
	v12 =	vld [tilespmem:s8+$0x20]  }
0x2dc: {  	v10 =	vmin.f32 v7, $0.0e+00;
	v20 =	vmax.f32 v13, $0.0e+00;
	v15 =	vld [tilespmem:s10+$0xFFFFFFE0]  }
0x2dd: {  	v13 =	vmin.f32 v13, $0.0e+00;
	v8 =	vmul.f32 v10, v2;
	v16 =	vld [tilespmem:s8+$0xFFFFFFE0];
	v10 =	vadd.f32 v19, v3;
	[tilespmem:s5+$0xFFFFFFE0] =	vst v11  }
0x2de: {  	s24 =	simm.s32 $0x8;
	v23 =	vmul.f32 v13, v2;
	v19 =	vmul.f32 v24, v2;
	v26 =	vmin.f32 v22, $0.0e+00;
	v11 =	vld [tilespmem:s7+$0xFFFFFFF0]  }
0x2df: {  	s25 =	simm.s32 $0x8EC0;
	s26 =	simm.s32 $0x3EC0;
	s22 =	simm.s32 $0xDDC0;
	v21 =	vadd.f32 v25, v21;
	v22 =	vmax.f32 v22, $0.0e+00;
	v24 =	vmul.f32 v26, v2;
	v13 =	vld [tilespmem:s1+$0xFFFFFFF0]  }
.LBB2_11:
0x2e0: {  	v25 =	vld [tilespmem:s25+$0x0];
	s24 =	sadd.s32 $0x2, s24;
	v20 =	vadd.f32 v23, v20;
	v18 =	vadd.f32 v19, v18;
	v19 =	vmin.f32 v10, $0.0e+00  }
0x2e1: {  	v22 =	vadd.f32 v24, v22;
	v14 =	vadd.f32 v14, v17;
	s23 =	sadd.s32 $0x80, s23;
	v23 =	vld [tilespmem:s26+$0x0];
	p1 =	slt.u32 s24, $0x4E;
	v17 =	vmul.f32 v19, v2  }
0x2e2: {  	v21 =	vadd.f32 v21, v5;
	v15 =	vadd.f32 v16, v15;
	v10 =	vmax.f32 v10, $0.0e+00;
	v19 =	vld [tilespmem:s25+$0xFFFFFFC0];
	[tilespmem:s5+$0x20] =	vst v18  }
0x2e3: {  	v7 =	vmax.f32 v7, $0.0e+00;
	v14 =	vadd.f32 v14, v5;
	v16 =	vld [tilespmem:s1+$0x30];
	v10 =	vadd.f32 v17, v10;
	s1 =	smov.u32 s8;
	s8 =	smov.u32 s11;
	s11 =	smov.u32 s20  }
0x2e4: {  	v11 =	vadd.f32 v13, v11;
	v15 =	vadd.f32 v15, v4;
	v17 =	vmin.f32 v21, $0.0e+00;
	s20 =	smov.u32 s25;
	[tilespmem:s23+$0xFFFFFFC0] =	vst v22;
	v13 =	vld [tilespmem:s7+$0x30];
	s7 =	smov.u32 s10;
	s10 =	smov.u32 s15  }
0x2e5: {  	v7 =	vadd.f32 v8, v7;
	v17 =	vmul.f32 v17, v2;
	s15 =	smov.u32 s0;
	s0 =	smov.u32 s26;
	v18 =	vld [tilespmem:s26+$0xFFFFFFC0];
	[tilespmem:s23+$0x0] =	vst v20;
	v20 =	vmin.f32 v14, $0.0e+00  }
0x2e6: {  	v26 =	vld [tilespmem:s15+$0x10];
	v8 =	vmul.f32 v20, v2;
	v20 =	vmax.f32 v21, $0.0e+00;
	v21 =	vmin.f32 v15, $0.0e+00;
	[tilespmem:s30+$0x30] =	vst v10  }
0x2e7: {  	v9 =	vadd.f32 v12, v9;
	v10 =	vmax.f32 v14, $0.0e+00;
	v27 =	vld [tilespmem:s11+$0x10];
	v20 =	vadd.f32 v17, v20;
	[tilespmem:s30+$0xFFFFFFF0] =	vst v7;
	s30 =	smov.u32 s5;
	s5 =	smov.u32 s6;
	s6 =	smov.u32 s22  }
0x2e8: {  	v7 =	vadd.f32 v11, v3;
	s22 =	smov.u32 s23;
	v14 =	vld [tilespmem:s11+$0xFFFFFFD0];
	v8 =	vadd.f32 v8, v10;
	v10 =	vmul.f32 v21, v2  }
0x2e9: {  	v12 =	vmax.f32 v15, $0.0e+00;
	v11 =	vadd.f32 v25, v23;
	v17 =	vld [tilespmem:s15+$0xFFFFFFD0];
	[tilespmem:s6+$0x10] =	vst v20;
	v20 =	vadd.f32 v9, v4  }
0x2ea: {  	v13 =	vadd.f32 v16, v13;
	v18 =	vadd.f32 v19, v18;
	[tilespmem:s6+$0xFFFFFFD0] =	vst v8;
	v9 =	vld [tilespmem:s10+$0x20];
	v8 =	vmin.f32 v7, $0.0e+00  }
.Ltmp7:
0x2eb: {  	v11 =	vadd.f32 v11, v6;
	v10 =	vadd.f32 v10, v12;
	v15 =	vld [tilespmem:s10+$0xFFFFFFE0];
	v8 =	vmul.f32 v8, v2;
	(pc) =	sbr.rel @p1 .LBB2_11-.Ltmp7, $4  }
0x2ec: {  	v19 =	vmin.f32 v20, $0.0e+00;
	v21 =	vadd.f32 v18, v6;
	v16 =	vld [tilespmem:s8+$0xFFFFFFE0];
	v18 =	vmax.f32 v20, $0.0e+00  }
0x2ed: {  	v20 =	vmax.f32 v11, $0.0e+00;
	v11 =	vmin.f32 v11, $0.0e+00;
	v12 =	vld [tilespmem:s8+$0x20];
	[tilespmem:s5+$0xFFFFFFE0] =	vst v10;
	v10 =	vadd.f32 v13, v3  }
0x2ee: {  	v19 =	vmul.f32 v19, v2;
	v23 =	vmul.f32 v11, v2;
	v13 =	vmin.f32 v21, $0.0e+00;
	v11 =	vld [tilespmem:s7+$0xFFFFFFF0]  }
0x2ef: {  	s25 =	sadd.s32 $0x80, s25;
	s26 =	sadd.s32 $0x80, s26;
	v22 =	vmax.f32 v21, $0.0e+00;
	v21 =	vadd.f32 v27, v26;
	v24 =	vmul.f32 v13, v2;
	v13 =	vld [tilespmem:s1+$0xFFFFFFF0]  }
.Ltmp8:
0x2f0: {  	_ = 	snop;
	(pc) =	sbr.rel .LBB2_12-.Ltmp8, $1  }
0x2f1: {  	_ =	sdelay $0x3  }
.LBB2_14:
0x2f2: {  	_ =	sfence.sel $0x180000  }
0x2f3: {  	[bflag:$0x0] =	sbarrier.arrive $0xFFFF  }
0x2f4: {  	_ =	strace $0x9000004A  }
0x2f5: {  	s0 =	stileid.u32;
	[bflag:$0x2] =	sbarrier.arrive $0xFFFF  }
0x2f6: {  	p0 =	sne.s32 s0, $0x0;
	s0 =	rddreg [dreg:$0x7]  }
0x2f7: {  	s0 =	sadd.s32 @!p0 $0x100000, s0  }
0x2f8: {  	[sflag:s0] =	ssyncadd.tile.s32 @!p0 $0x1;
	_ =	shalt  }
.Lfunc_end2:
_tile_overlayer_lowered:
.L_overlay_start_2:
0x2f9: {  	(tag) =	ssettag $0x2  }
0x2fa: {  	s0 =	rddreg [dreg:$0x0];
	s2 =	stileid.u32  }
0x2fb: {  	s1 =	rddreg [dreg:$0x1];
	p0 =	sne.s32 s2, $0x0  }
0x2fc: {  	s3 =	rddreg [dreg:$0x2];
	[bflag:$0x3] =	sbarrier.arrive $0xFFFF;
	s2 =	simm.s32 @!p0 $0x1C12  }
0x2fd: {  	[timem:s3], [sflag:s2] =	dma.local @!p0 [hbm:s0], s1  }
0x2fe: {  	s0 =	simm.s32 @!p0 $0x12  }
0x2ff: {  	_ =	swait.ge @!p0 [sflag:s0], s1  }
0x300: {  	s1 =	ssub.s32 @!p0 $0x0, s1;
	[sflag:s0] =	ssyncset.done @!p0 $0x0  }
0x301: {  	[sflag:s0] =	ssyncadd.s32 @!p0 s1  }
0x302: {  	[bflag:$0x3] =	sbarrier.arrive $0xFFFF  }
0x303: {  	_ =	shalt  }

</sc_bundles>
